<compile_context>
chip_gen: v7x
topology: tpu7x:2x2x1
jax: 0.10.2.dev20260603
libtpu: 0.0.44.dev20260713+nightly
codegen_flags: <defaults>
</compile_context>

<pallas_src>
import functools

import jax
import jax.numpy as jnp
from jax import lax
from jax.experimental import pallas as pl
from jax.experimental.pallas import tpu as pltpu
from jax.experimental.pallas import tpu_sc as plsc

N = 100000
FEAT = 128
D = 500
DP = 512
HP = DP // 2
R = 100000
T = 500000

_HIMASK = -65536


_BM = 2000


_SBITS = 26


def _pack_rows(y):
    absmax = jnp.max(jnp.abs(y), axis=1, keepdims=True)
    inv = 32767.0 / jnp.maximum(absmax, 1e-30)
    q = jnp.round(y * inv).astype(jnp.int32)
    si = jnp.round(absmax * (2.0 ** _SBITS / 32767.0)).astype(jnp.int32)
    hi = jnp.concatenate([q[:, HP:DP - 1], si], axis=1)
    lo = q[:, :HP] & 0xFFFF
    return lo | (hi << 16)


def _tc_body(x_ref, w_ref, b_ref, wrel_ref, emb_ref, embq_ref, wq_ref):
    y = jnp.dot(x_ref[...], w_ref[...], preferred_element_type=jnp.float32)
    y = y + b_ref[...]
    emb_ref[...] = y[:, :D]
    embq_ref[...] = _pack_rows(y)
    wpad = jnp.concatenate(
        [wrel_ref[...], jnp.zeros((_BM, DP - D), jnp.float32)], axis=1)
    wq_ref[...] = _pack_rows(wpad)


def _tc_stage(features, affine_Wp, affine_bp, w_relation):
    return pl.pallas_call(
        _tc_body,
        grid=(N // _BM,),
        in_specs=[
            pl.BlockSpec((_BM, FEAT), lambda i: (i, 0)),
            pl.BlockSpec((FEAT, DP), lambda i: (0, 0)),
            pl.BlockSpec((1, DP), lambda i: (0, 0)),
            pl.BlockSpec((_BM, D), lambda i: (i, 0)),
        ],
        out_specs=[
            pl.BlockSpec((_BM, D), lambda i: (i, 0)),
            pl.BlockSpec((_BM, HP), lambda i: (i, 0)),
            pl.BlockSpec((_BM, HP), lambda i: (i, 0)),
        ],
        out_shape=[
            jax.ShapeDtypeStruct((N, D), jnp.float32),
            jax.ShapeDtypeStruct((N, HP), jnp.int32),
            jax.ShapeDtypeStruct((R, HP), jnp.int32),
        ],
    )(features, affine_Wp, affine_bp, w_relation)



_C = 80
_K = T // _C
_NW = 32
_NSL = HP // 16

_GDN = lax.GatherDimensionNumbers(
    offset_dims=(), collapsed_slice_dims=(0,), start_index_map=(0,))


def _lane_gather(v, idx):
    return lax.gather(v, idx.reshape(16, 1), _GDN, (1,),
                      mode=lax.GatherScatterMode.PROMISE_IN_BOUNDS)


def _hilo(vi):
    hi = _f32(vi & _HIMASK)
    lo = _f32(vi << 16)
    return hi, lo


def _f32(v):
    return v.astype(jnp.float32)


def _sc_body(emb_hbm, w_hbm, sidx_hbm, ridx_hbm, oidx_hbm, out_hbm,
             sidx_v, ridx_v, oidx_v, srows, rrows, orows, out_v,
             gsem, isem, osem):
    wid = lax.axis_index("s") * 2 + lax.axis_index("c")
    nchunks = (_K - wid + _NW - 1) // _NW
    lane = lax.iota(jnp.int32, 16)

    def base_of(i):
        return (wid + i * _NW) * _C

    def idx_copies(i):
        b = i % 2
        base = base_of(i)
        return (
            pltpu.make_async_copy(sidx_hbm.at[pl.ds(base, _C)], sidx_v.at[b],
                                  isem),
            pltpu.make_async_copy(ridx_hbm.at[pl.ds(base, _C)], ridx_v.at[b],
                                  isem),
            pltpu.make_async_copy(oidx_hbm.at[pl.ds(base, _C)], oidx_v.at[b],
                                  isem),
        )

    def row_copies(i):
        b = i % 2
        return (
            pltpu.make_async_copy(emb_hbm.at[sidx_v.at[b]], srows.at[b], gsem),
            pltpu.make_async_copy(w_hbm.at[ridx_v.at[b]], rrows.at[b], gsem),
            pltpu.make_async_copy(emb_hbm.at[oidx_v.at[b]], orows.at[b], gsem),
        )

    def out_copy(i):
        b = i % 2
        return pltpu.make_async_copy(out_v.at[b],
                                     out_hbm.at[pl.ds(base_of(i), _C)], osem)

    for c in idx_copies(0):
        c.start()
    for c in idx_copies(0):
        c.wait()

    @pl.when(nchunks > 1)
    def _():
        for c in idx_copies(1):
            c.start()

    for c in row_copies(0):
        c.start()

    def chunk_body(i, carry):
        b = i % 2

        for c in row_copies(i):
            c.wait()

        @pl.when(i + 1 < nchunks)
        def _():
            for c in idx_copies(i + 1):
                c.wait()
            for c in row_copies(i + 1):
                c.start()

        @pl.when(i + 2 < nchunks)
        def _():
            for c in idx_copies(i + 2):
                c.start()

        @pl.when(i >= 1)
        def _():
            out_copy(i - 1).wait()

        def one_triplet(t, group):
            accs = [jnp.zeros((16,), jnp.float32) for _ in range(8)]
            sw = rw = ow = None
            for j in range(_NSL):
                sl = pl.ds(j * 16, 16)
                sw = srows[b, t, sl]
                rw = rrows[b, t, sl]
                ow = orows[b, t, sl]
                swm = sw
                if j == _NSL - 1:
                    swm = jnp.where(lane == 15, sw & 0xFFFF, sw)
                shi, slo = _hilo(swm)
                rhi, rlo = _hilo(rw)
                ohi, olo = _hilo(ow)
                a = j % 4
                accs[a] = accs[a] + (shi * rhi) * ohi
                accs[a + 4] = accs[a + 4] + (slo * rlo) * olo
            acc = ((accs[0] + accs[1]) + (accs[2] + accs[3])) + \
                  ((accs[4] + accs[5]) + (accs[6] + accs[7]))
            for sh in (8, 4, 2, 1):
                idx = (lane + sh) % 16
                acc = acc + _lane_gather(acc, idx)
            ss = lax.shift_right_logical(sw[15], 16)
            sr = lax.shift_right_logical(rw[15], 16)
            so = lax.shift_right_logical(ow[15], 16)
            acc = acc * (_f32(ss) * (2.0 ** -(_SBITS + 16)))
            acc = acc * (_f32(sr) * (2.0 ** -(_SBITS + 16)))
            acc = acc * (_f32(so) * (2.0 ** -(_SBITS + 16)))
            tt = t % 16
            return jnp.where(lane == tt, acc, group)

        @plsc.parallel_loop(0, _C, 1, unroll=2,
                            carry=jnp.zeros((16,), jnp.float32))
        def _loop(t, group):
            group = one_triplet(t, group)

            @pl.when(t % 16 == 15)
            def _():
                out_v[b, pl.ds(t - 15, 16)] = group

            return group
        out_copy(i).start()
        return carry

    lax.fori_loop(0, nchunks, chunk_body, 0, unroll=False)

    out_copy(nchunks - 1).wait()


@functools.partial(jax.jit, static_argnames=())
def _sc_score(embq, wq, sidx, ridx, oidx):
    mesh = plsc.VectorSubcoreMesh(core_axis_name="c", subcore_axis_name="s")
    f = pl.kernel(
        _sc_body,
        out_type=jax.ShapeDtypeStruct((T,), jnp.float32),
        mesh=mesh,
        scratch_types=[
            pltpu.VMEM((2, _C), jnp.int32),
            pltpu.VMEM((2, _C), jnp.int32),
            pltpu.VMEM((2, _C), jnp.int32),
            pltpu.VMEM((2, _C, HP), jnp.int32),
            pltpu.VMEM((2, _C, HP), jnp.int32),
            pltpu.VMEM((2, _C, HP), jnp.int32),
            pltpu.VMEM((2, _C), jnp.float32),
            pltpu.SemaphoreType.DMA,
            pltpu.SemaphoreType.DMA,
            pltpu.SemaphoreType.DMA,
        ],
    )
    return f(embq, wq, sidx, ridx, oidx)


def kernel(features, triplets, affine_W, affine_b, w_relation):
    affine_Wp = jnp.pad(affine_W, ((0, 0), (0, DP - D)))
    affine_bp = jnp.pad(affine_b, ((0, DP - D),)).reshape(1, DP)
    emb, embq, wq = _tc_stage(features, affine_Wp, affine_bp, w_relation)
    sidx = triplets[:, 0]
    ridx = triplets[:, 1]
    oidx = triplets[:, 2]
    weights = _sc_score(embq, wq, sidx, ridx, oidx)
    return (weights, emb)

# --- scband reference (transcript-rebuilt; emitter-appended) ---
"""Pipeline reference for scband-link-predict-87926570484533 (READ-ONLY COPY).

The authoritative reference and input builder live on the scoring server;
editing this copy changes nothing except your own understanding.
"""

import jax, jax.numpy as jnp
import numpy as np

N = 100000
FEAT = 128
D = 500
R = 100000
T = 500000

def setup_inputs(seed: int = 0) -> dict:
    key = jax.random.key(seed)
    k1, k2, k3, k4 = jax.random.split(key, 4)
    features = jax.random.normal(k1, (N, FEAT), dtype=jnp.float32)
    triplets = jax.random.randint(k2, (T, 3), 0, N, dtype=jnp.int32)
    # LinearAffine parameters (in_dim=FEAT -> rgcn_in_dim=D)
    affine_W = jax.random.normal(k3, (FEAT, D), dtype=jnp.float32) * 0.02
    affine_b = jnp.zeros((D,), dtype=jnp.float32)
    # relation embedding table, init normal(0, 1) per nn.init.normal_
    w_relation = jax.random.normal(k4, (R, D), dtype=jnp.float32)
    return {
        'features': features,
        'triplets': triplets,
        'affine_W': affine_W,
        'affine_b': affine_b,
        'w_relation': w_relation,
    }

def reference(features, triplets, affine_W, affine_b, w_relation):
    # g is None path: embedding = LinearAffine(features.float()); RGCN is skipped.
    emb = features.astype(jnp.float32) @ affine_W + affine_b
    s = jnp.take(emb, triplets[:, 0], axis=0)
    r = jnp.take(w_relation, triplets[:, 1], axis=0)
    o = jnp.take(emb, triplets[:, 2], axis=0)
    weights = jnp.sum(s * r * o, axis=1)
    return (weights, emb)

if __name__ == "__main__":
    import jax
    _d = setup_inputs()
    print(jax.jit(kernel)(*tuple(_d.values())))

</pallas_src>

<mosaic_0001>
#map = affine_map<(d0, d1) -> (0, 0)>
#map1 = affine_map<(d0, d1) -> (0)>
module attributes {stable_mosaic.version = 14 : i64} {
  func.func @_sc_body(%arg0: i32, %arg1: i32, %arg2: memref<100000x256xi32, #tpu.memory_space<hbm>>, %arg3: memref<100000x256xi32, #tpu.memory_space<hbm>>, %arg4: memref<500000xi32, #tpu.memory_space<hbm>>, %arg5: memref<500000xi32, #tpu.memory_space<hbm>>, %arg6: memref<500000xi32, #tpu.memory_space<hbm>>, %arg7: memref<500000xf32, #tpu.memory_space<hbm>>, %arg8: memref<2x80xi32, #tpu.memory_space<vmem>>, %arg9: memref<2x80xi32, #tpu.memory_space<vmem>>, %arg10: memref<2x80xi32, #tpu.memory_space<vmem>>, %arg11: memref<2x80x256xi32, #tpu.memory_space<vmem>>, %arg12: memref<2x80x256xi32, #tpu.memory_space<vmem>>, %arg13: memref<2x80x256xi32, #tpu.memory_space<vmem>>, %arg14: memref<2x80xf32, #tpu.memory_space<vmem>>, %arg15: memref<!tpu.dma_semaphore, #tpu.memory_space<semaphore_mem>>, %arg16: memref<!tpu.dma_semaphore, #tpu.memory_space<semaphore_mem>>, %arg17: memref<!tpu.dma_semaphore, #tpu.memory_space<semaphore_mem>>) attributes {dimension_semantics = [#tpu.dimension_semantics<core_parallel>, #tpu.dimension_semantics<subcore_parallel>], iteration_bounds = array<i64: 2, 16>, scalar_prefetch = 0 : i64, scratch_operands = 10 : i64, tpu.core_type = #tpu.core_type<sc_vector_subcore>, window_params = [{transform_indices = #map}, {transform_indices = #map}, {transform_indices = #map1}, {transform_indices = #map1}, {transform_indices = #map1}, {transform_indices = #map1}]} {
    %mul3A = arith.constant 2 : i32
    %mul3A_0 = arith.muli %arg1, %mul3A : i32
    %add3A = arith.addi %mul3A_0, %arg0 : i32
    %sub3A = arith.constant 6250 : i32
    %sub3A_1 = arith.subi %sub3A, %add3A : i32
    %add3A_2 = arith.constant 32 : i32
    %add3A_3 = arith.addi %sub3A_1, %add3A_2 : i32
    %sub3A_4 = arith.constant 1 : i32
    %sub3A_5 = arith.subi %add3A_3, %sub3A_4 : i32
    %jit3A = arith.constant 32 : i32
    %div3A = arith.divsi %sub3A_5, %jit3A : i32
    %sign3A = arith.constant 0 : i32
    %sign3A_6 = arith.cmpi sgt, %sub3A_5, %sign3A : i32
    %sign3A_7 = arith.extui %sign3A_6 : i1 to i32
    %sign3A_8 = arith.constant 0 : i32
    %sign3A_9 = arith.cmpi slt, %sub3A_5, %sign3A_8 : i32
    %sign3A_10 = arith.extui %sign3A_9 : i1 to i32
    %sign3A_11 = arith.subi %sign3A_7, %sign3A_10 : i32
    %sign3A_12 = arith.constant 0 : i32
    %sign3A_13 = arith.cmpi sgt, %jit3A, %sign3A_12 : i32
    %sign3A_14 = arith.extui %sign3A_13 : i1 to i32
    %sign3A_15 = arith.constant 0 : i32
    %sign3A_16 = arith.cmpi slt, %jit3A, %sign3A_15 : i32
    %sign3A_17 = arith.extui %sign3A_16 : i1 to i32
    %sign3A_18 = arith.subi %sign3A_14, %sign3A_17 : i32
    %ne3A = arith.cmpi ne, %sign3A_11, %sign3A_18 : i32
    %rem3A = arith.remsi %sub3A_5, %jit3A : i32
    %ne3A_19 = arith.constant 0 : i32
    %ne3A_20 = arith.cmpi ne, %rem3A, %ne3A_19 : i32
    %and3A = arith.andi %ne3A, %ne3A_20 : i1
    %sub3A_21 = arith.constant 1 : i32
    %sub3A_22 = arith.subi %div3A, %sub3A_21 : i32
    %select_n3A = arith.select %and3A, %sub3A_22, %div3A : i32
    %iota3A = tpu.iota {dimensions = array<i32: 0>} : vector<16xi32>
    %add3A_23 = arith.constant 0 : i32
    %add3A_24 = arith.addi %add3A, %add3A_23 : i32
    %mul3A_25 = arith.constant 80 : i32
    %mul3A_26 = arith.muli %add3A_24, %mul3A_25 : i32
    %dma_start3A = arith.constant 0 : i32
    %dma_start3A_27 = arith.constant 0 : i32
    %dma_start3A_28 = tpu.memref_slice %arg8[%dma_start3A, %dma_start3A_27] : memref<2x80xi32, #tpu.memory_space<vmem>> -> memref<1x80xi32, #tpu.memory_space<vmem>>
    %dma_start3A_29 = tpu.memref_squeeze %dma_start3A_28 : memref<1x80xi32, #tpu.memory_space<vmem>> -> memref<80xi32, #tpu.memory_space<vmem>>
    %dma_start3A_30 = tpu.memref_slice %arg4[%mul3A_26] : memref<500000xi32, #tpu.memory_space<hbm>> -> memref<80xi32, #tpu.memory_space<hbm>>
    %dma_start3A_31 = arith.constant 0 : i32
    %dma_start3A_32 = tpu.memref_slice %arg8[%dma_start3A, %dma_start3A_31] : memref<2x80xi32, #tpu.memory_space<vmem>> -> memref<1x80xi32, #tpu.memory_space<vmem>>
    %dma_start3A_33 = tpu.memref_squeeze %dma_start3A_32 : memref<1x80xi32, #tpu.memory_space<vmem>> -> memref<80xi32, #tpu.memory_space<vmem>>
    %dma_start3A_34 = tpu.memref_slice %arg4[%mul3A_26] : memref<500000xi32, #tpu.memory_space<hbm>> -> memref<80xi32, #tpu.memory_space<hbm>>
    tpu.enqueue_dma source(%dma_start3A_34 : memref<80xi32, #tpu.memory_space<hbm>>) target(%dma_start3A_33 : memref<80xi32, #tpu.memory_space<vmem>>) target_semaphore(%arg16 : memref<!tpu.dma_semaphore, #tpu.memory_space<semaphore_mem>>)
    %dma_start3A_35 = arith.constant 0 : i32
    %dma_start3A_36 = arith.constant 0 : i32
    %dma_start3A_37 = tpu.memref_slice %arg9[%dma_start3A_35, %dma_start3A_36] : memref<2x80xi32, #tpu.memory_space<vmem>> -> memref<1x80xi32, #tpu.memory_space<vmem>>
    %dma_start3A_38 = tpu.memref_squeeze %dma_start3A_37 : memref<1x80xi32, #tpu.memory_space<vmem>> -> memref<80xi32, #tpu.memory_space<vmem>>
    %dma_start3A_39 = tpu.memref_slice %arg5[%mul3A_26] : memref<500000xi32, #tpu.memory_space<hbm>> -> memref<80xi32, #tpu.memory_space<hbm>>
    %dma_start3A_40 = arith.constant 0 : i32
    %dma_start3A_41 = tpu.memref_slice %arg9[%dma_start3A_35, %dma_start3A_40] : memref<2x80xi32, #tpu.memory_space<vmem>> -> memref<1x80xi32, #tpu.memory_space<vmem>>
    %dma_start3A_42 = tpu.memref_squeeze %dma_start3A_41 : memref<1x80xi32, #tpu.memory_space<vmem>> -> memref<80xi32, #tpu.memory_space<vmem>>
    %dma_start3A_43 = tpu.memref_slice %arg5[%mul3A_26] : memref<500000xi32, #tpu.memory_space<hbm>> -> memref<80xi32, #tpu.memory_space<hbm>>
    tpu.enqueue_dma source(%dma_start3A_43 : memref<80xi32, #tpu.memory_space<hbm>>) target(%dma_start3A_42 : memref<80xi32, #tpu.memory_space<vmem>>) target_semaphore(%arg16 : memref<!tpu.dma_semaphore, #tpu.memory_space<semaphore_mem>>)
    %dma_start3A_44 = arith.constant 0 : i32
    %dma_start3A_45 = arith.constant 0 : i32
    %dma_start3A_46 = tpu.memref_slice %arg10[%dma_start3A_44, %dma_start3A_45] : memref<2x80xi32, #tpu.memory_space<vmem>> -> memref<1x80xi32, #tpu.memory_space<vmem>>
    %dma_start3A_47 = tpu.memref_squeeze %dma_start3A_46 : memref<1x80xi32, #tpu.memory_space<vmem>> -> memref<80xi32, #tpu.memory_space<vmem>>
    %dma_start3A_48 = tpu.memref_slice %arg6[%mul3A_26] : memref<500000xi32, #tpu.memory_space<hbm>> -> memref<80xi32, #tpu.memory_space<hbm>>
    %dma_start3A_49 = arith.constant 0 : i32
    %dma_start3A_50 = tpu.memref_slice %arg10[%dma_start3A_44, %dma_start3A_49] : memref<2x80xi32, #tpu.memory_space<vmem>> -> memref<1x80xi32, #tpu.memory_space<vmem>>
    %dma_start3A_51 = tpu.memref_squeeze %dma_start3A_50 : memref<1x80xi32, #tpu.memory_space<vmem>> -> memref<80xi32, #tpu.memory_space<vmem>>
    %dma_start3A_52 = tpu.memref_slice %arg6[%mul3A_26] : memref<500000xi32, #tpu.memory_space<hbm>> -> memref<80xi32, #tpu.memory_space<hbm>>
    tpu.enqueue_dma source(%dma_start3A_52 : memref<80xi32, #tpu.memory_space<hbm>>) target(%dma_start3A_51 : memref<80xi32, #tpu.memory_space<vmem>>) target_semaphore(%arg16 : memref<!tpu.dma_semaphore, #tpu.memory_space<semaphore_mem>>)
    %add3A_53 = arith.constant 0 : i32
    %add3A_54 = arith.addi %add3A, %add3A_53 : i32
    %mul3A_55 = arith.constant 80 : i32
    %mul3A_56 = arith.muli %add3A_54, %mul3A_55 : i32
    %dma_wait3A = arith.constant 0 : i32
    %dma_wait3A_57 = arith.constant 0 : i32
    %dma_wait3A_58 = tpu.memref_slice %arg8[%dma_wait3A, %dma_wait3A_57] : memref<2x80xi32, #tpu.memory_space<vmem>> -> memref<1x80xi32, #tpu.memory_space<vmem>>
    %dma_wait3A_59 = tpu.memref_squeeze %dma_wait3A_58 : memref<1x80xi32, #tpu.memory_space<vmem>> -> memref<80xi32, #tpu.memory_space<vmem>>
    %dma_wait3A_60 = tpu.memref_slice %arg4[%mul3A_56] : memref<500000xi32, #tpu.memory_space<hbm>> -> memref<80xi32, #tpu.memory_space<hbm>>
    %dma_wait3A_61 = arith.constant 0 : i32
    %dma_wait3A_62 = tpu.memref_slice %arg8[%dma_wait3A, %dma_wait3A_61] : memref<2x80xi32, #tpu.memory_space<vmem>> -> memref<1x80xi32, #tpu.memory_space<vmem>>
    %dma_wait3A_63 = tpu.memref_squeeze %dma_wait3A_62 : memref<1x80xi32, #tpu.memory_space<vmem>> -> memref<80xi32, #tpu.memory_space<vmem>>
    %dma_wait3A_64 = tpu.memref_slice %arg4[%mul3A_56] : memref<500000xi32, #tpu.memory_space<hbm>> -> memref<80xi32, #tpu.memory_space<hbm>>
    tpu.wait_dma2 semaphore(%arg16 : memref<!tpu.dma_semaphore, #tpu.memory_space<semaphore_mem>>) src(%dma_wait3A_64 : memref<80xi32, #tpu.memory_space<hbm>>) dst(%dma_wait3A_63 : memref<80xi32, #tpu.memory_space<vmem>>)
    %dma_wait3A_65 = arith.constant 0 : i32
    %dma_wait3A_66 = arith.constant 0 : i32
    %dma_wait3A_67 = tpu.memref_slice %arg9[%dma_wait3A_65, %dma_wait3A_66] : memref<2x80xi32, #tpu.memory_space<vmem>> -> memref<1x80xi32, #tpu.memory_space<vmem>>
    %dma_wait3A_68 = tpu.memref_squeeze %dma_wait3A_67 : memref<1x80xi32, #tpu.memory_space<vmem>> -> memref<80xi32, #tpu.memory_space<vmem>>
    %dma_wait3A_69 = tpu.memref_slice %arg5[%mul3A_56] : memref<500000xi32, #tpu.memory_space<hbm>> -> memref<80xi32, #tpu.memory_space<hbm>>
    %dma_wait3A_70 = arith.constant 0 : i32
    %dma_wait3A_71 = tpu.memref_slice %arg9[%dma_wait3A_65, %dma_wait3A_70] : memref<2x80xi32, #tpu.memory_space<vmem>> -> memref<1x80xi32, #tpu.memory_space<vmem>>
    %dma_wait3A_72 = tpu.memref_squeeze %dma_wait3A_71 : memref<1x80xi32, #tpu.memory_space<vmem>> -> memref<80xi32, #tpu.memory_space<vmem>>
    %dma_wait3A_73 = tpu.memref_slice %arg5[%mul3A_56] : memref<500000xi32, #tpu.memory_space<hbm>> -> memref<80xi32, #tpu.memory_space<hbm>>
    tpu.wait_dma2 semaphore(%arg16 : memref<!tpu.dma_semaphore, #tpu.memory_space<semaphore_mem>>) src(%dma_wait3A_73 : memref<80xi32, #tpu.memory_space<hbm>>) dst(%dma_wait3A_72 : memref<80xi32, #tpu.memory_space<vmem>>)
    %dma_wait3A_74 = arith.constant 0 : i32
    %dma_wait3A_75 = arith.constant 0 : i32
    %dma_wait3A_76 = tpu.memref_slice %arg10[%dma_wait3A_74, %dma_wait3A_75] : memref<2x80xi32, #tpu.memory_space<vmem>> -> memref<1x80xi32, #tpu.memory_space<vmem>>
    %dma_wait3A_77 = tpu.memref_squeeze %dma_wait3A_76 : memref<1x80xi32, #tpu.memory_space<vmem>> -> memref<80xi32, #tpu.memory_space<vmem>>
    %dma_wait3A_78 = tpu.memref_slice %arg6[%mul3A_56] : memref<500000xi32, #tpu.memory_space<hbm>> -> memref<80xi32, #tpu.memory_space<hbm>>
    %dma_wait3A_79 = arith.constant 0 : i32
    %dma_wait3A_80 = tpu.memref_slice %arg10[%dma_wait3A_74, %dma_wait3A_79] : memref<2x80xi32, #tpu.memory_space<vmem>> -> memref<1x80xi32, #tpu.memory_space<vmem>>
    %dma_wait3A_81 = tpu.memref_squeeze %dma_wait3A_80 : memref<1x80xi32, #tpu.memory_space<vmem>> -> memref<80xi32, #tpu.memory_space<vmem>>
    %dma_wait3A_82 = tpu.memref_slice %arg6[%mul3A_56] : memref<500000xi32, #tpu.memory_space<hbm>> -> memref<80xi32, #tpu.memory_space<hbm>>
    tpu.wait_dma2 semaphore(%arg16 : memref<!tpu.dma_semaphore, #tpu.memory_space<semaphore_mem>>) src(%dma_wait3A_82 : memref<80xi32, #tpu.memory_space<hbm>>) dst(%dma_wait3A_81 : memref<80xi32, #tpu.memory_space<vmem>>)
    %gt3A = arith.constant 1 : i32
    %gt3A_83 = arith.cmpi sgt, %select_n3A, %gt3A : i32
    %convert_element_type3A = arith.extui %gt3A_83 : i1 to i32
    %cond3A = arith.constant 0 : i32
    %cond3A_84 = arith.cmpi ne, %convert_element_type3A, %cond3A : i32
    scf.if %cond3A_84 {
      %add3A_159 = arith.constant 32 : i32
      %add3A_160 = arith.addi %add3A, %add3A_159 : i32
      %mul3A_161 = arith.constant 80 : i32
      %mul3A_162 = arith.muli %add3A_160, %mul3A_161 : i32
      %dma_start3A_163 = arith.constant 1 : i32
      %dma_start3A_164 = arith.constant 0 : i32
      %dma_start3A_165 = tpu.memref_slice %arg8[%dma_start3A_163, %dma_start3A_164] : memref<2x80xi32, #tpu.memory_space<vmem>> -> memref<1x80xi32, #tpu.memory_space<vmem>>
      %dma_start3A_166 = tpu.memref_squeeze %dma_start3A_165 : memref<1x80xi32, #tpu.memory_space<vmem>> -> memref<80xi32, #tpu.memory_space<vmem>>
      %dma_start3A_167 = tpu.memref_slice %arg4[%mul3A_162] : memref<500000xi32, #tpu.memory_space<hbm>> -> memref<80xi32, #tpu.memory_space<hbm>>
      %dma_start3A_168 = arith.constant 0 : i32
      %dma_start3A_169 = tpu.memref_slice %arg8[%dma_start3A_163, %dma_start3A_168] : memref<2x80xi32, #tpu.memory_space<vmem>> -> memref<1x80xi32, #tpu.memory_space<vmem>>
      %dma_start3A_170 = tpu.memref_squeeze %dma_start3A_169 : memref<1x80xi32, #tpu.memory_space<vmem>> -> memref<80xi32, #tpu.memory_space<vmem>>
      %dma_start3A_171 = tpu.memref_slice %arg4[%mul3A_162] : memref<500000xi32, #tpu.memory_space<hbm>> -> memref<80xi32, #tpu.memory_space<hbm>>
      tpu.enqueue_dma source(%dma_start3A_171 : memref<80xi32, #tpu.memory_space<hbm>>) target(%dma_start3A_170 : memref<80xi32, #tpu.memory_space<vmem>>) target_semaphore(%arg16 : memref<!tpu.dma_semaphore, #tpu.memory_space<semaphore_mem>>)
      %dma_start3A_172 = arith.constant 1 : i32
      %dma_start3A_173 = arith.constant 0 : i32
      %dma_start3A_174 = tpu.memref_slice %arg9[%dma_start3A_172, %dma_start3A_173] : memref<2x80xi32, #tpu.memory_space<vmem>> -> memref<1x80xi32, #tpu.memory_space<vmem>>
      %dma_start3A_175 = tpu.memref_squeeze %dma_start3A_174 : memref<1x80xi32, #tpu.memory_space<vmem>> -> memref<80xi32, #tpu.memory_space<vmem>>
      %dma_start3A_176 = tpu.memref_slice %arg5[%mul3A_162] : memref<500000xi32, #tpu.memory_space<hbm>> -> memref<80xi32, #tpu.memory_space<hbm>>
      %dma_start3A_177 = arith.constant 0 : i32
      %dma_start3A_178 = tpu.memref_slice %arg9[%dma_start3A_172, %dma_start3A_177] : memref<2x80xi32, #tpu.memory_space<vmem>> -> memref<1x80xi32, #tpu.memory_space<vmem>>
      %dma_start3A_179 = tpu.memref_squeeze %dma_start3A_178 : memref<1x80xi32, #tpu.memory_space<vmem>> -> memref<80xi32, #tpu.memory_space<vmem>>
      %dma_start3A_180 = tpu.memref_slice %arg5[%mul3A_162] : memref<500000xi32, #tpu.memory_space<hbm>> -> memref<80xi32, #tpu.memory_space<hbm>>
      tpu.enqueue_dma source(%dma_start3A_180 : memref<80xi32, #tpu.memory_space<hbm>>) target(%dma_start3A_179 : memref<80xi32, #tpu.memory_space<vmem>>) target_semaphore(%arg16 : memref<!tpu.dma_semaphore, #tpu.memory_space<semaphore_mem>>)
      %dma_start3A_181 = arith.constant 1 : i32
      %dma_start3A_182 = arith.constant 0 : i32
      %dma_start3A_183 = tpu.memref_slice %arg10[%dma_start3A_181, %dma_start3A_182] : memref<2x80xi32, #tpu.memory_space<vmem>> -> memref<1x80xi32, #tpu.memory_space<vmem>>
      %dma_start3A_184 = tpu.memref_squeeze %dma_start3A_183 : memref<1x80xi32, #tpu.memory_space<vmem>> -> memref<80xi32, #tpu.memory_space<vmem>>
      %dma_start3A_185 = tpu.memref_slice %arg6[%mul3A_162] : memref<500000xi32, #tpu.memory_space<hbm>> -> memref<80xi32, #tpu.memory_space<hbm>>
      %dma_start3A_186 = arith.constant 0 : i32
      %dma_start3A_187 = tpu.memref_slice %arg10[%dma_start3A_181, %dma_start3A_186] : memref<2x80xi32, #tpu.memory_space<vmem>> -> memref<1x80xi32, #tpu.memory_space<vmem>>
      %dma_start3A_188 = tpu.memref_squeeze %dma_start3A_187 : memref<1x80xi32, #tpu.memory_space<vmem>> -> memref<80xi32, #tpu.memory_space<vmem>>
      %dma_start3A_189 = tpu.memref_slice %arg6[%mul3A_162] : memref<500000xi32, #tpu.memory_space<hbm>> -> memref<80xi32, #tpu.memory_space<hbm>>
      tpu.enqueue_dma source(%dma_start3A_189 : memref<80xi32, #tpu.memory_space<hbm>>) target(%dma_start3A_188 : memref<80xi32, #tpu.memory_space<vmem>>) target_semaphore(%arg16 : memref<!tpu.dma_semaphore, #tpu.memory_space<semaphore_mem>>)
    } else {
    }
    %dma_start3A_85 = arith.constant 0 : i32
    %dma_start3A_86 = arith.constant 0 : i32
    %dma_start3A_87 = arith.constant 0 : i32
    %dma_start3A_88 = arith.constant 0 : i32
    %dma_start3A_89 = tpu.memref_slice %arg11[%dma_start3A_86, %dma_start3A_87, %dma_start3A_88] : memref<2x80x256xi32, #tpu.memory_space<vmem>> -> memref<1x80x256xi32, #tpu.memory_space<vmem>>
    %dma_start3A_90 = tpu.memref_squeeze %dma_start3A_89 : memref<1x80x256xi32, #tpu.memory_space<vmem>> -> memref<80x256xi32, #tpu.memory_space<vmem>>
    %dma_start3A_91 = arith.constant 0 : i32
    %dma_start3A_92 = tpu.memref_slice %arg8[%dma_start3A_85, %dma_start3A_91] : memref<2x80xi32, #tpu.memory_space<vmem>> -> memref<1x80xi32, #tpu.memory_space<vmem>>
    %dma_start3A_93 = tpu.memref_squeeze %dma_start3A_92 : memref<1x80xi32, #tpu.memory_space<vmem>> -> memref<80xi32, #tpu.memory_space<vmem>>
    %dma_start3A_94 = arith.constant 0 : i32
    %dma_start3A_95 = arith.constant 0 : i32
    %dma_start3A_96 = tpu.memref_slice %arg2[%dma_start3A_94, %dma_start3A_95] : memref<100000x256xi32, #tpu.memory_space<hbm>> -> memref<100000x256xi32, #tpu.memory_space<hbm>>
    tpu.enqueue_indirect_dma source(%dma_start3A_96 : memref<100000x256xi32, #tpu.memory_space<hbm>>) target(%dma_start3A_90 : memref<80x256xi32, #tpu.memory_space<vmem>>) offsets(%dma_start3A_93 : memref<80xi32, #tpu.memory_space<vmem>>) semaphore(%arg15 : memref<!tpu.dma_semaphore, #tpu.memory_space<semaphore_mem>>)
    %dma_start3A_97 = arith.constant 0 : i32
    %dma_start3A_98 = arith.constant 0 : i32
    %dma_start3A_99 = arith.constant 0 : i32
    %dma_start3A_100 = arith.constant 0 : i32
    %dma_start3A_101 = tpu.memref_slice %arg12[%dma_start3A_98, %dma_start3A_99, %dma_start3A_100] : memref<2x80x256xi32, #tpu.memory_space<vmem>> -> memref<1x80x256xi32, #tpu.memory_space<vmem>>
    %dma_start3A_102 = tpu.memref_squeeze %dma_start3A_101 : memref<1x80x256xi32, #tpu.memory_space<vmem>> -> memref<80x256xi32, #tpu.memory_space<vmem>>
    %dma_start3A_103 = arith.constant 0 : i32
    %dma_start3A_104 = tpu.memref_slice %arg9[%dma_start3A_97, %dma_start3A_103] : memref<2x80xi32, #tpu.memory_space<vmem>> -> memref<1x80xi32, #tpu.memory_space<vmem>>
    %dma_start3A_105 = tpu.memref_squeeze %dma_start3A_104 : memref<1x80xi32, #tpu.memory_space<vmem>> -> memref<80xi32, #tpu.memory_space<vmem>>
    %dma_start3A_106 = arith.constant 0 : i32
    %dma_start3A_107 = arith.constant 0 : i32
    %dma_start3A_108 = tpu.memref_slice %arg3[%dma_start3A_106, %dma_start3A_107] : memref<100000x256xi32, #tpu.memory_space<hbm>> -> memref<100000x256xi32, #tpu.memory_space<hbm>>
    tpu.enqueue_indirect_dma source(%dma_start3A_108 : memref<100000x256xi32, #tpu.memory_space<hbm>>) target(%dma_start3A_102 : memref<80x256xi32, #tpu.memory_space<vmem>>) offsets(%dma_start3A_105 : memref<80xi32, #tpu.memory_space<vmem>>) semaphore(%arg15 : memref<!tpu.dma_semaphore, #tpu.memory_space<semaphore_mem>>)
    %dma_start3A_109 = arith.constant 0 : i32
    %dma_start3A_110 = arith.constant 0 : i32
    %dma_start3A_111 = arith.constant 0 : i32
    %dma_start3A_112 = arith.constant 0 : i32
    %dma_start3A_113 = tpu.memref_slice %arg13[%dma_start3A_110, %dma_start3A_111, %dma_start3A_112] : memref<2x80x256xi32, #tpu.memory_space<vmem>> -> memref<1x80x256xi32, #tpu.memory_space<vmem>>
    %dma_start3A_114 = tpu.memref_squeeze %dma_start3A_113 : memref<1x80x256xi32, #tpu.memory_space<vmem>> -> memref<80x256xi32, #tpu.memory_space<vmem>>
    %dma_start3A_115 = arith.constant 0 : i32
    %dma_start3A_116 = tpu.memref_slice %arg10[%dma_start3A_109, %dma_start3A_115] : memref<2x80xi32, #tpu.memory_space<vmem>> -> memref<1x80xi32, #tpu.memory_space<vmem>>
    %dma_start3A_117 = tpu.memref_squeeze %dma_start3A_116 : memref<1x80xi32, #tpu.memory_space<vmem>> -> memref<80xi32, #tpu.memory_space<vmem>>
    %dma_start3A_118 = arith.constant 0 : i32
    %dma_start3A_119 = arith.constant 0 : i32
    %dma_start3A_120 = tpu.memref_slice %arg2[%dma_start3A_118, %dma_start3A_119] : memref<100000x256xi32, #tpu.memory_space<hbm>> -> memref<100000x256xi32, #tpu.memory_space<hbm>>
    tpu.enqueue_indirect_dma source(%dma_start3A_120 : memref<100000x256xi32, #tpu.memory_space<hbm>>) target(%dma_start3A_114 : memref<80x256xi32, #tpu.memory_space<vmem>>) offsets(%dma_start3A_117 : memref<80xi32, #tpu.memory_space<vmem>>) semaphore(%arg15 : memref<!tpu.dma_semaphore, #tpu.memory_space<semaphore_mem>>)
    %while3A = arith.constant 0 : i32
    %while3A_121 = arith.constant 0 : i32
    %while3A_122 = arith.subi %select_n3A, %while3A_121 : i32
    %while3A_123 = arith.addi %while3A_121, %while3A_122 : i32
    %while3A_124 = arith.constant 1 : i32
    %while3A_125 = arith.divsi %while3A_122, %while3A_124 : i32
    %while3A_126 = arith.muli %while3A_125, %while3A_124 : i32
    %while3A_127 = arith.addi %while3A_121, %while3A_126 : i32
    %while3A_128 = arith.constant 1 : i32
    scf.for %while3A_159 = %while3A_121 to %while3A_127 step %while3A_128  : i32 {
      %jit3A_160 = arith.constant 2 : i32
      %eq3A_161 = arith.constant 0 : i32
      %eq3A_162 = arith.cmpi eq, %jit3A_160, %eq3A_161 : i32
      %jit3A_163 = arith.constant 1 : i32
      %select_n3A_164 = arith.select %eq3A_162, %jit3A_163, %jit3A_160 : i32
      %rem3A_165 = arith.remsi %while3A_159, %select_n3A_164 : i32
      %ne3A_166 = arith.constant 0 : i32
      %ne3A_167 = arith.cmpi ne, %rem3A_165, %ne3A_166 : i32
      %lt3A_168 = arith.constant 0 : i32
      %lt3A_169 = arith.cmpi slt, %rem3A_165, %lt3A_168 : i32
      %lt3A_170 = arith.constant 0 : i32
      %lt3A_171 = arith.cmpi slt, %select_n3A_164, %lt3A_170 : i32
      %ne3A_172 = arith.xori %lt3A_169, %lt3A_171 : i1
      %and3A_173 = arith.andi %ne3A_172, %ne3A_167 : i1
      %add3A_174 = arith.addi %rem3A_165, %select_n3A_164 : i32
      %select_n3A_175 = arith.select %and3A_173, %add3A_174, %rem3A_165 : i32
      %jit3A_176 = arith.constant 2 : i32
      %eq3A_177 = arith.constant 0 : i32
      %eq3A_178 = arith.cmpi eq, %jit3A_176, %eq3A_177 : i32
      %jit3A_179 = arith.constant 1 : i32
      %select_n3A_180 = arith.select %eq3A_178, %jit3A_179, %jit3A_176 : i32
      %rem3A_181 = arith.remsi %while3A_159, %select_n3A_180 : i32
      %ne3A_182 = arith.constant 0 : i32
      %ne3A_183 = arith.cmpi ne, %rem3A_181, %ne3A_182 : i32
      %lt3A_184 = arith.constant 0 : i32
      %lt3A_185 = arith.cmpi slt, %rem3A_181, %lt3A_184 : i32
      %lt3A_186 = arith.constant 0 : i32
      %lt3A_187 = arith.cmpi slt, %select_n3A_180, %lt3A_186 : i32
      %ne3A_188 = arith.xori %lt3A_185, %lt3A_187 : i1
      %and3A_189 = arith.andi %ne3A_188, %ne3A_183 : i1
      %add3A_190 = arith.addi %rem3A_181, %select_n3A_180 : i32
      %select_n3A_191 = arith.select %and3A_189, %add3A_190, %rem3A_181 : i32
      %dma_wait3A_192 = arith.constant 0 : i32
      %dma_wait3A_193 = arith.constant 0 : i32
      %dma_wait3A_194 = tpu.memref_slice %arg11[%select_n3A_191, %dma_wait3A_192, %dma_wait3A_193] : memref<2x80x256xi32, #tpu.memory_space<vmem>> -> memref<1x80x256xi32, #tpu.memory_space<vmem>>
      %dma_wait3A_195 = tpu.memref_squeeze %dma_wait3A_194 : memref<1x80x256xi32, #tpu.memory_space<vmem>> -> memref<80x256xi32, #tpu.memory_space<vmem>>
      %dma_wait3A_196 = arith.constant 0 : i32
      %dma_wait3A_197 = tpu.memref_slice %arg8[%select_n3A_191, %dma_wait3A_196] : memref<2x80xi32, #tpu.memory_space<vmem>> -> memref<1x80xi32, #tpu.memory_space<vmem>>
      %dma_wait3A_198 = tpu.memref_squeeze %dma_wait3A_197 : memref<1x80xi32, #tpu.memory_space<vmem>> -> memref<80xi32, #tpu.memory_space<vmem>>
      %dma_wait3A_199 = arith.constant 0 : i32
      %dma_wait3A_200 = arith.constant 0 : i32
      %dma_wait3A_201 = tpu.memref_slice %arg2[%dma_wait3A_199, %dma_wait3A_200] : memref<100000x256xi32, #tpu.memory_space<hbm>> -> memref<100000x256xi32, #tpu.memory_space<hbm>>
      tpu.wait_indirect_dma semaphore(%arg15 : memref<!tpu.dma_semaphore, #tpu.memory_space<semaphore_mem>>) src(%dma_wait3A_201 : memref<100000x256xi32, #tpu.memory_space<hbm>>) dst(%dma_wait3A_195 : memref<80x256xi32, #tpu.memory_space<vmem>>)
      %dma_wait3A_202 = arith.constant 0 : i32
      %dma_wait3A_203 = arith.constant 0 : i32
      %dma_wait3A_204 = tpu.memref_slice %arg12[%select_n3A_191, %dma_wait3A_202, %dma_wait3A_203] : memref<2x80x256xi32, #tpu.memory_space<vmem>> -> memref<1x80x256xi32, #tpu.memory_space<vmem>>
      %dma_wait3A_205 = tpu.memref_squeeze %dma_wait3A_204 : memref<1x80x256xi32, #tpu.memory_space<vmem>> -> memref<80x256xi32, #tpu.memory_space<vmem>>
      %dma_wait3A_206 = arith.constant 0 : i32
      %dma_wait3A_207 = tpu.memref_slice %arg9[%select_n3A_191, %dma_wait3A_206] : memref<2x80xi32, #tpu.memory_space<vmem>> -> memref<1x80xi32, #tpu.memory_space<vmem>>
      %dma_wait3A_208 = tpu.memref_squeeze %dma_wait3A_207 : memref<1x80xi32, #tpu.memory_space<vmem>> -> memref<80xi32, #tpu.memory_space<vmem>>
      %dma_wait3A_209 = arith.constant 0 : i32
      %dma_wait3A_210 = arith.constant 0 : i32
      %dma_wait3A_211 = tpu.memref_slice %arg3[%dma_wait3A_209, %dma_wait3A_210] : memref<100000x256xi32, #tpu.memory_space<hbm>> -> memref<100000x256xi32, #tpu.memory_space<hbm>>
      tpu.wait_indirect_dma semaphore(%arg15 : memref<!tpu.dma_semaphore, #tpu.memory_space<semaphore_mem>>) src(%dma_wait3A_211 : memref<100000x256xi32, #tpu.memory_space<hbm>>) dst(%dma_wait3A_205 : memref<80x256xi32, #tpu.memory_space<vmem>>)
      %dma_wait3A_212 = arith.constant 0 : i32
      %dma_wait3A_213 = arith.constant 0 : i32
      %dma_wait3A_214 = tpu.memref_slice %arg13[%select_n3A_191, %dma_wait3A_212, %dma_wait3A_213] : memref<2x80x256xi32, #tpu.memory_space<vmem>> -> memref<1x80x256xi32, #tpu.memory_space<vmem>>
      %dma_wait3A_215 = tpu.memref_squeeze %dma_wait3A_214 : memref<1x80x256xi32, #tpu.memory_space<vmem>> -> memref<80x256xi32, #tpu.memory_space<vmem>>
      %dma_wait3A_216 = arith.constant 0 : i32
      %dma_wait3A_217 = tpu.memref_slice %arg10[%select_n3A_191, %dma_wait3A_216] : memref<2x80xi32, #tpu.memory_space<vmem>> -> memref<1x80xi32, #tpu.memory_space<vmem>>
      %dma_wait3A_218 = tpu.memref_squeeze %dma_wait3A_217 : memref<1x80xi32, #tpu.memory_space<vmem>> -> memref<80xi32, #tpu.memory_space<vmem>>
      %dma_wait3A_219 = arith.constant 0 : i32
      %dma_wait3A_220 = arith.constant 0 : i32
      %dma_wait3A_221 = tpu.memref_slice %arg2[%dma_wait3A_219, %dma_wait3A_220] : memref<100000x256xi32, #tpu.memory_space<hbm>> -> memref<100000x256xi32, #tpu.memory_space<hbm>>
      tpu.wait_indirect_dma semaphore(%arg15 : memref<!tpu.dma_semaphore, #tpu.memory_space<semaphore_mem>>) src(%dma_wait3A_221 : memref<100000x256xi32, #tpu.memory_space<hbm>>) dst(%dma_wait3A_215 : memref<80x256xi32, #tpu.memory_space<vmem>>)
      %add3A_222 = arith.constant 1 : i32
      %add3A_223 = arith.addi %while3A_159, %add3A_222 : i32
      %lt3A_224 = arith.cmpi slt, %add3A_223, %select_n3A : i32
      %convert_element_type3A_225 = arith.extui %lt3A_224 : i1 to i32
      %cond3A_226 = arith.constant 0 : i32
      %cond3A_227 = arith.cmpi ne, %convert_element_type3A_225, %cond3A_226 : i32
      scf.if %cond3A_227 {
        %add3A_271 = arith.constant 1 : i32
        %add3A_272 = arith.addi %while3A_159, %add3A_271 : i32
        %jit3A_273 = arith.constant 2 : i32
        %eq3A_274 = arith.constant 0 : i32
        %eq3A_275 = arith.cmpi eq, %jit3A_273, %eq3A_274 : i32
        %jit3A_276 = arith.constant 1 : i32
        %select_n3A_277 = arith.select %eq3A_275, %jit3A_276, %jit3A_273 : i32
        %rem3A_278 = arith.remsi %add3A_272, %select_n3A_277 : i32
        %ne3A_279 = arith.constant 0 : i32
        %ne3A_280 = arith.cmpi ne, %rem3A_278, %ne3A_279 : i32
        %lt3A_281 = arith.constant 0 : i32
        %lt3A_282 = arith.cmpi slt, %rem3A_278, %lt3A_281 : i32
        %lt3A_283 = arith.constant 0 : i32
        %lt3A_284 = arith.cmpi slt, %select_n3A_277, %lt3A_283 : i32
        %ne3A_285 = arith.xori %lt3A_282, %lt3A_284 : i1
        %and3A_286 = arith.andi %ne3A_285, %ne3A_280 : i1
        %add3A_287 = arith.addi %rem3A_278, %select_n3A_277 : i32
        %select_n3A_288 = arith.select %and3A_286, %add3A_287, %rem3A_278 : i32
        %mul3A_289 = arith.constant 32 : i32
        %mul3A_290 = arith.muli %add3A_272, %mul3A_289 : i32
        %add3A_291 = arith.addi %add3A, %mul3A_290 : i32
        %mul3A_292 = arith.constant 80 : i32
        %mul3A_293 = arith.muli %add3A_291, %mul3A_292 : i32
        %dma_wait3A_294 = arith.constant 0 : i32
        %dma_wait3A_295 = tpu.memref_slice %arg8[%select_n3A_288, %dma_wait3A_294] : memref<2x80xi32, #tpu.memory_space<vmem>> -> memref<1x80xi32, #tpu.memory_space<vmem>>
        %dma_wait3A_296 = tpu.memref_squeeze %dma_wait3A_295 : memref<1x80xi32, #tpu.memory_space<vmem>> -> memref<80xi32, #tpu.memory_space<vmem>>
        %dma_wait3A_297 = tpu.memref_slice %arg4[%mul3A_293] : memref<500000xi32, #tpu.memory_space<hbm>> -> memref<80xi32, #tpu.memory_space<hbm>>
        %dma_wait3A_298 = arith.constant 0 : i32
        %dma_wait3A_299 = tpu.memref_slice %arg8[%select_n3A_288, %dma_wait3A_298] : memref<2x80xi32, #tpu.memory_space<vmem>> -> memref<1x80xi32, #tpu.memory_space<vmem>>
        %dma_wait3A_300 = tpu.memref_squeeze %dma_wait3A_299 : memref<1x80xi32, #tpu.memory_space<vmem>> -> memref<80xi32, #tpu.memory_space<vmem>>
        %dma_wait3A_301 = tpu.memref_slice %arg4[%mul3A_293] : memref<500000xi32, #tpu.memory_space<hbm>> -> memref<80xi32, #tpu.memory_space<hbm>>
        tpu.wait_dma2 semaphore(%arg16 : memref<!tpu.dma_semaphore, #tpu.memory_space<semaphore_mem>>) src(%dma_wait3A_301 : memref<80xi32, #tpu.memory_space<hbm>>) dst(%dma_wait3A_300 : memref<80xi32, #tpu.memory_space<vmem>>)
        %dma_wait3A_302 = arith.constant 0 : i32
        %dma_wait3A_303 = tpu.memref_slice %arg9[%select_n3A_288, %dma_wait3A_302] : memref<2x80xi32, #tpu.memory_space<vmem>> -> memref<1x80xi32, #tpu.memory_space<vmem>>
        %dma_wait3A_304 = tpu.memref_squeeze %dma_wait3A_303 : memref<1x80xi32, #tpu.memory_space<vmem>> -> memref<80xi32, #tpu.memory_space<vmem>>
        %dma_wait3A_305 = tpu.memref_slice %arg5[%mul3A_293] : memref<500000xi32, #tpu.memory_space<hbm>> -> memref<80xi32, #tpu.memory_space<hbm>>
        %dma_wait3A_306 = arith.constant 0 : i32
        %dma_wait3A_307 = tpu.memref_slice %arg9[%select_n3A_288, %dma_wait3A_306] : memref<2x80xi32, #tpu.memory_space<vmem>> -> memref<1x80xi32, #tpu.memory_space<vmem>>
        %dma_wait3A_308 = tpu.memref_squeeze %dma_wait3A_307 : memref<1x80xi32, #tpu.memory_space<vmem>> -> memref<80xi32, #tpu.memory_space<vmem>>
        %dma_wait3A_309 = tpu.memref_slice %arg5[%mul3A_293] : memref<500000xi32, #tpu.memory_space<hbm>> -> memref<80xi32, #tpu.memory_space<hbm>>
        tpu.wait_dma2 semaphore(%arg16 : memref<!tpu.dma_semaphore, #tpu.memory_space<semaphore_mem>>) src(%dma_wait3A_309 : memref<80xi32, #tpu.memory_space<hbm>>) dst(%dma_wait3A_308 : memref<80xi32, #tpu.memory_space<vmem>>)
        %dma_wait3A_310 = arith.constant 0 : i32
        %dma_wait3A_311 = tpu.memref_slice %arg10[%select_n3A_288, %dma_wait3A_310] : memref<2x80xi32, #tpu.memory_space<vmem>> -> memref<1x80xi32, #tpu.memory_space<vmem>>
        %dma_wait3A_312 = tpu.memref_squeeze %dma_wait3A_311 : memref<1x80xi32, #tpu.memory_space<vmem>> -> memref<80xi32, #tpu.memory_space<vmem>>
        %dma_wait3A_313 = tpu.memref_slice %arg6[%mul3A_293] : memref<500000xi32, #tpu.memory_space<hbm>> -> memref<80xi32, #tpu.memory_space<hbm>>
        %dma_wait3A_314 = arith.constant 0 : i32
        %dma_wait3A_315 = tpu.memref_slice %arg10[%select_n3A_288, %dma_wait3A_314] : memref<2x80xi32, #tpu.memory_space<vmem>> -> memref<1x80xi32, #tpu.memory_space<vmem>>
        %dma_wait3A_316 = tpu.memref_squeeze %dma_wait3A_315 : memref<1x80xi32, #tpu.memory_space<vmem>> -> memref<80xi32, #tpu.memory_space<vmem>>
        %dma_wait3A_317 = tpu.memref_slice %arg6[%mul3A_293] : memref<500000xi32, #tpu.memory_space<hbm>> -> memref<80xi32, #tpu.memory_space<hbm>>
        tpu.wait_dma2 semaphore(%arg16 : memref<!tpu.dma_semaphore, #tpu.memory_space<semaphore_mem>>) src(%dma_wait3A_317 : memref<80xi32, #tpu.memory_space<hbm>>) dst(%dma_wait3A_316 : memref<80xi32, #tpu.memory_space<vmem>>)
        %add3A_318 = arith.constant 1 : i32
        %add3A_319 = arith.addi %while3A_159, %add3A_318 : i32
        %jit3A_320 = arith.constant 2 : i32
        %eq3A_321 = arith.constant 0 : i32
        %eq3A_322 = arith.cmpi eq, %jit3A_320, %eq3A_321 : i32
        %jit3A_323 = arith.constant 1 : i32
        %select_n3A_324 = arith.select %eq3A_322, %jit3A_323, %jit3A_320 : i32
        %rem3A_325 = arith.remsi %add3A_319, %select_n3A_324 : i32
        %ne3A_326 = arith.constant 0 : i32
        %ne3A_327 = arith.cmpi ne, %rem3A_325, %ne3A_326 : i32
        %lt3A_328 = arith.constant 0 : i32
        %lt3A_329 = arith.cmpi slt, %rem3A_325, %lt3A_328 : i32
        %lt3A_330 = arith.constant 0 : i32
        %lt3A_331 = arith.cmpi slt, %select_n3A_324, %lt3A_330 : i32
        %ne3A_332 = arith.xori %lt3A_329, %lt3A_331 : i1
        %and3A_333 = arith.andi %ne3A_332, %ne3A_327 : i1
        %add3A_334 = arith.addi %rem3A_325, %select_n3A_324 : i32
        %select_n3A_335 = arith.select %and3A_333, %add3A_334, %rem3A_325 : i32
        %dma_start3A_336 = arith.constant 0 : i32
        %dma_start3A_337 = arith.constant 0 : i32
        %dma_start3A_338 = tpu.memref_slice %arg11[%select_n3A_335, %dma_start3A_336, %dma_start3A_337] : memref<2x80x256xi32, #tpu.memory_space<vmem>> -> memref<1x80x256xi32, #tpu.memory_space<vmem>>
        %dma_start3A_339 = tpu.memref_squeeze %dma_start3A_338 : memref<1x80x256xi32, #tpu.memory_space<vmem>> -> memref<80x256xi32, #tpu.memory_space<vmem>>
        %dma_start3A_340 = arith.constant 0 : i32
        %dma_start3A_341 = tpu.memref_slice %arg8[%select_n3A_335, %dma_start3A_340] : memref<2x80xi32, #tpu.memory_space<vmem>> -> memref<1x80xi32, #tpu.memory_space<vmem>>
        %dma_start3A_342 = tpu.memref_squeeze %dma_start3A_341 : memref<1x80xi32, #tpu.memory_space<vmem>> -> memref<80xi32, #tpu.memory_space<vmem>>
        %dma_start3A_343 = arith.constant 0 : i32
        %dma_start3A_344 = arith.constant 0 : i32
        %dma_start3A_345 = tpu.memref_slice %arg2[%dma_start3A_343, %dma_start3A_344] : memref<100000x256xi32, #tpu.memory_space<hbm>> -> memref<100000x256xi32, #tpu.memory_space<hbm>>
        tpu.enqueue_indirect_dma source(%dma_start3A_345 : memref<100000x256xi32, #tpu.memory_space<hbm>>) target(%dma_start3A_339 : memref<80x256xi32, #tpu.memory_space<vmem>>) offsets(%dma_start3A_342 : memref<80xi32, #tpu.memory_space<vmem>>) semaphore(%arg15 : memref<!tpu.dma_semaphore, #tpu.memory_space<semaphore_mem>>)
        %dma_start3A_346 = arith.constant 0 : i32
        %dma_start3A_347 = arith.constant 0 : i32
        %dma_start3A_348 = tpu.memref_slice %arg12[%select_n3A_335, %dma_start3A_346, %dma_start3A_347] : memref<2x80x256xi32, #tpu.memory_space<vmem>> -> memref<1x80x256xi32, #tpu.memory_space<vmem>>
        %dma_start3A_349 = tpu.memref_squeeze %dma_start3A_348 : memref<1x80x256xi32, #tpu.memory_space<vmem>> -> memref<80x256xi32, #tpu.memory_space<vmem>>
        %dma_start3A_350 = arith.constant 0 : i32
        %dma_start3A_351 = tpu.memref_slice %arg9[%select_n3A_335, %dma_start3A_350] : memref<2x80xi32, #tpu.memory_space<vmem>> -> memref<1x80xi32, #tpu.memory_space<vmem>>
        %dma_start3A_352 = tpu.memref_squeeze %dma_start3A_351 : memref<1x80xi32, #tpu.memory_space<vmem>> -> memref<80xi32, #tpu.memory_space<vmem>>
        %dma_start3A_353 = arith.constant 0 : i32
        %dma_start3A_354 = arith.constant 0 : i32
        %dma_start3A_355 = tpu.memref_slice %arg3[%dma_start3A_353, %dma_start3A_354] : memref<100000x256xi32, #tpu.memory_space<hbm>> -> memref<100000x256xi32, #tpu.memory_space<hbm>>
        tpu.enqueue_indirect_dma source(%dma_start3A_355 : memref<100000x256xi32, #tpu.memory_space<hbm>>) target(%dma_start3A_349 : memref<80x256xi32, #tpu.memory_space<vmem>>) offsets(%dma_start3A_352 : memref<80xi32, #tpu.memory_space<vmem>>) semaphore(%arg15 : memref<!tpu.dma_semaphore, #tpu.memory_space<semaphore_mem>>)
        %dma_start3A_356 = arith.constant 0 : i32
        %dma_start3A_357 = arith.constant 0 : i32
        %dma_start3A_358 = tpu.memref_slice %arg13[%select_n3A_335, %dma_start3A_356, %dma_start3A_357] : memref<2x80x256xi32, #tpu.memory_space<vmem>> -> memref<1x80x256xi32, #tpu.memory_space<vmem>>
        %dma_start3A_359 = tpu.memref_squeeze %dma_start3A_358 : memref<1x80x256xi32, #tpu.memory_space<vmem>> -> memref<80x256xi32, #tpu.memory_space<vmem>>
        %dma_start3A_360 = arith.constant 0 : i32
        %dma_start3A_361 = tpu.memref_slice %arg10[%select_n3A_335, %dma_start3A_360] : memref<2x80xi32, #tpu.memory_space<vmem>> -> memref<1x80xi32, #tpu.memory_space<vmem>>
        %dma_start3A_362 = tpu.memref_squeeze %dma_start3A_361 : memref<1x80xi32, #tpu.memory_space<vmem>> -> memref<80xi32, #tpu.memory_space<vmem>>
        %dma_start3A_363 = arith.constant 0 : i32
        %dma_start3A_364 = arith.constant 0 : i32
        %dma_start3A_365 = tpu.memref_slice %arg2[%dma_start3A_363, %dma_start3A_364] : memref<100000x256xi32, #tpu.memory_space<hbm>> -> memref<100000x256xi32, #tpu.memory_space<hbm>>
        tpu.enqueue_indirect_dma source(%dma_start3A_365 : memref<100000x256xi32, #tpu.memory_space<hbm>>) target(%dma_start3A_359 : memref<80x256xi32, #tpu.memory_space<vmem>>) offsets(%dma_start3A_362 : memref<80xi32, #tpu.memory_space<vmem>>) semaphore(%arg15 : memref<!tpu.dma_semaphore, #tpu.memory_space<semaphore_mem>>)
      } else {
      }
      %add3A_228 = arith.constant 2 : i32
      %add3A_229 = arith.addi %while3A_159, %add3A_228 : i32
      %lt3A_230 = arith.cmpi slt, %add3A_229, %select_n3A : i32
      %convert_element_type3A_231 = arith.extui %lt3A_230 : i1 to i32
      %cond3A_232 = arith.constant 0 : i32
      %cond3A_233 = arith.cmpi ne, %convert_element_type3A_231, %cond3A_232 : i32
      scf.if %cond3A_233 {
        %add3A_271 = arith.constant 2 : i32
        %add3A_272 = arith.addi %while3A_159, %add3A_271 : i32
        %jit3A_273 = arith.constant 2 : i32
        %eq3A_274 = arith.constant 0 : i32
        %eq3A_275 = arith.cmpi eq, %jit3A_273, %eq3A_274 : i32
        %jit3A_276 = arith.constant 1 : i32
        %select_n3A_277 = arith.select %eq3A_275, %jit3A_276, %jit3A_273 : i32
        %rem3A_278 = arith.remsi %add3A_272, %select_n3A_277 : i32
        %ne3A_279 = arith.constant 0 : i32
        %ne3A_280 = arith.cmpi ne, %rem3A_278, %ne3A_279 : i32
        %lt3A_281 = arith.constant 0 : i32
        %lt3A_282 = arith.cmpi slt, %rem3A_278, %lt3A_281 : i32
        %lt3A_283 = arith.constant 0 : i32
        %lt3A_284 = arith.cmpi slt, %select_n3A_277, %lt3A_283 : i32
        %ne3A_285 = arith.xori %lt3A_282, %lt3A_284 : i1
        %and3A_286 = arith.andi %ne3A_285, %ne3A_280 : i1
        %add3A_287 = arith.addi %rem3A_278, %select_n3A_277 : i32
        %select_n3A_288 = arith.select %and3A_286, %add3A_287, %rem3A_278 : i32
        %mul3A_289 = arith.constant 32 : i32
        %mul3A_290 = arith.muli %add3A_272, %mul3A_289 : i32
        %add3A_291 = arith.addi %add3A, %mul3A_290 : i32
        %mul3A_292 = arith.constant 80 : i32
        %mul3A_293 = arith.muli %add3A_291, %mul3A_292 : i32
        %dma_start3A_294 = arith.constant 0 : i32
        %dma_start3A_295 = tpu.memref_slice %arg8[%select_n3A_288, %dma_start3A_294] : memref<2x80xi32, #tpu.memory_space<vmem>> -> memref<1x80xi32, #tpu.memory_space<vmem>>
        %dma_start3A_296 = tpu.memref_squeeze %dma_start3A_295 : memref<1x80xi32, #tpu.memory_space<vmem>> -> memref<80xi32, #tpu.memory_space<vmem>>
        %dma_start3A_297 = tpu.memref_slice %arg4[%mul3A_293] : memref<500000xi32, #tpu.memory_space<hbm>> -> memref<80xi32, #tpu.memory_space<hbm>>
        %dma_start3A_298 = arith.constant 0 : i32
        %dma_start3A_299 = tpu.memref_slice %arg8[%select_n3A_288, %dma_start3A_298] : memref<2x80xi32, #tpu.memory_space<vmem>> -> memref<1x80xi32, #tpu.memory_space<vmem>>
        %dma_start3A_300 = tpu.memref_squeeze %dma_start3A_299 : memref<1x80xi32, #tpu.memory_space<vmem>> -> memref<80xi32, #tpu.memory_space<vmem>>
        %dma_start3A_301 = tpu.memref_slice %arg4[%mul3A_293] : memref<500000xi32, #tpu.memory_space<hbm>> -> memref<80xi32, #tpu.memory_space<hbm>>
        tpu.enqueue_dma source(%dma_start3A_301 : memref<80xi32, #tpu.memory_space<hbm>>) target(%dma_start3A_300 : memref<80xi32, #tpu.memory_space<vmem>>) target_semaphore(%arg16 : memref<!tpu.dma_semaphore, #tpu.memory_space<semaphore_mem>>)
        %dma_start3A_302 = arith.constant 0 : i32
        %dma_start3A_303 = tpu.memref_slice %arg9[%select_n3A_288, %dma_start3A_302] : memref<2x80xi32, #tpu.memory_space<vmem>> -> memref<1x80xi32, #tpu.memory_space<vmem>>
        %dma_start3A_304 = tpu.memref_squeeze %dma_start3A_303 : memref<1x80xi32, #tpu.memory_space<vmem>> -> memref<80xi32, #tpu.memory_space<vmem>>
        %dma_start3A_305 = tpu.memref_slice %arg5[%mul3A_293] : memref<500000xi32, #tpu.memory_space<hbm>> -> memref<80xi32, #tpu.memory_space<hbm>>
        %dma_start3A_306 = arith.constant 0 : i32
        %dma_start3A_307 = tpu.memref_slice %arg9[%select_n3A_288, %dma_start3A_306] : memref<2x80xi32, #tpu.memory_space<vmem>> -> memref<1x80xi32, #tpu.memory_space<vmem>>
        %dma_start3A_308 = tpu.memref_squeeze %dma_start3A_307 : memref<1x80xi32, #tpu.memory_space<vmem>> -> memref<80xi32, #tpu.memory_space<vmem>>
        %dma_start3A_309 = tpu.memref_slice %arg5[%mul3A_293] : memref<500000xi32, #tpu.memory_space<hbm>> -> memref<80xi32, #tpu.memory_space<hbm>>
        tpu.enqueue_dma source(%dma_start3A_309 : memref<80xi32, #tpu.memory_space<hbm>>) target(%dma_start3A_308 : memref<80xi32, #tpu.memory_space<vmem>>) target_semaphore(%arg16 : memref<!tpu.dma_semaphore, #tpu.memory_space<semaphore_mem>>)
        %dma_start3A_310 = arith.constant 0 : i32
        %dma_start3A_311 = tpu.memref_slice %arg10[%select_n3A_288, %dma_start3A_310] : memref<2x80xi32, #tpu.memory_space<vmem>> -> memref<1x80xi32, #tpu.memory_space<vmem>>
        %dma_start3A_312 = tpu.memref_squeeze %dma_start3A_311 : memref<1x80xi32, #tpu.memory_space<vmem>> -> memref<80xi32, #tpu.memory_space<vmem>>
        %dma_start3A_313 = tpu.memref_slice %arg6[%mul3A_293] : memref<500000xi32, #tpu.memory_space<hbm>> -> memref<80xi32, #tpu.memory_space<hbm>>
        %dma_start3A_314 = arith.constant 0 : i32
        %dma_start3A_315 = tpu.memref_slice %arg10[%select_n3A_288, %dma_start3A_314] : memref<2x80xi32, #tpu.memory_space<vmem>> -> memref<1x80xi32, #tpu.memory_space<vmem>>
        %dma_start3A_316 = tpu.memref_squeeze %dma_start3A_315 : memref<1x80xi32, #tpu.memory_space<vmem>> -> memref<80xi32, #tpu.memory_space<vmem>>
        %dma_start3A_317 = tpu.memref_slice %arg6[%mul3A_293] : memref<500000xi32, #tpu.memory_space<hbm>> -> memref<80xi32, #tpu.memory_space<hbm>>
        tpu.enqueue_dma source(%dma_start3A_317 : memref<80xi32, #tpu.memory_space<hbm>>) target(%dma_start3A_316 : memref<80xi32, #tpu.memory_space<vmem>>) target_semaphore(%arg16 : memref<!tpu.dma_semaphore, #tpu.memory_space<semaphore_mem>>)
      } else {
      }
      %ge3A = arith.constant 1 : i32
      %ge3A_234 = arith.cmpi sge, %while3A_159, %ge3A : i32
      %convert_element_type3A_235 = arith.extui %ge3A_234 : i1 to i32
      %cond3A_236 = arith.constant 0 : i32
      %cond3A_237 = arith.cmpi ne, %convert_element_type3A_235, %cond3A_236 : i32
      scf.if %cond3A_237 {
        %sub3A_271 = arith.constant 1 : i32
        %sub3A_272 = arith.subi %while3A_159, %sub3A_271 : i32
        %jit3A_273 = arith.constant 2 : i32
        %eq3A_274 = arith.constant 0 : i32
        %eq3A_275 = arith.cmpi eq, %jit3A_273, %eq3A_274 : i32
        %jit3A_276 = arith.constant 1 : i32
        %select_n3A_277 = arith.select %eq3A_275, %jit3A_276, %jit3A_273 : i32
        %rem3A_278 = arith.remsi %sub3A_272, %select_n3A_277 : i32
        %ne3A_279 = arith.constant 0 : i32
        %ne3A_280 = arith.cmpi ne, %rem3A_278, %ne3A_279 : i32
        %lt3A_281 = arith.constant 0 : i32
        %lt3A_282 = arith.cmpi slt, %rem3A_278, %lt3A_281 : i32
        %lt3A_283 = arith.constant 0 : i32
        %lt3A_284 = arith.cmpi slt, %select_n3A_277, %lt3A_283 : i32
        %ne3A_285 = arith.xori %lt3A_282, %lt3A_284 : i1
        %and3A_286 = arith.andi %ne3A_285, %ne3A_280 : i1
        %add3A_287 = arith.addi %rem3A_278, %select_n3A_277 : i32
        %select_n3A_288 = arith.select %and3A_286, %add3A_287, %rem3A_278 : i32
        %mul3A_289 = arith.constant 32 : i32
        %mul3A_290 = arith.muli %sub3A_272, %mul3A_289 : i32
        %add3A_291 = arith.addi %add3A, %mul3A_290 : i32
        %mul3A_292 = arith.constant 80 : i32
        %mul3A_293 = arith.muli %add3A_291, %mul3A_292 : i32
        %dma_wait3A_294 = arith.constant 0 : i32
        %dma_wait3A_295 = tpu.memref_slice %arg14[%select_n3A_288, %dma_wait3A_294] : memref<2x80xf32, #tpu.memory_space<vmem>> -> memref<1x80xf32, #tpu.memory_space<vmem>>
        %dma_wait3A_296 = tpu.memref_squeeze %dma_wait3A_295 : memref<1x80xf32, #tpu.memory_space<vmem>> -> memref<80xf32, #tpu.memory_space<vmem>>
        %dma_wait3A_297 = tpu.memref_slice %arg7[%mul3A_293] : memref<500000xf32, #tpu.memory_space<hbm>> -> memref<80xf32, #tpu.memory_space<hbm>>
        %dma_wait3A_298 = tpu.memref_slice %arg7[%mul3A_293] : memref<500000xf32, #tpu.memory_space<hbm>> -> memref<80xf32, #tpu.memory_space<hbm>>
        %dma_wait3A_299 = arith.constant 0 : i32
        %dma_wait3A_300 = tpu.memref_slice %arg14[%select_n3A_288, %dma_wait3A_299] : memref<2x80xf32, #tpu.memory_space<vmem>> -> memref<1x80xf32, #tpu.memory_space<vmem>>
        %dma_wait3A_301 = tpu.memref_squeeze %dma_wait3A_300 : memref<1x80xf32, #tpu.memory_space<vmem>> -> memref<80xf32, #tpu.memory_space<vmem>>
        tpu.wait_dma2 semaphore(%arg17 : memref<!tpu.dma_semaphore, #tpu.memory_space<semaphore_mem>>) src(%dma_wait3A_301 : memref<80xf32, #tpu.memory_space<vmem>>) dst(%dma_wait3A_298 : memref<80xf32, #tpu.memory_space<hbm>>)
      } else {
      }
      %broadcast_in_dim3A = arith.constant 0.000000e+00 : f32
      %broadcast_in_dim3A_238 = vector.broadcast %broadcast_in_dim3A : f32 to vector<16xf32>
      %parallel_loop3A = arith.constant 0 : i32
      %parallel_loop3A_239 = arith.constant 80 : i32
      %parallel_loop3A_240 = arith.constant 1 : i32
      %parallel_loop3A_241 = scf.for %parallel_loop3A_271 = %parallel_loop3A to %parallel_loop3A_239 step %parallel_loop3A_240 iter_args(%parallel_loop3A_272 = %broadcast_in_dim3A_238) -> (vector<16xf32>)  : i32 {
        %parallel_loop3A_273 = arith.constant 0.000000e+00 : f32
        %parallel_loop3A_274 = vector.broadcast %parallel_loop3A_273 : f32 to vector<16xf32>
        %parallel_loop3A_275 = arith.constant 0.000000e+00 : f32
        %parallel_loop3A_276 = vector.broadcast %parallel_loop3A_275 : f32 to vector<16xf32>
        %parallel_loop3A_277 = arith.constant 0.000000e+00 : f32
        %parallel_loop3A_278 = vector.broadcast %parallel_loop3A_277 : f32 to vector<16xf32>
        %parallel_loop3A_279 = arith.constant 0.000000e+00 : f32
        %parallel_loop3A_280 = vector.broadcast %parallel_loop3A_279 : f32 to vector<16xf32>
        %parallel_loop3A_281 = arith.constant 0.000000e+00 : f32
        %parallel_loop3A_282 = vector.broadcast %parallel_loop3A_281 : f32 to vector<16xf32>
        %parallel_loop3A_283 = arith.constant 0.000000e+00 : f32
        %parallel_loop3A_284 = vector.broadcast %parallel_loop3A_283 : f32 to vector<16xf32>
        %parallel_loop3A_285 = arith.constant 0.000000e+00 : f32
        %parallel_loop3A_286 = vector.broadcast %parallel_loop3A_285 : f32 to vector<16xf32>
        %parallel_loop3A_287 = arith.constant 0.000000e+00 : f32
        %parallel_loop3A_288 = vector.broadcast %parallel_loop3A_287 : f32 to vector<16xf32>
        %parallel_loop3A_289 = arith.index_cast %select_n3A_175 : i32 to index
        %parallel_loop3A_290 = arith.index_cast %parallel_loop3A_271 : i32 to index
        %parallel_loop3A_291 = arith.constant 0 : index
        %parallel_loop3A_292 = tpu.vector_load %arg11[%parallel_loop3A_289, %parallel_loop3A_290, %parallel_loop3A_291] {strides = array<i32>} : memref<2x80x256xi32, #tpu.memory_space<vmem>>, vector<1x1x16xi32>,
        %parallel_loop3A_293 = vector.shape_cast %parallel_loop3A_292 : vector<1x1x16xi32> to vector<16xi32>
        %parallel_loop3A_294 = arith.index_cast %select_n3A_175 : i32 to index
        %parallel_loop3A_295 = arith.index_cast %parallel_loop3A_271 : i32 to index
        %parallel_loop3A_296 = arith.constant 0 : index
        %parallel_loop3A_297 = tpu.vector_load %arg12[%parallel_loop3A_294, %parallel_loop3A_295, %parallel_loop3A_296] {strides = array<i32>} : memref<2x80x256xi32, #tpu.memory_space<vmem>>, vector<1x1x16xi32>,
        %parallel_loop3A_298 = vector.shape_cast %parallel_loop3A_297 : vector<1x1x16xi32> to vector<16xi32>
        %parallel_loop3A_299 = arith.index_cast %select_n3A_175 : i32 to index
        %parallel_loop3A_300 = arith.index_cast %parallel_loop3A_271 : i32 to index
        %parallel_loop3A_301 = arith.constant 0 : index
        %parallel_loop3A_302 = tpu.vector_load %arg13[%parallel_loop3A_299, %parallel_loop3A_300, %parallel_loop3A_301] {strides = array<i32>} : memref<2x80x256xi32, #tpu.memory_space<vmem>>, vector<1x1x16xi32>,
        %parallel_loop3A_303 = vector.shape_cast %parallel_loop3A_302 : vector<1x1x16xi32> to vector<16xi32>
        %parallel_loop3A_304 = arith.constant -65536 : i32
        %parallel_loop3A_305 = vector.broadcast %parallel_loop3A_304 : i32 to vector<16xi32>
        %parallel_loop3A_306 = arith.andi %parallel_loop3A_293, %parallel_loop3A_305 : vector<16xi32>
        %parallel_loop3A_307 = arith.sitofp %parallel_loop3A_306 : vector<16xi32> to vector<16xf32>
        %parallel_loop3A_308 = arith.constant 16 : i32
        %parallel_loop3A_309 = vector.broadcast %parallel_loop3A_308 : i32 to vector<16xi32>
        %parallel_loop3A_310 = arith.shli %parallel_loop3A_293, %parallel_loop3A_309 : vector<16xi32>
        %parallel_loop3A_311 = arith.sitofp %parallel_loop3A_310 : vector<16xi32> to vector<16xf32>
        %parallel_loop3A_312 = arith.constant -65536 : i32
        %parallel_loop3A_313 = vector.broadcast %parallel_loop3A_312 : i32 to vector<16xi32>
        %parallel_loop3A_314 = arith.andi %parallel_loop3A_298, %parallel_loop3A_313 : vector<16xi32>
        %parallel_loop3A_315 = arith.sitofp %parallel_loop3A_314 : vector<16xi32> to vector<16xf32>
        %parallel_loop3A_316 = arith.constant 16 : i32
        %parallel_loop3A_317 = vector.broadcast %parallel_loop3A_316 : i32 to vector<16xi32>
        %parallel_loop3A_318 = arith.shli %parallel_loop3A_298, %parallel_loop3A_317 : vector<16xi32>
        %parallel_loop3A_319 = arith.sitofp %parallel_loop3A_318 : vector<16xi32> to vector<16xf32>
        %parallel_loop3A_320 = arith.constant -65536 : i32
        %parallel_loop3A_321 = vector.broadcast %parallel_loop3A_320 : i32 to vector<16xi32>
        %parallel_loop3A_322 = arith.andi %parallel_loop3A_303, %parallel_loop3A_321 : vector<16xi32>
        %parallel_loop3A_323 = arith.sitofp %parallel_loop3A_322 : vector<16xi32> to vector<16xf32>
        %parallel_loop3A_324 = arith.constant 16 : i32
        %parallel_loop3A_325 = vector.broadcast %parallel_loop3A_324 : i32 to vector<16xi32>
        %parallel_loop3A_326 = arith.shli %parallel_loop3A_303, %parallel_loop3A_325 : vector<16xi32>
        %parallel_loop3A_327 = arith.sitofp %parallel_loop3A_326 : vector<16xi32> to vector<16xf32>
        %parallel_loop3A_328 = arith.mulf %parallel_loop3A_307, %parallel_loop3A_315 : vector<16xf32>
        %parallel_loop3A_329 = arith.mulf %parallel_loop3A_328, %parallel_loop3A_323 : vector<16xf32>
        %parallel_loop3A_330 = arith.addf %parallel_loop3A_274, %parallel_loop3A_329 : vector<16xf32>
        %parallel_loop3A_331 = arith.mulf %parallel_loop3A_311, %parallel_loop3A_319 : vector<16xf32>
        %parallel_loop3A_332 = arith.mulf %parallel_loop3A_331, %parallel_loop3A_327 : vector<16xf32>
        %parallel_loop3A_333 = arith.addf %parallel_loop3A_282, %parallel_loop3A_332 : vector<16xf32>
        %parallel_loop3A_334 = arith.index_cast %select_n3A_175 : i32 to index
        %parallel_loop3A_335 = arith.index_cast %parallel_loop3A_271 : i32 to index
        %parallel_loop3A_336 = arith.constant 16 : index
        %parallel_loop3A_337 = tpu.vector_load %arg11[%parallel_loop3A_334, %parallel_loop3A_335, %parallel_loop3A_336] {strides = array<i32>} : memref<2x80x256xi32, #tpu.memory_space<vmem>>, vector<1x1x16xi32>,
        %parallel_loop3A_338 = vector.shape_cast %parallel_loop3A_337 : vector<1x1x16xi32> to vector<16xi32>
        %parallel_loop3A_339 = arith.index_cast %select_n3A_175 : i32 to index
        %parallel_loop3A_340 = arith.index_cast %parallel_loop3A_271 : i32 to index
        %parallel_loop3A_341 = arith.constant 16 : index
        %parallel_loop3A_342 = tpu.vector_load %arg12[%parallel_loop3A_339, %parallel_loop3A_340, %parallel_loop3A_341] {strides = array<i32>} : memref<2x80x256xi32, #tpu.memory_space<vmem>>, vector<1x1x16xi32>,
        %parallel_loop3A_343 = vector.shape_cast %parallel_loop3A_342 : vector<1x1x16xi32> to vector<16xi32>
        %parallel_loop3A_344 = arith.index_cast %select_n3A_175 : i32 to index
        %parallel_loop3A_345 = arith.index_cast %parallel_loop3A_271 : i32 to index
        %parallel_loop3A_346 = arith.constant 16 : index
        %parallel_loop3A_347 = tpu.vector_load %arg13[%parallel_loop3A_344, %parallel_loop3A_345, %parallel_loop3A_346] {strides = array<i32>} : memref<2x80x256xi32, #tpu.memory_space<vmem>>, vector<1x1x16xi32>,
        %parallel_loop3A_348 = vector.shape_cast %parallel_loop3A_347 : vector<1x1x16xi32> to vector<16xi32>
        %parallel_loop3A_349 = arith.constant -65536 : i32
        %parallel_loop3A_350 = vector.broadcast %parallel_loop3A_349 : i32 to vector<16xi32>
        %parallel_loop3A_351 = arith.andi %parallel_loop3A_338, %parallel_loop3A_350 : vector<16xi32>
        %parallel_loop3A_352 = arith.sitofp %parallel_loop3A_351 : vector<16xi32> to vector<16xf32>
        %parallel_loop3A_353 = arith.constant 16 : i32
        %parallel_loop3A_354 = vector.broadcast %parallel_loop3A_353 : i32 to vector<16xi32>
        %parallel_loop3A_355 = arith.shli %parallel_loop3A_338, %parallel_loop3A_354 : vector<16xi32>
        %parallel_loop3A_356 = arith.sitofp %parallel_loop3A_355 : vector<16xi32> to vector<16xf32>
        %parallel_loop3A_357 = arith.constant -65536 : i32
        %parallel_loop3A_358 = vector.broadcast %parallel_loop3A_357 : i32 to vector<16xi32>
        %parallel_loop3A_359 = arith.andi %parallel_loop3A_343, %parallel_loop3A_358 : vector<16xi32>
        %parallel_loop3A_360 = arith.sitofp %parallel_loop3A_359 : vector<16xi32> to vector<16xf32>
        %parallel_loop3A_361 = arith.constant 16 : i32
        %parallel_loop3A_362 = vector.broadcast %parallel_loop3A_361 : i32 to vector<16xi32>
        %parallel_loop3A_363 = arith.shli %parallel_loop3A_343, %parallel_loop3A_362 : vector<16xi32>
        %parallel_loop3A_364 = arith.sitofp %parallel_loop3A_363 : vector<16xi32> to vector<16xf32>
        %parallel_loop3A_365 = arith.constant -65536 : i32
        %parallel_loop3A_366 = vector.broadcast %parallel_loop3A_365 : i32 to vector<16xi32>
        %parallel_loop3A_367 = arith.andi %parallel_loop3A_348, %parallel_loop3A_366 : vector<16xi32>
        %parallel_loop3A_368 = arith.sitofp %parallel_loop3A_367 : vector<16xi32> to vector<16xf32>
        %parallel_loop3A_369 = arith.constant 16 : i32
        %parallel_loop3A_370 = vector.broadcast %parallel_loop3A_369 : i32 to vector<16xi32>
        %parallel_loop3A_371 = arith.shli %parallel_loop3A_348, %parallel_loop3A_370 : vector<16xi32>
        %parallel_loop3A_372 = arith.sitofp %parallel_loop3A_371 : vector<16xi32> to vector<16xf32>
        %parallel_loop3A_373 = arith.mulf %parallel_loop3A_352, %parallel_loop3A_360 : vector<16xf32>
        %parallel_loop3A_374 = arith.mulf %parallel_loop3A_373, %parallel_loop3A_368 : vector<16xf32>
        %parallel_loop3A_375 = arith.addf %parallel_loop3A_276, %parallel_loop3A_374 : vector<16xf32>
        %parallel_loop3A_376 = arith.mulf %parallel_loop3A_356, %parallel_loop3A_364 : vector<16xf32>
        %parallel_loop3A_377 = arith.mulf %parallel_loop3A_376, %parallel_loop3A_372 : vector<16xf32>
        %parallel_loop3A_378 = arith.addf %parallel_loop3A_284, %parallel_loop3A_377 : vector<16xf32>
        %parallel_loop3A_379 = arith.index_cast %select_n3A_175 : i32 to index
        %parallel_loop3A_380 = arith.index_cast %parallel_loop3A_271 : i32 to index
        %parallel_loop3A_381 = arith.constant 32 : index
        %parallel_loop3A_382 = tpu.vector_load %arg11[%parallel_loop3A_379, %parallel_loop3A_380, %parallel_loop3A_381] {strides = array<i32>} : memref<2x80x256xi32, #tpu.memory_space<vmem>>, vector<1x1x16xi32>,
        %parallel_loop3A_383 = vector.shape_cast %parallel_loop3A_382 : vector<1x1x16xi32> to vector<16xi32>
        %parallel_loop3A_384 = arith.index_cast %select_n3A_175 : i32 to index
        %parallel_loop3A_385 = arith.index_cast %parallel_loop3A_271 : i32 to index
        %parallel_loop3A_386 = arith.constant 32 : index
        %parallel_loop3A_387 = tpu.vector_load %arg12[%parallel_loop3A_384, %parallel_loop3A_385, %parallel_loop3A_386] {strides = array<i32>} : memref<2x80x256xi32, #tpu.memory_space<vmem>>, vector<1x1x16xi32>,
        %parallel_loop3A_388 = vector.shape_cast %parallel_loop3A_387 : vector<1x1x16xi32> to vector<16xi32>
        %parallel_loop3A_389 = arith.index_cast %select_n3A_175 : i32 to index
        %parallel_loop3A_390 = arith.index_cast %parallel_loop3A_271 : i32 to index
        %parallel_loop3A_391 = arith.constant 32 : index
        %parallel_loop3A_392 = tpu.vector_load %arg13[%parallel_loop3A_389, %parallel_loop3A_390, %parallel_loop3A_391] {strides = array<i32>} : memref<2x80x256xi32, #tpu.memory_space<vmem>>, vector<1x1x16xi32>,
        %parallel_loop3A_393 = vector.shape_cast %parallel_loop3A_392 : vector<1x1x16xi32> to vector<16xi32>
        %parallel_loop3A_394 = arith.constant -65536 : i32
        %parallel_loop3A_395 = vector.broadcast %parallel_loop3A_394 : i32 to vector<16xi32>
        %parallel_loop3A_396 = arith.andi %parallel_loop3A_383, %parallel_loop3A_395 : vector<16xi32>
        %parallel_loop3A_397 = arith.sitofp %parallel_loop3A_396 : vector<16xi32> to vector<16xf32>
        %parallel_loop3A_398 = arith.constant 16 : i32
        %parallel_loop3A_399 = vector.broadcast %parallel_loop3A_398 : i32 to vector<16xi32>
        %parallel_loop3A_400 = arith.shli %parallel_loop3A_383, %parallel_loop3A_399 : vector<16xi32>
        %parallel_loop3A_401 = arith.sitofp %parallel_loop3A_400 : vector<16xi32> to vector<16xf32>
        %parallel_loop3A_402 = arith.constant -65536 : i32
        %parallel_loop3A_403 = vector.broadcast %parallel_loop3A_402 : i32 to vector<16xi32>
        %parallel_loop3A_404 = arith.andi %parallel_loop3A_388, %parallel_loop3A_403 : vector<16xi32>
        %parallel_loop3A_405 = arith.sitofp %parallel_loop3A_404 : vector<16xi32> to vector<16xf32>
        %parallel_loop3A_406 = arith.constant 16 : i32
        %parallel_loop3A_407 = vector.broadcast %parallel_loop3A_406 : i32 to vector<16xi32>
        %parallel_loop3A_408 = arith.shli %parallel_loop3A_388, %parallel_loop3A_407 : vector<16xi32>
        %parallel_loop3A_409 = arith.sitofp %parallel_loop3A_408 : vector<16xi32> to vector<16xf32>
        %parallel_loop3A_410 = arith.constant -65536 : i32
        %parallel_loop3A_411 = vector.broadcast %parallel_loop3A_410 : i32 to vector<16xi32>
        %parallel_loop3A_412 = arith.andi %parallel_loop3A_393, %parallel_loop3A_411 : vector<16xi32>
        %parallel_loop3A_413 = arith.sitofp %parallel_loop3A_412 : vector<16xi32> to vector<16xf32>
        %parallel_loop3A_414 = arith.constant 16 : i32
        %parallel_loop3A_415 = vector.broadcast %parallel_loop3A_414 : i32 to vector<16xi32>
        %parallel_loop3A_416 = arith.shli %parallel_loop3A_393, %parallel_loop3A_415 : vector<16xi32>
        %parallel_loop3A_417 = arith.sitofp %parallel_loop3A_416 : vector<16xi32> to vector<16xf32>
        %parallel_loop3A_418 = arith.mulf %parallel_loop3A_397, %parallel_loop3A_405 : vector<16xf32>
        %parallel_loop3A_419 = arith.mulf %parallel_loop3A_418, %parallel_loop3A_413 : vector<16xf32>
        %parallel_loop3A_420 = arith.addf %parallel_loop3A_278, %parallel_loop3A_419 : vector<16xf32>
        %parallel_loop3A_421 = arith.mulf %parallel_loop3A_401, %parallel_loop3A_409 : vector<16xf32>
        %parallel_loop3A_422 = arith.mulf %parallel_loop3A_421, %parallel_loop3A_417 : vector<16xf32>
        %parallel_loop3A_423 = arith.addf %parallel_loop3A_286, %parallel_loop3A_422 : vector<16xf32>
        %parallel_loop3A_424 = arith.index_cast %select_n3A_175 : i32 to index
        %parallel_loop3A_425 = arith.index_cast %parallel_loop3A_271 : i32 to index
        %parallel_loop3A_426 = arith.constant 48 : index
        %parallel_loop3A_427 = tpu.vector_load %arg11[%parallel_loop3A_424, %parallel_loop3A_425, %parallel_loop3A_426] {strides = array<i32>} : memref<2x80x256xi32, #tpu.memory_space<vmem>>, vector<1x1x16xi32>,
        %parallel_loop3A_428 = vector.shape_cast %parallel_loop3A_427 : vector<1x1x16xi32> to vector<16xi32>
        %parallel_loop3A_429 = arith.index_cast %select_n3A_175 : i32 to index
        %parallel_loop3A_430 = arith.index_cast %parallel_loop3A_271 : i32 to index
        %parallel_loop3A_431 = arith.constant 48 : index
        %parallel_loop3A_432 = tpu.vector_load %arg12[%parallel_loop3A_429, %parallel_loop3A_430, %parallel_loop3A_431] {strides = array<i32>} : memref<2x80x256xi32, #tpu.memory_space<vmem>>, vector<1x1x16xi32>,
        %parallel_loop3A_433 = vector.shape_cast %parallel_loop3A_432 : vector<1x1x16xi32> to vector<16xi32>
        %parallel_loop3A_434 = arith.index_cast %select_n3A_175 : i32 to index
        %parallel_loop3A_435 = arith.index_cast %parallel_loop3A_271 : i32 to index
        %parallel_loop3A_436 = arith.constant 48 : index
        %parallel_loop3A_437 = tpu.vector_load %arg13[%parallel_loop3A_434, %parallel_loop3A_435, %parallel_loop3A_436] {strides = array<i32>} : memref<2x80x256xi32, #tpu.memory_space<vmem>>, vector<1x1x16xi32>,
        %parallel_loop3A_438 = vector.shape_cast %parallel_loop3A_437 : vector<1x1x16xi32> to vector<16xi32>
        %parallel_loop3A_439 = arith.constant -65536 : i32
        %parallel_loop3A_440 = vector.broadcast %parallel_loop3A_439 : i32 to vector<16xi32>
        %parallel_loop3A_441 = arith.andi %parallel_loop3A_428, %parallel_loop3A_440 : vector<16xi32>
        %parallel_loop3A_442 = arith.sitofp %parallel_loop3A_441 : vector<16xi32> to vector<16xf32>
        %parallel_loop3A_443 = arith.constant 16 : i32
        %parallel_loop3A_444 = vector.broadcast %parallel_loop3A_443 : i32 to vector<16xi32>
        %parallel_loop3A_445 = arith.shli %parallel_loop3A_428, %parallel_loop3A_444 : vector<16xi32>
        %parallel_loop3A_446 = arith.sitofp %parallel_loop3A_445 : vector<16xi32> to vector<16xf32>
        %parallel_loop3A_447 = arith.constant -65536 : i32
        %parallel_loop3A_448 = vector.broadcast %parallel_loop3A_447 : i32 to vector<16xi32>
        %parallel_loop3A_449 = arith.andi %parallel_loop3A_433, %parallel_loop3A_448 : vector<16xi32>
        %parallel_loop3A_450 = arith.sitofp %parallel_loop3A_449 : vector<16xi32> to vector<16xf32>
        %parallel_loop3A_451 = arith.constant 16 : i32
        %parallel_loop3A_452 = vector.broadcast %parallel_loop3A_451 : i32 to vector<16xi32>
        %parallel_loop3A_453 = arith.shli %parallel_loop3A_433, %parallel_loop3A_452 : vector<16xi32>
        %parallel_loop3A_454 = arith.sitofp %parallel_loop3A_453 : vector<16xi32> to vector<16xf32>
        %parallel_loop3A_455 = arith.constant -65536 : i32
        %parallel_loop3A_456 = vector.broadcast %parallel_loop3A_455 : i32 to vector<16xi32>
        %parallel_loop3A_457 = arith.andi %parallel_loop3A_438, %parallel_loop3A_456 : vector<16xi32>
        %parallel_loop3A_458 = arith.sitofp %parallel_loop3A_457 : vector<16xi32> to vector<16xf32>
        %parallel_loop3A_459 = arith.constant 16 : i32
        %parallel_loop3A_460 = vector.broadcast %parallel_loop3A_459 : i32 to vector<16xi32>
        %parallel_loop3A_461 = arith.shli %parallel_loop3A_438, %parallel_loop3A_460 : vector<16xi32>
        %parallel_loop3A_462 = arith.sitofp %parallel_loop3A_461 : vector<16xi32> to vector<16xf32>
        %parallel_loop3A_463 = arith.mulf %parallel_loop3A_442, %parallel_loop3A_450 : vector<16xf32>
        %parallel_loop3A_464 = arith.mulf %parallel_loop3A_463, %parallel_loop3A_458 : vector<16xf32>
        %parallel_loop3A_465 = arith.addf %parallel_loop3A_280, %parallel_loop3A_464 : vector<16xf32>
        %parallel_loop3A_466 = arith.mulf %parallel_loop3A_446, %parallel_loop3A_454 : vector<16xf32>
        %parallel_loop3A_467 = arith.mulf %parallel_loop3A_466, %parallel_loop3A_462 : vector<16xf32>
        %parallel_loop3A_468 = arith.addf %parallel_loop3A_288, %parallel_loop3A_467 : vector<16xf32>
        %parallel_loop3A_469 = arith.index_cast %select_n3A_175 : i32 to index
        %parallel_loop3A_470 = arith.index_cast %parallel_loop3A_271 : i32 to index
        %parallel_loop3A_471 = arith.constant 64 : index
        %parallel_loop3A_472 = tpu.vector_load %arg11[%parallel_loop3A_469, %parallel_loop3A_470, %parallel_loop3A_471] {strides = array<i32>} : memref<2x80x256xi32, #tpu.memory_space<vmem>>, vector<1x1x16xi32>,
        %parallel_loop3A_473 = vector.shape_cast %parallel_loop3A_472 : vector<1x1x16xi32> to vector<16xi32>
        %parallel_loop3A_474 = arith.index_cast %select_n3A_175 : i32 to index
        %parallel_loop3A_475 = arith.index_cast %parallel_loop3A_271 : i32 to index
        %parallel_loop3A_476 = arith.constant 64 : index
        %parallel_loop3A_477 = tpu.vector_load %arg12[%parallel_loop3A_474, %parallel_loop3A_475, %parallel_loop3A_476] {strides = array<i32>} : memref<2x80x256xi32, #tpu.memory_space<vmem>>, vector<1x1x16xi32>,
        %parallel_loop3A_478 = vector.shape_cast %parallel_loop3A_477 : vector<1x1x16xi32> to vector<16xi32>
        %parallel_loop3A_479 = arith.index_cast %select_n3A_175 : i32 to index
        %parallel_loop3A_480 = arith.index_cast %parallel_loop3A_271 : i32 to index
        %parallel_loop3A_481 = arith.constant 64 : index
        %parallel_loop3A_482 = tpu.vector_load %arg13[%parallel_loop3A_479, %parallel_loop3A_480, %parallel_loop3A_481] {strides = array<i32>} : memref<2x80x256xi32, #tpu.memory_space<vmem>>, vector<1x1x16xi32>,
        %parallel_loop3A_483 = vector.shape_cast %parallel_loop3A_482 : vector<1x1x16xi32> to vector<16xi32>
        %parallel_loop3A_484 = arith.constant -65536 : i32
        %parallel_loop3A_485 = vector.broadcast %parallel_loop3A_484 : i32 to vector<16xi32>
        %parallel_loop3A_486 = arith.andi %parallel_loop3A_473, %parallel_loop3A_485 : vector<16xi32>
        %parallel_loop3A_487 = arith.sitofp %parallel_loop3A_486 : vector<16xi32> to vector<16xf32>
        %parallel_loop3A_488 = arith.constant 16 : i32
        %parallel_loop3A_489 = vector.broadcast %parallel_loop3A_488 : i32 to vector<16xi32>
        %parallel_loop3A_490 = arith.shli %parallel_loop3A_473, %parallel_loop3A_489 : vector<16xi32>
        %parallel_loop3A_491 = arith.sitofp %parallel_loop3A_490 : vector<16xi32> to vector<16xf32>
        %parallel_loop3A_492 = arith.constant -65536 : i32
        %parallel_loop3A_493 = vector.broadcast %parallel_loop3A_492 : i32 to vector<16xi32>
        %parallel_loop3A_494 = arith.andi %parallel_loop3A_478, %parallel_loop3A_493 : vector<16xi32>
        %parallel_loop3A_495 = arith.sitofp %parallel_loop3A_494 : vector<16xi32> to vector<16xf32>
        %parallel_loop3A_496 = arith.constant 16 : i32
        %parallel_loop3A_497 = vector.broadcast %parallel_loop3A_496 : i32 to vector<16xi32>
        %parallel_loop3A_498 = arith.shli %parallel_loop3A_478, %parallel_loop3A_497 : vector<16xi32>
        %parallel_loop3A_499 = arith.sitofp %parallel_loop3A_498 : vector<16xi32> to vector<16xf32>
        %parallel_loop3A_500 = arith.constant -65536 : i32
        %parallel_loop3A_501 = vector.broadcast %parallel_loop3A_500 : i32 to vector<16xi32>
        %parallel_loop3A_502 = arith.andi %parallel_loop3A_483, %parallel_loop3A_501 : vector<16xi32>
        %parallel_loop3A_503 = arith.sitofp %parallel_loop3A_502 : vector<16xi32> to vector<16xf32>
        %parallel_loop3A_504 = arith.constant 16 : i32
        %parallel_loop3A_505 = vector.broadcast %parallel_loop3A_504 : i32 to vector<16xi32>
        %parallel_loop3A_506 = arith.shli %parallel_loop3A_483, %parallel_loop3A_505 : vector<16xi32>
        %parallel_loop3A_507 = arith.sitofp %parallel_loop3A_506 : vector<16xi32> to vector<16xf32>
        %parallel_loop3A_508 = arith.mulf %parallel_loop3A_487, %parallel_loop3A_495 : vector<16xf32>
        %parallel_loop3A_509 = arith.mulf %parallel_loop3A_508, %parallel_loop3A_503 : vector<16xf32>
        %parallel_loop3A_510 = arith.addf %parallel_loop3A_330, %parallel_loop3A_509 : vector<16xf32>
        %parallel_loop3A_511 = arith.mulf %parallel_loop3A_491, %parallel_loop3A_499 : vector<16xf32>
        %parallel_loop3A_512 = arith.mulf %parallel_loop3A_511, %parallel_loop3A_507 : vector<16xf32>
        %parallel_loop3A_513 = arith.addf %parallel_loop3A_333, %parallel_loop3A_512 : vector<16xf32>
        %parallel_loop3A_514 = arith.index_cast %select_n3A_175 : i32 to index
        %parallel_loop3A_515 = arith.index_cast %parallel_loop3A_271 : i32 to index
        %parallel_loop3A_516 = arith.constant 80 : index
        %parallel_loop3A_517 = tpu.vector_load %arg11[%parallel_loop3A_514, %parallel_loop3A_515, %parallel_loop3A_516] {strides = array<i32>} : memref<2x80x256xi32, #tpu.memory_space<vmem>>, vector<1x1x16xi32>,
        %parallel_loop3A_518 = vector.shape_cast %parallel_loop3A_517 : vector<1x1x16xi32> to vector<16xi32>
        %parallel_loop3A_519 = arith.index_cast %select_n3A_175 : i32 to index
        %parallel_loop3A_520 = arith.index_cast %parallel_loop3A_271 : i32 to index
        %parallel_loop3A_521 = arith.constant 80 : index
        %parallel_loop3A_522 = tpu.vector_load %arg12[%parallel_loop3A_519, %parallel_loop3A_520, %parallel_loop3A_521] {strides = array<i32>} : memref<2x80x256xi32, #tpu.memory_space<vmem>>, vector<1x1x16xi32>,
        %parallel_loop3A_523 = vector.shape_cast %parallel_loop3A_522 : vector<1x1x16xi32> to vector<16xi32>
        %parallel_loop3A_524 = arith.index_cast %select_n3A_175 : i32 to index
        %parallel_loop3A_525 = arith.index_cast %parallel_loop3A_271 : i32 to index
        %parallel_loop3A_526 = arith.constant 80 : index
        %parallel_loop3A_527 = tpu.vector_load %arg13[%parallel_loop3A_524, %parallel_loop3A_525, %parallel_loop3A_526] {strides = array<i32>} : memref<2x80x256xi32, #tpu.memory_space<vmem>>, vector<1x1x16xi32>,
        %parallel_loop3A_528 = vector.shape_cast %parallel_loop3A_527 : vector<1x1x16xi32> to vector<16xi32>
        %parallel_loop3A_529 = arith.constant -65536 : i32
        %parallel_loop3A_530 = vector.broadcast %parallel_loop3A_529 : i32 to vector<16xi32>
        %parallel_loop3A_531 = arith.andi %parallel_loop3A_518, %parallel_loop3A_530 : vector<16xi32>
        %parallel_loop3A_532 = arith.sitofp %parallel_loop3A_531 : vector<16xi32> to vector<16xf32>
        %parallel_loop3A_533 = arith.constant 16 : i32
        %parallel_loop3A_534 = vector.broadcast %parallel_loop3A_533 : i32 to vector<16xi32>
        %parallel_loop3A_535 = arith.shli %parallel_loop3A_518, %parallel_loop3A_534 : vector<16xi32>
        %parallel_loop3A_536 = arith.sitofp %parallel_loop3A_535 : vector<16xi32> to vector<16xf32>
        %parallel_loop3A_537 = arith.constant -65536 : i32
        %parallel_loop3A_538 = vector.broadcast %parallel_loop3A_537 : i32 to vector<16xi32>
        %parallel_loop3A_539 = arith.andi %parallel_loop3A_523, %parallel_loop3A_538 : vector<16xi32>
        %parallel_loop3A_540 = arith.sitofp %parallel_loop3A_539 : vector<16xi32> to vector<16xf32>
        %parallel_loop3A_541 = arith.constant 16 : i32
        %parallel_loop3A_542 = vector.broadcast %parallel_loop3A_541 : i32 to vector<16xi32>
        %parallel_loop3A_543 = arith.shli %parallel_loop3A_523, %parallel_loop3A_542 : vector<16xi32>
        %parallel_loop3A_544 = arith.sitofp %parallel_loop3A_543 : vector<16xi32> to vector<16xf32>
        %parallel_loop3A_545 = arith.constant -65536 : i32
        %parallel_loop3A_546 = vector.broadcast %parallel_loop3A_545 : i32 to vector<16xi32>
        %parallel_loop3A_547 = arith.andi %parallel_loop3A_528, %parallel_loop3A_546 : vector<16xi32>
        %parallel_loop3A_548 = arith.sitofp %parallel_loop3A_547 : vector<16xi32> to vector<16xf32>
        %parallel_loop3A_549 = arith.constant 16 : i32
        %parallel_loop3A_550 = vector.broadcast %parallel_loop3A_549 : i32 to vector<16xi32>
        %parallel_loop3A_551 = arith.shli %parallel_loop3A_528, %parallel_loop3A_550 : vector<16xi32>
        %parallel_loop3A_552 = arith.sitofp %parallel_loop3A_551 : vector<16xi32> to vector<16xf32>
        %parallel_loop3A_553 = arith.mulf %parallel_loop3A_532, %parallel_loop3A_540 : vector<16xf32>
        %parallel_loop3A_554 = arith.mulf %parallel_loop3A_553, %parallel_loop3A_548 : vector<16xf32>
        %parallel_loop3A_555 = arith.addf %parallel_loop3A_375, %parallel_loop3A_554 : vector<16xf32>
        %parallel_loop3A_556 = arith.mulf %parallel_loop3A_536, %parallel_loop3A_544 : vector<16xf32>
        %parallel_loop3A_557 = arith.mulf %parallel_loop3A_556, %parallel_loop3A_552 : vector<16xf32>
        %parallel_loop3A_558 = arith.addf %parallel_loop3A_378, %parallel_loop3A_557 : vector<16xf32>
        %parallel_loop3A_559 = arith.index_cast %select_n3A_175 : i32 to index
        %parallel_loop3A_560 = arith.index_cast %parallel_loop3A_271 : i32 to index
        %parallel_loop3A_561 = arith.constant 96 : index
        %parallel_loop3A_562 = tpu.vector_load %arg11[%parallel_loop3A_559, %parallel_loop3A_560, %parallel_loop3A_561] {strides = array<i32>} : memref<2x80x256xi32, #tpu.memory_space<vmem>>, vector<1x1x16xi32>,
        %parallel_loop3A_563 = vector.shape_cast %parallel_loop3A_562 : vector<1x1x16xi32> to vector<16xi32>
        %parallel_loop3A_564 = arith.index_cast %select_n3A_175 : i32 to index
        %parallel_loop3A_565 = arith.index_cast %parallel_loop3A_271 : i32 to index
        %parallel_loop3A_566 = arith.constant 96 : index
        %parallel_loop3A_567 = tpu.vector_load %arg12[%parallel_loop3A_564, %parallel_loop3A_565, %parallel_loop3A_566] {strides = array<i32>} : memref<2x80x256xi32, #tpu.memory_space<vmem>>, vector<1x1x16xi32>,
        %parallel_loop3A_568 = vector.shape_cast %parallel_loop3A_567 : vector<1x1x16xi32> to vector<16xi32>
        %parallel_loop3A_569 = arith.index_cast %select_n3A_175 : i32 to index
        %parallel_loop3A_570 = arith.index_cast %parallel_loop3A_271 : i32 to index
        %parallel_loop3A_571 = arith.constant 96 : index
        %parallel_loop3A_572 = tpu.vector_load %arg13[%parallel_loop3A_569, %parallel_loop3A_570, %parallel_loop3A_571] {strides = array<i32>} : memref<2x80x256xi32, #tpu.memory_space<vmem>>, vector<1x1x16xi32>,
        %parallel_loop3A_573 = vector.shape_cast %parallel_loop3A_572 : vector<1x1x16xi32> to vector<16xi32>
        %parallel_loop3A_574 = arith.constant -65536 : i32
        %parallel_loop3A_575 = vector.broadcast %parallel_loop3A_574 : i32 to vector<16xi32>
        %parallel_loop3A_576 = arith.andi %parallel_loop3A_563, %parallel_loop3A_575 : vector<16xi32>
        %parallel_loop3A_577 = arith.sitofp %parallel_loop3A_576 : vector<16xi32> to vector<16xf32>
        %parallel_loop3A_578 = arith.constant 16 : i32
        %parallel_loop3A_579 = vector.broadcast %parallel_loop3A_578 : i32 to vector<16xi32>
        %parallel_loop3A_580 = arith.shli %parallel_loop3A_563, %parallel_loop3A_579 : vector<16xi32>
        %parallel_loop3A_581 = arith.sitofp %parallel_loop3A_580 : vector<16xi32> to vector<16xf32>
        %parallel_loop3A_582 = arith.constant -65536 : i32
        %parallel_loop3A_583 = vector.broadcast %parallel_loop3A_582 : i32 to vector<16xi32>
        %parallel_loop3A_584 = arith.andi %parallel_loop3A_568, %parallel_loop3A_583 : vector<16xi32>
        %parallel_loop3A_585 = arith.sitofp %parallel_loop3A_584 : vector<16xi32> to vector<16xf32>
        %parallel_loop3A_586 = arith.constant 16 : i32
        %parallel_loop3A_587 = vector.broadcast %parallel_loop3A_586 : i32 to vector<16xi32>
        %parallel_loop3A_588 = arith.shli %parallel_loop3A_568, %parallel_loop3A_587 : vector<16xi32>
        %parallel_loop3A_589 = arith.sitofp %parallel_loop3A_588 : vector<16xi32> to vector<16xf32>
        %parallel_loop3A_590 = arith.constant -65536 : i32
        %parallel_loop3A_591 = vector.broadcast %parallel_loop3A_590 : i32 to vector<16xi32>
        %parallel_loop3A_592 = arith.andi %parallel_loop3A_573, %parallel_loop3A_591 : vector<16xi32>
        %parallel_loop3A_593 = arith.sitofp %parallel_loop3A_592 : vector<16xi32> to vector<16xf32>
        %parallel_loop3A_594 = arith.constant 16 : i32
        %parallel_loop3A_595 = vector.broadcast %parallel_loop3A_594 : i32 to vector<16xi32>
        %parallel_loop3A_596 = arith.shli %parallel_loop3A_573, %parallel_loop3A_595 : vector<16xi32>
        %parallel_loop3A_597 = arith.sitofp %parallel_loop3A_596 : vector<16xi32> to vector<16xf32>
        %parallel_loop3A_598 = arith.mulf %parallel_loop3A_577, %parallel_loop3A_585 : vector<16xf32>
        %parallel_loop3A_599 = arith.mulf %parallel_loop3A_598, %parallel_loop3A_593 : vector<16xf32>
        %parallel_loop3A_600 = arith.addf %parallel_loop3A_420, %parallel_loop3A_599 : vector<16xf32>
        %parallel_loop3A_601 = arith.mulf %parallel_loop3A_581, %parallel_loop3A_589 : vector<16xf32>
        %parallel_loop3A_602 = arith.mulf %parallel_loop3A_601, %parallel_loop3A_597 : vector<16xf32>
        %parallel_loop3A_603 = arith.addf %parallel_loop3A_423, %parallel_loop3A_602 : vector<16xf32>
        %parallel_loop3A_604 = arith.index_cast %select_n3A_175 : i32 to index
        %parallel_loop3A_605 = arith.index_cast %parallel_loop3A_271 : i32 to index
        %parallel_loop3A_606 = arith.constant 112 : index
        %parallel_loop3A_607 = tpu.vector_load %arg11[%parallel_loop3A_604, %parallel_loop3A_605, %parallel_loop3A_606] {strides = array<i32>} : memref<2x80x256xi32, #tpu.memory_space<vmem>>, vector<1x1x16xi32>,
        %parallel_loop3A_608 = vector.shape_cast %parallel_loop3A_607 : vector<1x1x16xi32> to vector<16xi32>
        %parallel_loop3A_609 = arith.index_cast %select_n3A_175 : i32 to index
        %parallel_loop3A_610 = arith.index_cast %parallel_loop3A_271 : i32 to index
        %parallel_loop3A_611 = arith.constant 112 : index
        %parallel_loop3A_612 = tpu.vector_load %arg12[%parallel_loop3A_609, %parallel_loop3A_610, %parallel_loop3A_611] {strides = array<i32>} : memref<2x80x256xi32, #tpu.memory_space<vmem>>, vector<1x1x16xi32>,
        %parallel_loop3A_613 = vector.shape_cast %parallel_loop3A_612 : vector<1x1x16xi32> to vector<16xi32>
        %parallel_loop3A_614 = arith.index_cast %select_n3A_175 : i32 to index
        %parallel_loop3A_615 = arith.index_cast %parallel_loop3A_271 : i32 to index
        %parallel_loop3A_616 = arith.constant 112 : index
        %parallel_loop3A_617 = tpu.vector_load %arg13[%parallel_loop3A_614, %parallel_loop3A_615, %parallel_loop3A_616] {strides = array<i32>} : memref<2x80x256xi32, #tpu.memory_space<vmem>>, vector<1x1x16xi32>,
        %parallel_loop3A_618 = vector.shape_cast %parallel_loop3A_617 : vector<1x1x16xi32> to vector<16xi32>
        %parallel_loop3A_619 = arith.constant -65536 : i32
        %parallel_loop3A_620 = vector.broadcast %parallel_loop3A_619 : i32 to vector<16xi32>
        %parallel_loop3A_621 = arith.andi %parallel_loop3A_608, %parallel_loop3A_620 : vector<16xi32>
        %parallel_loop3A_622 = arith.sitofp %parallel_loop3A_621 : vector<16xi32> to vector<16xf32>
        %parallel_loop3A_623 = arith.constant 16 : i32
        %parallel_loop3A_624 = vector.broadcast %parallel_loop3A_623 : i32 to vector<16xi32>
        %parallel_loop3A_625 = arith.shli %parallel_loop3A_608, %parallel_loop3A_624 : vector<16xi32>
        %parallel_loop3A_626 = arith.sitofp %parallel_loop3A_625 : vector<16xi32> to vector<16xf32>
        %parallel_loop3A_627 = arith.constant -65536 : i32
        %parallel_loop3A_628 = vector.broadcast %parallel_loop3A_627 : i32 to vector<16xi32>
        %parallel_loop3A_629 = arith.andi %parallel_loop3A_613, %parallel_loop3A_628 : vector<16xi32>
        %parallel_loop3A_630 = arith.sitofp %parallel_loop3A_629 : vector<16xi32> to vector<16xf32>
        %parallel_loop3A_631 = arith.constant 16 : i32
        %parallel_loop3A_632 = vector.broadcast %parallel_loop3A_631 : i32 to vector<16xi32>
        %parallel_loop3A_633 = arith.shli %parallel_loop3A_613, %parallel_loop3A_632 : vector<16xi32>
        %parallel_loop3A_634 = arith.sitofp %parallel_loop3A_633 : vector<16xi32> to vector<16xf32>
        %parallel_loop3A_635 = arith.constant -65536 : i32
        %parallel_loop3A_636 = vector.broadcast %parallel_loop3A_635 : i32 to vector<16xi32>
        %parallel_loop3A_637 = arith.andi %parallel_loop3A_618, %parallel_loop3A_636 : vector<16xi32>
        %parallel_loop3A_638 = arith.sitofp %parallel_loop3A_637 : vector<16xi32> to vector<16xf32>
        %parallel_loop3A_639 = arith.constant 16 : i32
        %parallel_loop3A_640 = vector.broadcast %parallel_loop3A_639 : i32 to vector<16xi32>
        %parallel_loop3A_641 = arith.shli %parallel_loop3A_618, %parallel_loop3A_640 : vector<16xi32>
        %parallel_loop3A_642 = arith.sitofp %parallel_loop3A_641 : vector<16xi32> to vector<16xf32>
        %parallel_loop3A_643 = arith.mulf %parallel_loop3A_622, %parallel_loop3A_630 : vector<16xf32>
        %parallel_loop3A_644 = arith.mulf %parallel_loop3A_643, %parallel_loop3A_638 : vector<16xf32>
        %parallel_loop3A_645 = arith.addf %parallel_loop3A_465, %parallel_loop3A_644 : vector<16xf32>
        %parallel_loop3A_646 = arith.mulf %parallel_loop3A_626, %parallel_loop3A_634 : vector<16xf32>
        %parallel_loop3A_647 = arith.mulf %parallel_loop3A_646, %parallel_loop3A_642 : vector<16xf32>
        %parallel_loop3A_648 = arith.addf %parallel_loop3A_468, %parallel_loop3A_647 : vector<16xf32>
        %parallel_loop3A_649 = arith.index_cast %select_n3A_175 : i32 to index
        %parallel_loop3A_650 = arith.index_cast %parallel_loop3A_271 : i32 to index
        %parallel_loop3A_651 = arith.constant 128 : index
        %parallel_loop3A_652 = tpu.vector_load %arg11[%parallel_loop3A_649, %parallel_loop3A_650, %parallel_loop3A_651] {strides = array<i32>} : memref<2x80x256xi32, #tpu.memory_space<vmem>>, vector<1x1x16xi32>,
        %parallel_loop3A_653 = vector.shape_cast %parallel_loop3A_652 : vector<1x1x16xi32> to vector<16xi32>
        %parallel_loop3A_654 = arith.index_cast %select_n3A_175 : i32 to index
        %parallel_loop3A_655 = arith.index_cast %parallel_loop3A_271 : i32 to index
        %parallel_loop3A_656 = arith.constant 128 : index
        %parallel_loop3A_657 = tpu.vector_load %arg12[%parallel_loop3A_654, %parallel_loop3A_655, %parallel_loop3A_656] {strides = array<i32>} : memref<2x80x256xi32, #tpu.memory_space<vmem>>, vector<1x1x16xi32>,
        %parallel_loop3A_658 = vector.shape_cast %parallel_loop3A_657 : vector<1x1x16xi32> to vector<16xi32>
        %parallel_loop3A_659 = arith.index_cast %select_n3A_175 : i32 to index
        %parallel_loop3A_660 = arith.index_cast %parallel_loop3A_271 : i32 to index
        %parallel_loop3A_661 = arith.constant 128 : index
        %parallel_loop3A_662 = tpu.vector_load %arg13[%parallel_loop3A_659, %parallel_loop3A_660, %parallel_loop3A_661] {strides = array<i32>} : memref<2x80x256xi32, #tpu.memory_space<vmem>>, vector<1x1x16xi32>,
        %parallel_loop3A_663 = vector.shape_cast %parallel_loop3A_662 : vector<1x1x16xi32> to vector<16xi32>
        %parallel_loop3A_664 = arith.constant -65536 : i32
        %parallel_loop3A_665 = vector.broadcast %parallel_loop3A_664 : i32 to vector<16xi32>
        %parallel_loop3A_666 = arith.andi %parallel_loop3A_653, %parallel_loop3A_665 : vector<16xi32>
        %parallel_loop3A_667 = arith.sitofp %parallel_loop3A_666 : vector<16xi32> to vector<16xf32>
        %parallel_loop3A_668 = arith.constant 16 : i32
        %parallel_loop3A_669 = vector.broadcast %parallel_loop3A_668 : i32 to vector<16xi32>
        %parallel_loop3A_670 = arith.shli %parallel_loop3A_653, %parallel_loop3A_669 : vector<16xi32>
        %parallel_loop3A_671 = arith.sitofp %parallel_loop3A_670 : vector<16xi32> to vector<16xf32>
        %parallel_loop3A_672 = arith.constant -65536 : i32
        %parallel_loop3A_673 = vector.broadcast %parallel_loop3A_672 : i32 to vector<16xi32>
        %parallel_loop3A_674 = arith.andi %parallel_loop3A_658, %parallel_loop3A_673 : vector<16xi32>
        %parallel_loop3A_675 = arith.sitofp %parallel_loop3A_674 : vector<16xi32> to vector<16xf32>
        %parallel_loop3A_676 = arith.constant 16 : i32
        %parallel_loop3A_677 = vector.broadcast %parallel_loop3A_676 : i32 to vector<16xi32>
        %parallel_loop3A_678 = arith.shli %parallel_loop3A_658, %parallel_loop3A_677 : vector<16xi32>
        %parallel_loop3A_679 = arith.sitofp %parallel_loop3A_678 : vector<16xi32> to vector<16xf32>
        %parallel_loop3A_680 = arith.constant -65536 : i32
        %parallel_loop3A_681 = vector.broadcast %parallel_loop3A_680 : i32 to vector<16xi32>
        %parallel_loop3A_682 = arith.andi %parallel_loop3A_663, %parallel_loop3A_681 : vector<16xi32>
        %parallel_loop3A_683 = arith.sitofp %parallel_loop3A_682 : vector<16xi32> to vector<16xf32>
        %parallel_loop3A_684 = arith.constant 16 : i32
        %parallel_loop3A_685 = vector.broadcast %parallel_loop3A_684 : i32 to vector<16xi32>
        %parallel_loop3A_686 = arith.shli %parallel_loop3A_663, %parallel_loop3A_685 : vector<16xi32>
        %parallel_loop3A_687 = arith.sitofp %parallel_loop3A_686 : vector<16xi32> to vector<16xf32>
        %parallel_loop3A_688 = arith.mulf %parallel_loop3A_667, %parallel_loop3A_675 : vector<16xf32>
        %parallel_loop3A_689 = arith.mulf %parallel_loop3A_688, %parallel_loop3A_683 : vector<16xf32>
        %parallel_loop3A_690 = arith.addf %parallel_loop3A_510, %parallel_loop3A_689 : vector<16xf32>
        %parallel_loop3A_691 = arith.mulf %parallel_loop3A_671, %parallel_loop3A_679 : vector<16xf32>
        %parallel_loop3A_692 = arith.mulf %parallel_loop3A_691, %parallel_loop3A_687 : vector<16xf32>
        %parallel_loop3A_693 = arith.addf %parallel_loop3A_513, %parallel_loop3A_692 : vector<16xf32>
        %parallel_loop3A_694 = arith.index_cast %select_n3A_175 : i32 to index
        %parallel_loop3A_695 = arith.index_cast %parallel_loop3A_271 : i32 to index
        %parallel_loop3A_696 = arith.constant 144 : index
        %parallel_loop3A_697 = tpu.vector_load %arg11[%parallel_loop3A_694, %parallel_loop3A_695, %parallel_loop3A_696] {strides = array<i32>} : memref<2x80x256xi32, #tpu.memory_space<vmem>>, vector<1x1x16xi32>,
        %parallel_loop3A_698 = vector.shape_cast %parallel_loop3A_697 : vector<1x1x16xi32> to vector<16xi32>
        %parallel_loop3A_699 = arith.index_cast %select_n3A_175 : i32 to index
        %parallel_loop3A_700 = arith.index_cast %parallel_loop3A_271 : i32 to index
        %parallel_loop3A_701 = arith.constant 144 : index
        %parallel_loop3A_702 = tpu.vector_load %arg12[%parallel_loop3A_699, %parallel_loop3A_700, %parallel_loop3A_701] {strides = array<i32>} : memref<2x80x256xi32, #tpu.memory_space<vmem>>, vector<1x1x16xi32>,
        %parallel_loop3A_703 = vector.shape_cast %parallel_loop3A_702 : vector<1x1x16xi32> to vector<16xi32>
        %parallel_loop3A_704 = arith.index_cast %select_n3A_175 : i32 to index
        %parallel_loop3A_705 = arith.index_cast %parallel_loop3A_271 : i32 to index
        %parallel_loop3A_706 = arith.constant 144 : index
        %parallel_loop3A_707 = tpu.vector_load %arg13[%parallel_loop3A_704, %parallel_loop3A_705, %parallel_loop3A_706] {strides = array<i32>} : memref<2x80x256xi32, #tpu.memory_space<vmem>>, vector<1x1x16xi32>,
        %parallel_loop3A_708 = vector.shape_cast %parallel_loop3A_707 : vector<1x1x16xi32> to vector<16xi32>
        %parallel_loop3A_709 = arith.constant -65536 : i32
        %parallel_loop3A_710 = vector.broadcast %parallel_loop3A_709 : i32 to vector<16xi32>
        %parallel_loop3A_711 = arith.andi %parallel_loop3A_698, %parallel_loop3A_710 : vector<16xi32>
        %parallel_loop3A_712 = arith.sitofp %parallel_loop3A_711 : vector<16xi32> to vector<16xf32>
        %parallel_loop3A_713 = arith.constant 16 : i32
        %parallel_loop3A_714 = vector.broadcast %parallel_loop3A_713 : i32 to vector<16xi32>
        %parallel_loop3A_715 = arith.shli %parallel_loop3A_698, %parallel_loop3A_714 : vector<16xi32>
        %parallel_loop3A_716 = arith.sitofp %parallel_loop3A_715 : vector<16xi32> to vector<16xf32>
        %parallel_loop3A_717 = arith.constant -65536 : i32
        %parallel_loop3A_718 = vector.broadcast %parallel_loop3A_717 : i32 to vector<16xi32>
        %parallel_loop3A_719 = arith.andi %parallel_loop3A_703, %parallel_loop3A_718 : vector<16xi32>
        %parallel_loop3A_720 = arith.sitofp %parallel_loop3A_719 : vector<16xi32> to vector<16xf32>
        %parallel_loop3A_721 = arith.constant 16 : i32
        %parallel_loop3A_722 = vector.broadcast %parallel_loop3A_721 : i32 to vector<16xi32>
        %parallel_loop3A_723 = arith.shli %parallel_loop3A_703, %parallel_loop3A_722 : vector<16xi32>
        %parallel_loop3A_724 = arith.sitofp %parallel_loop3A_723 : vector<16xi32> to vector<16xf32>
        %parallel_loop3A_725 = arith.constant -65536 : i32
        %parallel_loop3A_726 = vector.broadcast %parallel_loop3A_725 : i32 to vector<16xi32>
        %parallel_loop3A_727 = arith.andi %parallel_loop3A_708, %parallel_loop3A_726 : vector<16xi32>
        %parallel_loop3A_728 = arith.sitofp %parallel_loop3A_727 : vector<16xi32> to vector<16xf32>
        %parallel_loop3A_729 = arith.constant 16 : i32
        %parallel_loop3A_730 = vector.broadcast %parallel_loop3A_729 : i32 to vector<16xi32>
        %parallel_loop3A_731 = arith.shli %parallel_loop3A_708, %parallel_loop3A_730 : vector<16xi32>
        %parallel_loop3A_732 = arith.sitofp %parallel_loop3A_731 : vector<16xi32> to vector<16xf32>
        %parallel_loop3A_733 = arith.mulf %parallel_loop3A_712, %parallel_loop3A_720 : vector<16xf32>
        %parallel_loop3A_734 = arith.mulf %parallel_loop3A_733, %parallel_loop3A_728 : vector<16xf32>
        %parallel_loop3A_735 = arith.addf %parallel_loop3A_555, %parallel_loop3A_734 : vector<16xf32>
        %parallel_loop3A_736 = arith.mulf %parallel_loop3A_716, %parallel_loop3A_724 : vector<16xf32>
        %parallel_loop3A_737 = arith.mulf %parallel_loop3A_736, %parallel_loop3A_732 : vector<16xf32>
        %parallel_loop3A_738 = arith.addf %parallel_loop3A_558, %parallel_loop3A_737 : vector<16xf32>
        %parallel_loop3A_739 = arith.index_cast %select_n3A_175 : i32 to index
        %parallel_loop3A_740 = arith.index_cast %parallel_loop3A_271 : i32 to index
        %parallel_loop3A_741 = arith.constant 160 : index
        %parallel_loop3A_742 = tpu.vector_load %arg11[%parallel_loop3A_739, %parallel_loop3A_740, %parallel_loop3A_741] {strides = array<i32>} : memref<2x80x256xi32, #tpu.memory_space<vmem>>, vector<1x1x16xi32>,
        %parallel_loop3A_743 = vector.shape_cast %parallel_loop3A_742 : vector<1x1x16xi32> to vector<16xi32>
        %parallel_loop3A_744 = arith.index_cast %select_n3A_175 : i32 to index
        %parallel_loop3A_745 = arith.index_cast %parallel_loop3A_271 : i32 to index
        %parallel_loop3A_746 = arith.constant 160 : index
        %parallel_loop3A_747 = tpu.vector_load %arg12[%parallel_loop3A_744, %parallel_loop3A_745, %parallel_loop3A_746] {strides = array<i32>} : memref<2x80x256xi32, #tpu.memory_space<vmem>>, vector<1x1x16xi32>,
        %parallel_loop3A_748 = vector.shape_cast %parallel_loop3A_747 : vector<1x1x16xi32> to vector<16xi32>
        %parallel_loop3A_749 = arith.index_cast %select_n3A_175 : i32 to index
        %parallel_loop3A_750 = arith.index_cast %parallel_loop3A_271 : i32 to index
        %parallel_loop3A_751 = arith.constant 160 : index
        %parallel_loop3A_752 = tpu.vector_load %arg13[%parallel_loop3A_749, %parallel_loop3A_750, %parallel_loop3A_751] {strides = array<i32>} : memref<2x80x256xi32, #tpu.memory_space<vmem>>, vector<1x1x16xi32>,
        %parallel_loop3A_753 = vector.shape_cast %parallel_loop3A_752 : vector<1x1x16xi32> to vector<16xi32>
        %parallel_loop3A_754 = arith.constant -65536 : i32
        %parallel_loop3A_755 = vector.broadcast %parallel_loop3A_754 : i32 to vector<16xi32>
        %parallel_loop3A_756 = arith.andi %parallel_loop3A_743, %parallel_loop3A_755 : vector<16xi32>
        %parallel_loop3A_757 = arith.sitofp %parallel_loop3A_756 : vector<16xi32> to vector<16xf32>
        %parallel_loop3A_758 = arith.constant 16 : i32
        %parallel_loop3A_759 = vector.broadcast %parallel_loop3A_758 : i32 to vector<16xi32>
        %parallel_loop3A_760 = arith.shli %parallel_loop3A_743, %parallel_loop3A_759 : vector<16xi32>
        %parallel_loop3A_761 = arith.sitofp %parallel_loop3A_760 : vector<16xi32> to vector<16xf32>
        %parallel_loop3A_762 = arith.constant -65536 : i32
        %parallel_loop3A_763 = vector.broadcast %parallel_loop3A_762 : i32 to vector<16xi32>
        %parallel_loop3A_764 = arith.andi %parallel_loop3A_748, %parallel_loop3A_763 : vector<16xi32>
        %parallel_loop3A_765 = arith.sitofp %parallel_loop3A_764 : vector<16xi32> to vector<16xf32>
        %parallel_loop3A_766 = arith.constant 16 : i32
        %parallel_loop3A_767 = vector.broadcast %parallel_loop3A_766 : i32 to vector<16xi32>
        %parallel_loop3A_768 = arith.shli %parallel_loop3A_748, %parallel_loop3A_767 : vector<16xi32>
        %parallel_loop3A_769 = arith.sitofp %parallel_loop3A_768 : vector<16xi32> to vector<16xf32>
        %parallel_loop3A_770 = arith.constant -65536 : i32
        %parallel_loop3A_771 = vector.broadcast %parallel_loop3A_770 : i32 to vector<16xi32>
        %parallel_loop3A_772 = arith.andi %parallel_loop3A_753, %parallel_loop3A_771 : vector<16xi32>
        %parallel_loop3A_773 = arith.sitofp %parallel_loop3A_772 : vector<16xi32> to vector<16xf32>
        %parallel_loop3A_774 = arith.constant 16 : i32
        %parallel_loop3A_775 = vector.broadcast %parallel_loop3A_774 : i32 to vector<16xi32>
        %parallel_loop3A_776 = arith.shli %parallel_loop3A_753, %parallel_loop3A_775 : vector<16xi32>
        %parallel_loop3A_777 = arith.sitofp %parallel_loop3A_776 : vector<16xi32> to vector<16xf32>
        %parallel_loop3A_778 = arith.mulf %parallel_loop3A_757, %parallel_loop3A_765 : vector<16xf32>
        %parallel_loop3A_779 = arith.mulf %parallel_loop3A_778, %parallel_loop3A_773 : vector<16xf32>
        %parallel_loop3A_780 = arith.addf %parallel_loop3A_600, %parallel_loop3A_779 : vector<16xf32>
        %parallel_loop3A_781 = arith.mulf %parallel_loop3A_761, %parallel_loop3A_769 : vector<16xf32>
        %parallel_loop3A_782 = arith.mulf %parallel_loop3A_781, %parallel_loop3A_777 : vector<16xf32>
        %parallel_loop3A_783 = arith.addf %parallel_loop3A_603, %parallel_loop3A_782 : vector<16xf32>
        %parallel_loop3A_784 = arith.index_cast %select_n3A_175 : i32 to index
        %parallel_loop3A_785 = arith.index_cast %parallel_loop3A_271 : i32 to index
        %parallel_loop3A_786 = arith.constant 176 : index
        %parallel_loop3A_787 = tpu.vector_load %arg11[%parallel_loop3A_784, %parallel_loop3A_785, %parallel_loop3A_786] {strides = array<i32>} : memref<2x80x256xi32, #tpu.memory_space<vmem>>, vector<1x1x16xi32>,
        %parallel_loop3A_788 = vector.shape_cast %parallel_loop3A_787 : vector<1x1x16xi32> to vector<16xi32>
        %parallel_loop3A_789 = arith.index_cast %select_n3A_175 : i32 to index
        %parallel_loop3A_790 = arith.index_cast %parallel_loop3A_271 : i32 to index
        %parallel_loop3A_791 = arith.constant 176 : index
        %parallel_loop3A_792 = tpu.vector_load %arg12[%parallel_loop3A_789, %parallel_loop3A_790, %parallel_loop3A_791] {strides = array<i32>} : memref<2x80x256xi32, #tpu.memory_space<vmem>>, vector<1x1x16xi32>,
        %parallel_loop3A_793 = vector.shape_cast %parallel_loop3A_792 : vector<1x1x16xi32> to vector<16xi32>
        %parallel_loop3A_794 = arith.index_cast %select_n3A_175 : i32 to index
        %parallel_loop3A_795 = arith.index_cast %parallel_loop3A_271 : i32 to index
        %parallel_loop3A_796 = arith.constant 176 : index
        %parallel_loop3A_797 = tpu.vector_load %arg13[%parallel_loop3A_794, %parallel_loop3A_795, %parallel_loop3A_796] {strides = array<i32>} : memref<2x80x256xi32, #tpu.memory_space<vmem>>, vector<1x1x16xi32>,
        %parallel_loop3A_798 = vector.shape_cast %parallel_loop3A_797 : vector<1x1x16xi32> to vector<16xi32>
        %parallel_loop3A_799 = arith.constant -65536 : i32
        %parallel_loop3A_800 = vector.broadcast %parallel_loop3A_799 : i32 to vector<16xi32>
        %parallel_loop3A_801 = arith.andi %parallel_loop3A_788, %parallel_loop3A_800 : vector<16xi32>
        %parallel_loop3A_802 = arith.sitofp %parallel_loop3A_801 : vector<16xi32> to vector<16xf32>
        %parallel_loop3A_803 = arith.constant 16 : i32
        %parallel_loop3A_804 = vector.broadcast %parallel_loop3A_803 : i32 to vector<16xi32>
        %parallel_loop3A_805 = arith.shli %parallel_loop3A_788, %parallel_loop3A_804 : vector<16xi32>
        %parallel_loop3A_806 = arith.sitofp %parallel_loop3A_805 : vector<16xi32> to vector<16xf32>
        %parallel_loop3A_807 = arith.constant -65536 : i32
        %parallel_loop3A_808 = vector.broadcast %parallel_loop3A_807 : i32 to vector<16xi32>
        %parallel_loop3A_809 = arith.andi %parallel_loop3A_793, %parallel_loop3A_808 : vector<16xi32>
        %parallel_loop3A_810 = arith.sitofp %parallel_loop3A_809 : vector<16xi32> to vector<16xf32>
        %parallel_loop3A_811 = arith.constant 16 : i32
        %parallel_loop3A_812 = vector.broadcast %parallel_loop3A_811 : i32 to vector<16xi32>
        %parallel_loop3A_813 = arith.shli %parallel_loop3A_793, %parallel_loop3A_812 : vector<16xi32>
        %parallel_loop3A_814 = arith.sitofp %parallel_loop3A_813 : vector<16xi32> to vector<16xf32>
        %parallel_loop3A_815 = arith.constant -65536 : i32
        %parallel_loop3A_816 = vector.broadcast %parallel_loop3A_815 : i32 to vector<16xi32>
        %parallel_loop3A_817 = arith.andi %parallel_loop3A_798, %parallel_loop3A_816 : vector<16xi32>
        %parallel_loop3A_818 = arith.sitofp %parallel_loop3A_817 : vector<16xi32> to vector<16xf32>
        %parallel_loop3A_819 = arith.constant 16 : i32
        %parallel_loop3A_820 = vector.broadcast %parallel_loop3A_819 : i32 to vector<16xi32>
        %parallel_loop3A_821 = arith.shli %parallel_loop3A_798, %parallel_loop3A_820 : vector<16xi32>
        %parallel_loop3A_822 = arith.sitofp %parallel_loop3A_821 : vector<16xi32> to vector<16xf32>
        %parallel_loop3A_823 = arith.mulf %parallel_loop3A_802, %parallel_loop3A_810 : vector<16xf32>
        %parallel_loop3A_824 = arith.mulf %parallel_loop3A_823, %parallel_loop3A_818 : vector<16xf32>
        %parallel_loop3A_825 = arith.addf %parallel_loop3A_645, %parallel_loop3A_824 : vector<16xf32>
        %parallel_loop3A_826 = arith.mulf %parallel_loop3A_806, %parallel_loop3A_814 : vector<16xf32>
        %parallel_loop3A_827 = arith.mulf %parallel_loop3A_826, %parallel_loop3A_822 : vector<16xf32>
        %parallel_loop3A_828 = arith.addf %parallel_loop3A_648, %parallel_loop3A_827 : vector<16xf32>
        %parallel_loop3A_829 = arith.index_cast %select_n3A_175 : i32 to index
        %parallel_loop3A_830 = arith.index_cast %parallel_loop3A_271 : i32 to index
        %parallel_loop3A_831 = arith.constant 192 : index
        %parallel_loop3A_832 = tpu.vector_load %arg11[%parallel_loop3A_829, %parallel_loop3A_830, %parallel_loop3A_831] {strides = array<i32>} : memref<2x80x256xi32, #tpu.memory_space<vmem>>, vector<1x1x16xi32>,
        %parallel_loop3A_833 = vector.shape_cast %parallel_loop3A_832 : vector<1x1x16xi32> to vector<16xi32>
        %parallel_loop3A_834 = arith.index_cast %select_n3A_175 : i32 to index
        %parallel_loop3A_835 = arith.index_cast %parallel_loop3A_271 : i32 to index
        %parallel_loop3A_836 = arith.constant 192 : index
        %parallel_loop3A_837 = tpu.vector_load %arg12[%parallel_loop3A_834, %parallel_loop3A_835, %parallel_loop3A_836] {strides = array<i32>} : memref<2x80x256xi32, #tpu.memory_space<vmem>>, vector<1x1x16xi32>,
        %parallel_loop3A_838 = vector.shape_cast %parallel_loop3A_837 : vector<1x1x16xi32> to vector<16xi32>
        %parallel_loop3A_839 = arith.index_cast %select_n3A_175 : i32 to index
        %parallel_loop3A_840 = arith.index_cast %parallel_loop3A_271 : i32 to index
        %parallel_loop3A_841 = arith.constant 192 : index
        %parallel_loop3A_842 = tpu.vector_load %arg13[%parallel_loop3A_839, %parallel_loop3A_840, %parallel_loop3A_841] {strides = array<i32>} : memref<2x80x256xi32, #tpu.memory_space<vmem>>, vector<1x1x16xi32>,
        %parallel_loop3A_843 = vector.shape_cast %parallel_loop3A_842 : vector<1x1x16xi32> to vector<16xi32>
        %parallel_loop3A_844 = arith.constant -65536 : i32
        %parallel_loop3A_845 = vector.broadcast %parallel_loop3A_844 : i32 to vector<16xi32>
        %parallel_loop3A_846 = arith.andi %parallel_loop3A_833, %parallel_loop3A_845 : vector<16xi32>
        %parallel_loop3A_847 = arith.sitofp %parallel_loop3A_846 : vector<16xi32> to vector<16xf32>
        %parallel_loop3A_848 = arith.constant 16 : i32
        %parallel_loop3A_849 = vector.broadcast %parallel_loop3A_848 : i32 to vector<16xi32>
        %parallel_loop3A_850 = arith.shli %parallel_loop3A_833, %parallel_loop3A_849 : vector<16xi32>
        %parallel_loop3A_851 = arith.sitofp %parallel_loop3A_850 : vector<16xi32> to vector<16xf32>
        %parallel_loop3A_852 = arith.constant -65536 : i32
        %parallel_loop3A_853 = vector.broadcast %parallel_loop3A_852 : i32 to vector<16xi32>
        %parallel_loop3A_854 = arith.andi %parallel_loop3A_838, %parallel_loop3A_853 : vector<16xi32>
        %parallel_loop3A_855 = arith.sitofp %parallel_loop3A_854 : vector<16xi32> to vector<16xf32>
        %parallel_loop3A_856 = arith.constant 16 : i32
        %parallel_loop3A_857 = vector.broadcast %parallel_loop3A_856 : i32 to vector<16xi32>
        %parallel_loop3A_858 = arith.shli %parallel_loop3A_838, %parallel_loop3A_857 : vector<16xi32>
        %parallel_loop3A_859 = arith.sitofp %parallel_loop3A_858 : vector<16xi32> to vector<16xf32>
        %parallel_loop3A_860 = arith.constant -65536 : i32
        %parallel_loop3A_861 = vector.broadcast %parallel_loop3A_860 : i32 to vector<16xi32>
        %parallel_loop3A_862 = arith.andi %parallel_loop3A_843, %parallel_loop3A_861 : vector<16xi32>
        %parallel_loop3A_863 = arith.sitofp %parallel_loop3A_862 : vector<16xi32> to vector<16xf32>
        %parallel_loop3A_864 = arith.constant 16 : i32
        %parallel_loop3A_865 = vector.broadcast %parallel_loop3A_864 : i32 to vector<16xi32>
        %parallel_loop3A_866 = arith.shli %parallel_loop3A_843, %parallel_loop3A_865 : vector<16xi32>
        %parallel_loop3A_867 = arith.sitofp %parallel_loop3A_866 : vector<16xi32> to vector<16xf32>
        %parallel_loop3A_868 = arith.mulf %parallel_loop3A_847, %parallel_loop3A_855 : vector<16xf32>
        %parallel_loop3A_869 = arith.mulf %parallel_loop3A_868, %parallel_loop3A_863 : vector<16xf32>
        %parallel_loop3A_870 = arith.addf %parallel_loop3A_690, %parallel_loop3A_869 : vector<16xf32>
        %parallel_loop3A_871 = arith.mulf %parallel_loop3A_851, %parallel_loop3A_859 : vector<16xf32>
        %parallel_loop3A_872 = arith.mulf %parallel_loop3A_871, %parallel_loop3A_867 : vector<16xf32>
        %parallel_loop3A_873 = arith.addf %parallel_loop3A_693, %parallel_loop3A_872 : vector<16xf32>
        %parallel_loop3A_874 = arith.index_cast %select_n3A_175 : i32 to index
        %parallel_loop3A_875 = arith.index_cast %parallel_loop3A_271 : i32 to index
        %parallel_loop3A_876 = arith.constant 208 : index
        %parallel_loop3A_877 = tpu.vector_load %arg11[%parallel_loop3A_874, %parallel_loop3A_875, %parallel_loop3A_876] {strides = array<i32>} : memref<2x80x256xi32, #tpu.memory_space<vmem>>, vector<1x1x16xi32>,
        %parallel_loop3A_878 = vector.shape_cast %parallel_loop3A_877 : vector<1x1x16xi32> to vector<16xi32>
        %parallel_loop3A_879 = arith.index_cast %select_n3A_175 : i32 to index
        %parallel_loop3A_880 = arith.index_cast %parallel_loop3A_271 : i32 to index
        %parallel_loop3A_881 = arith.constant 208 : index
        %parallel_loop3A_882 = tpu.vector_load %arg12[%parallel_loop3A_879, %parallel_loop3A_880, %parallel_loop3A_881] {strides = array<i32>} : memref<2x80x256xi32, #tpu.memory_space<vmem>>, vector<1x1x16xi32>,
        %parallel_loop3A_883 = vector.shape_cast %parallel_loop3A_882 : vector<1x1x16xi32> to vector<16xi32>
        %parallel_loop3A_884 = arith.index_cast %select_n3A_175 : i32 to index
        %parallel_loop3A_885 = arith.index_cast %parallel_loop3A_271 : i32 to index
        %parallel_loop3A_886 = arith.constant 208 : index
        %parallel_loop3A_887 = tpu.vector_load %arg13[%parallel_loop3A_884, %parallel_loop3A_885, %parallel_loop3A_886] {strides = array<i32>} : memref<2x80x256xi32, #tpu.memory_space<vmem>>, vector<1x1x16xi32>,
        %parallel_loop3A_888 = vector.shape_cast %parallel_loop3A_887 : vector<1x1x16xi32> to vector<16xi32>
        %parallel_loop3A_889 = arith.constant -65536 : i32
        %parallel_loop3A_890 = vector.broadcast %parallel_loop3A_889 : i32 to vector<16xi32>
        %parallel_loop3A_891 = arith.andi %parallel_loop3A_878, %parallel_loop3A_890 : vector<16xi32>
        %parallel_loop3A_892 = arith.sitofp %parallel_loop3A_891 : vector<16xi32> to vector<16xf32>
        %parallel_loop3A_893 = arith.constant 16 : i32
        %parallel_loop3A_894 = vector.broadcast %parallel_loop3A_893 : i32 to vector<16xi32>
        %parallel_loop3A_895 = arith.shli %parallel_loop3A_878, %parallel_loop3A_894 : vector<16xi32>
        %parallel_loop3A_896 = arith.sitofp %parallel_loop3A_895 : vector<16xi32> to vector<16xf32>
        %parallel_loop3A_897 = arith.constant -65536 : i32
        %parallel_loop3A_898 = vector.broadcast %parallel_loop3A_897 : i32 to vector<16xi32>
        %parallel_loop3A_899 = arith.andi %parallel_loop3A_883, %parallel_loop3A_898 : vector<16xi32>
        %parallel_loop3A_900 = arith.sitofp %parallel_loop3A_899 : vector<16xi32> to vector<16xf32>
        %parallel_loop3A_901 = arith.constant 16 : i32
        %parallel_loop3A_902 = vector.broadcast %parallel_loop3A_901 : i32 to vector<16xi32>
        %parallel_loop3A_903 = arith.shli %parallel_loop3A_883, %parallel_loop3A_902 : vector<16xi32>
        %parallel_loop3A_904 = arith.sitofp %parallel_loop3A_903 : vector<16xi32> to vector<16xf32>
        %parallel_loop3A_905 = arith.constant -65536 : i32
        %parallel_loop3A_906 = vector.broadcast %parallel_loop3A_905 : i32 to vector<16xi32>
        %parallel_loop3A_907 = arith.andi %parallel_loop3A_888, %parallel_loop3A_906 : vector<16xi32>
        %parallel_loop3A_908 = arith.sitofp %parallel_loop3A_907 : vector<16xi32> to vector<16xf32>
        %parallel_loop3A_909 = arith.constant 16 : i32
        %parallel_loop3A_910 = vector.broadcast %parallel_loop3A_909 : i32 to vector<16xi32>
        %parallel_loop3A_911 = arith.shli %parallel_loop3A_888, %parallel_loop3A_910 : vector<16xi32>
        %parallel_loop3A_912 = arith.sitofp %parallel_loop3A_911 : vector<16xi32> to vector<16xf32>
        %parallel_loop3A_913 = arith.mulf %parallel_loop3A_892, %parallel_loop3A_900 : vector<16xf32>
        %parallel_loop3A_914 = arith.mulf %parallel_loop3A_913, %parallel_loop3A_908 : vector<16xf32>
        %parallel_loop3A_915 = arith.addf %parallel_loop3A_735, %parallel_loop3A_914 : vector<16xf32>
        %parallel_loop3A_916 = arith.mulf %parallel_loop3A_896, %parallel_loop3A_904 : vector<16xf32>
        %parallel_loop3A_917 = arith.mulf %parallel_loop3A_916, %parallel_loop3A_912 : vector<16xf32>
        %parallel_loop3A_918 = arith.addf %parallel_loop3A_738, %parallel_loop3A_917 : vector<16xf32>
        %parallel_loop3A_919 = arith.index_cast %select_n3A_175 : i32 to index
        %parallel_loop3A_920 = arith.index_cast %parallel_loop3A_271 : i32 to index
        %parallel_loop3A_921 = arith.constant 224 : index
        %parallel_loop3A_922 = tpu.vector_load %arg11[%parallel_loop3A_919, %parallel_loop3A_920, %parallel_loop3A_921] {strides = array<i32>} : memref<2x80x256xi32, #tpu.memory_space<vmem>>, vector<1x1x16xi32>,
        %parallel_loop3A_923 = vector.shape_cast %parallel_loop3A_922 : vector<1x1x16xi32> to vector<16xi32>
        %parallel_loop3A_924 = arith.index_cast %select_n3A_175 : i32 to index
        %parallel_loop3A_925 = arith.index_cast %parallel_loop3A_271 : i32 to index
        %parallel_loop3A_926 = arith.constant 224 : index
        %parallel_loop3A_927 = tpu.vector_load %arg12[%parallel_loop3A_924, %parallel_loop3A_925, %parallel_loop3A_926] {strides = array<i32>} : memref<2x80x256xi32, #tpu.memory_space<vmem>>, vector<1x1x16xi32>,
        %parallel_loop3A_928 = vector.shape_cast %parallel_loop3A_927 : vector<1x1x16xi32> to vector<16xi32>
        %parallel_loop3A_929 = arith.index_cast %select_n3A_175 : i32 to index
        %parallel_loop3A_930 = arith.index_cast %parallel_loop3A_271 : i32 to index
        %parallel_loop3A_931 = arith.constant 224 : index
        %parallel_loop3A_932 = tpu.vector_load %arg13[%parallel_loop3A_929, %parallel_loop3A_930, %parallel_loop3A_931] {strides = array<i32>} : memref<2x80x256xi32, #tpu.memory_space<vmem>>, vector<1x1x16xi32>,
        %parallel_loop3A_933 = vector.shape_cast %parallel_loop3A_932 : vector<1x1x16xi32> to vector<16xi32>
        %parallel_loop3A_934 = arith.constant -65536 : i32
        %parallel_loop3A_935 = vector.broadcast %parallel_loop3A_934 : i32 to vector<16xi32>
        %parallel_loop3A_936 = arith.andi %parallel_loop3A_923, %parallel_loop3A_935 : vector<16xi32>
        %parallel_loop3A_937 = arith.sitofp %parallel_loop3A_936 : vector<16xi32> to vector<16xf32>
        %parallel_loop3A_938 = arith.constant 16 : i32
        %parallel_loop3A_939 = vector.broadcast %parallel_loop3A_938 : i32 to vector<16xi32>
        %parallel_loop3A_940 = arith.shli %parallel_loop3A_923, %parallel_loop3A_939 : vector<16xi32>
        %parallel_loop3A_941 = arith.sitofp %parallel_loop3A_940 : vector<16xi32> to vector<16xf32>
        %parallel_loop3A_942 = arith.constant -65536 : i32
        %parallel_loop3A_943 = vector.broadcast %parallel_loop3A_942 : i32 to vector<16xi32>
        %parallel_loop3A_944 = arith.andi %parallel_loop3A_928, %parallel_loop3A_943 : vector<16xi32>
        %parallel_loop3A_945 = arith.sitofp %parallel_loop3A_944 : vector<16xi32> to vector<16xf32>
        %parallel_loop3A_946 = arith.constant 16 : i32
        %parallel_loop3A_947 = vector.broadcast %parallel_loop3A_946 : i32 to vector<16xi32>
        %parallel_loop3A_948 = arith.shli %parallel_loop3A_928, %parallel_loop3A_947 : vector<16xi32>
        %parallel_loop3A_949 = arith.sitofp %parallel_loop3A_948 : vector<16xi32> to vector<16xf32>
        %parallel_loop3A_950 = arith.constant -65536 : i32
        %parallel_loop3A_951 = vector.broadcast %parallel_loop3A_950 : i32 to vector<16xi32>
        %parallel_loop3A_952 = arith.andi %parallel_loop3A_933, %parallel_loop3A_951 : vector<16xi32>
        %parallel_loop3A_953 = arith.sitofp %parallel_loop3A_952 : vector<16xi32> to vector<16xf32>
        %parallel_loop3A_954 = arith.constant 16 : i32
        %parallel_loop3A_955 = vector.broadcast %parallel_loop3A_954 : i32 to vector<16xi32>
        %parallel_loop3A_956 = arith.shli %parallel_loop3A_933, %parallel_loop3A_955 : vector<16xi32>
        %parallel_loop3A_957 = arith.sitofp %parallel_loop3A_956 : vector<16xi32> to vector<16xf32>
        %parallel_loop3A_958 = arith.mulf %parallel_loop3A_937, %parallel_loop3A_945 : vector<16xf32>
        %parallel_loop3A_959 = arith.mulf %parallel_loop3A_958, %parallel_loop3A_953 : vector<16xf32>
        %parallel_loop3A_960 = arith.addf %parallel_loop3A_780, %parallel_loop3A_959 : vector<16xf32>
        %parallel_loop3A_961 = arith.mulf %parallel_loop3A_941, %parallel_loop3A_949 : vector<16xf32>
        %parallel_loop3A_962 = arith.mulf %parallel_loop3A_961, %parallel_loop3A_957 : vector<16xf32>
        %parallel_loop3A_963 = arith.addf %parallel_loop3A_783, %parallel_loop3A_962 : vector<16xf32>
        %parallel_loop3A_964 = arith.index_cast %select_n3A_175 : i32 to index
        %parallel_loop3A_965 = arith.index_cast %parallel_loop3A_271 : i32 to index
        %parallel_loop3A_966 = arith.constant 240 : index
        %parallel_loop3A_967 = tpu.vector_load %arg11[%parallel_loop3A_964, %parallel_loop3A_965, %parallel_loop3A_966] {strides = array<i32>} : memref<2x80x256xi32, #tpu.memory_space<vmem>>, vector<1x1x16xi32>,
        %parallel_loop3A_968 = vector.shape_cast %parallel_loop3A_967 : vector<1x1x16xi32> to vector<16xi32>
        %parallel_loop3A_969 = arith.index_cast %select_n3A_175 : i32 to index
        %parallel_loop3A_970 = arith.index_cast %parallel_loop3A_271 : i32 to index
        %parallel_loop3A_971 = arith.constant 240 : index
        %parallel_loop3A_972 = tpu.vector_load %arg12[%parallel_loop3A_969, %parallel_loop3A_970, %parallel_loop3A_971] {strides = array<i32>} : memref<2x80x256xi32, #tpu.memory_space<vmem>>, vector<1x1x16xi32>,
        %parallel_loop3A_973 = vector.shape_cast %parallel_loop3A_972 : vector<1x1x16xi32> to vector<16xi32>
        %parallel_loop3A_974 = arith.index_cast %select_n3A_175 : i32 to index
        %parallel_loop3A_975 = arith.index_cast %parallel_loop3A_271 : i32 to index
        %parallel_loop3A_976 = arith.constant 240 : index
        %parallel_loop3A_977 = tpu.vector_load %arg13[%parallel_loop3A_974, %parallel_loop3A_975, %parallel_loop3A_976] {strides = array<i32>} : memref<2x80x256xi32, #tpu.memory_space<vmem>>, vector<1x1x16xi32>,
        %parallel_loop3A_978 = vector.shape_cast %parallel_loop3A_977 : vector<1x1x16xi32> to vector<16xi32>
        %parallel_loop3A_979 = arith.constant 15 : i32
        %parallel_loop3A_980 = vector.broadcast %parallel_loop3A_979 : i32 to vector<16xi32>
        %parallel_loop3A_981 = arith.cmpi eq, %iota3A, %parallel_loop3A_980 : vector<16xi32>
        %parallel_loop3A_982 = arith.constant 65535 : i32
        %parallel_loop3A_983 = vector.broadcast %parallel_loop3A_982 : i32 to vector<16xi32>
        %parallel_loop3A_984 = arith.andi %parallel_loop3A_968, %parallel_loop3A_983 : vector<16xi32>
        %parallel_loop3A_985 = arith.select %parallel_loop3A_981, %parallel_loop3A_984, %parallel_loop3A_968 : vector<16xi1>, vector<16xi32>
        %parallel_loop3A_986 = arith.constant -65536 : i32
        %parallel_loop3A_987 = vector.broadcast %parallel_loop3A_986 : i32 to vector<16xi32>
        %parallel_loop3A_988 = arith.andi %parallel_loop3A_985, %parallel_loop3A_987 : vector<16xi32>
        %parallel_loop3A_989 = arith.sitofp %parallel_loop3A_988 : vector<16xi32> to vector<16xf32>
        %parallel_loop3A_990 = arith.constant 16 : i32
        %parallel_loop3A_991 = vector.broadcast %parallel_loop3A_990 : i32 to vector<16xi32>
        %parallel_loop3A_992 = arith.shli %parallel_loop3A_985, %parallel_loop3A_991 : vector<16xi32>
        %parallel_loop3A_993 = arith.sitofp %parallel_loop3A_992 : vector<16xi32> to vector<16xf32>
        %parallel_loop3A_994 = arith.constant -65536 : i32
        %parallel_loop3A_995 = vector.broadcast %parallel_loop3A_994 : i32 to vector<16xi32>
        %parallel_loop3A_996 = arith.andi %parallel_loop3A_973, %parallel_loop3A_995 : vector<16xi32>
        %parallel_loop3A_997 = arith.sitofp %parallel_loop3A_996 : vector<16xi32> to vector<16xf32>
        %parallel_loop3A_998 = arith.constant 16 : i32
        %parallel_loop3A_999 = vector.broadcast %parallel_loop3A_998 : i32 to vector<16xi32>
        %parallel_loop3A_1000 = arith.shli %parallel_loop3A_973, %parallel_loop3A_999 : vector<16xi32>
        %parallel_loop3A_1001 = arith.sitofp %parallel_loop3A_1000 : vector<16xi32> to vector<16xf32>
        %parallel_loop3A_1002 = arith.constant -65536 : i32
        %parallel_loop3A_1003 = vector.broadcast %parallel_loop3A_1002 : i32 to vector<16xi32>
        %parallel_loop3A_1004 = arith.andi %parallel_loop3A_978, %parallel_loop3A_1003 : vector<16xi32>
        %parallel_loop3A_1005 = arith.sitofp %parallel_loop3A_1004 : vector<16xi32> to vector<16xf32>
        %parallel_loop3A_1006 = arith.constant 16 : i32
        %parallel_loop3A_1007 = vector.broadcast %parallel_loop3A_1006 : i32 to vector<16xi32>
        %parallel_loop3A_1008 = arith.shli %parallel_loop3A_978, %parallel_loop3A_1007 : vector<16xi32>
        %parallel_loop3A_1009 = arith.sitofp %parallel_loop3A_1008 : vector<16xi32> to vector<16xf32>
        %parallel_loop3A_1010 = arith.mulf %parallel_loop3A_989, %parallel_loop3A_997 : vector<16xf32>
        %parallel_loop3A_1011 = arith.mulf %parallel_loop3A_1010, %parallel_loop3A_1005 : vector<16xf32>
        %parallel_loop3A_1012 = arith.addf %parallel_loop3A_825, %parallel_loop3A_1011 : vector<16xf32>
        %parallel_loop3A_1013 = arith.mulf %parallel_loop3A_993, %parallel_loop3A_1001 : vector<16xf32>
        %parallel_loop3A_1014 = arith.mulf %parallel_loop3A_1013, %parallel_loop3A_1009 : vector<16xf32>
        %parallel_loop3A_1015 = arith.addf %parallel_loop3A_828, %parallel_loop3A_1014 : vector<16xf32>
        %parallel_loop3A_1016 = arith.addf %parallel_loop3A_870, %parallel_loop3A_915 : vector<16xf32>
        %parallel_loop3A_1017 = arith.addf %parallel_loop3A_960, %parallel_loop3A_1012 : vector<16xf32>
        %parallel_loop3A_1018 = arith.addf %parallel_loop3A_1016, %parallel_loop3A_1017 : vector<16xf32>
        %parallel_loop3A_1019 = arith.addf %parallel_loop3A_873, %parallel_loop3A_918 : vector<16xf32>
        %parallel_loop3A_1020 = arith.addf %parallel_loop3A_963, %parallel_loop3A_1015 : vector<16xf32>
        %parallel_loop3A_1021 = arith.addf %parallel_loop3A_1019, %parallel_loop3A_1020 : vector<16xf32>
        %parallel_loop3A_1022 = arith.addf %parallel_loop3A_1018, %parallel_loop3A_1021 : vector<16xf32>
        %parallel_loop3A_1023 = arith.constant 8 : i32
        %parallel_loop3A_1024 = vector.broadcast %parallel_loop3A_1023 : i32 to vector<16xi32>
        %parallel_loop3A_1025 = arith.addi %iota3A, %parallel_loop3A_1024 : vector<16xi32>
        %parallel_loop3A_1026 = arith.constant 16 : i32
        %parallel_loop3A_1027 = arith.constant 0 : i32
        %parallel_loop3A_1028 = arith.cmpi eq, %parallel_loop3A_1026, %parallel_loop3A_1027 : i32
        %parallel_loop3A_1029 = arith.constant 1 : i32
        %parallel_loop3A_1030 = arith.select %parallel_loop3A_1028, %parallel_loop3A_1029, %parallel_loop3A_1026 : i32
        %parallel_loop3A_1031 = vector.broadcast %parallel_loop3A_1030 : i32 to vector<16xi32>
        %parallel_loop3A_1032 = arith.remsi %parallel_loop3A_1025, %parallel_loop3A_1031 : vector<16xi32>
        %parallel_loop3A_1033 = arith.constant 0 : i32
        %parallel_loop3A_1034 = vector.broadcast %parallel_loop3A_1033 : i32 to vector<16xi32>
        %parallel_loop3A_1035 = arith.cmpi ne, %parallel_loop3A_1032, %parallel_loop3A_1034 : vector<16xi32>
        %parallel_loop3A_1036 = arith.constant 0 : i32
        %parallel_loop3A_1037 = vector.broadcast %parallel_loop3A_1036 : i32 to vector<16xi32>
        %parallel_loop3A_1038 = arith.cmpi slt, %parallel_loop3A_1032, %parallel_loop3A_1037 : vector<16xi32>
        %parallel_loop3A_1039 = arith.constant 0 : i32
        %parallel_loop3A_1040 = arith.cmpi slt, %parallel_loop3A_1030, %parallel_loop3A_1039 : i32
        %parallel_loop3A_1041 = vector.broadcast %parallel_loop3A_1040 : i1 to vector<16xi1>
        %parallel_loop3A_1042 = vector.broadcast %parallel_loop3A_1041 : vector<16xi1> to vector<16xi1>
        %parallel_loop3A_1043 = arith.xori %parallel_loop3A_1038, %parallel_loop3A_1042 : vector<16xi1>
        %parallel_loop3A_1044 = arith.andi %parallel_loop3A_1043, %parallel_loop3A_1035 : vector<16xi1>
        %parallel_loop3A_1045 = vector.broadcast %parallel_loop3A_1030 : i32 to vector<16xi32>
        %parallel_loop3A_1046 = arith.addi %parallel_loop3A_1032, %parallel_loop3A_1045 : vector<16xi32>
        %parallel_loop3A_1047 = arith.select %parallel_loop3A_1044, %parallel_loop3A_1046, %parallel_loop3A_1032 : vector<16xi1>, vector<16xi32>
        %parallel_loop3A_1048 = vector.shape_cast %parallel_loop3A_1047 : vector<16xi32> to vector<16x1xi32>
        %parallel_loop3A_1049 = vector.shape_cast %parallel_loop3A_1048 : vector<16x1xi32> to vector<16xi32>
        %parallel_loop3A_1050 = tpu.dynamic_gather %parallel_loop3A_1022[%parallel_loop3A_1049] in [0] : vector<16xf32>, vector<16xi32> -> vector<16xf32>
        %parallel_loop3A_1051 = arith.addf %parallel_loop3A_1022, %parallel_loop3A_1050 : vector<16xf32>
        %parallel_loop3A_1052 = arith.constant 4 : i32
        %parallel_loop3A_1053 = vector.broadcast %parallel_loop3A_1052 : i32 to vector<16xi32>
        %parallel_loop3A_1054 = arith.addi %iota3A, %parallel_loop3A_1053 : vector<16xi32>
        %parallel_loop3A_1055 = arith.constant 16 : i32
        %parallel_loop3A_1056 = arith.constant 0 : i32
        %parallel_loop3A_1057 = arith.cmpi eq, %parallel_loop3A_1055, %parallel_loop3A_1056 : i32
        %parallel_loop3A_1058 = arith.constant 1 : i32
        %parallel_loop3A_1059 = arith.select %parallel_loop3A_1057, %parallel_loop3A_1058, %parallel_loop3A_1055 : i32
        %parallel_loop3A_1060 = vector.broadcast %parallel_loop3A_1059 : i32 to vector<16xi32>
        %parallel_loop3A_1061 = arith.remsi %parallel_loop3A_1054, %parallel_loop3A_1060 : vector<16xi32>
        %parallel_loop3A_1062 = arith.constant 0 : i32
        %parallel_loop3A_1063 = vector.broadcast %parallel_loop3A_1062 : i32 to vector<16xi32>
        %parallel_loop3A_1064 = arith.cmpi ne, %parallel_loop3A_1061, %parallel_loop3A_1063 : vector<16xi32>
        %parallel_loop3A_1065 = arith.constant 0 : i32
        %parallel_loop3A_1066 = vector.broadcast %parallel_loop3A_1065 : i32 to vector<16xi32>
        %parallel_loop3A_1067 = arith.cmpi slt, %parallel_loop3A_1061, %parallel_loop3A_1066 : vector<16xi32>
        %parallel_loop3A_1068 = arith.constant 0 : i32
        %parallel_loop3A_1069 = arith.cmpi slt, %parallel_loop3A_1059, %parallel_loop3A_1068 : i32
        %parallel_loop3A_1070 = vector.broadcast %parallel_loop3A_1069 : i1 to vector<16xi1>
        %parallel_loop3A_1071 = vector.broadcast %parallel_loop3A_1070 : vector<16xi1> to vector<16xi1>
        %parallel_loop3A_1072 = arith.xori %parallel_loop3A_1067, %parallel_loop3A_1071 : vector<16xi1>
        %parallel_loop3A_1073 = arith.andi %parallel_loop3A_1072, %parallel_loop3A_1064 : vector<16xi1>
        %parallel_loop3A_1074 = vector.broadcast %parallel_loop3A_1059 : i32 to vector<16xi32>
        %parallel_loop3A_1075 = arith.addi %parallel_loop3A_1061, %parallel_loop3A_1074 : vector<16xi32>
        %parallel_loop3A_1076 = arith.select %parallel_loop3A_1073, %parallel_loop3A_1075, %parallel_loop3A_1061 : vector<16xi1>, vector<16xi32>
        %parallel_loop3A_1077 = vector.shape_cast %parallel_loop3A_1076 : vector<16xi32> to vector<16x1xi32>
        %parallel_loop3A_1078 = vector.shape_cast %parallel_loop3A_1077 : vector<16x1xi32> to vector<16xi32>
        %parallel_loop3A_1079 = tpu.dynamic_gather %parallel_loop3A_1051[%parallel_loop3A_1078] in [0] : vector<16xf32>, vector<16xi32> -> vector<16xf32>
        %parallel_loop3A_1080 = arith.addf %parallel_loop3A_1051, %parallel_loop3A_1079 : vector<16xf32>
        %parallel_loop3A_1081 = arith.constant 2 : i32
        %parallel_loop3A_1082 = vector.broadcast %parallel_loop3A_1081 : i32 to vector<16xi32>
        %parallel_loop3A_1083 = arith.addi %iota3A, %parallel_loop3A_1082 : vector<16xi32>
        %parallel_loop3A_1084 = arith.constant 16 : i32
        %parallel_loop3A_1085 = arith.constant 0 : i32
        %parallel_loop3A_1086 = arith.cmpi eq, %parallel_loop3A_1084, %parallel_loop3A_1085 : i32
        %parallel_loop3A_1087 = arith.constant 1 : i32
        %parallel_loop3A_1088 = arith.select %parallel_loop3A_1086, %parallel_loop3A_1087, %parallel_loop3A_1084 : i32
        %parallel_loop3A_1089 = vector.broadcast %parallel_loop3A_1088 : i32 to vector<16xi32>
        %parallel_loop3A_1090 = arith.remsi %parallel_loop3A_1083, %parallel_loop3A_1089 : vector<16xi32>
        %parallel_loop3A_1091 = arith.constant 0 : i32
        %parallel_loop3A_1092 = vector.broadcast %parallel_loop3A_1091 : i32 to vector<16xi32>
        %parallel_loop3A_1093 = arith.cmpi ne, %parallel_loop3A_1090, %parallel_loop3A_1092 : vector<16xi32>
        %parallel_loop3A_1094 = arith.constant 0 : i32
        %parallel_loop3A_1095 = vector.broadcast %parallel_loop3A_1094 : i32 to vector<16xi32>
        %parallel_loop3A_1096 = arith.cmpi slt, %parallel_loop3A_1090, %parallel_loop3A_1095 : vector<16xi32>
        %parallel_loop3A_1097 = arith.constant 0 : i32
        %parallel_loop3A_1098 = arith.cmpi slt, %parallel_loop3A_1088, %parallel_loop3A_1097 : i32
        %parallel_loop3A_1099 = vector.broadcast %parallel_loop3A_1098 : i1 to vector<16xi1>
        %parallel_loop3A_1100 = vector.broadcast %parallel_loop3A_1099 : vector<16xi1> to vector<16xi1>
        %parallel_loop3A_1101 = arith.xori %parallel_loop3A_1096, %parallel_loop3A_1100 : vector<16xi1>
        %parallel_loop3A_1102 = arith.andi %parallel_loop3A_1101, %parallel_loop3A_1093 : vector<16xi1>
        %parallel_loop3A_1103 = vector.broadcast %parallel_loop3A_1088 : i32 to vector<16xi32>
        %parallel_loop3A_1104 = arith.addi %parallel_loop3A_1090, %parallel_loop3A_1103 : vector<16xi32>
        %parallel_loop3A_1105 = arith.select %parallel_loop3A_1102, %parallel_loop3A_1104, %parallel_loop3A_1090 : vector<16xi1>, vector<16xi32>
        %parallel_loop3A_1106 = vector.shape_cast %parallel_loop3A_1105 : vector<16xi32> to vector<16x1xi32>
        %parallel_loop3A_1107 = vector.shape_cast %parallel_loop3A_1106 : vector<16x1xi32> to vector<16xi32>
        %parallel_loop3A_1108 = tpu.dynamic_gather %parallel_loop3A_1080[%parallel_loop3A_1107] in [0] : vector<16xf32>, vector<16xi32> -> vector<16xf32>
        %parallel_loop3A_1109 = arith.addf %parallel_loop3A_1080, %parallel_loop3A_1108 : vector<16xf32>
        %parallel_loop3A_1110 = arith.constant 1 : i32
        %parallel_loop3A_1111 = vector.broadcast %parallel_loop3A_1110 : i32 to vector<16xi32>
        %parallel_loop3A_1112 = arith.addi %iota3A, %parallel_loop3A_1111 : vector<16xi32>
        %parallel_loop3A_1113 = arith.constant 16 : i32
        %parallel_loop3A_1114 = arith.constant 0 : i32
        %parallel_loop3A_1115 = arith.cmpi eq, %parallel_loop3A_1113, %parallel_loop3A_1114 : i32
        %parallel_loop3A_1116 = arith.constant 1 : i32
        %parallel_loop3A_1117 = arith.select %parallel_loop3A_1115, %parallel_loop3A_1116, %parallel_loop3A_1113 : i32
        %parallel_loop3A_1118 = vector.broadcast %parallel_loop3A_1117 : i32 to vector<16xi32>
        %parallel_loop3A_1119 = arith.remsi %parallel_loop3A_1112, %parallel_loop3A_1118 : vector<16xi32>
        %parallel_loop3A_1120 = arith.constant 0 : i32
        %parallel_loop3A_1121 = vector.broadcast %parallel_loop3A_1120 : i32 to vector<16xi32>
        %parallel_loop3A_1122 = arith.cmpi ne, %parallel_loop3A_1119, %parallel_loop3A_1121 : vector<16xi32>
        %parallel_loop3A_1123 = arith.constant 0 : i32
        %parallel_loop3A_1124 = vector.broadcast %parallel_loop3A_1123 : i32 to vector<16xi32>
        %parallel_loop3A_1125 = arith.cmpi slt, %parallel_loop3A_1119, %parallel_loop3A_1124 : vector<16xi32>
        %parallel_loop3A_1126 = arith.constant 0 : i32
        %parallel_loop3A_1127 = arith.cmpi slt, %parallel_loop3A_1117, %parallel_loop3A_1126 : i32
        %parallel_loop3A_1128 = vector.broadcast %parallel_loop3A_1127 : i1 to vector<16xi1>
        %parallel_loop3A_1129 = vector.broadcast %parallel_loop3A_1128 : vector<16xi1> to vector<16xi1>
        %parallel_loop3A_1130 = arith.xori %parallel_loop3A_1125, %parallel_loop3A_1129 : vector<16xi1>
        %parallel_loop3A_1131 = arith.andi %parallel_loop3A_1130, %parallel_loop3A_1122 : vector<16xi1>
        %parallel_loop3A_1132 = vector.broadcast %parallel_loop3A_1117 : i32 to vector<16xi32>
        %parallel_loop3A_1133 = arith.addi %parallel_loop3A_1119, %parallel_loop3A_1132 : vector<16xi32>
        %parallel_loop3A_1134 = arith.select %parallel_loop3A_1131, %parallel_loop3A_1133, %parallel_loop3A_1119 : vector<16xi1>, vector<16xi32>
        %parallel_loop3A_1135 = vector.shape_cast %parallel_loop3A_1134 : vector<16xi32> to vector<16x1xi32>
        %parallel_loop3A_1136 = vector.shape_cast %parallel_loop3A_1135 : vector<16x1xi32> to vector<16xi32>
        %parallel_loop3A_1137 = tpu.dynamic_gather %parallel_loop3A_1109[%parallel_loop3A_1136] in [0] : vector<16xf32>, vector<16xi32> -> vector<16xf32>
        %parallel_loop3A_1138 = arith.addf %parallel_loop3A_1109, %parallel_loop3A_1137 : vector<16xf32>
        %parallel_loop3A_1139 = vector.extract_strided_slice %parallel_loop3A_968 {offsets = [15], sizes = [1], strides = [1]} : vector<16xi32> to vector<1xi32>
        %parallel_loop3A_1140 = vector.extract %parallel_loop3A_1139[0] : i32 from vector<1xi32>
        %parallel_loop3A_1141 = arith.constant 16 : i32
        %parallel_loop3A_1142 = arith.shrui %parallel_loop3A_1140, %parallel_loop3A_1141 : i32
        %parallel_loop3A_1143 = vector.extract_strided_slice %parallel_loop3A_973 {offsets = [15], sizes = [1], strides = [1]} : vector<16xi32> to vector<1xi32>
        %parallel_loop3A_1144 = vector.extract %parallel_loop3A_1143[0] : i32 from vector<1xi32>
        %parallel_loop3A_1145 = arith.constant 16 : i32
        %parallel_loop3A_1146 = arith.shrui %parallel_loop3A_1144, %parallel_loop3A_1145 : i32
        %parallel_loop3A_1147 = vector.extract_strided_slice %parallel_loop3A_978 {offsets = [15], sizes = [1], strides = [1]} : vector<16xi32> to vector<1xi32>
        %parallel_loop3A_1148 = vector.extract %parallel_loop3A_1147[0] : i32 from vector<1xi32>
        %parallel_loop3A_1149 = arith.constant 16 : i32
        %parallel_loop3A_1150 = arith.shrui %parallel_loop3A_1148, %parallel_loop3A_1149 : i32
        %parallel_loop3A_1151 = arith.sitofp %parallel_loop3A_1142 : i32 to f32
        %parallel_loop3A_1152 = arith.constant 2.27373675E-13 : f32
        %parallel_loop3A_1153 = arith.mulf %parallel_loop3A_1151, %parallel_loop3A_1152 : f32
        %parallel_loop3A_1154 = vector.broadcast %parallel_loop3A_1153 : f32 to vector<16xf32>
        %parallel_loop3A_1155 = arith.mulf %parallel_loop3A_1138, %parallel_loop3A_1154 : vector<16xf32>
        %parallel_loop3A_1156 = arith.sitofp %parallel_loop3A_1146 : i32 to f32
        %parallel_loop3A_1157 = arith.constant 2.27373675E-13 : f32
        %parallel_loop3A_1158 = arith.mulf %parallel_loop3A_1156, %parallel_loop3A_1157 : f32
        %parallel_loop3A_1159 = vector.broadcast %parallel_loop3A_1158 : f32 to vector<16xf32>
        %parallel_loop3A_1160 = arith.mulf %parallel_loop3A_1155, %parallel_loop3A_1159 : vector<16xf32>
        %parallel_loop3A_1161 = arith.sitofp %parallel_loop3A_1150 : i32 to f32
        %parallel_loop3A_1162 = arith.constant 2.27373675E-13 : f32
        %parallel_loop3A_1163 = arith.mulf %parallel_loop3A_1161, %parallel_loop3A_1162 : f32
        %parallel_loop3A_1164 = vector.broadcast %parallel_loop3A_1163 : f32 to vector<16xf32>
        %parallel_loop3A_1165 = arith.mulf %parallel_loop3A_1160, %parallel_loop3A_1164 : vector<16xf32>
        %parallel_loop3A_1166 = arith.constant 16 : i32
        %parallel_loop3A_1167 = arith.constant 0 : i32
        %parallel_loop3A_1168 = arith.cmpi eq, %parallel_loop3A_1166, %parallel_loop3A_1167 : i32
        %parallel_loop3A_1169 = arith.constant 1 : i32
        %parallel_loop3A_1170 = arith.select %parallel_loop3A_1168, %parallel_loop3A_1169, %parallel_loop3A_1166 : i32
        %parallel_loop3A_1171 = arith.remsi %parallel_loop3A_271, %parallel_loop3A_1170 : i32
        %parallel_loop3A_1172 = arith.constant 0 : i32
        %parallel_loop3A_1173 = arith.cmpi ne, %parallel_loop3A_1171, %parallel_loop3A_1172 : i32
        %parallel_loop3A_1174 = arith.constant 0 : i32
        %parallel_loop3A_1175 = arith.cmpi slt, %parallel_loop3A_1171, %parallel_loop3A_1174 : i32
        %parallel_loop3A_1176 = arith.constant 0 : i32
        %parallel_loop3A_1177 = arith.cmpi slt, %parallel_loop3A_1170, %parallel_loop3A_1176 : i32
        %parallel_loop3A_1178 = arith.xori %parallel_loop3A_1175, %parallel_loop3A_1177 : i1
        %parallel_loop3A_1179 = arith.andi %parallel_loop3A_1178, %parallel_loop3A_1173 : i1
        %parallel_loop3A_1180 = arith.addi %parallel_loop3A_1171, %parallel_loop3A_1170 : i32
        %parallel_loop3A_1181 = arith.select %parallel_loop3A_1179, %parallel_loop3A_1180, %parallel_loop3A_1171 : i32
        %parallel_loop3A_1182 = vector.broadcast %parallel_loop3A_1181 : i32 to vector<16xi32>
        %parallel_loop3A_1183 = arith.cmpi eq, %iota3A, %parallel_loop3A_1182 : vector<16xi32>
        %parallel_loop3A_1184 = arith.select %parallel_loop3A_1183, %parallel_loop3A_1165, %parallel_loop3A_272 : vector<16xi1>, vector<16xf32>
        %parallel_loop3A_1185 = arith.constant 16 : i32
        %parallel_loop3A_1186 = arith.constant 0 : i32
        %parallel_loop3A_1187 = arith.cmpi eq, %parallel_loop3A_1185, %parallel_loop3A_1186 : i32
        %parallel_loop3A_1188 = arith.constant 1 : i32
        %parallel_loop3A_1189 = arith.select %parallel_loop3A_1187, %parallel_loop3A_1188, %parallel_loop3A_1185 : i32
        %parallel_loop3A_1190 = arith.remsi %parallel_loop3A_271, %parallel_loop3A_1189 : i32
        %parallel_loop3A_1191 = arith.constant 0 : i32
        %parallel_loop3A_1192 = arith.cmpi ne, %parallel_loop3A_1190, %parallel_loop3A_1191 : i32
        %parallel_loop3A_1193 = arith.constant 0 : i32
        %parallel_loop3A_1194 = arith.cmpi slt, %parallel_loop3A_1190, %parallel_loop3A_1193 : i32
        %parallel_loop3A_1195 = arith.constant 0 : i32
        %parallel_loop3A_1196 = arith.cmpi slt, %parallel_loop3A_1189, %parallel_loop3A_1195 : i32
        %parallel_loop3A_1197 = arith.xori %parallel_loop3A_1194, %parallel_loop3A_1196 : i1
        %parallel_loop3A_1198 = arith.andi %parallel_loop3A_1197, %parallel_loop3A_1192 : i1
        %parallel_loop3A_1199 = arith.addi %parallel_loop3A_1190, %parallel_loop3A_1189 : i32
        %parallel_loop3A_1200 = arith.select %parallel_loop3A_1198, %parallel_loop3A_1199, %parallel_loop3A_1190 : i32
        %parallel_loop3A_1201 = arith.constant 15 : i32
        %parallel_loop3A_1202 = arith.cmpi eq, %parallel_loop3A_1200, %parallel_loop3A_1201 : i32
        %parallel_loop3A_1203 = arith.extui %parallel_loop3A_1202 : i1 to i32
        %parallel_loop3A_1204 = arith.constant 0 : i32
        %parallel_loop3A_1205 = arith.cmpi ne, %parallel_loop3A_1203, %parallel_loop3A_1204 : i32
        scf.if %parallel_loop3A_1205 {
          %parallel_loop3A_1206 = arith.constant 15 : i32
          %parallel_loop3A_1207 = arith.subi %parallel_loop3A_271, %parallel_loop3A_1206 : i32
          %parallel_loop3A_1208 = arith.index_cast %select_n3A_175 : i32 to index
          %parallel_loop3A_1209 = arith.index_cast %parallel_loop3A_1207 : i32 to index
          %parallel_loop3A_1210 = tpu.vector_load %arg14[%parallel_loop3A_1208, %parallel_loop3A_1209] {strides = array<i32>} : memref<2x80xf32, #tpu.memory_space<vmem>>, vector<1x16xf32>,
          %parallel_loop3A_1211 = vector.shape_cast %parallel_loop3A_1210 : vector<1x16xf32> to vector<16xf32>
          %parallel_loop3A_1212 = vector.shape_cast %parallel_loop3A_1184 : vector<16xf32> to vector<1x16xf32>
          tpu.vector_store %arg14[%parallel_loop3A_1208, %parallel_loop3A_1209], %parallel_loop3A_1212 {strides = array<i32>} : memref<2x80xf32, #tpu.memory_space<vmem>>, vector<1x16xf32>,
        } else {
        }
        scf.yield %parallel_loop3A_1184 : vector<16xf32>
      } {sc.loop_unroll_factor = 2 : i64, sc.parallel_access}
      %jit3A_242 = arith.constant 2 : i32
      %eq3A_243 = arith.constant 0 : i32
      %eq3A_244 = arith.cmpi eq, %jit3A_242, %eq3A_243 : i32
      %jit3A_245 = arith.constant 1 : i32
      %select_n3A_246 = arith.select %eq3A_244, %jit3A_245, %jit3A_242 : i32
      %rem3A_247 = arith.remsi %while3A_159, %select_n3A_246 : i32
      %ne3A_248 = arith.constant 0 : i32
      %ne3A_249 = arith.cmpi ne, %rem3A_247, %ne3A_248 : i32
      %lt3A_250 = arith.constant 0 : i32
      %lt3A_251 = arith.cmpi slt, %rem3A_247, %lt3A_250 : i32
      %lt3A_252 = arith.constant 0 : i32
      %lt3A_253 = arith.cmpi slt, %select_n3A_246, %lt3A_252 : i32
      %ne3A_254 = arith.xori %lt3A_251, %lt3A_253 : i1
      %and3A_255 = arith.andi %ne3A_254, %ne3A_249 : i1
      %add3A_256 = arith.addi %rem3A_247, %select_n3A_246 : i32
      %select_n3A_257 = arith.select %and3A_255, %add3A_256, %rem3A_247 : i32
      %mul3A_258 = arith.constant 32 : i32
      %mul3A_259 = arith.muli %while3A_159, %mul3A_258 : i32
      %add3A_260 = arith.addi %add3A, %mul3A_259 : i32
      %mul3A_261 = arith.constant 80 : i32
      %mul3A_262 = arith.muli %add3A_260, %mul3A_261 : i32
      %dma_start3A_263 = arith.constant 0 : i32
      %dma_start3A_264 = tpu.memref_slice %arg14[%select_n3A_257, %dma_start3A_263] : memref<2x80xf32, #tpu.memory_space<vmem>> -> memref<1x80xf32, #tpu.memory_space<vmem>>
      %dma_start3A_265 = tpu.memref_squeeze %dma_start3A_264 : memref<1x80xf32, #tpu.memory_space<vmem>> -> memref<80xf32, #tpu.memory_space<vmem>>
      %dma_start3A_266 = tpu.memref_slice %arg7[%mul3A_262] : memref<500000xf32, #tpu.memory_space<hbm>> -> memref<80xf32, #tpu.memory_space<hbm>>
      %dma_start3A_267 = tpu.memref_slice %arg7[%mul3A_262] : memref<500000xf32, #tpu.memory_space<hbm>> -> memref<80xf32, #tpu.memory_space<hbm>>
      %dma_start3A_268 = arith.constant 0 : i32
      %dma_start3A_269 = tpu.memref_slice %arg14[%select_n3A_257, %dma_start3A_268] : memref<2x80xf32, #tpu.memory_space<vmem>> -> memref<1x80xf32, #tpu.memory_space<vmem>>
      %dma_start3A_270 = tpu.memref_squeeze %dma_start3A_269 : memref<1x80xf32, #tpu.memory_space<vmem>> -> memref<80xf32, #tpu.memory_space<vmem>>
      tpu.enqueue_dma source(%dma_start3A_270 : memref<80xf32, #tpu.memory_space<vmem>>) target(%dma_start3A_267 : memref<80xf32, #tpu.memory_space<hbm>>) target_semaphore(%arg17 : memref<!tpu.dma_semaphore, #tpu.memory_space<semaphore_mem>>)
    }
    %while3A_129 = arith.constant 1 : i32
    scf.for %while3A_159 = %while3A_127 to %while3A_123 step %while3A_129  : i32 {
      %jit3A_160 = arith.constant 2 : i32
      %eq3A_161 = arith.constant 0 : i32
      %eq3A_162 = arith.cmpi eq, %jit3A_160, %eq3A_161 : i32
      %jit3A_163 = arith.constant 1 : i32
      %select_n3A_164 = arith.select %eq3A_162, %jit3A_163, %jit3A_160 : i32
      %rem3A_165 = arith.remsi %while3A_159, %select_n3A_164 : i32
      %ne3A_166 = arith.constant 0 : i32
      %ne3A_167 = arith.cmpi ne, %rem3A_165, %ne3A_166 : i32
      %lt3A_168 = arith.constant 0 : i32
      %lt3A_169 = arith.cmpi slt, %rem3A_165, %lt3A_168 : i32
      %lt3A_170 = arith.constant 0 : i32
      %lt3A_171 = arith.cmpi slt, %select_n3A_164, %lt3A_170 : i32
      %ne3A_172 = arith.xori %lt3A_169, %lt3A_171 : i1
      %and3A_173 = arith.andi %ne3A_172, %ne3A_167 : i1
      %add3A_174 = arith.addi %rem3A_165, %select_n3A_164 : i32
      %select_n3A_175 = arith.select %and3A_173, %add3A_174, %rem3A_165 : i32
      %jit3A_176 = arith.constant 2 : i32
      %eq3A_177 = arith.constant 0 : i32
      %eq3A_178 = arith.cmpi eq, %jit3A_176, %eq3A_177 : i32
      %jit3A_179 = arith.constant 1 : i32
      %select_n3A_180 = arith.select %eq3A_178, %jit3A_179, %jit3A_176 : i32
      %rem3A_181 = arith.remsi %while3A_159, %select_n3A_180 : i32
      %ne3A_182 = arith.constant 0 : i32
      %ne3A_183 = arith.cmpi ne, %rem3A_181, %ne3A_182 : i32
      %lt3A_184 = arith.constant 0 : i32
      %lt3A_185 = arith.cmpi slt, %rem3A_181, %lt3A_184 : i32
      %lt3A_186 = arith.constant 0 : i32
      %lt3A_187 = arith.cmpi slt, %select_n3A_180, %lt3A_186 : i32
      %ne3A_188 = arith.xori %lt3A_185, %lt3A_187 : i1
      %and3A_189 = arith.andi %ne3A_188, %ne3A_183 : i1
      %add3A_190 = arith.addi %rem3A_181, %select_n3A_180 : i32
      %select_n3A_191 = arith.select %and3A_189, %add3A_190, %rem3A_181 : i32
      %dma_wait3A_192 = arith.constant 0 : i32
      %dma_wait3A_193 = arith.constant 0 : i32
      %dma_wait3A_194 = tpu.memref_slice %arg11[%select_n3A_191, %dma_wait3A_192, %dma_wait3A_193] : memref<2x80x256xi32, #tpu.memory_space<vmem>> -> memref<1x80x256xi32, #tpu.memory_space<vmem>>
      %dma_wait3A_195 = tpu.memref_squeeze %dma_wait3A_194 : memref<1x80x256xi32, #tpu.memory_space<vmem>> -> memref<80x256xi32, #tpu.memory_space<vmem>>
      %dma_wait3A_196 = arith.constant 0 : i32
      %dma_wait3A_197 = tpu.memref_slice %arg8[%select_n3A_191, %dma_wait3A_196] : memref<2x80xi32, #tpu.memory_space<vmem>> -> memref<1x80xi32, #tpu.memory_space<vmem>>
      %dma_wait3A_198 = tpu.memref_squeeze %dma_wait3A_197 : memref<1x80xi32, #tpu.memory_space<vmem>> -> memref<80xi32, #tpu.memory_space<vmem>>
      %dma_wait3A_199 = arith.constant 0 : i32
      %dma_wait3A_200 = arith.constant 0 : i32
      %dma_wait3A_201 = tpu.memref_slice %arg2[%dma_wait3A_199, %dma_wait3A_200] : memref<100000x256xi32, #tpu.memory_space<hbm>> -> memref<100000x256xi32, #tpu.memory_space<hbm>>
      tpu.wait_indirect_dma semaphore(%arg15 : memref<!tpu.dma_semaphore, #tpu.memory_space<semaphore_mem>>) src(%dma_wait3A_201 : memref<100000x256xi32, #tpu.memory_space<hbm>>) dst(%dma_wait3A_195 : memref<80x256xi32, #tpu.memory_space<vmem>>)
      %dma_wait3A_202 = arith.constant 0 : i32
      %dma_wait3A_203 = arith.constant 0 : i32
      %dma_wait3A_204 = tpu.memref_slice %arg12[%select_n3A_191, %dma_wait3A_202, %dma_wait3A_203] : memref<2x80x256xi32, #tpu.memory_space<vmem>> -> memref<1x80x256xi32, #tpu.memory_space<vmem>>
      %dma_wait3A_205 = tpu.memref_squeeze %dma_wait3A_204 : memref<1x80x256xi32, #tpu.memory_space<vmem>> -> memref<80x256xi32, #tpu.memory_space<vmem>>
      %dma_wait3A_206 = arith.constant 0 : i32
      %dma_wait3A_207 = tpu.memref_slice %arg9[%select_n3A_191, %dma_wait3A_206] : memref<2x80xi32, #tpu.memory_space<vmem>> -> memref<1x80xi32, #tpu.memory_space<vmem>>
      %dma_wait3A_208 = tpu.memref_squeeze %dma_wait3A_207 : memref<1x80xi32, #tpu.memory_space<vmem>> -> memref<80xi32, #tpu.memory_space<vmem>>
      %dma_wait3A_209 = arith.constant 0 : i32
      %dma_wait3A_210 = arith.constant 0 : i32
      %dma_wait3A_211 = tpu.memref_slice %arg3[%dma_wait3A_209, %dma_wait3A_210] : memref<100000x256xi32, #tpu.memory_space<hbm>> -> memref<100000x256xi32, #tpu.memory_space<hbm>>
      tpu.wait_indirect_dma semaphore(%arg15 : memref<!tpu.dma_semaphore, #tpu.memory_space<semaphore_mem>>) src(%dma_wait3A_211 : memref<100000x256xi32, #tpu.memory_space<hbm>>) dst(%dma_wait3A_205 : memref<80x256xi32, #tpu.memory_space<vmem>>)
      %dma_wait3A_212 = arith.constant 0 : i32
      %dma_wait3A_213 = arith.constant 0 : i32
      %dma_wait3A_214 = tpu.memref_slice %arg13[%select_n3A_191, %dma_wait3A_212, %dma_wait3A_213] : memref<2x80x256xi32, #tpu.memory_space<vmem>> -> memref<1x80x256xi32, #tpu.memory_space<vmem>>
      %dma_wait3A_215 = tpu.memref_squeeze %dma_wait3A_214 : memref<1x80x256xi32, #tpu.memory_space<vmem>> -> memref<80x256xi32, #tpu.memory_space<vmem>>
      %dma_wait3A_216 = arith.constant 0 : i32
      %dma_wait3A_217 = tpu.memref_slice %arg10[%select_n3A_191, %dma_wait3A_216] : memref<2x80xi32, #tpu.memory_space<vmem>> -> memref<1x80xi32, #tpu.memory_space<vmem>>
      %dma_wait3A_218 = tpu.memref_squeeze %dma_wait3A_217 : memref<1x80xi32, #tpu.memory_space<vmem>> -> memref<80xi32, #tpu.memory_space<vmem>>
      %dma_wait3A_219 = arith.constant 0 : i32
      %dma_wait3A_220 = arith.constant 0 : i32
      %dma_wait3A_221 = tpu.memref_slice %arg2[%dma_wait3A_219, %dma_wait3A_220] : memref<100000x256xi32, #tpu.memory_space<hbm>> -> memref<100000x256xi32, #tpu.memory_space<hbm>>
      tpu.wait_indirect_dma semaphore(%arg15 : memref<!tpu.dma_semaphore, #tpu.memory_space<semaphore_mem>>) src(%dma_wait3A_221 : memref<100000x256xi32, #tpu.memory_space<hbm>>) dst(%dma_wait3A_215 : memref<80x256xi32, #tpu.memory_space<vmem>>)
      %add3A_222 = arith.constant 1 : i32
      %add3A_223 = arith.addi %while3A_159, %add3A_222 : i32
      %lt3A_224 = arith.cmpi slt, %add3A_223, %select_n3A : i32
      %convert_element_type3A_225 = arith.extui %lt3A_224 : i1 to i32
      %cond3A_226 = arith.constant 0 : i32
      %cond3A_227 = arith.cmpi ne, %convert_element_type3A_225, %cond3A_226 : i32
      scf.if %cond3A_227 {
        %add3A_271 = arith.constant 1 : i32
        %add3A_272 = arith.addi %while3A_159, %add3A_271 : i32
        %jit3A_273 = arith.constant 2 : i32
        %eq3A_274 = arith.constant 0 : i32
        %eq3A_275 = arith.cmpi eq, %jit3A_273, %eq3A_274 : i32
        %jit3A_276 = arith.constant 1 : i32
        %select_n3A_277 = arith.select %eq3A_275, %jit3A_276, %jit3A_273 : i32
        %rem3A_278 = arith.remsi %add3A_272, %select_n3A_277 : i32
        %ne3A_279 = arith.constant 0 : i32
        %ne3A_280 = arith.cmpi ne, %rem3A_278, %ne3A_279 : i32
        %lt3A_281 = arith.constant 0 : i32
        %lt3A_282 = arith.cmpi slt, %rem3A_278, %lt3A_281 : i32
        %lt3A_283 = arith.constant 0 : i32
        %lt3A_284 = arith.cmpi slt, %select_n3A_277, %lt3A_283 : i32
        %ne3A_285 = arith.xori %lt3A_282, %lt3A_284 : i1
        %and3A_286 = arith.andi %ne3A_285, %ne3A_280 : i1
        %add3A_287 = arith.addi %rem3A_278, %select_n3A_277 : i32
        %select_n3A_288 = arith.select %and3A_286, %add3A_287, %rem3A_278 : i32
        %mul3A_289 = arith.constant 32 : i32
        %mul3A_290 = arith.muli %add3A_272, %mul3A_289 : i32
        %add3A_291 = arith.addi %add3A, %mul3A_290 : i32
        %mul3A_292 = arith.constant 80 : i32
        %mul3A_293 = arith.muli %add3A_291, %mul3A_292 : i32
        %dma_wait3A_294 = arith.constant 0 : i32
        %dma_wait3A_295 = tpu.memref_slice %arg8[%select_n3A_288, %dma_wait3A_294] : memref<2x80xi32, #tpu.memory_space<vmem>> -> memref<1x80xi32, #tpu.memory_space<vmem>>
        %dma_wait3A_296 = tpu.memref_squeeze %dma_wait3A_295 : memref<1x80xi32, #tpu.memory_space<vmem>> -> memref<80xi32, #tpu.memory_space<vmem>>
        %dma_wait3A_297 = tpu.memref_slice %arg4[%mul3A_293] : memref<500000xi32, #tpu.memory_space<hbm>> -> memref<80xi32, #tpu.memory_space<hbm>>
        %dma_wait3A_298 = arith.constant 0 : i32
        %dma_wait3A_299 = tpu.memref_slice %arg8[%select_n3A_288, %dma_wait3A_298] : memref<2x80xi32, #tpu.memory_space<vmem>> -> memref<1x80xi32, #tpu.memory_space<vmem>>
        %dma_wait3A_300 = tpu.memref_squeeze %dma_wait3A_299 : memref<1x80xi32, #tpu.memory_space<vmem>> -> memref<80xi32, #tpu.memory_space<vmem>>
        %dma_wait3A_301 = tpu.memref_slice %arg4[%mul3A_293] : memref<500000xi32, #tpu.memory_space<hbm>> -> memref<80xi32, #tpu.memory_space<hbm>>
        tpu.wait_dma2 semaphore(%arg16 : memref<!tpu.dma_semaphore, #tpu.memory_space<semaphore_mem>>) src(%dma_wait3A_301 : memref<80xi32, #tpu.memory_space<hbm>>) dst(%dma_wait3A_300 : memref<80xi32, #tpu.memory_space<vmem>>)
        %dma_wait3A_302 = arith.constant 0 : i32
        %dma_wait3A_303 = tpu.memref_slice %arg9[%select_n3A_288, %dma_wait3A_302] : memref<2x80xi32, #tpu.memory_space<vmem>> -> memref<1x80xi32, #tpu.memory_space<vmem>>
        %dma_wait3A_304 = tpu.memref_squeeze %dma_wait3A_303 : memref<1x80xi32, #tpu.memory_space<vmem>> -> memref<80xi32, #tpu.memory_space<vmem>>
        %dma_wait3A_305 = tpu.memref_slice %arg5[%mul3A_293] : memref<500000xi32, #tpu.memory_space<hbm>> -> memref<80xi32, #tpu.memory_space<hbm>>
        %dma_wait3A_306 = arith.constant 0 : i32
        %dma_wait3A_307 = tpu.memref_slice %arg9[%select_n3A_288, %dma_wait3A_306] : memref<2x80xi32, #tpu.memory_space<vmem>> -> memref<1x80xi32, #tpu.memory_space<vmem>>
        %dma_wait3A_308 = tpu.memref_squeeze %dma_wait3A_307 : memref<1x80xi32, #tpu.memory_space<vmem>> -> memref<80xi32, #tpu.memory_space<vmem>>
        %dma_wait3A_309 = tpu.memref_slice %arg5[%mul3A_293] : memref<500000xi32, #tpu.memory_space<hbm>> -> memref<80xi32, #tpu.memory_space<hbm>>
        tpu.wait_dma2 semaphore(%arg16 : memref<!tpu.dma_semaphore, #tpu.memory_space<semaphore_mem>>) src(%dma_wait3A_309 : memref<80xi32, #tpu.memory_space<hbm>>) dst(%dma_wait3A_308 : memref<80xi32, #tpu.memory_space<vmem>>)
        %dma_wait3A_310 = arith.constant 0 : i32
        %dma_wait3A_311 = tpu.memref_slice %arg10[%select_n3A_288, %dma_wait3A_310] : memref<2x80xi32, #tpu.memory_space<vmem>> -> memref<1x80xi32, #tpu.memory_space<vmem>>
        %dma_wait3A_312 = tpu.memref_squeeze %dma_wait3A_311 : memref<1x80xi32, #tpu.memory_space<vmem>> -> memref<80xi32, #tpu.memory_space<vmem>>
        %dma_wait3A_313 = tpu.memref_slice %arg6[%mul3A_293] : memref<500000xi32, #tpu.memory_space<hbm>> -> memref<80xi32, #tpu.memory_space<hbm>>
        %dma_wait3A_314 = arith.constant 0 : i32
        %dma_wait3A_315 = tpu.memref_slice %arg10[%select_n3A_288, %dma_wait3A_314] : memref<2x80xi32, #tpu.memory_space<vmem>> -> memref<1x80xi32, #tpu.memory_space<vmem>>
        %dma_wait3A_316 = tpu.memref_squeeze %dma_wait3A_315 : memref<1x80xi32, #tpu.memory_space<vmem>> -> memref<80xi32, #tpu.memory_space<vmem>>
        %dma_wait3A_317 = tpu.memref_slice %arg6[%mul3A_293] : memref<500000xi32, #tpu.memory_space<hbm>> -> memref<80xi32, #tpu.memory_space<hbm>>
        tpu.wait_dma2 semaphore(%arg16 : memref<!tpu.dma_semaphore, #tpu.memory_space<semaphore_mem>>) src(%dma_wait3A_317 : memref<80xi32, #tpu.memory_space<hbm>>) dst(%dma_wait3A_316 : memref<80xi32, #tpu.memory_space<vmem>>)
        %add3A_318 = arith.constant 1 : i32
        %add3A_319 = arith.addi %while3A_159, %add3A_318 : i32
        %jit3A_320 = arith.constant 2 : i32
        %eq3A_321 = arith.constant 0 : i32
        %eq3A_322 = arith.cmpi eq, %jit3A_320, %eq3A_321 : i32
        %jit3A_323 = arith.constant 1 : i32
        %select_n3A_324 = arith.select %eq3A_322, %jit3A_323, %jit3A_320 : i32
        %rem3A_325 = arith.remsi %add3A_319, %select_n3A_324 : i32
        %ne3A_326 = arith.constant 0 : i32
        %ne3A_327 = arith.cmpi ne, %rem3A_325, %ne3A_326 : i32
        %lt3A_328 = arith.constant 0 : i32
        %lt3A_329 = arith.cmpi slt, %rem3A_325, %lt3A_328 : i32
        %lt3A_330 = arith.constant 0 : i32
        %lt3A_331 = arith.cmpi slt, %select_n3A_324, %lt3A_330 : i32
        %ne3A_332 = arith.xori %lt3A_329, %lt3A_331 : i1
        %and3A_333 = arith.andi %ne3A_332, %ne3A_327 : i1
        %add3A_334 = arith.addi %rem3A_325, %select_n3A_324 : i32
        %select_n3A_335 = arith.select %and3A_333, %add3A_334, %rem3A_325 : i32
        %dma_start3A_336 = arith.constant 0 : i32
        %dma_start3A_337 = arith.constant 0 : i32
        %dma_start3A_338 = tpu.memref_slice %arg11[%select_n3A_335, %dma_start3A_336, %dma_start3A_337] : memref<2x80x256xi32, #tpu.memory_space<vmem>> -> memref<1x80x256xi32, #tpu.memory_space<vmem>>
        %dma_start3A_339 = tpu.memref_squeeze %dma_start3A_338 : memref<1x80x256xi32, #tpu.memory_space<vmem>> -> memref<80x256xi32, #tpu.memory_space<vmem>>
        %dma_start3A_340 = arith.constant 0 : i32
        %dma_start3A_341 = tpu.memref_slice %arg8[%select_n3A_335, %dma_start3A_340] : memref<2x80xi32, #tpu.memory_space<vmem>> -> memref<1x80xi32, #tpu.memory_space<vmem>>
        %dma_start3A_342 = tpu.memref_squeeze %dma_start3A_341 : memref<1x80xi32, #tpu.memory_space<vmem>> -> memref<80xi32, #tpu.memory_space<vmem>>
        %dma_start3A_343 = arith.constant 0 : i32
        %dma_start3A_344 = arith.constant 0 : i32
        %dma_start3A_345 = tpu.memref_slice %arg2[%dma_start3A_343, %dma_start3A_344] : memref<100000x256xi32, #tpu.memory_space<hbm>> -> memref<100000x256xi32, #tpu.memory_space<hbm>>
        tpu.enqueue_indirect_dma source(%dma_start3A_345 : memref<100000x256xi32, #tpu.memory_space<hbm>>) target(%dma_start3A_339 : memref<80x256xi32, #tpu.memory_space<vmem>>) offsets(%dma_start3A_342 : memref<80xi32, #tpu.memory_space<vmem>>) semaphore(%arg15 : memref<!tpu.dma_semaphore, #tpu.memory_space<semaphore_mem>>)
        %dma_start3A_346 = arith.constant 0 : i32
        %dma_start3A_347 = arith.constant 0 : i32
        %dma_start3A_348 = tpu.memref_slice %arg12[%select_n3A_335, %dma_start3A_346, %dma_start3A_347] : memref<2x80x256xi32, #tpu.memory_space<vmem>> -> memref<1x80x256xi32, #tpu.memory_space<vmem>>
        %dma_start3A_349 = tpu.memref_squeeze %dma_start3A_348 : memref<1x80x256xi32, #tpu.memory_space<vmem>> -> memref<80x256xi32, #tpu.memory_space<vmem>>
        %dma_start3A_350 = arith.constant 0 : i32
        %dma_start3A_351 = tpu.memref_slice %arg9[%select_n3A_335, %dma_start3A_350] : memref<2x80xi32, #tpu.memory_space<vmem>> -> memref<1x80xi32, #tpu.memory_space<vmem>>
        %dma_start3A_352 = tpu.memref_squeeze %dma_start3A_351 : memref<1x80xi32, #tpu.memory_space<vmem>> -> memref<80xi32, #tpu.memory_space<vmem>>
        %dma_start3A_353 = arith.constant 0 : i32
        %dma_start3A_354 = arith.constant 0 : i32
        %dma_start3A_355 = tpu.memref_slice %arg3[%dma_start3A_353, %dma_start3A_354] : memref<100000x256xi32, #tpu.memory_space<hbm>> -> memref<100000x256xi32, #tpu.memory_space<hbm>>
        tpu.enqueue_indirect_dma source(%dma_start3A_355 : memref<100000x256xi32, #tpu.memory_space<hbm>>) target(%dma_start3A_349 : memref<80x256xi32, #tpu.memory_space<vmem>>) offsets(%dma_start3A_352 : memref<80xi32, #tpu.memory_space<vmem>>) semaphore(%arg15 : memref<!tpu.dma_semaphore, #tpu.memory_space<semaphore_mem>>)
        %dma_start3A_356 = arith.constant 0 : i32
        %dma_start3A_357 = arith.constant 0 : i32
        %dma_start3A_358 = tpu.memref_slice %arg13[%select_n3A_335, %dma_start3A_356, %dma_start3A_357] : memref<2x80x256xi32, #tpu.memory_space<vmem>> -> memref<1x80x256xi32, #tpu.memory_space<vmem>>
        %dma_start3A_359 = tpu.memref_squeeze %dma_start3A_358 : memref<1x80x256xi32, #tpu.memory_space<vmem>> -> memref<80x256xi32, #tpu.memory_space<vmem>>
        %dma_start3A_360 = arith.constant 0 : i32
        %dma_start3A_361 = tpu.memref_slice %arg10[%select_n3A_335, %dma_start3A_360] : memref<2x80xi32, #tpu.memory_space<vmem>> -> memref<1x80xi32, #tpu.memory_space<vmem>>
        %dma_start3A_362 = tpu.memref_squeeze %dma_start3A_361 : memref<1x80xi32, #tpu.memory_space<vmem>> -> memref<80xi32, #tpu.memory_space<vmem>>
        %dma_start3A_363 = arith.constant 0 : i32
        %dma_start3A_364 = arith.constant 0 : i32
        %dma_start3A_365 = tpu.memref_slice %arg2[%dma_start3A_363, %dma_start3A_364] : memref<100000x256xi32, #tpu.memory_space<hbm>> -> memref<100000x256xi32, #tpu.memory_space<hbm>>
        tpu.enqueue_indirect_dma source(%dma_start3A_365 : memref<100000x256xi32, #tpu.memory_space<hbm>>) target(%dma_start3A_359 : memref<80x256xi32, #tpu.memory_space<vmem>>) offsets(%dma_start3A_362 : memref<80xi32, #tpu.memory_space<vmem>>) semaphore(%arg15 : memref<!tpu.dma_semaphore, #tpu.memory_space<semaphore_mem>>)
      } else {
      }
      %add3A_228 = arith.constant 2 : i32
      %add3A_229 = arith.addi %while3A_159, %add3A_228 : i32
      %lt3A_230 = arith.cmpi slt, %add3A_229, %select_n3A : i32
      %convert_element_type3A_231 = arith.extui %lt3A_230 : i1 to i32
      %cond3A_232 = arith.constant 0 : i32
      %cond3A_233 = arith.cmpi ne, %convert_element_type3A_231, %cond3A_232 : i32
      scf.if %cond3A_233 {
        %add3A_271 = arith.constant 2 : i32
        %add3A_272 = arith.addi %while3A_159, %add3A_271 : i32
        %jit3A_273 = arith.constant 2 : i32
        %eq3A_274 = arith.constant 0 : i32
        %eq3A_275 = arith.cmpi eq, %jit3A_273, %eq3A_274 : i32
        %jit3A_276 = arith.constant 1 : i32
        %select_n3A_277 = arith.select %eq3A_275, %jit3A_276, %jit3A_273 : i32
        %rem3A_278 = arith.remsi %add3A_272, %select_n3A_277 : i32
        %ne3A_279 = arith.constant 0 : i32
        %ne3A_280 = arith.cmpi ne, %rem3A_278, %ne3A_279 : i32
        %lt3A_281 = arith.constant 0 : i32
        %lt3A_282 = arith.cmpi slt, %rem3A_278, %lt3A_281 : i32
        %lt3A_283 = arith.constant 0 : i32
        %lt3A_284 = arith.cmpi slt, %select_n3A_277, %lt3A_283 : i32
        %ne3A_285 = arith.xori %lt3A_282, %lt3A_284 : i1
        %and3A_286 = arith.andi %ne3A_285, %ne3A_280 : i1
        %add3A_287 = arith.addi %rem3A_278, %select_n3A_277 : i32
        %select_n3A_288 = arith.select %and3A_286, %add3A_287, %rem3A_278 : i32
        %mul3A_289 = arith.constant 32 : i32
        %mul3A_290 = arith.muli %add3A_272, %mul3A_289 : i32
        %add3A_291 = arith.addi %add3A, %mul3A_290 : i32
        %mul3A_292 = arith.constant 80 : i32
        %mul3A_293 = arith.muli %add3A_291, %mul3A_292 : i32
        %dma_start3A_294 = arith.constant 0 : i32
        %dma_start3A_295 = tpu.memref_slice %arg8[%select_n3A_288, %dma_start3A_294] : memref<2x80xi32, #tpu.memory_space<vmem>> -> memref<1x80xi32, #tpu.memory_space<vmem>>
        %dma_start3A_296 = tpu.memref_squeeze %dma_start3A_295 : memref<1x80xi32, #tpu.memory_space<vmem>> -> memref<80xi32, #tpu.memory_space<vmem>>
        %dma_start3A_297 = tpu.memref_slice %arg4[%mul3A_293] : memref<500000xi32, #tpu.memory_space<hbm>> -> memref<80xi32, #tpu.memory_space<hbm>>
        %dma_start3A_298 = arith.constant 0 : i32
        %dma_start3A_299 = tpu.memref_slice %arg8[%select_n3A_288, %dma_start3A_298] : memref<2x80xi32, #tpu.memory_space<vmem>> -> memref<1x80xi32, #tpu.memory_space<vmem>>
        %dma_start3A_300 = tpu.memref_squeeze %dma_start3A_299 : memref<1x80xi32, #tpu.memory_space<vmem>> -> memref<80xi32, #tpu.memory_space<vmem>>
        %dma_start3A_301 = tpu.memref_slice %arg4[%mul3A_293] : memref<500000xi32, #tpu.memory_space<hbm>> -> memref<80xi32, #tpu.memory_space<hbm>>
        tpu.enqueue_dma source(%dma_start3A_301 : memref<80xi32, #tpu.memory_space<hbm>>) target(%dma_start3A_300 : memref<80xi32, #tpu.memory_space<vmem>>) target_semaphore(%arg16 : memref<!tpu.dma_semaphore, #tpu.memory_space<semaphore_mem>>)
        %dma_start3A_302 = arith.constant 0 : i32
        %dma_start3A_303 = tpu.memref_slice %arg9[%select_n3A_288, %dma_start3A_302] : memref<2x80xi32, #tpu.memory_space<vmem>> -> memref<1x80xi32, #tpu.memory_space<vmem>>
        %dma_start3A_304 = tpu.memref_squeeze %dma_start3A_303 : memref<1x80xi32, #tpu.memory_space<vmem>> -> memref<80xi32, #tpu.memory_space<vmem>>
        %dma_start3A_305 = tpu.memref_slice %arg5[%mul3A_293] : memref<500000xi32, #tpu.memory_space<hbm>> -> memref<80xi32, #tpu.memory_space<hbm>>
        %dma_start3A_306 = arith.constant 0 : i32
        %dma_start3A_307 = tpu.memref_slice %arg9[%select_n3A_288, %dma_start3A_306] : memref<2x80xi32, #tpu.memory_space<vmem>> -> memref<1x80xi32, #tpu.memory_space<vmem>>
        %dma_start3A_308 = tpu.memref_squeeze %dma_start3A_307 : memref<1x80xi32, #tpu.memory_space<vmem>> -> memref<80xi32, #tpu.memory_space<vmem>>
        %dma_start3A_309 = tpu.memref_slice %arg5[%mul3A_293] : memref<500000xi32, #tpu.memory_space<hbm>> -> memref<80xi32, #tpu.memory_space<hbm>>
        tpu.enqueue_dma source(%dma_start3A_309 : memref<80xi32, #tpu.memory_space<hbm>>) target(%dma_start3A_308 : memref<80xi32, #tpu.memory_space<vmem>>) target_semaphore(%arg16 : memref<!tpu.dma_semaphore, #tpu.memory_space<semaphore_mem>>)
        %dma_start3A_310 = arith.constant 0 : i32
        %dma_start3A_311 = tpu.memref_slice %arg10[%select_n3A_288, %dma_start3A_310] : memref<2x80xi32, #tpu.memory_space<vmem>> -> memref<1x80xi32, #tpu.memory_space<vmem>>
        %dma_start3A_312 = tpu.memref_squeeze %dma_start3A_311 : memref<1x80xi32, #tpu.memory_space<vmem>> -> memref<80xi32, #tpu.memory_space<vmem>>
        %dma_start3A_313 = tpu.memref_slice %arg6[%mul3A_293] : memref<500000xi32, #tpu.memory_space<hbm>> -> memref<80xi32, #tpu.memory_space<hbm>>
        %dma_start3A_314 = arith.constant 0 : i32
        %dma_start3A_315 = tpu.memref_slice %arg10[%select_n3A_288, %dma_start3A_314] : memref<2x80xi32, #tpu.memory_space<vmem>> -> memref<1x80xi32, #tpu.memory_space<vmem>>
        %dma_start3A_316 = tpu.memref_squeeze %dma_start3A_315 : memref<1x80xi32, #tpu.memory_space<vmem>> -> memref<80xi32, #tpu.memory_space<vmem>>
        %dma_start3A_317 = tpu.memref_slice %arg6[%mul3A_293] : memref<500000xi32, #tpu.memory_space<hbm>> -> memref<80xi32, #tpu.memory_space<hbm>>
        tpu.enqueue_dma source(%dma_start3A_317 : memref<80xi32, #tpu.memory_space<hbm>>) target(%dma_start3A_316 : memref<80xi32, #tpu.memory_space<vmem>>) target_semaphore(%arg16 : memref<!tpu.dma_semaphore, #tpu.memory_space<semaphore_mem>>)
      } else {
      }
      %ge3A = arith.constant 1 : i32
      %ge3A_234 = arith.cmpi sge, %while3A_159, %ge3A : i32
      %convert_element_type3A_235 = arith.extui %ge3A_234 : i1 to i32
      %cond3A_236 = arith.constant 0 : i32
      %cond3A_237 = arith.cmpi ne, %convert_element_type3A_235, %cond3A_236 : i32
      scf.if %cond3A_237 {
        %sub3A_271 = arith.constant 1 : i32
        %sub3A_272 = arith.subi %while3A_159, %sub3A_271 : i32
        %jit3A_273 = arith.constant 2 : i32
        %eq3A_274 = arith.constant 0 : i32
        %eq3A_275 = arith.cmpi eq, %jit3A_273, %eq3A_274 : i32
        %jit3A_276 = arith.constant 1 : i32
        %select_n3A_277 = arith.select %eq3A_275, %jit3A_276, %jit3A_273 : i32
        %rem3A_278 = arith.remsi %sub3A_272, %select_n3A_277 : i32
        %ne3A_279 = arith.constant 0 : i32
        %ne3A_280 = arith.cmpi ne, %rem3A_278, %ne3A_279 : i32
        %lt3A_281 = arith.constant 0 : i32
        %lt3A_282 = arith.cmpi slt, %rem3A_278, %lt3A_281 : i32
        %lt3A_283 = arith.constant 0 : i32
        %lt3A_284 = arith.cmpi slt, %select_n3A_277, %lt3A_283 : i32
        %ne3A_285 = arith.xori %lt3A_282, %lt3A_284 : i1
        %and3A_286 = arith.andi %ne3A_285, %ne3A_280 : i1
        %add3A_287 = arith.addi %rem3A_278, %select_n3A_277 : i32
        %select_n3A_288 = arith.select %and3A_286, %add3A_287, %rem3A_278 : i32
        %mul3A_289 = arith.constant 32 : i32
        %mul3A_290 = arith.muli %sub3A_272, %mul3A_289 : i32
        %add3A_291 = arith.addi %add3A, %mul3A_290 : i32
        %mul3A_292 = arith.constant 80 : i32
        %mul3A_293 = arith.muli %add3A_291, %mul3A_292 : i32
        %dma_wait3A_294 = arith.constant 0 : i32
        %dma_wait3A_295 = tpu.memref_slice %arg14[%select_n3A_288, %dma_wait3A_294] : memref<2x80xf32, #tpu.memory_space<vmem>> -> memref<1x80xf32, #tpu.memory_space<vmem>>
        %dma_wait3A_296 = tpu.memref_squeeze %dma_wait3A_295 : memref<1x80xf32, #tpu.memory_space<vmem>> -> memref<80xf32, #tpu.memory_space<vmem>>
        %dma_wait3A_297 = tpu.memref_slice %arg7[%mul3A_293] : memref<500000xf32, #tpu.memory_space<hbm>> -> memref<80xf32, #tpu.memory_space<hbm>>
        %dma_wait3A_298 = tpu.memref_slice %arg7[%mul3A_293] : memref<500000xf32, #tpu.memory_space<hbm>> -> memref<80xf32, #tpu.memory_space<hbm>>
        %dma_wait3A_299 = arith.constant 0 : i32
        %dma_wait3A_300 = tpu.memref_slice %arg14[%select_n3A_288, %dma_wait3A_299] : memref<2x80xf32, #tpu.memory_space<vmem>> -> memref<1x80xf32, #tpu.memory_space<vmem>>
        %dma_wait3A_301 = tpu.memref_squeeze %dma_wait3A_300 : memref<1x80xf32, #tpu.memory_space<vmem>> -> memref<80xf32, #tpu.memory_space<vmem>>
        tpu.wait_dma2 semaphore(%arg17 : memref<!tpu.dma_semaphore, #tpu.memory_space<semaphore_mem>>) src(%dma_wait3A_301 : memref<80xf32, #tpu.memory_space<vmem>>) dst(%dma_wait3A_298 : memref<80xf32, #tpu.memory_space<hbm>>)
      } else {
      }
      %broadcast_in_dim3A = arith.constant 0.000000e+00 : f32
      %broadcast_in_dim3A_238 = vector.broadcast %broadcast_in_dim3A : f32 to vector<16xf32>
      %parallel_loop3A = arith.constant 0 : i32
      %parallel_loop3A_239 = arith.constant 80 : i32
      %parallel_loop3A_240 = arith.constant 1 : i32
      %parallel_loop3A_241 = scf.for %parallel_loop3A_271 = %parallel_loop3A to %parallel_loop3A_239 step %parallel_loop3A_240 iter_args(%parallel_loop3A_272 = %broadcast_in_dim3A_238) -> (vector<16xf32>)  : i32 {
        %parallel_loop3A_273 = arith.constant 0.000000e+00 : f32
        %parallel_loop3A_274 = vector.broadcast %parallel_loop3A_273 : f32 to vector<16xf32>
        %parallel_loop3A_275 = arith.constant 0.000000e+00 : f32
        %parallel_loop3A_276 = vector.broadcast %parallel_loop3A_275 : f32 to vector<16xf32>
        %parallel_loop3A_277 = arith.constant 0.000000e+00 : f32
        %parallel_loop3A_278 = vector.broadcast %parallel_loop3A_277 : f32 to vector<16xf32>
        %parallel_loop3A_279 = arith.constant 0.000000e+00 : f32
        %parallel_loop3A_280 = vector.broadcast %parallel_loop3A_279 : f32 to vector<16xf32>
        %parallel_loop3A_281 = arith.constant 0.000000e+00 : f32
        %parallel_loop3A_282 = vector.broadcast %parallel_loop3A_281 : f32 to vector<16xf32>
        %parallel_loop3A_283 = arith.constant 0.000000e+00 : f32
        %parallel_loop3A_284 = vector.broadcast %parallel_loop3A_283 : f32 to vector<16xf32>
        %parallel_loop3A_285 = arith.constant 0.000000e+00 : f32
        %parallel_loop3A_286 = vector.broadcast %parallel_loop3A_285 : f32 to vector<16xf32>
        %parallel_loop3A_287 = arith.constant 0.000000e+00 : f32
        %parallel_loop3A_288 = vector.broadcast %parallel_loop3A_287 : f32 to vector<16xf32>
        %parallel_loop3A_289 = arith.index_cast %select_n3A_175 : i32 to index
        %parallel_loop3A_290 = arith.index_cast %parallel_loop3A_271 : i32 to index
        %parallel_loop3A_291 = arith.constant 0 : index
        %parallel_loop3A_292 = tpu.vector_load %arg11[%parallel_loop3A_289, %parallel_loop3A_290, %parallel_loop3A_291] {strides = array<i32>} : memref<2x80x256xi32, #tpu.memory_space<vmem>>, vector<1x1x16xi32>,
        %parallel_loop3A_293 = vector.shape_cast %parallel_loop3A_292 : vector<1x1x16xi32> to vector<16xi32>
        %parallel_loop3A_294 = arith.index_cast %select_n3A_175 : i32 to index
        %parallel_loop3A_295 = arith.index_cast %parallel_loop3A_271 : i32 to index
        %parallel_loop3A_296 = arith.constant 0 : index
        %parallel_loop3A_297 = tpu.vector_load %arg12[%parallel_loop3A_294, %parallel_loop3A_295, %parallel_loop3A_296] {strides = array<i32>} : memref<2x80x256xi32, #tpu.memory_space<vmem>>, vector<1x1x16xi32>,
        %parallel_loop3A_298 = vector.shape_cast %parallel_loop3A_297 : vector<1x1x16xi32> to vector<16xi32>
        %parallel_loop3A_299 = arith.index_cast %select_n3A_175 : i32 to index
        %parallel_loop3A_300 = arith.index_cast %parallel_loop3A_271 : i32 to index
        %parallel_loop3A_301 = arith.constant 0 : index
        %parallel_loop3A_302 = tpu.vector_load %arg13[%parallel_loop3A_299, %parallel_loop3A_300, %parallel_loop3A_301] {strides = array<i32>} : memref<2x80x256xi32, #tpu.memory_space<vmem>>, vector<1x1x16xi32>,
        %parallel_loop3A_303 = vector.shape_cast %parallel_loop3A_302 : vector<1x1x16xi32> to vector<16xi32>
        %parallel_loop3A_304 = arith.constant -65536 : i32
        %parallel_loop3A_305 = vector.broadcast %parallel_loop3A_304 : i32 to vector<16xi32>
        %parallel_loop3A_306 = arith.andi %parallel_loop3A_293, %parallel_loop3A_305 : vector<16xi32>
        %parallel_loop3A_307 = arith.sitofp %parallel_loop3A_306 : vector<16xi32> to vector<16xf32>
        %parallel_loop3A_308 = arith.constant 16 : i32
        %parallel_loop3A_309 = vector.broadcast %parallel_loop3A_308 : i32 to vector<16xi32>
        %parallel_loop3A_310 = arith.shli %parallel_loop3A_293, %parallel_loop3A_309 : vector<16xi32>
        %parallel_loop3A_311 = arith.sitofp %parallel_loop3A_310 : vector<16xi32> to vector<16xf32>
        %parallel_loop3A_312 = arith.constant -65536 : i32
        %parallel_loop3A_313 = vector.broadcast %parallel_loop3A_312 : i32 to vector<16xi32>
        %parallel_loop3A_314 = arith.andi %parallel_loop3A_298, %parallel_loop3A_313 : vector<16xi32>
        %parallel_loop3A_315 = arith.sitofp %parallel_loop3A_314 : vector<16xi32> to vector<16xf32>
        %parallel_loop3A_316 = arith.constant 16 : i32
        %parallel_loop3A_317 = vector.broadcast %parallel_loop3A_316 : i32 to vector<16xi32>
        %parallel_loop3A_318 = arith.shli %parallel_loop3A_298, %parallel_loop3A_317 : vector<16xi32>
        %parallel_loop3A_319 = arith.sitofp %parallel_loop3A_318 : vector<16xi32> to vector<16xf32>
        %parallel_loop3A_320 = arith.constant -65536 : i32
        %parallel_loop3A_321 = vector.broadcast %parallel_loop3A_320 : i32 to vector<16xi32>
        %parallel_loop3A_322 = arith.andi %parallel_loop3A_303, %parallel_loop3A_321 : vector<16xi32>
        %parallel_loop3A_323 = arith.sitofp %parallel_loop3A_322 : vector<16xi32> to vector<16xf32>
        %parallel_loop3A_324 = arith.constant 16 : i32
        %parallel_loop3A_325 = vector.broadcast %parallel_loop3A_324 : i32 to vector<16xi32>
        %parallel_loop3A_326 = arith.shli %parallel_loop3A_303, %parallel_loop3A_325 : vector<16xi32>
        %parallel_loop3A_327 = arith.sitofp %parallel_loop3A_326 : vector<16xi32> to vector<16xf32>
        %parallel_loop3A_328 = arith.mulf %parallel_loop3A_307, %parallel_loop3A_315 : vector<16xf32>
        %parallel_loop3A_329 = arith.mulf %parallel_loop3A_328, %parallel_loop3A_323 : vector<16xf32>
        %parallel_loop3A_330 = arith.addf %parallel_loop3A_274, %parallel_loop3A_329 : vector<16xf32>
        %parallel_loop3A_331 = arith.mulf %parallel_loop3A_311, %parallel_loop3A_319 : vector<16xf32>
        %parallel_loop3A_332 = arith.mulf %parallel_loop3A_331, %parallel_loop3A_327 : vector<16xf32>
        %parallel_loop3A_333 = arith.addf %parallel_loop3A_282, %parallel_loop3A_332 : vector<16xf32>
        %parallel_loop3A_334 = arith.index_cast %select_n3A_175 : i32 to index
        %parallel_loop3A_335 = arith.index_cast %parallel_loop3A_271 : i32 to index
        %parallel_loop3A_336 = arith.constant 16 : index
        %parallel_loop3A_337 = tpu.vector_load %arg11[%parallel_loop3A_334, %parallel_loop3A_335, %parallel_loop3A_336] {strides = array<i32>} : memref<2x80x256xi32, #tpu.memory_space<vmem>>, vector<1x1x16xi32>,
        %parallel_loop3A_338 = vector.shape_cast %parallel_loop3A_337 : vector<1x1x16xi32> to vector<16xi32>
        %parallel_loop3A_339 = arith.index_cast %select_n3A_175 : i32 to index
        %parallel_loop3A_340 = arith.index_cast %parallel_loop3A_271 : i32 to index
        %parallel_loop3A_341 = arith.constant 16 : index
        %parallel_loop3A_342 = tpu.vector_load %arg12[%parallel_loop3A_339, %parallel_loop3A_340, %parallel_loop3A_341] {strides = array<i32>} : memref<2x80x256xi32, #tpu.memory_space<vmem>>, vector<1x1x16xi32>,
        %parallel_loop3A_343 = vector.shape_cast %parallel_loop3A_342 : vector<1x1x16xi32> to vector<16xi32>
        %parallel_loop3A_344 = arith.index_cast %select_n3A_175 : i32 to index
        %parallel_loop3A_345 = arith.index_cast %parallel_loop3A_271 : i32 to index
        %parallel_loop3A_346 = arith.constant 16 : index
        %parallel_loop3A_347 = tpu.vector_load %arg13[%parallel_loop3A_344, %parallel_loop3A_345, %parallel_loop3A_346] {strides = array<i32>} : memref<2x80x256xi32, #tpu.memory_space<vmem>>, vector<1x1x16xi32>,
        %parallel_loop3A_348 = vector.shape_cast %parallel_loop3A_347 : vector<1x1x16xi32> to vector<16xi32>
        %parallel_loop3A_349 = arith.constant -65536 : i32
        %parallel_loop3A_350 = vector.broadcast %parallel_loop3A_349 : i32 to vector<16xi32>
        %parallel_loop3A_351 = arith.andi %parallel_loop3A_338, %parallel_loop3A_350 : vector<16xi32>
        %parallel_loop3A_352 = arith.sitofp %parallel_loop3A_351 : vector<16xi32> to vector<16xf32>
        %parallel_loop3A_353 = arith.constant 16 : i32
        %parallel_loop3A_354 = vector.broadcast %parallel_loop3A_353 : i32 to vector<16xi32>
        %parallel_loop3A_355 = arith.shli %parallel_loop3A_338, %parallel_loop3A_354 : vector<16xi32>
        %parallel_loop3A_356 = arith.sitofp %parallel_loop3A_355 : vector<16xi32> to vector<16xf32>
        %parallel_loop3A_357 = arith.constant -65536 : i32
        %parallel_loop3A_358 = vector.broadcast %parallel_loop3A_357 : i32 to vector<16xi32>
        %parallel_loop3A_359 = arith.andi %parallel_loop3A_343, %parallel_loop3A_358 : vector<16xi32>
        %parallel_loop3A_360 = arith.sitofp %parallel_loop3A_359 : vector<16xi32> to vector<16xf32>
        %parallel_loop3A_361 = arith.constant 16 : i32
        %parallel_loop3A_362 = vector.broadcast %parallel_loop3A_361 : i32 to vector<16xi32>
        %parallel_loop3A_363 = arith.shli %parallel_loop3A_343, %parallel_loop3A_362 : vector<16xi32>
        %parallel_loop3A_364 = arith.sitofp %parallel_loop3A_363 : vector<16xi32> to vector<16xf32>
        %parallel_loop3A_365 = arith.constant -65536 : i32
        %parallel_loop3A_366 = vector.broadcast %parallel_loop3A_365 : i32 to vector<16xi32>
        %parallel_loop3A_367 = arith.andi %parallel_loop3A_348, %parallel_loop3A_366 : vector<16xi32>
        %parallel_loop3A_368 = arith.sitofp %parallel_loop3A_367 : vector<16xi32> to vector<16xf32>
        %parallel_loop3A_369 = arith.constant 16 : i32
        %parallel_loop3A_370 = vector.broadcast %parallel_loop3A_369 : i32 to vector<16xi32>
        %parallel_loop3A_371 = arith.shli %parallel_loop3A_348, %parallel_loop3A_370 : vector<16xi32>
        %parallel_loop3A_372 = arith.sitofp %parallel_loop3A_371 : vector<16xi32> to vector<16xf32>
        %parallel_loop3A_373 = arith.mulf %parallel_loop3A_352, %parallel_loop3A_360 : vector<16xf32>
        %parallel_loop3A_374 = arith.mulf %parallel_loop3A_373, %parallel_loop3A_368 : vector<16xf32>
        %parallel_loop3A_375 = arith.addf %parallel_loop3A_276, %parallel_loop3A_374 : vector<16xf32>
        %parallel_loop3A_376 = arith.mulf %parallel_loop3A_356, %parallel_loop3A_364 : vector<16xf32>
        %parallel_loop3A_377 = arith.mulf %parallel_loop3A_376, %parallel_loop3A_372 : vector<16xf32>
        %parallel_loop3A_378 = arith.addf %parallel_loop3A_284, %parallel_loop3A_377 : vector<16xf32>
        %parallel_loop3A_379 = arith.index_cast %select_n3A_175 : i32 to index
        %parallel_loop3A_380 = arith.index_cast %parallel_loop3A_271 : i32 to index
        %parallel_loop3A_381 = arith.constant 32 : index
        %parallel_loop3A_382 = tpu.vector_load %arg11[%parallel_loop3A_379, %parallel_loop3A_380, %parallel_loop3A_381] {strides = array<i32>} : memref<2x80x256xi32, #tpu.memory_space<vmem>>, vector<1x1x16xi32>,
        %parallel_loop3A_383 = vector.shape_cast %parallel_loop3A_382 : vector<1x1x16xi32> to vector<16xi32>
        %parallel_loop3A_384 = arith.index_cast %select_n3A_175 : i32 to index
        %parallel_loop3A_385 = arith.index_cast %parallel_loop3A_271 : i32 to index
        %parallel_loop3A_386 = arith.constant 32 : index
        %parallel_loop3A_387 = tpu.vector_load %arg12[%parallel_loop3A_384, %parallel_loop3A_385, %parallel_loop3A_386] {strides = array<i32>} : memref<2x80x256xi32, #tpu.memory_space<vmem>>, vector<1x1x16xi32>,
        %parallel_loop3A_388 = vector.shape_cast %parallel_loop3A_387 : vector<1x1x16xi32> to vector<16xi32>
        %parallel_loop3A_389 = arith.index_cast %select_n3A_175 : i32 to index
        %parallel_loop3A_390 = arith.index_cast %parallel_loop3A_271 : i32 to index
        %parallel_loop3A_391 = arith.constant 32 : index
        %parallel_loop3A_392 = tpu.vector_load %arg13[%parallel_loop3A_389, %parallel_loop3A_390, %parallel_loop3A_391] {strides = array<i32>} : memref<2x80x256xi32, #tpu.memory_space<vmem>>, vector<1x1x16xi32>,
        %parallel_loop3A_393 = vector.shape_cast %parallel_loop3A_392 : vector<1x1x16xi32> to vector<16xi32>
        %parallel_loop3A_394 = arith.constant -65536 : i32
        %parallel_loop3A_395 = vector.broadcast %parallel_loop3A_394 : i32 to vector<16xi32>
        %parallel_loop3A_396 = arith.andi %parallel_loop3A_383, %parallel_loop3A_395 : vector<16xi32>
        %parallel_loop3A_397 = arith.sitofp %parallel_loop3A_396 : vector<16xi32> to vector<16xf32>
        %parallel_loop3A_398 = arith.constant 16 : i32
        %parallel_loop3A_399 = vector.broadcast %parallel_loop3A_398 : i32 to vector<16xi32>
        %parallel_loop3A_400 = arith.shli %parallel_loop3A_383, %parallel_loop3A_399 : vector<16xi32>
        %parallel_loop3A_401 = arith.sitofp %parallel_loop3A_400 : vector<16xi32> to vector<16xf32>
        %parallel_loop3A_402 = arith.constant -65536 : i32
        %parallel_loop3A_403 = vector.broadcast %parallel_loop3A_402 : i32 to vector<16xi32>
        %parallel_loop3A_404 = arith.andi %parallel_loop3A_388, %parallel_loop3A_403 : vector<16xi32>
        %parallel_loop3A_405 = arith.sitofp %parallel_loop3A_404 : vector<16xi32> to vector<16xf32>
        %parallel_loop3A_406 = arith.constant 16 : i32
        %parallel_loop3A_407 = vector.broadcast %parallel_loop3A_406 : i32 to vector<16xi32>
        %parallel_loop3A_408 = arith.shli %parallel_loop3A_388, %parallel_loop3A_407 : vector<16xi32>
        %parallel_loop3A_409 = arith.sitofp %parallel_loop3A_408 : vector<16xi32> to vector<16xf32>
        %parallel_loop3A_410 = arith.constant -65536 : i32
        %parallel_loop3A_411 = vector.broadcast %parallel_loop3A_410 : i32 to vector<16xi32>
        %parallel_loop3A_412 = arith.andi %parallel_loop3A_393, %parallel_loop3A_411 : vector<16xi32>
        %parallel_loop3A_413 = arith.sitofp %parallel_loop3A_412 : vector<16xi32> to vector<16xf32>
        %parallel_loop3A_414 = arith.constant 16 : i32
        %parallel_loop3A_415 = vector.broadcast %parallel_loop3A_414 : i32 to vector<16xi32>
        %parallel_loop3A_416 = arith.shli %parallel_loop3A_393, %parallel_loop3A_415 : vector<16xi32>
        %parallel_loop3A_417 = arith.sitofp %parallel_loop3A_416 : vector<16xi32> to vector<16xf32>
        %parallel_loop3A_418 = arith.mulf %parallel_loop3A_397, %parallel_loop3A_405 : vector<16xf32>
        %parallel_loop3A_419 = arith.mulf %parallel_loop3A_418, %parallel_loop3A_413 : vector<16xf32>
        %parallel_loop3A_420 = arith.addf %parallel_loop3A_278, %parallel_loop3A_419 : vector<16xf32>
        %parallel_loop3A_421 = arith.mulf %parallel_loop3A_401, %parallel_loop3A_409 : vector<16xf32>
        %parallel_loop3A_422 = arith.mulf %parallel_loop3A_421, %parallel_loop3A_417 : vector<16xf32>
        %parallel_loop3A_423 = arith.addf %parallel_loop3A_286, %parallel_loop3A_422 : vector<16xf32>
        %parallel_loop3A_424 = arith.index_cast %select_n3A_175 : i32 to index
        %parallel_loop3A_425 = arith.index_cast %parallel_loop3A_271 : i32 to index
        %parallel_loop3A_426 = arith.constant 48 : index
        %parallel_loop3A_427 = tpu.vector_load %arg11[%parallel_loop3A_424, %parallel_loop3A_425, %parallel_loop3A_426] {strides = array<i32>} : memref<2x80x256xi32, #tpu.memory_space<vmem>>, vector<1x1x16xi32>,
        %parallel_loop3A_428 = vector.shape_cast %parallel_loop3A_427 : vector<1x1x16xi32> to vector<16xi32>
        %parallel_loop3A_429 = arith.index_cast %select_n3A_175 : i32 to index
        %parallel_loop3A_430 = arith.index_cast %parallel_loop3A_271 : i32 to index
        %parallel_loop3A_431 = arith.constant 48 : index
        %parallel_loop3A_432 = tpu.vector_load %arg12[%parallel_loop3A_429, %parallel_loop3A_430, %parallel_loop3A_431] {strides = array<i32>} : memref<2x80x256xi32, #tpu.memory_space<vmem>>, vector<1x1x16xi32>,
        %parallel_loop3A_433 = vector.shape_cast %parallel_loop3A_432 : vector<1x1x16xi32> to vector<16xi32>
        %parallel_loop3A_434 = arith.index_cast %select_n3A_175 : i32 to index
        %parallel_loop3A_435 = arith.index_cast %parallel_loop3A_271 : i32 to index
        %parallel_loop3A_436 = arith.constant 48 : index
        %parallel_loop3A_437 = tpu.vector_load %arg13[%parallel_loop3A_434, %parallel_loop3A_435, %parallel_loop3A_436] {strides = array<i32>} : memref<2x80x256xi32, #tpu.memory_space<vmem>>, vector<1x1x16xi32>,
        %parallel_loop3A_438 = vector.shape_cast %parallel_loop3A_437 : vector<1x1x16xi32> to vector<16xi32>
        %parallel_loop3A_439 = arith.constant -65536 : i32
        %parallel_loop3A_440 = vector.broadcast %parallel_loop3A_439 : i32 to vector<16xi32>
        %parallel_loop3A_441 = arith.andi %parallel_loop3A_428, %parallel_loop3A_440 : vector<16xi32>
        %parallel_loop3A_442 = arith.sitofp %parallel_loop3A_441 : vector<16xi32> to vector<16xf32>
        %parallel_loop3A_443 = arith.constant 16 : i32
        %parallel_loop3A_444 = vector.broadcast %parallel_loop3A_443 : i32 to vector<16xi32>
        %parallel_loop3A_445 = arith.shli %parallel_loop3A_428, %parallel_loop3A_444 : vector<16xi32>
        %parallel_loop3A_446 = arith.sitofp %parallel_loop3A_445 : vector<16xi32> to vector<16xf32>
        %parallel_loop3A_447 = arith.constant -65536 : i32
        %parallel_loop3A_448 = vector.broadcast %parallel_loop3A_447 : i32 to vector<16xi32>
        %parallel_loop3A_449 = arith.andi %parallel_loop3A_433, %parallel_loop3A_448 : vector<16xi32>
        %parallel_loop3A_450 = arith.sitofp %parallel_loop3A_449 : vector<16xi32> to vector<16xf32>
        %parallel_loop3A_451 = arith.constant 16 : i32
        %parallel_loop3A_452 = vector.broadcast %parallel_loop3A_451 : i32 to vector<16xi32>
        %parallel_loop3A_453 = arith.shli %parallel_loop3A_433, %parallel_loop3A_452 : vector<16xi32>
        %parallel_loop3A_454 = arith.sitofp %parallel_loop3A_453 : vector<16xi32> to vector<16xf32>
        %parallel_loop3A_455 = arith.constant -65536 : i32
        %parallel_loop3A_456 = vector.broadcast %parallel_loop3A_455 : i32 to vector<16xi32>
        %parallel_loop3A_457 = arith.andi %parallel_loop3A_438, %parallel_loop3A_456 : vector<16xi32>
        %parallel_loop3A_458 = arith.sitofp %parallel_loop3A_457 : vector<16xi32> to vector<16xf32>
        %parallel_loop3A_459 = arith.constant 16 : i32
        %parallel_loop3A_460 = vector.broadcast %parallel_loop3A_459 : i32 to vector<16xi32>
        %parallel_loop3A_461 = arith.shli %parallel_loop3A_438, %parallel_loop3A_460 : vector<16xi32>
        %parallel_loop3A_462 = arith.sitofp %parallel_loop3A_461 : vector<16xi32> to vector<16xf32>
        %parallel_loop3A_463 = arith.mulf %parallel_loop3A_442, %parallel_loop3A_450 : vector<16xf32>
        %parallel_loop3A_464 = arith.mulf %parallel_loop3A_463, %parallel_loop3A_458 : vector<16xf32>
        %parallel_loop3A_465 = arith.addf %parallel_loop3A_280, %parallel_loop3A_464 : vector<16xf32>
        %parallel_loop3A_466 = arith.mulf %parallel_loop3A_446, %parallel_loop3A_454 : vector<16xf32>
        %parallel_loop3A_467 = arith.mulf %parallel_loop3A_466, %parallel_loop3A_462 : vector<16xf32>
        %parallel_loop3A_468 = arith.addf %parallel_loop3A_288, %parallel_loop3A_467 : vector<16xf32>
        %parallel_loop3A_469 = arith.index_cast %select_n3A_175 : i32 to index
        %parallel_loop3A_470 = arith.index_cast %parallel_loop3A_271 : i32 to index
        %parallel_loop3A_471 = arith.constant 64 : index
        %parallel_loop3A_472 = tpu.vector_load %arg11[%parallel_loop3A_469, %parallel_loop3A_470, %parallel_loop3A_471] {strides = array<i32>} : memref<2x80x256xi32, #tpu.memory_space<vmem>>, vector<1x1x16xi32>,
        %parallel_loop3A_473 = vector.shape_cast %parallel_loop3A_472 : vector<1x1x16xi32> to vector<16xi32>
        %parallel_loop3A_474 = arith.index_cast %select_n3A_175 : i32 to index
        %parallel_loop3A_475 = arith.index_cast %parallel_loop3A_271 : i32 to index
        %parallel_loop3A_476 = arith.constant 64 : index
        %parallel_loop3A_477 = tpu.vector_load %arg12[%parallel_loop3A_474, %parallel_loop3A_475, %parallel_loop3A_476] {strides = array<i32>} : memref<2x80x256xi32, #tpu.memory_space<vmem>>, vector<1x1x16xi32>,
        %parallel_loop3A_478 = vector.shape_cast %parallel_loop3A_477 : vector<1x1x16xi32> to vector<16xi32>
        %parallel_loop3A_479 = arith.index_cast %select_n3A_175 : i32 to index
        %parallel_loop3A_480 = arith.index_cast %parallel_loop3A_271 : i32 to index
        %parallel_loop3A_481 = arith.constant 64 : index
        %parallel_loop3A_482 = tpu.vector_load %arg13[%parallel_loop3A_479, %parallel_loop3A_480, %parallel_loop3A_481] {strides = array<i32>} : memref<2x80x256xi32, #tpu.memory_space<vmem>>, vector<1x1x16xi32>,
        %parallel_loop3A_483 = vector.shape_cast %parallel_loop3A_482 : vector<1x1x16xi32> to vector<16xi32>
        %parallel_loop3A_484 = arith.constant -65536 : i32
        %parallel_loop3A_485 = vector.broadcast %parallel_loop3A_484 : i32 to vector<16xi32>
        %parallel_loop3A_486 = arith.andi %parallel_loop3A_473, %parallel_loop3A_485 : vector<16xi32>
        %parallel_loop3A_487 = arith.sitofp %parallel_loop3A_486 : vector<16xi32> to vector<16xf32>
        %parallel_loop3A_488 = arith.constant 16 : i32
        %parallel_loop3A_489 = vector.broadcast %parallel_loop3A_488 : i32 to vector<16xi32>
        %parallel_loop3A_490 = arith.shli %parallel_loop3A_473, %parallel_loop3A_489 : vector<16xi32>
        %parallel_loop3A_491 = arith.sitofp %parallel_loop3A_490 : vector<16xi32> to vector<16xf32>
        %parallel_loop3A_492 = arith.constant -65536 : i32
        %parallel_loop3A_493 = vector.broadcast %parallel_loop3A_492 : i32 to vector<16xi32>
        %parallel_loop3A_494 = arith.andi %parallel_loop3A_478, %parallel_loop3A_493 : vector<16xi32>
        %parallel_loop3A_495 = arith.sitofp %parallel_loop3A_494 : vector<16xi32> to vector<16xf32>
        %parallel_loop3A_496 = arith.constant 16 : i32
        %parallel_loop3A_497 = vector.broadcast %parallel_loop3A_496 : i32 to vector<16xi32>
        %parallel_loop3A_498 = arith.shli %parallel_loop3A_478, %parallel_loop3A_497 : vector<16xi32>
        %parallel_loop3A_499 = arith.sitofp %parallel_loop3A_498 : vector<16xi32> to vector<16xf32>
        %parallel_loop3A_500 = arith.constant -65536 : i32
        %parallel_loop3A_501 = vector.broadcast %parallel_loop3A_500 : i32 to vector<16xi32>
        %parallel_loop3A_502 = arith.andi %parallel_loop3A_483, %parallel_loop3A_501 : vector<16xi32>
        %parallel_loop3A_503 = arith.sitofp %parallel_loop3A_502 : vector<16xi32> to vector<16xf32>
        %parallel_loop3A_504 = arith.constant 16 : i32
        %parallel_loop3A_505 = vector.broadcast %parallel_loop3A_504 : i32 to vector<16xi32>
        %parallel_loop3A_506 = arith.shli %parallel_loop3A_483, %parallel_loop3A_505 : vector<16xi32>
        %parallel_loop3A_507 = arith.sitofp %parallel_loop3A_506 : vector<16xi32> to vector<16xf32>
        %parallel_loop3A_508 = arith.mulf %parallel_loop3A_487, %parallel_loop3A_495 : vector<16xf32>
        %parallel_loop3A_509 = arith.mulf %parallel_loop3A_508, %parallel_loop3A_503 : vector<16xf32>
        %parallel_loop3A_510 = arith.addf %parallel_loop3A_330, %parallel_loop3A_509 : vector<16xf32>
        %parallel_loop3A_511 = arith.mulf %parallel_loop3A_491, %parallel_loop3A_499 : vector<16xf32>
        %parallel_loop3A_512 = arith.mulf %parallel_loop3A_511, %parallel_loop3A_507 : vector<16xf32>
        %parallel_loop3A_513 = arith.addf %parallel_loop3A_333, %parallel_loop3A_512 : vector<16xf32>
        %parallel_loop3A_514 = arith.index_cast %select_n3A_175 : i32 to index
        %parallel_loop3A_515 = arith.index_cast %parallel_loop3A_271 : i32 to index
        %parallel_loop3A_516 = arith.constant 80 : index
        %parallel_loop3A_517 = tpu.vector_load %arg11[%parallel_loop3A_514, %parallel_loop3A_515, %parallel_loop3A_516] {strides = array<i32>} : memref<2x80x256xi32, #tpu.memory_space<vmem>>, vector<1x1x16xi32>,
        %parallel_loop3A_518 = vector.shape_cast %parallel_loop3A_517 : vector<1x1x16xi32> to vector<16xi32>
        %parallel_loop3A_519 = arith.index_cast %select_n3A_175 : i32 to index
        %parallel_loop3A_520 = arith.index_cast %parallel_loop3A_271 : i32 to index
        %parallel_loop3A_521 = arith.constant 80 : index
        %parallel_loop3A_522 = tpu.vector_load %arg12[%parallel_loop3A_519, %parallel_loop3A_520, %parallel_loop3A_521] {strides = array<i32>} : memref<2x80x256xi32, #tpu.memory_space<vmem>>, vector<1x1x16xi32>,
        %parallel_loop3A_523 = vector.shape_cast %parallel_loop3A_522 : vector<1x1x16xi32> to vector<16xi32>
        %parallel_loop3A_524 = arith.index_cast %select_n3A_175 : i32 to index
        %parallel_loop3A_525 = arith.index_cast %parallel_loop3A_271 : i32 to index
        %parallel_loop3A_526 = arith.constant 80 : index
        %parallel_loop3A_527 = tpu.vector_load %arg13[%parallel_loop3A_524, %parallel_loop3A_525, %parallel_loop3A_526] {strides = array<i32>} : memref<2x80x256xi32, #tpu.memory_space<vmem>>, vector<1x1x16xi32>,
        %parallel_loop3A_528 = vector.shape_cast %parallel_loop3A_527 : vector<1x1x16xi32> to vector<16xi32>
        %parallel_loop3A_529 = arith.constant -65536 : i32
        %parallel_loop3A_530 = vector.broadcast %parallel_loop3A_529 : i32 to vector<16xi32>
        %parallel_loop3A_531 = arith.andi %parallel_loop3A_518, %parallel_loop3A_530 : vector<16xi32>
        %parallel_loop3A_532 = arith.sitofp %parallel_loop3A_531 : vector<16xi32> to vector<16xf32>
        %parallel_loop3A_533 = arith.constant 16 : i32
        %parallel_loop3A_534 = vector.broadcast %parallel_loop3A_533 : i32 to vector<16xi32>
        %parallel_loop3A_535 = arith.shli %parallel_loop3A_518, %parallel_loop3A_534 : vector<16xi32>
        %parallel_loop3A_536 = arith.sitofp %parallel_loop3A_535 : vector<16xi32> to vector<16xf32>
        %parallel_loop3A_537 = arith.constant -65536 : i32
        %parallel_loop3A_538 = vector.broadcast %parallel_loop3A_537 : i32 to vector<16xi32>
        %parallel_loop3A_539 = arith.andi %parallel_loop3A_523, %parallel_loop3A_538 : vector<16xi32>
        %parallel_loop3A_540 = arith.sitofp %parallel_loop3A_539 : vector<16xi32> to vector<16xf32>
        %parallel_loop3A_541 = arith.constant 16 : i32
        %parallel_loop3A_542 = vector.broadcast %parallel_loop3A_541 : i32 to vector<16xi32>
        %parallel_loop3A_543 = arith.shli %parallel_loop3A_523, %parallel_loop3A_542 : vector<16xi32>
        %parallel_loop3A_544 = arith.sitofp %parallel_loop3A_543 : vector<16xi32> to vector<16xf32>
        %parallel_loop3A_545 = arith.constant -65536 : i32
        %parallel_loop3A_546 = vector.broadcast %parallel_loop3A_545 : i32 to vector<16xi32>
        %parallel_loop3A_547 = arith.andi %parallel_loop3A_528, %parallel_loop3A_546 : vector<16xi32>
        %parallel_loop3A_548 = arith.sitofp %parallel_loop3A_547 : vector<16xi32> to vector<16xf32>
        %parallel_loop3A_549 = arith.constant 16 : i32
        %parallel_loop3A_550 = vector.broadcast %parallel_loop3A_549 : i32 to vector<16xi32>
        %parallel_loop3A_551 = arith.shli %parallel_loop3A_528, %parallel_loop3A_550 : vector<16xi32>
        %parallel_loop3A_552 = arith.sitofp %parallel_loop3A_551 : vector<16xi32> to vector<16xf32>
        %parallel_loop3A_553 = arith.mulf %parallel_loop3A_532, %parallel_loop3A_540 : vector<16xf32>
        %parallel_loop3A_554 = arith.mulf %parallel_loop3A_553, %parallel_loop3A_548 : vector<16xf32>
        %parallel_loop3A_555 = arith.addf %parallel_loop3A_375, %parallel_loop3A_554 : vector<16xf32>
        %parallel_loop3A_556 = arith.mulf %parallel_loop3A_536, %parallel_loop3A_544 : vector<16xf32>
        %parallel_loop3A_557 = arith.mulf %parallel_loop3A_556, %parallel_loop3A_552 : vector<16xf32>
        %parallel_loop3A_558 = arith.addf %parallel_loop3A_378, %parallel_loop3A_557 : vector<16xf32>
        %parallel_loop3A_559 = arith.index_cast %select_n3A_175 : i32 to index
        %parallel_loop3A_560 = arith.index_cast %parallel_loop3A_271 : i32 to index
        %parallel_loop3A_561 = arith.constant 96 : index
        %parallel_loop3A_562 = tpu.vector_load %arg11[%parallel_loop3A_559, %parallel_loop3A_560, %parallel_loop3A_561] {strides = array<i32>} : memref<2x80x256xi32, #tpu.memory_space<vmem>>, vector<1x1x16xi32>,
        %parallel_loop3A_563 = vector.shape_cast %parallel_loop3A_562 : vector<1x1x16xi32> to vector<16xi32>
        %parallel_loop3A_564 = arith.index_cast %select_n3A_175 : i32 to index
        %parallel_loop3A_565 = arith.index_cast %parallel_loop3A_271 : i32 to index
        %parallel_loop3A_566 = arith.constant 96 : index
        %parallel_loop3A_567 = tpu.vector_load %arg12[%parallel_loop3A_564, %parallel_loop3A_565, %parallel_loop3A_566] {strides = array<i32>} : memref<2x80x256xi32, #tpu.memory_space<vmem>>, vector<1x1x16xi32>,
        %parallel_loop3A_568 = vector.shape_cast %parallel_loop3A_567 : vector<1x1x16xi32> to vector<16xi32>
        %parallel_loop3A_569 = arith.index_cast %select_n3A_175 : i32 to index
        %parallel_loop3A_570 = arith.index_cast %parallel_loop3A_271 : i32 to index
        %parallel_loop3A_571 = arith.constant 96 : index
        %parallel_loop3A_572 = tpu.vector_load %arg13[%parallel_loop3A_569, %parallel_loop3A_570, %parallel_loop3A_571] {strides = array<i32>} : memref<2x80x256xi32, #tpu.memory_space<vmem>>, vector<1x1x16xi32>,
        %parallel_loop3A_573 = vector.shape_cast %parallel_loop3A_572 : vector<1x1x16xi32> to vector<16xi32>
        %parallel_loop3A_574 = arith.constant -65536 : i32
        %parallel_loop3A_575 = vector.broadcast %parallel_loop3A_574 : i32 to vector<16xi32>
        %parallel_loop3A_576 = arith.andi %parallel_loop3A_563, %parallel_loop3A_575 : vector<16xi32>
        %parallel_loop3A_577 = arith.sitofp %parallel_loop3A_576 : vector<16xi32> to vector<16xf32>
        %parallel_loop3A_578 = arith.constant 16 : i32
        %parallel_loop3A_579 = vector.broadcast %parallel_loop3A_578 : i32 to vector<16xi32>
        %parallel_loop3A_580 = arith.shli %parallel_loop3A_563, %parallel_loop3A_579 : vector<16xi32>
        %parallel_loop3A_581 = arith.sitofp %parallel_loop3A_580 : vector<16xi32> to vector<16xf32>
        %parallel_loop3A_582 = arith.constant -65536 : i32
        %parallel_loop3A_583 = vector.broadcast %parallel_loop3A_582 : i32 to vector<16xi32>
        %parallel_loop3A_584 = arith.andi %parallel_loop3A_568, %parallel_loop3A_583 : vector<16xi32>
        %parallel_loop3A_585 = arith.sitofp %parallel_loop3A_584 : vector<16xi32> to vector<16xf32>
        %parallel_loop3A_586 = arith.constant 16 : i32
        %parallel_loop3A_587 = vector.broadcast %parallel_loop3A_586 : i32 to vector<16xi32>
        %parallel_loop3A_588 = arith.shli %parallel_loop3A_568, %parallel_loop3A_587 : vector<16xi32>
        %parallel_loop3A_589 = arith.sitofp %parallel_loop3A_588 : vector<16xi32> to vector<16xf32>
        %parallel_loop3A_590 = arith.constant -65536 : i32
        %parallel_loop3A_591 = vector.broadcast %parallel_loop3A_590 : i32 to vector<16xi32>
        %parallel_loop3A_592 = arith.andi %parallel_loop3A_573, %parallel_loop3A_591 : vector<16xi32>
        %parallel_loop3A_593 = arith.sitofp %parallel_loop3A_592 : vector<16xi32> to vector<16xf32>
        %parallel_loop3A_594 = arith.constant 16 : i32
        %parallel_loop3A_595 = vector.broadcast %parallel_loop3A_594 : i32 to vector<16xi32>
        %parallel_loop3A_596 = arith.shli %parallel_loop3A_573, %parallel_loop3A_595 : vector<16xi32>
        %parallel_loop3A_597 = arith.sitofp %parallel_loop3A_596 : vector<16xi32> to vector<16xf32>
        %parallel_loop3A_598 = arith.mulf %parallel_loop3A_577, %parallel_loop3A_585 : vector<16xf32>
        %parallel_loop3A_599 = arith.mulf %parallel_loop3A_598, %parallel_loop3A_593 : vector<16xf32>
        %parallel_loop3A_600 = arith.addf %parallel_loop3A_420, %parallel_loop3A_599 : vector<16xf32>
        %parallel_loop3A_601 = arith.mulf %parallel_loop3A_581, %parallel_loop3A_589 : vector<16xf32>
        %parallel_loop3A_602 = arith.mulf %parallel_loop3A_601, %parallel_loop3A_597 : vector<16xf32>
        %parallel_loop3A_603 = arith.addf %parallel_loop3A_423, %parallel_loop3A_602 : vector<16xf32>
        %parallel_loop3A_604 = arith.index_cast %select_n3A_175 : i32 to index
        %parallel_loop3A_605 = arith.index_cast %parallel_loop3A_271 : i32 to index
        %parallel_loop3A_606 = arith.constant 112 : index
        %parallel_loop3A_607 = tpu.vector_load %arg11[%parallel_loop3A_604, %parallel_loop3A_605, %parallel_loop3A_606] {strides = array<i32>} : memref<2x80x256xi32, #tpu.memory_space<vmem>>, vector<1x1x16xi32>,
        %parallel_loop3A_608 = vector.shape_cast %parallel_loop3A_607 : vector<1x1x16xi32> to vector<16xi32>
        %parallel_loop3A_609 = arith.index_cast %select_n3A_175 : i32 to index
        %parallel_loop3A_610 = arith.index_cast %parallel_loop3A_271 : i32 to index
        %parallel_loop3A_611 = arith.constant 112 : index
        %parallel_loop3A_612 = tpu.vector_load %arg12[%parallel_loop3A_609, %parallel_loop3A_610, %parallel_loop3A_611] {strides = array<i32>} : memref<2x80x256xi32, #tpu.memory_space<vmem>>, vector<1x1x16xi32>,
        %parallel_loop3A_613 = vector.shape_cast %parallel_loop3A_612 : vector<1x1x16xi32> to vector<16xi32>
        %parallel_loop3A_614 = arith.index_cast %select_n3A_175 : i32 to index
        %parallel_loop3A_615 = arith.index_cast %parallel_loop3A_271 : i32 to index
        %parallel_loop3A_616 = arith.constant 112 : index
        %parallel_loop3A_617 = tpu.vector_load %arg13[%parallel_loop3A_614, %parallel_loop3A_615, %parallel_loop3A_616] {strides = array<i32>} : memref<2x80x256xi32, #tpu.memory_space<vmem>>, vector<1x1x16xi32>,
        %parallel_loop3A_618 = vector.shape_cast %parallel_loop3A_617 : vector<1x1x16xi32> to vector<16xi32>
        %parallel_loop3A_619 = arith.constant -65536 : i32
        %parallel_loop3A_620 = vector.broadcast %parallel_loop3A_619 : i32 to vector<16xi32>
        %parallel_loop3A_621 = arith.andi %parallel_loop3A_608, %parallel_loop3A_620 : vector<16xi32>
        %parallel_loop3A_622 = arith.sitofp %parallel_loop3A_621 : vector<16xi32> to vector<16xf32>
        %parallel_loop3A_623 = arith.constant 16 : i32
        %parallel_loop3A_624 = vector.broadcast %parallel_loop3A_623 : i32 to vector<16xi32>
        %parallel_loop3A_625 = arith.shli %parallel_loop3A_608, %parallel_loop3A_624 : vector<16xi32>
        %parallel_loop3A_626 = arith.sitofp %parallel_loop3A_625 : vector<16xi32> to vector<16xf32>
        %parallel_loop3A_627 = arith.constant -65536 : i32
        %parallel_loop3A_628 = vector.broadcast %parallel_loop3A_627 : i32 to vector<16xi32>
        %parallel_loop3A_629 = arith.andi %parallel_loop3A_613, %parallel_loop3A_628 : vector<16xi32>
        %parallel_loop3A_630 = arith.sitofp %parallel_loop3A_629 : vector<16xi32> to vector<16xf32>
        %parallel_loop3A_631 = arith.constant 16 : i32
        %parallel_loop3A_632 = vector.broadcast %parallel_loop3A_631 : i32 to vector<16xi32>
        %parallel_loop3A_633 = arith.shli %parallel_loop3A_613, %parallel_loop3A_632 : vector<16xi32>
        %parallel_loop3A_634 = arith.sitofp %parallel_loop3A_633 : vector<16xi32> to vector<16xf32>
        %parallel_loop3A_635 = arith.constant -65536 : i32
        %parallel_loop3A_636 = vector.broadcast %parallel_loop3A_635 : i32 to vector<16xi32>
        %parallel_loop3A_637 = arith.andi %parallel_loop3A_618, %parallel_loop3A_636 : vector<16xi32>
        %parallel_loop3A_638 = arith.sitofp %parallel_loop3A_637 : vector<16xi32> to vector<16xf32>
        %parallel_loop3A_639 = arith.constant 16 : i32
        %parallel_loop3A_640 = vector.broadcast %parallel_loop3A_639 : i32 to vector<16xi32>
        %parallel_loop3A_641 = arith.shli %parallel_loop3A_618, %parallel_loop3A_640 : vector<16xi32>
        %parallel_loop3A_642 = arith.sitofp %parallel_loop3A_641 : vector<16xi32> to vector<16xf32>
        %parallel_loop3A_643 = arith.mulf %parallel_loop3A_622, %parallel_loop3A_630 : vector<16xf32>
        %parallel_loop3A_644 = arith.mulf %parallel_loop3A_643, %parallel_loop3A_638 : vector<16xf32>
        %parallel_loop3A_645 = arith.addf %parallel_loop3A_465, %parallel_loop3A_644 : vector<16xf32>
        %parallel_loop3A_646 = arith.mulf %parallel_loop3A_626, %parallel_loop3A_634 : vector<16xf32>
        %parallel_loop3A_647 = arith.mulf %parallel_loop3A_646, %parallel_loop3A_642 : vector<16xf32>
        %parallel_loop3A_648 = arith.addf %parallel_loop3A_468, %parallel_loop3A_647 : vector<16xf32>
        %parallel_loop3A_649 = arith.index_cast %select_n3A_175 : i32 to index
        %parallel_loop3A_650 = arith.index_cast %parallel_loop3A_271 : i32 to index
        %parallel_loop3A_651 = arith.constant 128 : index
        %parallel_loop3A_652 = tpu.vector_load %arg11[%parallel_loop3A_649, %parallel_loop3A_650, %parallel_loop3A_651] {strides = array<i32>} : memref<2x80x256xi32, #tpu.memory_space<vmem>>, vector<1x1x16xi32>,
        %parallel_loop3A_653 = vector.shape_cast %parallel_loop3A_652 : vector<1x1x16xi32> to vector<16xi32>
        %parallel_loop3A_654 = arith.index_cast %select_n3A_175 : i32 to index
        %parallel_loop3A_655 = arith.index_cast %parallel_loop3A_271 : i32 to index
        %parallel_loop3A_656 = arith.constant 128 : index
        %parallel_loop3A_657 = tpu.vector_load %arg12[%parallel_loop3A_654, %parallel_loop3A_655, %parallel_loop3A_656] {strides = array<i32>} : memref<2x80x256xi32, #tpu.memory_space<vmem>>, vector<1x1x16xi32>,
        %parallel_loop3A_658 = vector.shape_cast %parallel_loop3A_657 : vector<1x1x16xi32> to vector<16xi32>
        %parallel_loop3A_659 = arith.index_cast %select_n3A_175 : i32 to index
        %parallel_loop3A_660 = arith.index_cast %parallel_loop3A_271 : i32 to index
        %parallel_loop3A_661 = arith.constant 128 : index
        %parallel_loop3A_662 = tpu.vector_load %arg13[%parallel_loop3A_659, %parallel_loop3A_660, %parallel_loop3A_661] {strides = array<i32>} : memref<2x80x256xi32, #tpu.memory_space<vmem>>, vector<1x1x16xi32>,
        %parallel_loop3A_663 = vector.shape_cast %parallel_loop3A_662 : vector<1x1x16xi32> to vector<16xi32>
        %parallel_loop3A_664 = arith.constant -65536 : i32
        %parallel_loop3A_665 = vector.broadcast %parallel_loop3A_664 : i32 to vector<16xi32>
        %parallel_loop3A_666 = arith.andi %parallel_loop3A_653, %parallel_loop3A_665 : vector<16xi32>
        %parallel_loop3A_667 = arith.sitofp %parallel_loop3A_666 : vector<16xi32> to vector<16xf32>
        %parallel_loop3A_668 = arith.constant 16 : i32
        %parallel_loop3A_669 = vector.broadcast %parallel_loop3A_668 : i32 to vector<16xi32>
        %parallel_loop3A_670 = arith.shli %parallel_loop3A_653, %parallel_loop3A_669 : vector<16xi32>
        %parallel_loop3A_671 = arith.sitofp %parallel_loop3A_670 : vector<16xi32> to vector<16xf32>
        %parallel_loop3A_672 = arith.constant -65536 : i32
        %parallel_loop3A_673 = vector.broadcast %parallel_loop3A_672 : i32 to vector<16xi32>
        %parallel_loop3A_674 = arith.andi %parallel_loop3A_658, %parallel_loop3A_673 : vector<16xi32>
        %parallel_loop3A_675 = arith.sitofp %parallel_loop3A_674 : vector<16xi32> to vector<16xf32>
        %parallel_loop3A_676 = arith.constant 16 : i32
        %parallel_loop3A_677 = vector.broadcast %parallel_loop3A_676 : i32 to vector<16xi32>
        %parallel_loop3A_678 = arith.shli %parallel_loop3A_658, %parallel_loop3A_677 : vector<16xi32>
        %parallel_loop3A_679 = arith.sitofp %parallel_loop3A_678 : vector<16xi32> to vector<16xf32>
        %parallel_loop3A_680 = arith.constant -65536 : i32
        %parallel_loop3A_681 = vector.broadcast %parallel_loop3A_680 : i32 to vector<16xi32>
        %parallel_loop3A_682 = arith.andi %parallel_loop3A_663, %parallel_loop3A_681 : vector<16xi32>
        %parallel_loop3A_683 = arith.sitofp %parallel_loop3A_682 : vector<16xi32> to vector<16xf32>
        %parallel_loop3A_684 = arith.constant 16 : i32
        %parallel_loop3A_685 = vector.broadcast %parallel_loop3A_684 : i32 to vector<16xi32>
        %parallel_loop3A_686 = arith.shli %parallel_loop3A_663, %parallel_loop3A_685 : vector<16xi32>
        %parallel_loop3A_687 = arith.sitofp %parallel_loop3A_686 : vector<16xi32> to vector<16xf32>
        %parallel_loop3A_688 = arith.mulf %parallel_loop3A_667, %parallel_loop3A_675 : vector<16xf32>
        %parallel_loop3A_689 = arith.mulf %parallel_loop3A_688, %parallel_loop3A_683 : vector<16xf32>
        %parallel_loop3A_690 = arith.addf %parallel_loop3A_510, %parallel_loop3A_689 : vector<16xf32>
        %parallel_loop3A_691 = arith.mulf %parallel_loop3A_671, %parallel_loop3A_679 : vector<16xf32>
        %parallel_loop3A_692 = arith.mulf %parallel_loop3A_691, %parallel_loop3A_687 : vector<16xf32>
        %parallel_loop3A_693 = arith.addf %parallel_loop3A_513, %parallel_loop3A_692 : vector<16xf32>
        %parallel_loop3A_694 = arith.index_cast %select_n3A_175 : i32 to index
        %parallel_loop3A_695 = arith.index_cast %parallel_loop3A_271 : i32 to index
        %parallel_loop3A_696 = arith.constant 144 : index
        %parallel_loop3A_697 = tpu.vector_load %arg11[%parallel_loop3A_694, %parallel_loop3A_695, %parallel_loop3A_696] {strides = array<i32>} : memref<2x80x256xi32, #tpu.memory_space<vmem>>, vector<1x1x16xi32>,
        %parallel_loop3A_698 = vector.shape_cast %parallel_loop3A_697 : vector<1x1x16xi32> to vector<16xi32>
        %parallel_loop3A_699 = arith.index_cast %select_n3A_175 : i32 to index
        %parallel_loop3A_700 = arith.index_cast %parallel_loop3A_271 : i32 to index
        %parallel_loop3A_701 = arith.constant 144 : index
        %parallel_loop3A_702 = tpu.vector_load %arg12[%parallel_loop3A_699, %parallel_loop3A_700, %parallel_loop3A_701] {strides = array<i32>} : memref<2x80x256xi32, #tpu.memory_space<vmem>>, vector<1x1x16xi32>,
        %parallel_loop3A_703 = vector.shape_cast %parallel_loop3A_702 : vector<1x1x16xi32> to vector<16xi32>
        %parallel_loop3A_704 = arith.index_cast %select_n3A_175 : i32 to index
        %parallel_loop3A_705 = arith.index_cast %parallel_loop3A_271 : i32 to index
        %parallel_loop3A_706 = arith.constant 144 : index
        %parallel_loop3A_707 = tpu.vector_load %arg13[%parallel_loop3A_704, %parallel_loop3A_705, %parallel_loop3A_706] {strides = array<i32>} : memref<2x80x256xi32, #tpu.memory_space<vmem>>, vector<1x1x16xi32>,
        %parallel_loop3A_708 = vector.shape_cast %parallel_loop3A_707 : vector<1x1x16xi32> to vector<16xi32>
        %parallel_loop3A_709 = arith.constant -65536 : i32
        %parallel_loop3A_710 = vector.broadcast %parallel_loop3A_709 : i32 to vector<16xi32>
        %parallel_loop3A_711 = arith.andi %parallel_loop3A_698, %parallel_loop3A_710 : vector<16xi32>
        %parallel_loop3A_712 = arith.sitofp %parallel_loop3A_711 : vector<16xi32> to vector<16xf32>
        %parallel_loop3A_713 = arith.constant 16 : i32
        %parallel_loop3A_714 = vector.broadcast %parallel_loop3A_713 : i32 to vector<16xi32>
        %parallel_loop3A_715 = arith.shli %parallel_loop3A_698, %parallel_loop3A_714 : vector<16xi32>
        %parallel_loop3A_716 = arith.sitofp %parallel_loop3A_715 : vector<16xi32> to vector<16xf32>
        %parallel_loop3A_717 = arith.constant -65536 : i32
        %parallel_loop3A_718 = vector.broadcast %parallel_loop3A_717 : i32 to vector<16xi32>
        %parallel_loop3A_719 = arith.andi %parallel_loop3A_703, %parallel_loop3A_718 : vector<16xi32>
        %parallel_loop3A_720 = arith.sitofp %parallel_loop3A_719 : vector<16xi32> to vector<16xf32>
        %parallel_loop3A_721 = arith.constant 16 : i32
        %parallel_loop3A_722 = vector.broadcast %parallel_loop3A_721 : i32 to vector<16xi32>
        %parallel_loop3A_723 = arith.shli %parallel_loop3A_703, %parallel_loop3A_722 : vector<16xi32>
        %parallel_loop3A_724 = arith.sitofp %parallel_loop3A_723 : vector<16xi32> to vector<16xf32>
        %parallel_loop3A_725 = arith.constant -65536 : i32
        %parallel_loop3A_726 = vector.broadcast %parallel_loop3A_725 : i32 to vector<16xi32>
        %parallel_loop3A_727 = arith.andi %parallel_loop3A_708, %parallel_loop3A_726 : vector<16xi32>
        %parallel_loop3A_728 = arith.sitofp %parallel_loop3A_727 : vector<16xi32> to vector<16xf32>
        %parallel_loop3A_729 = arith.constant 16 : i32
        %parallel_loop3A_730 = vector.broadcast %parallel_loop3A_729 : i32 to vector<16xi32>
        %parallel_loop3A_731 = arith.shli %parallel_loop3A_708, %parallel_loop3A_730 : vector<16xi32>
        %parallel_loop3A_732 = arith.sitofp %parallel_loop3A_731 : vector<16xi32> to vector<16xf32>
        %parallel_loop3A_733 = arith.mulf %parallel_loop3A_712, %parallel_loop3A_720 : vector<16xf32>
        %parallel_loop3A_734 = arith.mulf %parallel_loop3A_733, %parallel_loop3A_728 : vector<16xf32>
        %parallel_loop3A_735 = arith.addf %parallel_loop3A_555, %parallel_loop3A_734 : vector<16xf32>
        %parallel_loop3A_736 = arith.mulf %parallel_loop3A_716, %parallel_loop3A_724 : vector<16xf32>
        %parallel_loop3A_737 = arith.mulf %parallel_loop3A_736, %parallel_loop3A_732 : vector<16xf32>
        %parallel_loop3A_738 = arith.addf %parallel_loop3A_558, %parallel_loop3A_737 : vector<16xf32>
        %parallel_loop3A_739 = arith.index_cast %select_n3A_175 : i32 to index
        %parallel_loop3A_740 = arith.index_cast %parallel_loop3A_271 : i32 to index
        %parallel_loop3A_741 = arith.constant 160 : index
        %parallel_loop3A_742 = tpu.vector_load %arg11[%parallel_loop3A_739, %parallel_loop3A_740, %parallel_loop3A_741] {strides = array<i32>} : memref<2x80x256xi32, #tpu.memory_space<vmem>>, vector<1x1x16xi32>,
        %parallel_loop3A_743 = vector.shape_cast %parallel_loop3A_742 : vector<1x1x16xi32> to vector<16xi32>
        %parallel_loop3A_744 = arith.index_cast %select_n3A_175 : i32 to index
        %parallel_loop3A_745 = arith.index_cast %parallel_loop3A_271 : i32 to index
        %parallel_loop3A_746 = arith.constant 160 : index
        %parallel_loop3A_747 = tpu.vector_load %arg12[%parallel_loop3A_744, %parallel_loop3A_745, %parallel_loop3A_746] {strides = array<i32>} : memref<2x80x256xi32, #tpu.memory_space<vmem>>, vector<1x1x16xi32>,
        %parallel_loop3A_748 = vector.shape_cast %parallel_loop3A_747 : vector<1x1x16xi32> to vector<16xi32>
        %parallel_loop3A_749 = arith.index_cast %select_n3A_175 : i32 to index
        %parallel_loop3A_750 = arith.index_cast %parallel_loop3A_271 : i32 to index
        %parallel_loop3A_751 = arith.constant 160 : index
        %parallel_loop3A_752 = tpu.vector_load %arg13[%parallel_loop3A_749, %parallel_loop3A_750, %parallel_loop3A_751] {strides = array<i32>} : memref<2x80x256xi32, #tpu.memory_space<vmem>>, vector<1x1x16xi32>,
        %parallel_loop3A_753 = vector.shape_cast %parallel_loop3A_752 : vector<1x1x16xi32> to vector<16xi32>
        %parallel_loop3A_754 = arith.constant -65536 : i32
        %parallel_loop3A_755 = vector.broadcast %parallel_loop3A_754 : i32 to vector<16xi32>
        %parallel_loop3A_756 = arith.andi %parallel_loop3A_743, %parallel_loop3A_755 : vector<16xi32>
        %parallel_loop3A_757 = arith.sitofp %parallel_loop3A_756 : vector<16xi32> to vector<16xf32>
        %parallel_loop3A_758 = arith.constant 16 : i32
        %parallel_loop3A_759 = vector.broadcast %parallel_loop3A_758 : i32 to vector<16xi32>
        %parallel_loop3A_760 = arith.shli %parallel_loop3A_743, %parallel_loop3A_759 : vector<16xi32>
        %parallel_loop3A_761 = arith.sitofp %parallel_loop3A_760 : vector<16xi32> to vector<16xf32>
        %parallel_loop3A_762 = arith.constant -65536 : i32
        %parallel_loop3A_763 = vector.broadcast %parallel_loop3A_762 : i32 to vector<16xi32>
        %parallel_loop3A_764 = arith.andi %parallel_loop3A_748, %parallel_loop3A_763 : vector<16xi32>
        %parallel_loop3A_765 = arith.sitofp %parallel_loop3A_764 : vector<16xi32> to vector<16xf32>
        %parallel_loop3A_766 = arith.constant 16 : i32
        %parallel_loop3A_767 = vector.broadcast %parallel_loop3A_766 : i32 to vector<16xi32>
        %parallel_loop3A_768 = arith.shli %parallel_loop3A_748, %parallel_loop3A_767 : vector<16xi32>
        %parallel_loop3A_769 = arith.sitofp %parallel_loop3A_768 : vector<16xi32> to vector<16xf32>
        %parallel_loop3A_770 = arith.constant -65536 : i32
        %parallel_loop3A_771 = vector.broadcast %parallel_loop3A_770 : i32 to vector<16xi32>
        %parallel_loop3A_772 = arith.andi %parallel_loop3A_753, %parallel_loop3A_771 : vector<16xi32>
        %parallel_loop3A_773 = arith.sitofp %parallel_loop3A_772 : vector<16xi32> to vector<16xf32>
        %parallel_loop3A_774 = arith.constant 16 : i32
        %parallel_loop3A_775 = vector.broadcast %parallel_loop3A_774 : i32 to vector<16xi32>
        %parallel_loop3A_776 = arith.shli %parallel_loop3A_753, %parallel_loop3A_775 : vector<16xi32>
        %parallel_loop3A_777 = arith.sitofp %parallel_loop3A_776 : vector<16xi32> to vector<16xf32>
        %parallel_loop3A_778 = arith.mulf %parallel_loop3A_757, %parallel_loop3A_765 : vector<16xf32>
        %parallel_loop3A_779 = arith.mulf %parallel_loop3A_778, %parallel_loop3A_773 : vector<16xf32>
        %parallel_loop3A_780 = arith.addf %parallel_loop3A_600, %parallel_loop3A_779 : vector<16xf32>
        %parallel_loop3A_781 = arith.mulf %parallel_loop3A_761, %parallel_loop3A_769 : vector<16xf32>
        %parallel_loop3A_782 = arith.mulf %parallel_loop3A_781, %parallel_loop3A_777 : vector<16xf32>
        %parallel_loop3A_783 = arith.addf %parallel_loop3A_603, %parallel_loop3A_782 : vector<16xf32>
        %parallel_loop3A_784 = arith.index_cast %select_n3A_175 : i32 to index
        %parallel_loop3A_785 = arith.index_cast %parallel_loop3A_271 : i32 to index
        %parallel_loop3A_786 = arith.constant 176 : index
        %parallel_loop3A_787 = tpu.vector_load %arg11[%parallel_loop3A_784, %parallel_loop3A_785, %parallel_loop3A_786] {strides = array<i32>} : memref<2x80x256xi32, #tpu.memory_space<vmem>>, vector<1x1x16xi32>,
        %parallel_loop3A_788 = vector.shape_cast %parallel_loop3A_787 : vector<1x1x16xi32> to vector<16xi32>
        %parallel_loop3A_789 = arith.index_cast %select_n3A_175 : i32 to index
        %parallel_loop3A_790 = arith.index_cast %parallel_loop3A_271 : i32 to index
        %parallel_loop3A_791 = arith.constant 176 : index
        %parallel_loop3A_792 = tpu.vector_load %arg12[%parallel_loop3A_789, %parallel_loop3A_790, %parallel_loop3A_791] {strides = array<i32>} : memref<2x80x256xi32, #tpu.memory_space<vmem>>, vector<1x1x16xi32>,
        %parallel_loop3A_793 = vector.shape_cast %parallel_loop3A_792 : vector<1x1x16xi32> to vector<16xi32>
        %parallel_loop3A_794 = arith.index_cast %select_n3A_175 : i32 to index
        %parallel_loop3A_795 = arith.index_cast %parallel_loop3A_271 : i32 to index
        %parallel_loop3A_796 = arith.constant 176 : index
        %parallel_loop3A_797 = tpu.vector_load %arg13[%parallel_loop3A_794, %parallel_loop3A_795, %parallel_loop3A_796] {strides = array<i32>} : memref<2x80x256xi32, #tpu.memory_space<vmem>>, vector<1x1x16xi32>,
        %parallel_loop3A_798 = vector.shape_cast %parallel_loop3A_797 : vector<1x1x16xi32> to vector<16xi32>
        %parallel_loop3A_799 = arith.constant -65536 : i32
        %parallel_loop3A_800 = vector.broadcast %parallel_loop3A_799 : i32 to vector<16xi32>
        %parallel_loop3A_801 = arith.andi %parallel_loop3A_788, %parallel_loop3A_800 : vector<16xi32>
        %parallel_loop3A_802 = arith.sitofp %parallel_loop3A_801 : vector<16xi32> to vector<16xf32>
        %parallel_loop3A_803 = arith.constant 16 : i32
        %parallel_loop3A_804 = vector.broadcast %parallel_loop3A_803 : i32 to vector<16xi32>
        %parallel_loop3A_805 = arith.shli %parallel_loop3A_788, %parallel_loop3A_804 : vector<16xi32>
        %parallel_loop3A_806 = arith.sitofp %parallel_loop3A_805 : vector<16xi32> to vector<16xf32>
        %parallel_loop3A_807 = arith.constant -65536 : i32
        %parallel_loop3A_808 = vector.broadcast %parallel_loop3A_807 : i32 to vector<16xi32>
        %parallel_loop3A_809 = arith.andi %parallel_loop3A_793, %parallel_loop3A_808 : vector<16xi32>
        %parallel_loop3A_810 = arith.sitofp %parallel_loop3A_809 : vector<16xi32> to vector<16xf32>
        %parallel_loop3A_811 = arith.constant 16 : i32
        %parallel_loop3A_812 = vector.broadcast %parallel_loop3A_811 : i32 to vector<16xi32>
        %parallel_loop3A_813 = arith.shli %parallel_loop3A_793, %parallel_loop3A_812 : vector<16xi32>
        %parallel_loop3A_814 = arith.sitofp %parallel_loop3A_813 : vector<16xi32> to vector<16xf32>
        %parallel_loop3A_815 = arith.constant -65536 : i32
        %parallel_loop3A_816 = vector.broadcast %parallel_loop3A_815 : i32 to vector<16xi32>
        %parallel_loop3A_817 = arith.andi %parallel_loop3A_798, %parallel_loop3A_816 : vector<16xi32>
        %parallel_loop3A_818 = arith.sitofp %parallel_loop3A_817 : vector<16xi32> to vector<16xf32>
        %parallel_loop3A_819 = arith.constant 16 : i32
        %parallel_loop3A_820 = vector.broadcast %parallel_loop3A_819 : i32 to vector<16xi32>
        %parallel_loop3A_821 = arith.shli %parallel_loop3A_798, %parallel_loop3A_820 : vector<16xi32>
        %parallel_loop3A_822 = arith.sitofp %parallel_loop3A_821 : vector<16xi32> to vector<16xf32>
        %parallel_loop3A_823 = arith.mulf %parallel_loop3A_802, %parallel_loop3A_810 : vector<16xf32>
        %parallel_loop3A_824 = arith.mulf %parallel_loop3A_823, %parallel_loop3A_818 : vector<16xf32>
        %parallel_loop3A_825 = arith.addf %parallel_loop3A_645, %parallel_loop3A_824 : vector<16xf32>
        %parallel_loop3A_826 = arith.mulf %parallel_loop3A_806, %parallel_loop3A_814 : vector<16xf32>
        %parallel_loop3A_827 = arith.mulf %parallel_loop3A_826, %parallel_loop3A_822 : vector<16xf32>
        %parallel_loop3A_828 = arith.addf %parallel_loop3A_648, %parallel_loop3A_827 : vector<16xf32>
        %parallel_loop3A_829 = arith.index_cast %select_n3A_175 : i32 to index
        %parallel_loop3A_830 = arith.index_cast %parallel_loop3A_271 : i32 to index
        %parallel_loop3A_831 = arith.constant 192 : index
        %parallel_loop3A_832 = tpu.vector_load %arg11[%parallel_loop3A_829, %parallel_loop3A_830, %parallel_loop3A_831] {strides = array<i32>} : memref<2x80x256xi32, #tpu.memory_space<vmem>>, vector<1x1x16xi32>,
        %parallel_loop3A_833 = vector.shape_cast %parallel_loop3A_832 : vector<1x1x16xi32> to vector<16xi32>
        %parallel_loop3A_834 = arith.index_cast %select_n3A_175 : i32 to index
        %parallel_loop3A_835 = arith.index_cast %parallel_loop3A_271 : i32 to index
        %parallel_loop3A_836 = arith.constant 192 : index
        %parallel_loop3A_837 = tpu.vector_load %arg12[%parallel_loop3A_834, %parallel_loop3A_835, %parallel_loop3A_836] {strides = array<i32>} : memref<2x80x256xi32, #tpu.memory_space<vmem>>, vector<1x1x16xi32>,
        %parallel_loop3A_838 = vector.shape_cast %parallel_loop3A_837 : vector<1x1x16xi32> to vector<16xi32>
        %parallel_loop3A_839 = arith.index_cast %select_n3A_175 : i32 to index
        %parallel_loop3A_840 = arith.index_cast %parallel_loop3A_271 : i32 to index
        %parallel_loop3A_841 = arith.constant 192 : index
        %parallel_loop3A_842 = tpu.vector_load %arg13[%parallel_loop3A_839, %parallel_loop3A_840, %parallel_loop3A_841] {strides = array<i32>} : memref<2x80x256xi32, #tpu.memory_space<vmem>>, vector<1x1x16xi32>,
        %parallel_loop3A_843 = vector.shape_cast %parallel_loop3A_842 : vector<1x1x16xi32> to vector<16xi32>
        %parallel_loop3A_844 = arith.constant -65536 : i32
        %parallel_loop3A_845 = vector.broadcast %parallel_loop3A_844 : i32 to vector<16xi32>
        %parallel_loop3A_846 = arith.andi %parallel_loop3A_833, %parallel_loop3A_845 : vector<16xi32>
        %parallel_loop3A_847 = arith.sitofp %parallel_loop3A_846 : vector<16xi32> to vector<16xf32>
        %parallel_loop3A_848 = arith.constant 16 : i32
        %parallel_loop3A_849 = vector.broadcast %parallel_loop3A_848 : i32 to vector<16xi32>
        %parallel_loop3A_850 = arith.shli %parallel_loop3A_833, %parallel_loop3A_849 : vector<16xi32>
        %parallel_loop3A_851 = arith.sitofp %parallel_loop3A_850 : vector<16xi32> to vector<16xf32>
        %parallel_loop3A_852 = arith.constant -65536 : i32
        %parallel_loop3A_853 = vector.broadcast %parallel_loop3A_852 : i32 to vector<16xi32>
        %parallel_loop3A_854 = arith.andi %parallel_loop3A_838, %parallel_loop3A_853 : vector<16xi32>
        %parallel_loop3A_855 = arith.sitofp %parallel_loop3A_854 : vector<16xi32> to vector<16xf32>
        %parallel_loop3A_856 = arith.constant 16 : i32
        %parallel_loop3A_857 = vector.broadcast %parallel_loop3A_856 : i32 to vector<16xi32>
        %parallel_loop3A_858 = arith.shli %parallel_loop3A_838, %parallel_loop3A_857 : vector<16xi32>
        %parallel_loop3A_859 = arith.sitofp %parallel_loop3A_858 : vector<16xi32> to vector<16xf32>
        %parallel_loop3A_860 = arith.constant -65536 : i32
        %parallel_loop3A_861 = vector.broadcast %parallel_loop3A_860 : i32 to vector<16xi32>
        %parallel_loop3A_862 = arith.andi %parallel_loop3A_843, %parallel_loop3A_861 : vector<16xi32>
        %parallel_loop3A_863 = arith.sitofp %parallel_loop3A_862 : vector<16xi32> to vector<16xf32>
        %parallel_loop3A_864 = arith.constant 16 : i32
        %parallel_loop3A_865 = vector.broadcast %parallel_loop3A_864 : i32 to vector<16xi32>
        %parallel_loop3A_866 = arith.shli %parallel_loop3A_843, %parallel_loop3A_865 : vector<16xi32>
        %parallel_loop3A_867 = arith.sitofp %parallel_loop3A_866 : vector<16xi32> to vector<16xf32>
        %parallel_loop3A_868 = arith.mulf %parallel_loop3A_847, %parallel_loop3A_855 : vector<16xf32>
        %parallel_loop3A_869 = arith.mulf %parallel_loop3A_868, %parallel_loop3A_863 : vector<16xf32>
        %parallel_loop3A_870 = arith.addf %parallel_loop3A_690, %parallel_loop3A_869 : vector<16xf32>
        %parallel_loop3A_871 = arith.mulf %parallel_loop3A_851, %parallel_loop3A_859 : vector<16xf32>
        %parallel_loop3A_872 = arith.mulf %parallel_loop3A_871, %parallel_loop3A_867 : vector<16xf32>
        %parallel_loop3A_873 = arith.addf %parallel_loop3A_693, %parallel_loop3A_872 : vector<16xf32>
        %parallel_loop3A_874 = arith.index_cast %select_n3A_175 : i32 to index
        %parallel_loop3A_875 = arith.index_cast %parallel_loop3A_271 : i32 to index
        %parallel_loop3A_876 = arith.constant 208 : index
        %parallel_loop3A_877 = tpu.vector_load %arg11[%parallel_loop3A_874, %parallel_loop3A_875, %parallel_loop3A_876] {strides = array<i32>} : memref<2x80x256xi32, #tpu.memory_space<vmem>>, vector<1x1x16xi32>,
        %parallel_loop3A_878 = vector.shape_cast %parallel_loop3A_877 : vector<1x1x16xi32> to vector<16xi32>
        %parallel_loop3A_879 = arith.index_cast %select_n3A_175 : i32 to index
        %parallel_loop3A_880 = arith.index_cast %parallel_loop3A_271 : i32 to index
        %parallel_loop3A_881 = arith.constant 208 : index
        %parallel_loop3A_882 = tpu.vector_load %arg12[%parallel_loop3A_879, %parallel_loop3A_880, %parallel_loop3A_881] {strides = array<i32>} : memref<2x80x256xi32, #tpu.memory_space<vmem>>, vector<1x1x16xi32>,
        %parallel_loop3A_883 = vector.shape_cast %parallel_loop3A_882 : vector<1x1x16xi32> to vector<16xi32>
        %parallel_loop3A_884 = arith.index_cast %select_n3A_175 : i32 to index
        %parallel_loop3A_885 = arith.index_cast %parallel_loop3A_271 : i32 to index
        %parallel_loop3A_886 = arith.constant 208 : index
        %parallel_loop3A_887 = tpu.vector_load %arg13[%parallel_loop3A_884, %parallel_loop3A_885, %parallel_loop3A_886] {strides = array<i32>} : memref<2x80x256xi32, #tpu.memory_space<vmem>>, vector<1x1x16xi32>,
        %parallel_loop3A_888 = vector.shape_cast %parallel_loop3A_887 : vector<1x1x16xi32> to vector<16xi32>
        %parallel_loop3A_889 = arith.constant -65536 : i32
        %parallel_loop3A_890 = vector.broadcast %parallel_loop3A_889 : i32 to vector<16xi32>
        %parallel_loop3A_891 = arith.andi %parallel_loop3A_878, %parallel_loop3A_890 : vector<16xi32>
        %parallel_loop3A_892 = arith.sitofp %parallel_loop3A_891 : vector<16xi32> to vector<16xf32>
        %parallel_loop3A_893 = arith.constant 16 : i32
        %parallel_loop3A_894 = vector.broadcast %parallel_loop3A_893 : i32 to vector<16xi32>
        %parallel_loop3A_895 = arith.shli %parallel_loop3A_878, %parallel_loop3A_894 : vector<16xi32>
        %parallel_loop3A_896 = arith.sitofp %parallel_loop3A_895 : vector<16xi32> to vector<16xf32>
        %parallel_loop3A_897 = arith.constant -65536 : i32
        %parallel_loop3A_898 = vector.broadcast %parallel_loop3A_897 : i32 to vector<16xi32>
        %parallel_loop3A_899 = arith.andi %parallel_loop3A_883, %parallel_loop3A_898 : vector<16xi32>
        %parallel_loop3A_900 = arith.sitofp %parallel_loop3A_899 : vector<16xi32> to vector<16xf32>
        %parallel_loop3A_901 = arith.constant 16 : i32
        %parallel_loop3A_902 = vector.broadcast %parallel_loop3A_901 : i32 to vector<16xi32>
        %parallel_loop3A_903 = arith.shli %parallel_loop3A_883, %parallel_loop3A_902 : vector<16xi32>
        %parallel_loop3A_904 = arith.sitofp %parallel_loop3A_903 : vector<16xi32> to vector<16xf32>
        %parallel_loop3A_905 = arith.constant -65536 : i32
        %parallel_loop3A_906 = vector.broadcast %parallel_loop3A_905 : i32 to vector<16xi32>
        %parallel_loop3A_907 = arith.andi %parallel_loop3A_888, %parallel_loop3A_906 : vector<16xi32>
        %parallel_loop3A_908 = arith.sitofp %parallel_loop3A_907 : vector<16xi32> to vector<16xf32>
        %parallel_loop3A_909 = arith.constant 16 : i32
        %parallel_loop3A_910 = vector.broadcast %parallel_loop3A_909 : i32 to vector<16xi32>
        %parallel_loop3A_911 = arith.shli %parallel_loop3A_888, %parallel_loop3A_910 : vector<16xi32>
        %parallel_loop3A_912 = arith.sitofp %parallel_loop3A_911 : vector<16xi32> to vector<16xf32>
        %parallel_loop3A_913 = arith.mulf %parallel_loop3A_892, %parallel_loop3A_900 : vector<16xf32>
        %parallel_loop3A_914 = arith.mulf %parallel_loop3A_913, %parallel_loop3A_908 : vector<16xf32>
        %parallel_loop3A_915 = arith.addf %parallel_loop3A_735, %parallel_loop3A_914 : vector<16xf32>
        %parallel_loop3A_916 = arith.mulf %parallel_loop3A_896, %parallel_loop3A_904 : vector<16xf32>
        %parallel_loop3A_917 = arith.mulf %parallel_loop3A_916, %parallel_loop3A_912 : vector<16xf32>
        %parallel_loop3A_918 = arith.addf %parallel_loop3A_738, %parallel_loop3A_917 : vector<16xf32>
        %parallel_loop3A_919 = arith.index_cast %select_n3A_175 : i32 to index
        %parallel_loop3A_920 = arith.index_cast %parallel_loop3A_271 : i32 to index
        %parallel_loop3A_921 = arith.constant 224 : index
        %parallel_loop3A_922 = tpu.vector_load %arg11[%parallel_loop3A_919, %parallel_loop3A_920, %parallel_loop3A_921] {strides = array<i32>} : memref<2x80x256xi32, #tpu.memory_space<vmem>>, vector<1x1x16xi32>,
        %parallel_loop3A_923 = vector.shape_cast %parallel_loop3A_922 : vector<1x1x16xi32> to vector<16xi32>
        %parallel_loop3A_924 = arith.index_cast %select_n3A_175 : i32 to index
        %parallel_loop3A_925 = arith.index_cast %parallel_loop3A_271 : i32 to index
        %parallel_loop3A_926 = arith.constant 224 : index
        %parallel_loop3A_927 = tpu.vector_load %arg12[%parallel_loop3A_924, %parallel_loop3A_925, %parallel_loop3A_926] {strides = array<i32>} : memref<2x80x256xi32, #tpu.memory_space<vmem>>, vector<1x1x16xi32>,
        %parallel_loop3A_928 = vector.shape_cast %parallel_loop3A_927 : vector<1x1x16xi32> to vector<16xi32>
        %parallel_loop3A_929 = arith.index_cast %select_n3A_175 : i32 to index
        %parallel_loop3A_930 = arith.index_cast %parallel_loop3A_271 : i32 to index
        %parallel_loop3A_931 = arith.constant 224 : index
        %parallel_loop3A_932 = tpu.vector_load %arg13[%parallel_loop3A_929, %parallel_loop3A_930, %parallel_loop3A_931] {strides = array<i32>} : memref<2x80x256xi32, #tpu.memory_space<vmem>>, vector<1x1x16xi32>,
        %parallel_loop3A_933 = vector.shape_cast %parallel_loop3A_932 : vector<1x1x16xi32> to vector<16xi32>
        %parallel_loop3A_934 = arith.constant -65536 : i32
        %parallel_loop3A_935 = vector.broadcast %parallel_loop3A_934 : i32 to vector<16xi32>
        %parallel_loop3A_936 = arith.andi %parallel_loop3A_923, %parallel_loop3A_935 : vector<16xi32>
        %parallel_loop3A_937 = arith.sitofp %parallel_loop3A_936 : vector<16xi32> to vector<16xf32>
        %parallel_loop3A_938 = arith.constant 16 : i32
        %parallel_loop3A_939 = vector.broadcast %parallel_loop3A_938 : i32 to vector<16xi32>
        %parallel_loop3A_940 = arith.shli %parallel_loop3A_923, %parallel_loop3A_939 : vector<16xi32>
        %parallel_loop3A_941 = arith.sitofp %parallel_loop3A_940 : vector<16xi32> to vector<16xf32>
        %parallel_loop3A_942 = arith.constant -65536 : i32
        %parallel_loop3A_943 = vector.broadcast %parallel_loop3A_942 : i32 to vector<16xi32>
        %parallel_loop3A_944 = arith.andi %parallel_loop3A_928, %parallel_loop3A_943 : vector<16xi32>
        %parallel_loop3A_945 = arith.sitofp %parallel_loop3A_944 : vector<16xi32> to vector<16xf32>
        %parallel_loop3A_946 = arith.constant 16 : i32
        %parallel_loop3A_947 = vector.broadcast %parallel_loop3A_946 : i32 to vector<16xi32>
        %parallel_loop3A_948 = arith.shli %parallel_loop3A_928, %parallel_loop3A_947 : vector<16xi32>
        %parallel_loop3A_949 = arith.sitofp %parallel_loop3A_948 : vector<16xi32> to vector<16xf32>
        %parallel_loop3A_950 = arith.constant -65536 : i32
        %parallel_loop3A_951 = vector.broadcast %parallel_loop3A_950 : i32 to vector<16xi32>
        %parallel_loop3A_952 = arith.andi %parallel_loop3A_933, %parallel_loop3A_951 : vector<16xi32>
        %parallel_loop3A_953 = arith.sitofp %parallel_loop3A_952 : vector<16xi32> to vector<16xf32>
        %parallel_loop3A_954 = arith.constant 16 : i32
        %parallel_loop3A_955 = vector.broadcast %parallel_loop3A_954 : i32 to vector<16xi32>
        %parallel_loop3A_956 = arith.shli %parallel_loop3A_933, %parallel_loop3A_955 : vector<16xi32>
        %parallel_loop3A_957 = arith.sitofp %parallel_loop3A_956 : vector<16xi32> to vector<16xf32>
        %parallel_loop3A_958 = arith.mulf %parallel_loop3A_937, %parallel_loop3A_945 : vector<16xf32>
        %parallel_loop3A_959 = arith.mulf %parallel_loop3A_958, %parallel_loop3A_953 : vector<16xf32>
        %parallel_loop3A_960 = arith.addf %parallel_loop3A_780, %parallel_loop3A_959 : vector<16xf32>
        %parallel_loop3A_961 = arith.mulf %parallel_loop3A_941, %parallel_loop3A_949 : vector<16xf32>
        %parallel_loop3A_962 = arith.mulf %parallel_loop3A_961, %parallel_loop3A_957 : vector<16xf32>
        %parallel_loop3A_963 = arith.addf %parallel_loop3A_783, %parallel_loop3A_962 : vector<16xf32>
        %parallel_loop3A_964 = arith.index_cast %select_n3A_175 : i32 to index
        %parallel_loop3A_965 = arith.index_cast %parallel_loop3A_271 : i32 to index
        %parallel_loop3A_966 = arith.constant 240 : index
        %parallel_loop3A_967 = tpu.vector_load %arg11[%parallel_loop3A_964, %parallel_loop3A_965, %parallel_loop3A_966] {strides = array<i32>} : memref<2x80x256xi32, #tpu.memory_space<vmem>>, vector<1x1x16xi32>,
        %parallel_loop3A_968 = vector.shape_cast %parallel_loop3A_967 : vector<1x1x16xi32> to vector<16xi32>
        %parallel_loop3A_969 = arith.index_cast %select_n3A_175 : i32 to index
        %parallel_loop3A_970 = arith.index_cast %parallel_loop3A_271 : i32 to index
        %parallel_loop3A_971 = arith.constant 240 : index
        %parallel_loop3A_972 = tpu.vector_load %arg12[%parallel_loop3A_969, %parallel_loop3A_970, %parallel_loop3A_971] {strides = array<i32>} : memref<2x80x256xi32, #tpu.memory_space<vmem>>, vector<1x1x16xi32>,
        %parallel_loop3A_973 = vector.shape_cast %parallel_loop3A_972 : vector<1x1x16xi32> to vector<16xi32>
        %parallel_loop3A_974 = arith.index_cast %select_n3A_175 : i32 to index
        %parallel_loop3A_975 = arith.index_cast %parallel_loop3A_271 : i32 to index
        %parallel_loop3A_976 = arith.constant 240 : index
        %parallel_loop3A_977 = tpu.vector_load %arg13[%parallel_loop3A_974, %parallel_loop3A_975, %parallel_loop3A_976] {strides = array<i32>} : memref<2x80x256xi32, #tpu.memory_space<vmem>>, vector<1x1x16xi32>,
        %parallel_loop3A_978 = vector.shape_cast %parallel_loop3A_977 : vector<1x1x16xi32> to vector<16xi32>
        %parallel_loop3A_979 = arith.constant 15 : i32
        %parallel_loop3A_980 = vector.broadcast %parallel_loop3A_979 : i32 to vector<16xi32>
        %parallel_loop3A_981 = arith.cmpi eq, %iota3A, %parallel_loop3A_980 : vector<16xi32>
        %parallel_loop3A_982 = arith.constant 65535 : i32
        %parallel_loop3A_983 = vector.broadcast %parallel_loop3A_982 : i32 to vector<16xi32>
        %parallel_loop3A_984 = arith.andi %parallel_loop3A_968, %parallel_loop3A_983 : vector<16xi32>
        %parallel_loop3A_985 = arith.select %parallel_loop3A_981, %parallel_loop3A_984, %parallel_loop3A_968 : vector<16xi1>, vector<16xi32>
        %parallel_loop3A_986 = arith.constant -65536 : i32
        %parallel_loop3A_987 = vector.broadcast %parallel_loop3A_986 : i32 to vector<16xi32>
        %parallel_loop3A_988 = arith.andi %parallel_loop3A_985, %parallel_loop3A_987 : vector<16xi32>
        %parallel_loop3A_989 = arith.sitofp %parallel_loop3A_988 : vector<16xi32> to vector<16xf32>
        %parallel_loop3A_990 = arith.constant 16 : i32
        %parallel_loop3A_991 = vector.broadcast %parallel_loop3A_990 : i32 to vector<16xi32>
        %parallel_loop3A_992 = arith.shli %parallel_loop3A_985, %parallel_loop3A_991 : vector<16xi32>
        %parallel_loop3A_993 = arith.sitofp %parallel_loop3A_992 : vector<16xi32> to vector<16xf32>
        %parallel_loop3A_994 = arith.constant -65536 : i32
        %parallel_loop3A_995 = vector.broadcast %parallel_loop3A_994 : i32 to vector<16xi32>
        %parallel_loop3A_996 = arith.andi %parallel_loop3A_973, %parallel_loop3A_995 : vector<16xi32>
        %parallel_loop3A_997 = arith.sitofp %parallel_loop3A_996 : vector<16xi32> to vector<16xf32>
        %parallel_loop3A_998 = arith.constant 16 : i32
        %parallel_loop3A_999 = vector.broadcast %parallel_loop3A_998 : i32 to vector<16xi32>
        %parallel_loop3A_1000 = arith.shli %parallel_loop3A_973, %parallel_loop3A_999 : vector<16xi32>
        %parallel_loop3A_1001 = arith.sitofp %parallel_loop3A_1000 : vector<16xi32> to vector<16xf32>
        %parallel_loop3A_1002 = arith.constant -65536 : i32
        %parallel_loop3A_1003 = vector.broadcast %parallel_loop3A_1002 : i32 to vector<16xi32>
        %parallel_loop3A_1004 = arith.andi %parallel_loop3A_978, %parallel_loop3A_1003 : vector<16xi32>
        %parallel_loop3A_1005 = arith.sitofp %parallel_loop3A_1004 : vector<16xi32> to vector<16xf32>
        %parallel_loop3A_1006 = arith.constant 16 : i32
        %parallel_loop3A_1007 = vector.broadcast %parallel_loop3A_1006 : i32 to vector<16xi32>
        %parallel_loop3A_1008 = arith.shli %parallel_loop3A_978, %parallel_loop3A_1007 : vector<16xi32>
        %parallel_loop3A_1009 = arith.sitofp %parallel_loop3A_1008 : vector<16xi32> to vector<16xf32>
        %parallel_loop3A_1010 = arith.mulf %parallel_loop3A_989, %parallel_loop3A_997 : vector<16xf32>
        %parallel_loop3A_1011 = arith.mulf %parallel_loop3A_1010, %parallel_loop3A_1005 : vector<16xf32>
        %parallel_loop3A_1012 = arith.addf %parallel_loop3A_825, %parallel_loop3A_1011 : vector<16xf32>
        %parallel_loop3A_1013 = arith.mulf %parallel_loop3A_993, %parallel_loop3A_1001 : vector<16xf32>
        %parallel_loop3A_1014 = arith.mulf %parallel_loop3A_1013, %parallel_loop3A_1009 : vector<16xf32>
        %parallel_loop3A_1015 = arith.addf %parallel_loop3A_828, %parallel_loop3A_1014 : vector<16xf32>
        %parallel_loop3A_1016 = arith.addf %parallel_loop3A_870, %parallel_loop3A_915 : vector<16xf32>
        %parallel_loop3A_1017 = arith.addf %parallel_loop3A_960, %parallel_loop3A_1012 : vector<16xf32>
        %parallel_loop3A_1018 = arith.addf %parallel_loop3A_1016, %parallel_loop3A_1017 : vector<16xf32>
        %parallel_loop3A_1019 = arith.addf %parallel_loop3A_873, %parallel_loop3A_918 : vector<16xf32>
        %parallel_loop3A_1020 = arith.addf %parallel_loop3A_963, %parallel_loop3A_1015 : vector<16xf32>
        %parallel_loop3A_1021 = arith.addf %parallel_loop3A_1019, %parallel_loop3A_1020 : vector<16xf32>
        %parallel_loop3A_1022 = arith.addf %parallel_loop3A_1018, %parallel_loop3A_1021 : vector<16xf32>
        %parallel_loop3A_1023 = arith.constant 8 : i32
        %parallel_loop3A_1024 = vector.broadcast %parallel_loop3A_1023 : i32 to vector<16xi32>
        %parallel_loop3A_1025 = arith.addi %iota3A, %parallel_loop3A_1024 : vector<16xi32>
        %parallel_loop3A_1026 = arith.constant 16 : i32
        %parallel_loop3A_1027 = arith.constant 0 : i32
        %parallel_loop3A_1028 = arith.cmpi eq, %parallel_loop3A_1026, %parallel_loop3A_1027 : i32
        %parallel_loop3A_1029 = arith.constant 1 : i32
        %parallel_loop3A_1030 = arith.select %parallel_loop3A_1028, %parallel_loop3A_1029, %parallel_loop3A_1026 : i32
        %parallel_loop3A_1031 = vector.broadcast %parallel_loop3A_1030 : i32 to vector<16xi32>
        %parallel_loop3A_1032 = arith.remsi %parallel_loop3A_1025, %parallel_loop3A_1031 : vector<16xi32>
        %parallel_loop3A_1033 = arith.constant 0 : i32
        %parallel_loop3A_1034 = vector.broadcast %parallel_loop3A_1033 : i32 to vector<16xi32>
        %parallel_loop3A_1035 = arith.cmpi ne, %parallel_loop3A_1032, %parallel_loop3A_1034 : vector<16xi32>
        %parallel_loop3A_1036 = arith.constant 0 : i32
        %parallel_loop3A_1037 = vector.broadcast %parallel_loop3A_1036 : i32 to vector<16xi32>
        %parallel_loop3A_1038 = arith.cmpi slt, %parallel_loop3A_1032, %parallel_loop3A_1037 : vector<16xi32>
        %parallel_loop3A_1039 = arith.constant 0 : i32
        %parallel_loop3A_1040 = arith.cmpi slt, %parallel_loop3A_1030, %parallel_loop3A_1039 : i32
        %parallel_loop3A_1041 = vector.broadcast %parallel_loop3A_1040 : i1 to vector<16xi1>
        %parallel_loop3A_1042 = vector.broadcast %parallel_loop3A_1041 : vector<16xi1> to vector<16xi1>
        %parallel_loop3A_1043 = arith.xori %parallel_loop3A_1038, %parallel_loop3A_1042 : vector<16xi1>
        %parallel_loop3A_1044 = arith.andi %parallel_loop3A_1043, %parallel_loop3A_1035 : vector<16xi1>
        %parallel_loop3A_1045 = vector.broadcast %parallel_loop3A_1030 : i32 to vector<16xi32>
        %parallel_loop3A_1046 = arith.addi %parallel_loop3A_1032, %parallel_loop3A_1045 : vector<16xi32>
        %parallel_loop3A_1047 = arith.select %parallel_loop3A_1044, %parallel_loop3A_1046, %parallel_loop3A_1032 : vector<16xi1>, vector<16xi32>
        %parallel_loop3A_1048 = vector.shape_cast %parallel_loop3A_1047 : vector<16xi32> to vector<16x1xi32>
        %parallel_loop3A_1049 = vector.shape_cast %parallel_loop3A_1048 : vector<16x1xi32> to vector<16xi32>
        %parallel_loop3A_1050 = tpu.dynamic_gather %parallel_loop3A_1022[%parallel_loop3A_1049] in [0] : vector<16xf32>, vector<16xi32> -> vector<16xf32>
        %parallel_loop3A_1051 = arith.addf %parallel_loop3A_1022, %parallel_loop3A_1050 : vector<16xf32>
        %parallel_loop3A_1052 = arith.constant 4 : i32
        %parallel_loop3A_1053 = vector.broadcast %parallel_loop3A_1052 : i32 to vector<16xi32>
        %parallel_loop3A_1054 = arith.addi %iota3A, %parallel_loop3A_1053 : vector<16xi32>
        %parallel_loop3A_1055 = arith.constant 16 : i32
        %parallel_loop3A_1056 = arith.constant 0 : i32
        %parallel_loop3A_1057 = arith.cmpi eq, %parallel_loop3A_1055, %parallel_loop3A_1056 : i32
        %parallel_loop3A_1058 = arith.constant 1 : i32
        %parallel_loop3A_1059 = arith.select %parallel_loop3A_1057, %parallel_loop3A_1058, %parallel_loop3A_1055 : i32
        %parallel_loop3A_1060 = vector.broadcast %parallel_loop3A_1059 : i32 to vector<16xi32>
        %parallel_loop3A_1061 = arith.remsi %parallel_loop3A_1054, %parallel_loop3A_1060 : vector<16xi32>
        %parallel_loop3A_1062 = arith.constant 0 : i32
        %parallel_loop3A_1063 = vector.broadcast %parallel_loop3A_1062 : i32 to vector<16xi32>
        %parallel_loop3A_1064 = arith.cmpi ne, %parallel_loop3A_1061, %parallel_loop3A_1063 : vector<16xi32>
        %parallel_loop3A_1065 = arith.constant 0 : i32
        %parallel_loop3A_1066 = vector.broadcast %parallel_loop3A_1065 : i32 to vector<16xi32>
        %parallel_loop3A_1067 = arith.cmpi slt, %parallel_loop3A_1061, %parallel_loop3A_1066 : vector<16xi32>
        %parallel_loop3A_1068 = arith.constant 0 : i32
        %parallel_loop3A_1069 = arith.cmpi slt, %parallel_loop3A_1059, %parallel_loop3A_1068 : i32
        %parallel_loop3A_1070 = vector.broadcast %parallel_loop3A_1069 : i1 to vector<16xi1>
        %parallel_loop3A_1071 = vector.broadcast %parallel_loop3A_1070 : vector<16xi1> to vector<16xi1>
        %parallel_loop3A_1072 = arith.xori %parallel_loop3A_1067, %parallel_loop3A_1071 : vector<16xi1>
        %parallel_loop3A_1073 = arith.andi %parallel_loop3A_1072, %parallel_loop3A_1064 : vector<16xi1>
        %parallel_loop3A_1074 = vector.broadcast %parallel_loop3A_1059 : i32 to vector<16xi32>
        %parallel_loop3A_1075 = arith.addi %parallel_loop3A_1061, %parallel_loop3A_1074 : vector<16xi32>
        %parallel_loop3A_1076 = arith.select %parallel_loop3A_1073, %parallel_loop3A_1075, %parallel_loop3A_1061 : vector<16xi1>, vector<16xi32>
        %parallel_loop3A_1077 = vector.shape_cast %parallel_loop3A_1076 : vector<16xi32> to vector<16x1xi32>
        %parallel_loop3A_1078 = vector.shape_cast %parallel_loop3A_1077 : vector<16x1xi32> to vector<16xi32>
        %parallel_loop3A_1079 = tpu.dynamic_gather %parallel_loop3A_1051[%parallel_loop3A_1078] in [0] : vector<16xf32>, vector<16xi32> -> vector<16xf32>
        %parallel_loop3A_1080 = arith.addf %parallel_loop3A_1051, %parallel_loop3A_1079 : vector<16xf32>
        %parallel_loop3A_1081 = arith.constant 2 : i32
        %parallel_loop3A_1082 = vector.broadcast %parallel_loop3A_1081 : i32 to vector<16xi32>
        %parallel_loop3A_1083 = arith.addi %iota3A, %parallel_loop3A_1082 : vector<16xi32>
        %parallel_loop3A_1084 = arith.constant 16 : i32
        %parallel_loop3A_1085 = arith.constant 0 : i32
        %parallel_loop3A_1086 = arith.cmpi eq, %parallel_loop3A_1084, %parallel_loop3A_1085 : i32
        %parallel_loop3A_1087 = arith.constant 1 : i32
        %parallel_loop3A_1088 = arith.select %parallel_loop3A_1086, %parallel_loop3A_1087, %parallel_loop3A_1084 : i32
        %parallel_loop3A_1089 = vector.broadcast %parallel_loop3A_1088 : i32 to vector<16xi32>
        %parallel_loop3A_1090 = arith.remsi %parallel_loop3A_1083, %parallel_loop3A_1089 : vector<16xi32>
        %parallel_loop3A_1091 = arith.constant 0 : i32
        %parallel_loop3A_1092 = vector.broadcast %parallel_loop3A_1091 : i32 to vector<16xi32>
        %parallel_loop3A_1093 = arith.cmpi ne, %parallel_loop3A_1090, %parallel_loop3A_1092 : vector<16xi32>
        %parallel_loop3A_1094 = arith.constant 0 : i32
        %parallel_loop3A_1095 = vector.broadcast %parallel_loop3A_1094 : i32 to vector<16xi32>
        %parallel_loop3A_1096 = arith.cmpi slt, %parallel_loop3A_1090, %parallel_loop3A_1095 : vector<16xi32>
        %parallel_loop3A_1097 = arith.constant 0 : i32
        %parallel_loop3A_1098 = arith.cmpi slt, %parallel_loop3A_1088, %parallel_loop3A_1097 : i32
        %parallel_loop3A_1099 = vector.broadcast %parallel_loop3A_1098 : i1 to vector<16xi1>
        %parallel_loop3A_1100 = vector.broadcast %parallel_loop3A_1099 : vector<16xi1> to vector<16xi1>
        %parallel_loop3A_1101 = arith.xori %parallel_loop3A_1096, %parallel_loop3A_1100 : vector<16xi1>
        %parallel_loop3A_1102 = arith.andi %parallel_loop3A_1101, %parallel_loop3A_1093 : vector<16xi1>
        %parallel_loop3A_1103 = vector.broadcast %parallel_loop3A_1088 : i32 to vector<16xi32>
        %parallel_loop3A_1104 = arith.addi %parallel_loop3A_1090, %parallel_loop3A_1103 : vector<16xi32>
        %parallel_loop3A_1105 = arith.select %parallel_loop3A_1102, %parallel_loop3A_1104, %parallel_loop3A_1090 : vector<16xi1>, vector<16xi32>
        %parallel_loop3A_1106 = vector.shape_cast %parallel_loop3A_1105 : vector<16xi32> to vector<16x1xi32>
        %parallel_loop3A_1107 = vector.shape_cast %parallel_loop3A_1106 : vector<16x1xi32> to vector<16xi32>
        %parallel_loop3A_1108 = tpu.dynamic_gather %parallel_loop3A_1080[%parallel_loop3A_1107] in [0] : vector<16xf32>, vector<16xi32> -> vector<16xf32>
        %parallel_loop3A_1109 = arith.addf %parallel_loop3A_1080, %parallel_loop3A_1108 : vector<16xf32>
        %parallel_loop3A_1110 = arith.constant 1 : i32
        %parallel_loop3A_1111 = vector.broadcast %parallel_loop3A_1110 : i32 to vector<16xi32>
        %parallel_loop3A_1112 = arith.addi %iota3A, %parallel_loop3A_1111 : vector<16xi32>
        %parallel_loop3A_1113 = arith.constant 16 : i32
        %parallel_loop3A_1114 = arith.constant 0 : i32
        %parallel_loop3A_1115 = arith.cmpi eq, %parallel_loop3A_1113, %parallel_loop3A_1114 : i32
        %parallel_loop3A_1116 = arith.constant 1 : i32
        %parallel_loop3A_1117 = arith.select %parallel_loop3A_1115, %parallel_loop3A_1116, %parallel_loop3A_1113 : i32
        %parallel_loop3A_1118 = vector.broadcast %parallel_loop3A_1117 : i32 to vector<16xi32>
        %parallel_loop3A_1119 = arith.remsi %parallel_loop3A_1112, %parallel_loop3A_1118 : vector<16xi32>
        %parallel_loop3A_1120 = arith.constant 0 : i32
        %parallel_loop3A_1121 = vector.broadcast %parallel_loop3A_1120 : i32 to vector<16xi32>
        %parallel_loop3A_1122 = arith.cmpi ne, %parallel_loop3A_1119, %parallel_loop3A_1121 : vector<16xi32>
        %parallel_loop3A_1123 = arith.constant 0 : i32
        %parallel_loop3A_1124 = vector.broadcast %parallel_loop3A_1123 : i32 to vector<16xi32>
        %parallel_loop3A_1125 = arith.cmpi slt, %parallel_loop3A_1119, %parallel_loop3A_1124 : vector<16xi32>
        %parallel_loop3A_1126 = arith.constant 0 : i32
        %parallel_loop3A_1127 = arith.cmpi slt, %parallel_loop3A_1117, %parallel_loop3A_1126 : i32
        %parallel_loop3A_1128 = vector.broadcast %parallel_loop3A_1127 : i1 to vector<16xi1>
        %parallel_loop3A_1129 = vector.broadcast %parallel_loop3A_1128 : vector<16xi1> to vector<16xi1>
        %parallel_loop3A_1130 = arith.xori %parallel_loop3A_1125, %parallel_loop3A_1129 : vector<16xi1>
        %parallel_loop3A_1131 = arith.andi %parallel_loop3A_1130, %parallel_loop3A_1122 : vector<16xi1>
        %parallel_loop3A_1132 = vector.broadcast %parallel_loop3A_1117 : i32 to vector<16xi32>
        %parallel_loop3A_1133 = arith.addi %parallel_loop3A_1119, %parallel_loop3A_1132 : vector<16xi32>
        %parallel_loop3A_1134 = arith.select %parallel_loop3A_1131, %parallel_loop3A_1133, %parallel_loop3A_1119 : vector<16xi1>, vector<16xi32>
        %parallel_loop3A_1135 = vector.shape_cast %parallel_loop3A_1134 : vector<16xi32> to vector<16x1xi32>
        %parallel_loop3A_1136 = vector.shape_cast %parallel_loop3A_1135 : vector<16x1xi32> to vector<16xi32>
        %parallel_loop3A_1137 = tpu.dynamic_gather %parallel_loop3A_1109[%parallel_loop3A_1136] in [0] : vector<16xf32>, vector<16xi32> -> vector<16xf32>
        %parallel_loop3A_1138 = arith.addf %parallel_loop3A_1109, %parallel_loop3A_1137 : vector<16xf32>
        %parallel_loop3A_1139 = vector.extract_strided_slice %parallel_loop3A_968 {offsets = [15], sizes = [1], strides = [1]} : vector<16xi32> to vector<1xi32>
        %parallel_loop3A_1140 = vector.extract %parallel_loop3A_1139[0] : i32 from vector<1xi32>
        %parallel_loop3A_1141 = arith.constant 16 : i32
        %parallel_loop3A_1142 = arith.shrui %parallel_loop3A_1140, %parallel_loop3A_1141 : i32
        %parallel_loop3A_1143 = vector.extract_strided_slice %parallel_loop3A_973 {offsets = [15], sizes = [1], strides = [1]} : vector<16xi32> to vector<1xi32>
        %parallel_loop3A_1144 = vector.extract %parallel_loop3A_1143[0] : i32 from vector<1xi32>
        %parallel_loop3A_1145 = arith.constant 16 : i32
        %parallel_loop3A_1146 = arith.shrui %parallel_loop3A_1144, %parallel_loop3A_1145 : i32
        %parallel_loop3A_1147 = vector.extract_strided_slice %parallel_loop3A_978 {offsets = [15], sizes = [1], strides = [1]} : vector<16xi32> to vector<1xi32>
        %parallel_loop3A_1148 = vector.extract %parallel_loop3A_1147[0] : i32 from vector<1xi32>
        %parallel_loop3A_1149 = arith.constant 16 : i32
        %parallel_loop3A_1150 = arith.shrui %parallel_loop3A_1148, %parallel_loop3A_1149 : i32
        %parallel_loop3A_1151 = arith.sitofp %parallel_loop3A_1142 : i32 to f32
        %parallel_loop3A_1152 = arith.constant 2.27373675E-13 : f32
        %parallel_loop3A_1153 = arith.mulf %parallel_loop3A_1151, %parallel_loop3A_1152 : f32
        %parallel_loop3A_1154 = vector.broadcast %parallel_loop3A_1153 : f32 to vector<16xf32>
        %parallel_loop3A_1155 = arith.mulf %parallel_loop3A_1138, %parallel_loop3A_1154 : vector<16xf32>
        %parallel_loop3A_1156 = arith.sitofp %parallel_loop3A_1146 : i32 to f32
        %parallel_loop3A_1157 = arith.constant 2.27373675E-13 : f32
        %parallel_loop3A_1158 = arith.mulf %parallel_loop3A_1156, %parallel_loop3A_1157 : f32
        %parallel_loop3A_1159 = vector.broadcast %parallel_loop3A_1158 : f32 to vector<16xf32>
        %parallel_loop3A_1160 = arith.mulf %parallel_loop3A_1155, %parallel_loop3A_1159 : vector<16xf32>
        %parallel_loop3A_1161 = arith.sitofp %parallel_loop3A_1150 : i32 to f32
        %parallel_loop3A_1162 = arith.constant 2.27373675E-13 : f32
        %parallel_loop3A_1163 = arith.mulf %parallel_loop3A_1161, %parallel_loop3A_1162 : f32
        %parallel_loop3A_1164 = vector.broadcast %parallel_loop3A_1163 : f32 to vector<16xf32>
        %parallel_loop3A_1165 = arith.mulf %parallel_loop3A_1160, %parallel_loop3A_1164 : vector<16xf32>
        %parallel_loop3A_1166 = arith.constant 16 : i32
        %parallel_loop3A_1167 = arith.constant 0 : i32
        %parallel_loop3A_1168 = arith.cmpi eq, %parallel_loop3A_1166, %parallel_loop3A_1167 : i32
        %parallel_loop3A_1169 = arith.constant 1 : i32
        %parallel_loop3A_1170 = arith.select %parallel_loop3A_1168, %parallel_loop3A_1169, %parallel_loop3A_1166 : i32
        %parallel_loop3A_1171 = arith.remsi %parallel_loop3A_271, %parallel_loop3A_1170 : i32
        %parallel_loop3A_1172 = arith.constant 0 : i32
        %parallel_loop3A_1173 = arith.cmpi ne, %parallel_loop3A_1171, %parallel_loop3A_1172 : i32
        %parallel_loop3A_1174 = arith.constant 0 : i32
        %parallel_loop3A_1175 = arith.cmpi slt, %parallel_loop3A_1171, %parallel_loop3A_1174 : i32
        %parallel_loop3A_1176 = arith.constant 0 : i32
        %parallel_loop3A_1177 = arith.cmpi slt, %parallel_loop3A_1170, %parallel_loop3A_1176 : i32
        %parallel_loop3A_1178 = arith.xori %parallel_loop3A_1175, %parallel_loop3A_1177 : i1
        %parallel_loop3A_1179 = arith.andi %parallel_loop3A_1178, %parallel_loop3A_1173 : i1
        %parallel_loop3A_1180 = arith.addi %parallel_loop3A_1171, %parallel_loop3A_1170 : i32
        %parallel_loop3A_1181 = arith.select %parallel_loop3A_1179, %parallel_loop3A_1180, %parallel_loop3A_1171 : i32
        %parallel_loop3A_1182 = vector.broadcast %parallel_loop3A_1181 : i32 to vector<16xi32>
        %parallel_loop3A_1183 = arith.cmpi eq, %iota3A, %parallel_loop3A_1182 : vector<16xi32>
        %parallel_loop3A_1184 = arith.select %parallel_loop3A_1183, %parallel_loop3A_1165, %parallel_loop3A_272 : vector<16xi1>, vector<16xf32>
        %parallel_loop3A_1185 = arith.constant 16 : i32
        %parallel_loop3A_1186 = arith.constant 0 : i32
        %parallel_loop3A_1187 = arith.cmpi eq, %parallel_loop3A_1185, %parallel_loop3A_1186 : i32
        %parallel_loop3A_1188 = arith.constant 1 : i32
        %parallel_loop3A_1189 = arith.select %parallel_loop3A_1187, %parallel_loop3A_1188, %parallel_loop3A_1185 : i32
        %parallel_loop3A_1190 = arith.remsi %parallel_loop3A_271, %parallel_loop3A_1189 : i32
        %parallel_loop3A_1191 = arith.constant 0 : i32
        %parallel_loop3A_1192 = arith.cmpi ne, %parallel_loop3A_1190, %parallel_loop3A_1191 : i32
        %parallel_loop3A_1193 = arith.constant 0 : i32
        %parallel_loop3A_1194 = arith.cmpi slt, %parallel_loop3A_1190, %parallel_loop3A_1193 : i32
        %parallel_loop3A_1195 = arith.constant 0 : i32
        %parallel_loop3A_1196 = arith.cmpi slt, %parallel_loop3A_1189, %parallel_loop3A_1195 : i32
        %parallel_loop3A_1197 = arith.xori %parallel_loop3A_1194, %parallel_loop3A_1196 : i1
        %parallel_loop3A_1198 = arith.andi %parallel_loop3A_1197, %parallel_loop3A_1192 : i1
        %parallel_loop3A_1199 = arith.addi %parallel_loop3A_1190, %parallel_loop3A_1189 : i32
        %parallel_loop3A_1200 = arith.select %parallel_loop3A_1198, %parallel_loop3A_1199, %parallel_loop3A_1190 : i32
        %parallel_loop3A_1201 = arith.constant 15 : i32
        %parallel_loop3A_1202 = arith.cmpi eq, %parallel_loop3A_1200, %parallel_loop3A_1201 : i32
        %parallel_loop3A_1203 = arith.extui %parallel_loop3A_1202 : i1 to i32
        %parallel_loop3A_1204 = arith.constant 0 : i32
        %parallel_loop3A_1205 = arith.cmpi ne, %parallel_loop3A_1203, %parallel_loop3A_1204 : i32
        scf.if %parallel_loop3A_1205 {
          %parallel_loop3A_1206 = arith.constant 15 : i32
          %parallel_loop3A_1207 = arith.subi %parallel_loop3A_271, %parallel_loop3A_1206 : i32
          %parallel_loop3A_1208 = arith.index_cast %select_n3A_175 : i32 to index
          %parallel_loop3A_1209 = arith.index_cast %parallel_loop3A_1207 : i32 to index
          %parallel_loop3A_1210 = tpu.vector_load %arg14[%parallel_loop3A_1208, %parallel_loop3A_1209] {strides = array<i32>} : memref<2x80xf32, #tpu.memory_space<vmem>>, vector<1x16xf32>,
          %parallel_loop3A_1211 = vector.shape_cast %parallel_loop3A_1210 : vector<1x16xf32> to vector<16xf32>
          %parallel_loop3A_1212 = vector.shape_cast %parallel_loop3A_1184 : vector<16xf32> to vector<1x16xf32>
          tpu.vector_store %arg14[%parallel_loop3A_1208, %parallel_loop3A_1209], %parallel_loop3A_1212 {strides = array<i32>} : memref<2x80xf32, #tpu.memory_space<vmem>>, vector<1x16xf32>,
        } else {
        }
        scf.yield %parallel_loop3A_1184 : vector<16xf32>
      } {sc.loop_unroll_factor = 2 : i64, sc.parallel_access}
      %jit3A_242 = arith.constant 2 : i32
      %eq3A_243 = arith.constant 0 : i32
      %eq3A_244 = arith.cmpi eq, %jit3A_242, %eq3A_243 : i32
      %jit3A_245 = arith.constant 1 : i32
      %select_n3A_246 = arith.select %eq3A_244, %jit3A_245, %jit3A_242 : i32
      %rem3A_247 = arith.remsi %while3A_159, %select_n3A_246 : i32
      %ne3A_248 = arith.constant 0 : i32
      %ne3A_249 = arith.cmpi ne, %rem3A_247, %ne3A_248 : i32
      %lt3A_250 = arith.constant 0 : i32
      %lt3A_251 = arith.cmpi slt, %rem3A_247, %lt3A_250 : i32
      %lt3A_252 = arith.constant 0 : i32
      %lt3A_253 = arith.cmpi slt, %select_n3A_246, %lt3A_252 : i32
      %ne3A_254 = arith.xori %lt3A_251, %lt3A_253 : i1
      %and3A_255 = arith.andi %ne3A_254, %ne3A_249 : i1
      %add3A_256 = arith.addi %rem3A_247, %select_n3A_246 : i32
      %select_n3A_257 = arith.select %and3A_255, %add3A_256, %rem3A_247 : i32
      %mul3A_258 = arith.constant 32 : i32
      %mul3A_259 = arith.muli %while3A_159, %mul3A_258 : i32
      %add3A_260 = arith.addi %add3A, %mul3A_259 : i32
      %mul3A_261 = arith.constant 80 : i32
      %mul3A_262 = arith.muli %add3A_260, %mul3A_261 : i32
      %dma_start3A_263 = arith.constant 0 : i32
      %dma_start3A_264 = tpu.memref_slice %arg14[%select_n3A_257, %dma_start3A_263] : memref<2x80xf32, #tpu.memory_space<vmem>> -> memref<1x80xf32, #tpu.memory_space<vmem>>
      %dma_start3A_265 = tpu.memref_squeeze %dma_start3A_264 : memref<1x80xf32, #tpu.memory_space<vmem>> -> memref<80xf32, #tpu.memory_space<vmem>>
      %dma_start3A_266 = tpu.memref_slice %arg7[%mul3A_262] : memref<500000xf32, #tpu.memory_space<hbm>> -> memref<80xf32, #tpu.memory_space<hbm>>
      %dma_start3A_267 = tpu.memref_slice %arg7[%mul3A_262] : memref<500000xf32, #tpu.memory_space<hbm>> -> memref<80xf32, #tpu.memory_space<hbm>>
      %dma_start3A_268 = arith.constant 0 : i32
      %dma_start3A_269 = tpu.memref_slice %arg14[%select_n3A_257, %dma_start3A_268] : memref<2x80xf32, #tpu.memory_space<vmem>> -> memref<1x80xf32, #tpu.memory_space<vmem>>
      %dma_start3A_270 = tpu.memref_squeeze %dma_start3A_269 : memref<1x80xf32, #tpu.memory_space<vmem>> -> memref<80xf32, #tpu.memory_space<vmem>>
      tpu.enqueue_dma source(%dma_start3A_270 : memref<80xf32, #tpu.memory_space<vmem>>) target(%dma_start3A_267 : memref<80xf32, #tpu.memory_space<hbm>>) target_semaphore(%arg17 : memref<!tpu.dma_semaphore, #tpu.memory_space<semaphore_mem>>)
    }
    %sub3A_130 = arith.constant 1 : i32
    %sub3A_131 = arith.subi %select_n3A, %sub3A_130 : i32
    %jit3A_132 = arith.constant 2 : i32
    %eq3A = arith.constant 0 : i32
    %eq3A_133 = arith.cmpi eq, %jit3A_132, %eq3A : i32
    %jit3A_134 = arith.constant 1 : i32
    %select_n3A_135 = arith.select %eq3A_133, %jit3A_134, %jit3A_132 : i32
    %rem3A_136 = arith.remsi %sub3A_131, %select_n3A_135 : i32
    %ne3A_137 = arith.constant 0 : i32
    %ne3A_138 = arith.cmpi ne, %rem3A_136, %ne3A_137 : i32
    %lt3A = arith.constant 0 : i32
    %lt3A_139 = arith.cmpi slt, %rem3A_136, %lt3A : i32
    %lt3A_140 = arith.constant 0 : i32
    %lt3A_141 = arith.cmpi slt, %select_n3A_135, %lt3A_140 : i32
    %ne3A_142 = arith.xori %lt3A_139, %lt3A_141 : i1
    %and3A_143 = arith.andi %ne3A_142, %ne3A_138 : i1
    %add3A_144 = arith.addi %rem3A_136, %select_n3A_135 : i32
    %select_n3A_145 = arith.select %and3A_143, %add3A_144, %rem3A_136 : i32
    %mul3A_146 = arith.constant 32 : i32
    %mul3A_147 = arith.muli %sub3A_131, %mul3A_146 : i32
    %add3A_148 = arith.addi %add3A, %mul3A_147 : i32
    %mul3A_149 = arith.constant 80 : i32
    %mul3A_150 = arith.muli %add3A_148, %mul3A_149 : i32
    %dma_wait3A_151 = arith.constant 0 : i32
    %dma_wait3A_152 = tpu.memref_slice %arg14[%select_n3A_145, %dma_wait3A_151] : memref<2x80xf32, #tpu.memory_space<vmem>> -> memref<1x80xf32, #tpu.memory_space<vmem>>
    %dma_wait3A_153 = tpu.memref_squeeze %dma_wait3A_152 : memref<1x80xf32, #tpu.memory_space<vmem>> -> memref<80xf32, #tpu.memory_space<vmem>>
    %dma_wait3A_154 = tpu.memref_slice %arg7[%mul3A_150] : memref<500000xf32, #tpu.memory_space<hbm>> -> memref<80xf32, #tpu.memory_space<hbm>>
    %dma_wait3A_155 = tpu.memref_slice %arg7[%mul3A_150] : memref<500000xf32, #tpu.memory_space<hbm>> -> memref<80xf32, #tpu.memory_space<hbm>>
    %dma_wait3A_156 = arith.constant 0 : i32
    %dma_wait3A_157 = tpu.memref_slice %arg14[%select_n3A_145, %dma_wait3A_156] : memref<2x80xf32, #tpu.memory_space<vmem>> -> memref<1x80xf32, #tpu.memory_space<vmem>>
    %dma_wait3A_158 = tpu.memref_squeeze %dma_wait3A_157 : memref<1x80xf32, #tpu.memory_space<vmem>> -> memref<80xf32, #tpu.memory_space<vmem>>
    tpu.wait_dma2 semaphore(%arg17 : memref<!tpu.dma_semaphore, #tpu.memory_space<semaphore_mem>>) src(%dma_wait3A_158 : memref<80xf32, #tpu.memory_space<vmem>>) dst(%dma_wait3A_155 : memref<80xf32, #tpu.memory_space<hbm>>)
    return
  }
}

</mosaic_0001>

<sc_bundles>
// kernel: _sc_score.3.cloned.1.call-start
scs
__scs_entry_jumppad:
0x0: {  	(pc) =	sbr.rel $0x88, $3  }
0x1: {  	(tag) =	ssettag $0x0;
	lr =	simm.s32 $0x1  }
0x2: {  	[smem:$0x3F9C] =	sst lr;
	_ =	strace $0xD0000000  }
0x3: {  	_ = 	snop  }
0x4: {  	_ = 	snop  }
0x5: {  	_ = 	snop  }
0x6: {  	_ = 	snop  }
0x7: {  	_ = 	snop  }
__scs_overlays_trampoline_lowered:
0x8: {  	[smem:$0x3FAB] =	sst s0  }
0x9: {  	[smem:$0x3FAC] =	sst s1  }
0xa: {  	[smem:$0x3FAD] =	sst s2  }
0xb: {  	[smem:$0x3FAE] =	sst s3  }
0xc: {  	[smem:$0x3FAF] =	sst s4  }
0xd: {  	[smem:$0x3FB0] =	sst s5  }
0xe: {  	[smem:$0x3FB1] =	sst s6  }
0xf: {  	[smem:$0x3FB2] =	sst s7  }
0x10: {  	[smem:$0x3FB3] =	sst s8  }
0x11: {  	[smem:$0x3FB4] =	sst s9;
	s0 =	simm.s32 @!p0 $0x0  }
0x12: {  	s1 =	sld [smem:$0x3F9A];
	s0 =	simm.s32 @p0 $0x1  }
0x13: {  	[smem:$0x3FB5] =	sst s0;
	s0 =	simm.s32 @!p1 $0x0  }
0x14: {  	s2 =	sld [smem:$0x3F99];
	s0 =	simm.s32 @p1 $0x1  }
0x15: {  	[smem:$0x3FB6] =	sst s0;
	s0 =	simm.s32 @!p2 $0x0  }
0x16: {  	s3 =	sld [smem:$0x3FDB];
	s0 =	simm.s32 @p2 $0x1  }
0x17: {  	s4 =	simm.s32 $0x1BF5;
	[smem:$0x3FB8] =	sst s0  }
0x18: {  	s0 =	sld [smem:$0x3F9B];
	_ =	swait.ge [sflag:s4], $0x0  }
0x19: {  	s7 =	sld [smem:$0x3F9C]  }
0x1a: {  	s8 =	sadd.s32 $0xFFFFE003, lr  }
0x1b: {  	s9 =	sadd.s32 $0xFFFFFEF7, lr;
	s5 =	simm.s32 $0xFFFFFFFF;
	p2 =	slt.u32 s8, $0xFFFFF086  }
0x1c: {  	p1 =	slt.u32 s9, $0xF7A;
	s5 =	simm.s32 @!p2 $0x0  }
0x1d: {  	s5 =	simm.s32 @p1 $0x1;
	p0 =	seq.s32 s7, s2  }
0x1e: {  	s7 =	smul.u32 @!p0 $0xF7A, s2;
	p2 =	seq.s32 @!p0 s5, $0x0  }
0x1f: {  	s9 =	smul.u32 $0xF7A, s1;
	s8 =	simm.s32 @!p0 $0x1BF5;
	p2 =	por !p2, p0  }
0x20: {  	[sflag:s8] =	ssyncset.s32 @!p0 $0xFFFFF086;
	s6 =	sadd.s32 @!p0 s3, s7;
	s7 =	simm.s32 @!p0 $0x108  }
0x21: {  	s3 =	sadd.s32 s3, s9;
	s6 =	sadd.s32 @!p0 $0x88, s6;
	s7 =	simm.s32 @p2 $0x1082  }
0x22: {  	[simem:s7], [sflag:s8] =	dma.local @!p0 [hbm:s6], $0xF7A  }
0x23: {  	s9 =	sor.u32 $0xD0000000, s2;
	s6 =	simm.s32 $0x108;
	_ =	swait.ge @!p0 [sflag:s8], $0x0  }
0x24: {  	s3 =	sadd.s32 $0x88, s3;
	s6 =	simm.s32 @!p1 $0x1082;
	[sflag:s4] =	ssyncset.s32 $0xFFFFF086  }
0x25: {  	[simem:s6], [sflag:s4] =	dma.local [hbm:s3], $0xF7A  }
0x26: {  	[smem:$0x3F9C] =	sst s1;
	(tag) =	ssettag s2;
	_ =	strace s9  }
0x27: {  	s1 =	sld [smem:$0x3FAC]  }
0x28: {  	s2 =	sld [smem:$0x3FAD]  }
0x29: {  	s4 =	sld [smem:$0x3FAF]  }
0x2a: {  	p0 =	seq.s32 s5, $0x0;
	s5 =	sld [smem:$0x3FB0]  }
0x2b: {  	s6 =	sld [smem:$0x3FB1]  }
0x2c: {  	s7 =	sld [smem:$0x3FB2]  }
0x2d: {  	s3 =	simm.s32 $0x108;
	s8 =	sld [smem:$0x3FB3]  }
0x2e: {  	s3 =	simm.s32 @!p0 $0x1082;
	s9 =	sld [smem:$0x3FB4]  }
0x2f: {  	lr =	sadd.s32 s0, s3;
	s0 =	sld [smem:$0x3FAB]  }
0x30: {  	s3 =	sld [smem:$0x3FAE]  }
0x31: {  	[smem:$0x3FB7] =	sst s10  }
0x32: {  	s10 =	sld [smem:$0x3FB5];
	_ =	sdelay $0x3  }
0x33: {  	p0 =	seq.s32 s10, $0x1;
	s10 =	sld [smem:$0x3FB7];
	_ =	sdelay $0x3  }
0x34: {  	[smem:$0x3FB7] =	sst s10  }
0x35: {  	s10 =	sld [smem:$0x3FB6];
	_ =	sdelay $0x3  }
0x36: {  	p1 =	seq.s32 s10, $0x1;
	s10 =	sld [smem:$0x3FB7];
	_ =	sdelay $0x3  }
0x37: {  	[smem:$0x3FB7] =	sst s10  }
0x38: {  	s10 =	sld [smem:$0x3FB8]  }
0x39: {  	_ = 	snop;
	(pc) =	sbr.ind lr, $3  }
0x3a: {  	_ = 	snop  }
0x3b: {  	_ = 	snop  }
0x3c: {  	p2 =	seq.s32 s10, $0x1;
	s10 =	sld [smem:$0x3FB7]  }
0x3d: {  	_ =	shalt  }
0x3e: {  	_ =	shalt  }
0x3f: {  	_ =	shalt  }
0x40: {  	_ =	shalt  }
0x41: {  	_ =	shalt  }
0x42: {  	_ =	shalt  }
0x43: {  	_ =	shalt  }
0x44: {  	_ =	shalt  }
0x45: {  	_ =	shalt  }
0x46: {  	_ =	shalt  }
0x47: {  	_ =	shalt  }
0x48: {  	_ =	shalt  }
0x49: {  	_ =	shalt  }
0x4a: {  	_ =	shalt  }
0x4b: {  	_ =	shalt  }
0x4c: {  	_ =	shalt  }
0x4d: {  	_ =	shalt  }
0x4e: {  	_ =	shalt  }
0x4f: {  	_ =	shalt  }
0x50: {  	_ =	shalt  }
0x51: {  	_ =	shalt  }
0x52: {  	_ =	shalt  }
0x53: {  	_ =	shalt  }
0x54: {  	_ =	shalt  }
0x55: {  	_ =	shalt  }
0x56: {  	_ =	shalt  }
0x57: {  	_ =	shalt  }
0x58: {  	_ =	shalt  }
0x59: {  	_ =	shalt  }
0x5a: {  	_ =	shalt  }
0x5b: {  	_ =	shalt  }
0x5c: {  	_ =	shalt  }
0x5d: {  	_ =	shalt  }
0x5e: {  	_ =	shalt  }
0x5f: {  	_ =	shalt  }
0x60: {  	_ =	shalt  }
0x61: {  	_ =	shalt  }
0x62: {  	_ =	shalt  }
0x63: {  	_ =	shalt  }
0x64: {  	_ =	shalt  }
0x65: {  	_ =	shalt  }
0x66: {  	_ =	shalt  }
0x67: {  	_ =	shalt  }
0x68: {  	_ =	shalt  }
0x69: {  	_ =	shalt  }
0x6a: {  	_ =	shalt  }
0x6b: {  	_ =	shalt  }
0x6c: {  	_ =	shalt  }
0x6d: {  	_ =	shalt  }
0x6e: {  	_ =	shalt  }
0x6f: {  	_ =	shalt  }
0x70: {  	_ =	shalt  }
0x71: {  	_ =	shalt  }
0x72: {  	_ =	shalt  }
0x73: {  	_ =	shalt  }
0x74: {  	_ =	shalt  }
0x75: {  	_ =	shalt  }
0x76: {  	_ =	shalt  }
0x77: {  	_ =	shalt  }
0x78: {  	_ =	shalt  }
0x79: {  	_ =	shalt  }
0x7a: {  	_ =	shalt  }
0x7b: {  	_ =	shalt  }
0x7c: {  	_ =	shalt  }
0x7d: {  	_ =	shalt  }
0x7e: {  	_ =	shalt  }
0x7f: {  	_ =	shalt  }
0x80: {  	_ =	shalt  }
0x81: {  	_ =	shalt  }
0x82: {  	_ =	shalt  }
0x83: {  	_ =	shalt  }
0x84: {  	_ =	shalt  }
0x85: {  	_ =	shalt  }
0x86: {  	_ =	shalt  }
0x87: {  	_ =	shalt  }
.Lfunc_end0:
.L_simem_size_0:
called_computation_lowered:
.L_overlay_start_0:
0x88: {  	s2 =	sld [smem:$0x3FD9]  }
0x89: {  	s3 =	sld [smem:$0x3FFE];
	_ =	sdelay $0x1  }
0x8a: {  	s1 =	srdreg.scid  }
0x8b: {  	s0 =	sand.u32 $0x1, s1  }
0x8c: {  	s18 =	sshll.u32 s0, $0xA;
	s2 =	sadd.s32 s3, s2  }
0x8d: {  	s2 =	sadd.s32 s2, s18  }
0x8e: {  	[smem:$0x3FC3] =	sst s2  }
0x8f: {  	_ = 	snop  }
0x90: {  	s2 =	sld [smem:$0x3FC9]  }
0x91: {  	s19 =	sld [smem:$0x3FC8]  }
0x92: {  	s4 =	sld [smem:$0x3FC7]  }
0x93: {  	s5 =	sld [smem:$0x3FC6]  }
0x94: {  	s6 =	sld [smem:$0x3FC5]  }
0x95: {  	s7 =	sld [smem:$0x3FD0];
	(tm) =	ssettm $0x1  }
0x96: {  	s8 =	sld [smem:$0x3FFB];
	_ =	sdelay $0x3  }
0x97: {  	_ =	strace s8  }
0x98: {  	s8 =	sld [smem:$0x3FFC];
	_ =	sdelay $0x3  }
0x99: {  	_ =	strace s8  }
0x9a: {  	s8 =	sld [smem:$0x3FFD];
	_ =	sdelay $0x3  }
0x9b: {  	_ =	strace s8  }
0x9c: {  	_ =	strace $0x8FFFFFFF  }
0x9d: {  	s20 =	sld [smem:$0x3FDB];
	_ =	sdelay $0x1  }
0x9e: {  	s9 =	simm.s32 $_scs_section_size  }
0x9f: {  	s10 =	simm.s32 $_size__tile_overlayer_lowered;
	s11 =	simm.s32 $_tile_overlayer_lowered  }
0xa0: {  	s23 =	simm.s32 $0x1BFF;
	s22 =	sshll.u32 s11, $0x1;
	s8 =	sadd.s32 s9, s20  }
0xa1: {  	s12 =	simm.s32 $0x0;
	s21 =	sshll.u32 s10, $0x1;
	s10 =	sadd.s32 s22, s8  }
0xa2: {  	[timem:s12], [sflag:s23] =	dma.local [hbm:s10], s21  }
0xa3: {  	_ =	swait.ge [sflag:s23], s21  }
0xa4: {  	s9 =	ssub.s32 $0x0, s21;
	[sflag:s23] =	ssyncset.done $0x0  }
0xa5: {  	[sflag:s23] =	ssyncadd.s32 s9;
	_ =	sdelay $0x1  }
0xa6: {  	s24 =	simm.s32 $0x1B8B  }
0xa7: {  	_ =	swait.ge [sflag:s24], $0x1  }
0xa8: {  	[sflag:s24] =	ssyncset.done $0x0  }
0xa9: {  	s25 =	simm.s32 $0x1B8E;
	[sflag:s24] =	ssyncadd.s32 $0xFFFFFFFF  }
0xaa: {  	s26 =	simm.s32 $execute0_lowered;
	[smem:$0x3FD2] =	sst s25  }
0xab: {  	s9 =	sshll.u32 s26, $0x1;
	_ =	strace $0x80000046;
	[dreg:$0x1] =	wrdreg $0xFFFFFFFF  }
0xac: {  	s28 =	simm.s32 $_size_execute0_lowered;
	s8 =	sadd.s32 s8, s9;
	[dreg:$0x0] =	wrdreg $0x0  }
0xad: {  	s9 =	sshll.u32 s28, $0x1;
	[dreg:$0x2] =	wrdreg s8  }
0xae: {  	[dreg:$0x3] =	wrdreg s9  }
0xaf: {  	[dreg:$0x4] =	wrdreg $0xC0  }
0xb0: {  	_ =	task [dreg:s12], $0x5FFFF  }
0xb1: {  	[dreg:$0x1] =	wrdreg $0xFFFFFFFF  }
0xb2: {  	[dreg:$0x0] =	wrdreg $0x60  }
0xb3: {  	[dreg:$0x2] =	wrdreg s2  }
0xb4: {  	[dreg:$0x3] =	wrdreg s19  }
0xb5: {  	[dreg:$0x4] =	wrdreg s4  }
0xb6: {  	[dreg:$0x5] =	wrdreg s5  }
0xb7: {  	[dreg:$0x6] =	wrdreg s6  }
0xb8: {  	[dreg:$0x7] =	wrdreg s7  }
0xb9: {  	[dreg:$0x8] =	wrdreg $0x9  }
0xba: {  	_ =	task.clear_ibuf [dreg:s12], $0x9FFFF;
	_ =	strace $0x90000046  }
0xbb: {  	s29 =	simm.s32 $0x9;
	_ =	strace $0x80000048  }
0xbc: {  	_ =	swait.ge [sflag:s29], $0x1  }
0xbd: {  	[sflag:s29] =	ssyncadd.s32 $0xFFFFFFFF  }
0xbe: {  	_ =	strace $0x90000048  }
0xbf: {  	_ =	sfence  }
0xc0: {  	s30 =	sld [smem:$0x0];
	_ =	sdelay $0x2  }
0xc1: {  	s31 =	sshll.u32 s1, $0xD;
	s1 =	sshrl.u32 s1, $0x2  }
0xc2: {  	s3 =	sand.u32 $0x4000, s31;
	s1 =	sadd.s32 s1, s30  }
0xc3: {  	s0 =	sor.u32 s3, s0;
	s1 =	sshll.u32 s1, $0x11  }
0xc4: {  	s0 =	sor.u32 s1, s0  }
0xc5: {  	s0 =	sadd.s32 $0x8F2B, s0  }
0xc6: {  	[sflag:s0] =	ssyncadd.remote.s32 $0x1  }
0xc7: {  	_ =	sfence.sel $0xFFFF  }
0xc8: {  	[dreg:$0x0] =	wrdreg $0xFFFFFFFF;
	(pc) =	sbr.abs _section_cstart, $3  }
0xc9: {  	[dreg:$0x1] =	wrdreg $0xFFFFFFFF  }
0xca: {  	_ =	task.clear_ibuf [dreg:s12], $0x2FFFF;
	_ =	strace $0x9FFFFFFF  }
0xcb: {  	(tm) =	ssettm $0x7FFFFFFF  }
tec
execute0_lowered:
.L_overlay_start_1:
0x0: {  	(tag) =	ssettag $0x1  }
0x1: {  	s0 =	rddreg [dreg:$0x0]  }
0x2: {  	s1 =	rddreg [dreg:$0x1]  }
0x3: {  	s3 =	rddreg [dreg:$0x2];
	v0 =	vimm.s32 $0xFEDCBA98;
	v1 =	vimm.s32 $0x76543210  }
0x4: {  	s4 =	rddreg [dreg:$0x3];
	v4 =	vimm.s32 $0x3210FEDC;
	v5 =	vimm.s32 $0xBA987654;
	v2 =	vunpack.c.l.s4.s8 v0  }
0x5: {  	s6 =	rddreg [dreg:$0x4];
	v6 =	vimm.s32 $0x10FEDCBA;
	v7 =	vimm.s32 $0x98765432;
	v3 =	vunpack.c.l.s4.s8 v1  }
0x6: {  	s2 =	srdreg.scid;
	s5 =	stileid.u32;
	v4 =	vunpack.c.l.s4.s8 v4;
	v5 =	vunpack.c.l.s4.s8 v5;
	v2 =	vunpack.c.0.s8.s32 v2  }
0x7: {  	s7 =	rddreg [dreg:$0x5];
	s8 =	simm.s32 $0x0;
	s20 =	simm.s32 $0x2;
	v9 =	vimm.s32 $0xFEDCBA9;
	v0 =	vlaneseq.u32;
	v3 =	vunpack.c.0.s8.s32 v3  }
0x8: {  	s26 =	simm.s32 $0x1;
	s2 =	sand.u32 $0x1, s2;
	s5 =	sshll.u32 s5, $0x1;
	v4 =	vunpack.c.0.s8.s32 v4;
	v5 =	vunpack.c.0.s8.s32 v5;
	v2 =	vand.u32 $0xF, v2  }
0x9: {  	vm0 =	vcmask $0x3B00;
	s28 =	simm.s32 $0x3;
	s29 =	simm.s32 $0x0;
	s9 =	sor.u32 s2, s5;
	v1 =	vand.u32 $0x7, v0;
	v2 =	vcombine.low v2, v3  }
0xa: {  	[smem:$0x7FF] =	sst s8;
	s2 =	ssub.s32 $0x2, s2;
	s5 =	smul.u32 $0x50, s9;
	v3 =	vcombine.low v5, v4;
	v4 =	vunpack.c.l.s4.s8 v6;
	v5 =	vimm.s32 $0x87654321  }
0xb: {  	s10 =	sshrl.u32 s2, $0x1;
	s13 =	smul.u32 $0xA, s9;
	s31 =	ssub.s32 $0x1889, s9;
	v6 =	vunpack.c.l.s4.s8 v7;
	v7 =	vunpack.c.l.s4.s8 v9;
	v5 =	vunpack.c.l.s4.s8 v5  }
0xc: {  	_ =	strace $0x80000047;
	v8 =	vshrl.u32 v0, $0x3;
	s2 =	ssub.s32 s2, s10;
	s10 =	sshrl.u32 s31, $0x5;
	v9 =	vimm.s32 $0x0;
	v10 =	vunpack.c.0.s8.s32 v4  }
0xd: {  	s5 =	sshrl.u32 s5, $0x3;
	s11 =	sadd.s32 s3, s13;
	s12 =	sadd.s32 s4, s13;
	v6 =	vunpack.c.0.s8.s32 v6;
	v11 =	vunpack.c.0.s8.s32 v7;
	v12 =	vunpack.c.0.s8.s32 v5  }
0xe: {  	s13 =	sadd.s32 s6, s13;
	s17 =	smax.u32 s2, $0x1;
	s5 =	sadd.s32 $0x140, s5;
	v4 =	vmul.u32 $0x8, v8;
	v7 =	vor.u32 $0x8, v0;
	v5 =	vsel vm0, $0xFFFF0000, v9  }
0xf: {  	s14 =	sadd.s32 s3, s5;
	s15 =	sadd.s32 s4, s5;
	s16 =	sadd.s32 s6, s5;
	vm0 =	vmmov $0xffff;
	v6 =	vcombine.low v6, v10;
	v8 =	vcombine.low v12, v11  }
.LBB2_1:
0x10: {  	[tilespmem:s8], [sflag:$0x2] =	stream.linear.gather [hbm4b:s11+s8], $0x50, $0x38;
	[tilespmem:$0x1E400] =	vst v63  }
0x11: {  	s2 =	simm.s32 $0x100  }
0x12: {  	[tilespmem:s2], [sflag:$0x2] =	stream.linear.gather [hbm4b:s12+s8], $0x50, $0x38;
	[tilespmem:$0x1E400] =	vst v63  }
0x13: {  	s19 =	simm.s32 $0x200  }
0x14: {  	[tilespmem:s19], [sflag:$0x2] =	stream.linear.gather [hbm4b:s13+s8], $0x50, $0x38;
	[tilespmem:$0x1E400] =	vst v63  }
0x15: {  	_ =	swait.ge [sflag:s20], $0x50  }
0x16: {  	[sflag:s20] =	ssyncset.done $0x0  }
0x17: {  	[sflag:s20] =	ssyncadd.s32 $0xFFFFFFB0  }
0x18: {  	_ =	swait.ge [sflag:s20], $0x50  }
0x19: {  	[sflag:s20] =	ssyncset.done $0x0  }
0x1a: {  	[sflag:s20] =	ssyncadd.s32 $0xFFFFFFB0  }
0x1b: {  	_ =	swait.ge [sflag:s20], $0x50  }
0x1c: {  	[sflag:s20] =	ssyncset.done $0x0  }
0x1d: {  	s21 =	simm.s32 $0x80;
	[sflag:s20] =	ssyncadd.s32 $0xFFFFFFB0  }
0x1e: {  	[tilespmem:s21], [sflag:$0x2] =	stream.linear.gather [hbm4b:s14+s8], $0x50, $0x38;
	[tilespmem:$0x1E400] =	vst v63  }
0x1f: {  	s22 =	simm.s32 $0x180  }
0x20: {  	[tilespmem:s22], [sflag:$0x2] =	stream.linear.gather [hbm4b:s15+s8], $0x50, $0x38;
	[tilespmem:$0x1E400] =	vst v63  }
0x21: {  	s23 =	simm.s32 $0x280  }
0x22: {  	[tilespmem:s23], [sflag:$0x2] =	stream.linear.gather [hbm4b:s16+s8], $0x50, $0x38;
	[tilespmem:$0x1E400] =	vst v63  }
0x23: {  	v9 =	vld [tilespmem:$0x0];
	_ =	sdelay $0x4  }
0x24: {  	v10 =	vshll.u32 v9, $0x1  }
0x25: {  	v9 =	vand.u32 $0x7, v9;
	v10 =	vand.u32 $0xFFFFFFF0, v10  }
0x26: {  	v9 =	vor.u32 v9, v10  }
0x27: {  	v10 =	vperm.xlane v9, v1;
	_ =	sdelay $0x1  }
0x28: {  	v9 =	vperm.xlane v9, v7;
	v10 =	vadd.s32 v4, v10;
	_ =	sdelay $0x1  }
0x29: {  	v9 =	vadd.s32 v4, v9;
	_ =	sdelay $0x1  }
0x2a: {  	s24 =	simm.s32 $0x300  }
0x2b: {  	[tilespmem:s24], [sflag:$0x1] =	stream.indirect_vreg.gather [hbm4b:s0+s8], $0x80, v10, vm0, $0xb8;
	[tilespmem:$0x1E400] =	vst v63  }
0x2c: {  	s25 =	simm.s32 $0xB00  }
0x2d: {  	[tilespmem:s25], [sflag:$0x1] =	stream.indirect_vreg.gather [hbm4b:s0+s8], $0x80, v9, vm0, $0xb8;
	[tilespmem:$0x1E400] =	vst v63  }
0x2e: {  	v9 =	vld [tilespmem:$0x10];
	_ =	sdelay $0x4  }
0x2f: {  	v10 =	vshll.u32 v9, $0x1  }
0x30: {  	v9 =	vand.u32 $0x7, v9;
	v10 =	vand.u32 $0xFFFFFFF0, v10  }
0x31: {  	v9 =	vor.u32 v9, v10  }
0x32: {  	v10 =	vperm.xlane v9, v1;
	_ =	sdelay $0x1  }
0x33: {  	v9 =	vperm.xlane v9, v7;
	v10 =	vadd.s32 v4, v10;
	_ =	sdelay $0x1  }
0x34: {  	v9 =	vadd.s32 v4, v9;
	_ =	sdelay $0x1  }
0x35: {  	s31 =	simm.s32 $0x1300  }
0x36: {  	[tilespmem:s31], [sflag:$0x1] =	stream.indirect_vreg.gather [hbm4b:s0+s8], $0x80, v10, vm0, $0xb8;
	[tilespmem:$0x1E400] =	vst v63  }
0x37: {  	s5 =	simm.s32 $0x1B00  }
0x38: {  	[tilespmem:s5], [sflag:$0x1] =	stream.indirect_vreg.gather [hbm4b:s0+s8], $0x80, v9, vm0, $0xb8;
	[tilespmem:$0x1E400] =	vst v63  }
0x39: {  	v9 =	vld [tilespmem:$0x20];
	_ =	sdelay $0x4  }
0x3a: {  	v10 =	vshll.u32 v9, $0x1  }
0x3b: {  	v9 =	vand.u32 $0x7, v9;
	v10 =	vand.u32 $0xFFFFFFF0, v10  }
0x3c: {  	v9 =	vor.u32 v9, v10  }
0x3d: {  	v10 =	vperm.xlane v9, v1;
	_ =	sdelay $0x1  }
0x3e: {  	v9 =	vperm.xlane v9, v7;
	v10 =	vadd.s32 v4, v10;
	_ =	sdelay $0x1  }
0x3f: {  	v9 =	vadd.s32 v4, v9;
	_ =	sdelay $0x1  }
0x40: {  	s18 =	simm.s32 $0x2300  }
0x41: {  	[tilespmem:s18], [sflag:$0x1] =	stream.indirect_vreg.gather [hbm4b:s0+s8], $0x80, v10, vm0, $0xb8;
	[tilespmem:$0x1E400] =	vst v63  }
0x42: {  	s19 =	simm.s32 $0x2B00  }
0x43: {  	[tilespmem:s19], [sflag:$0x1] =	stream.indirect_vreg.gather [hbm4b:s0+s8], $0x80, v9, vm0, $0xb8;
	[tilespmem:$0x1E400] =	vst v63  }
0x44: {  	v9 =	vld [tilespmem:$0x30];
	_ =	sdelay $0x4  }
0x45: {  	v10 =	vshll.u32 v9, $0x1  }
0x46: {  	v9 =	vand.u32 $0x7, v9;
	v10 =	vand.u32 $0xFFFFFFF0, v10  }
0x47: {  	v9 =	vor.u32 v9, v10  }
0x48: {  	v10 =	vperm.xlane v9, v1;
	_ =	sdelay $0x1  }
0x49: {  	v9 =	vperm.xlane v9, v7;
	v10 =	vadd.s32 v4, v10;
	_ =	sdelay $0x1  }
0x4a: {  	v9 =	vadd.s32 v4, v9;
	_ =	sdelay $0x1  }
0x4b: {  	s21 =	simm.s32 $0x3300  }
0x4c: {  	[tilespmem:s21], [sflag:$0x1] =	stream.indirect_vreg.gather [hbm4b:s0+s8], $0x80, v10, vm0, $0xb8;
	[tilespmem:$0x1E400] =	vst v63  }
0x4d: {  	s22 =	simm.s32 $0x3B00  }
0x4e: {  	[tilespmem:s22], [sflag:$0x1] =	stream.indirect_vreg.gather [hbm4b:s0+s8], $0x80, v9, vm0, $0xb8;
	[tilespmem:$0x1E400] =	vst v63  }
0x4f: {  	v9 =	vld [tilespmem:$0x40];
	_ =	sdelay $0x4  }
0x50: {  	v10 =	vshll.u32 v9, $0x1  }
0x51: {  	v9 =	vand.u32 $0x7, v9;
	v10 =	vand.u32 $0xFFFFFFF0, v10  }
0x52: {  	v9 =	vor.u32 v9, v10  }
0x53: {  	v10 =	vperm.xlane v9, v1;
	_ =	sdelay $0x1  }
0x54: {  	v9 =	vperm.xlane v9, v7;
	v10 =	vadd.s32 v4, v10;
	_ =	sdelay $0x1  }
0x55: {  	v9 =	vadd.s32 v4, v9;
	_ =	sdelay $0x1  }
0x56: {  	s23 =	simm.s32 $0x4300  }
0x57: {  	[tilespmem:s23], [sflag:$0x1] =	stream.indirect_vreg.gather [hbm4b:s0+s8], $0x80, v10, vm0, $0xb8;
	[tilespmem:$0x1E400] =	vst v63  }
0x58: {  	s24 =	simm.s32 $0x4B00  }
0x59: {  	[tilespmem:s24], [sflag:$0x1] =	stream.indirect_vreg.gather [hbm4b:s0+s8], $0x80, v9, vm0, $0xb8;
	[tilespmem:$0x1E400] =	vst v63  }
0x5a: {  	v9 =	vld [tilespmem:$0x100];
	_ =	sdelay $0x4  }
0x5b: {  	v10 =	vshll.u32 v9, $0x1  }
0x5c: {  	v9 =	vand.u32 $0x7, v9;
	v10 =	vand.u32 $0xFFFFFFF0, v10  }
0x5d: {  	v9 =	vor.u32 v9, v10  }
0x5e: {  	v10 =	vperm.xlane v9, v1;
	_ =	sdelay $0x1  }
0x5f: {  	v9 =	vperm.xlane v9, v7;
	v10 =	vadd.s32 v4, v10;
	_ =	sdelay $0x1  }
0x60: {  	v9 =	vadd.s32 v4, v9;
	_ =	sdelay $0x1  }
0x61: {  	s25 =	simm.s32 $0xA300  }
0x62: {  	[tilespmem:s25], [sflag:$0x1] =	stream.indirect_vreg.gather [hbm4b:s1+s8], $0x80, v10, vm0, $0xb8;
	[tilespmem:$0x1E400] =	vst v63  }
0x63: {  	s31 =	simm.s32 $0xAB00  }
0x64: {  	[tilespmem:s31], [sflag:$0x1] =	stream.indirect_vreg.gather [hbm4b:s1+s8], $0x80, v9, vm0, $0xb8;
	[tilespmem:$0x1E400] =	vst v63  }
0x65: {  	v9 =	vld [tilespmem:$0x110];
	_ =	sdelay $0x4  }
0x66: {  	v10 =	vshll.u32 v9, $0x1  }
0x67: {  	v9 =	vand.u32 $0x7, v9;
	v10 =	vand.u32 $0xFFFFFFF0, v10  }
0x68: {  	v9 =	vor.u32 v9, v10  }
0x69: {  	v10 =	vperm.xlane v9, v1;
	_ =	sdelay $0x1  }
0x6a: {  	v9 =	vperm.xlane v9, v7;
	v10 =	vadd.s32 v4, v10;
	_ =	sdelay $0x1  }
0x6b: {  	v9 =	vadd.s32 v4, v9;
	_ =	sdelay $0x1  }
0x6c: {  	s5 =	simm.s32 $0xB300  }
0x6d: {  	[tilespmem:s5], [sflag:$0x1] =	stream.indirect_vreg.gather [hbm4b:s1+s8], $0x80, v10, vm0, $0xb8;
	[tilespmem:$0x1E400] =	vst v63  }
0x6e: {  	s18 =	simm.s32 $0xBB00  }
0x6f: {  	[tilespmem:s18], [sflag:$0x1] =	stream.indirect_vreg.gather [hbm4b:s1+s8], $0x80, v9, vm0, $0xb8;
	[tilespmem:$0x1E400] =	vst v63  }
0x70: {  	v9 =	vld [tilespmem:$0x120];
	_ =	sdelay $0x4  }
0x71: {  	v10 =	vshll.u32 v9, $0x1  }
0x72: {  	v9 =	vand.u32 $0x7, v9;
	v10 =	vand.u32 $0xFFFFFFF0, v10  }
0x73: {  	v9 =	vor.u32 v9, v10  }
0x74: {  	v10 =	vperm.xlane v9, v1;
	_ =	sdelay $0x1  }
0x75: {  	v9 =	vperm.xlane v9, v7;
	v10 =	vadd.s32 v4, v10;
	_ =	sdelay $0x1  }
0x76: {  	v9 =	vadd.s32 v4, v9;
	_ =	sdelay $0x1  }
0x77: {  	s19 =	simm.s32 $0xC300  }
0x78: {  	[tilespmem:s19], [sflag:$0x1] =	stream.indirect_vreg.gather [hbm4b:s1+s8], $0x80, v10, vm0, $0xb8;
	[tilespmem:$0x1E400] =	vst v63  }
0x79: {  	s21 =	simm.s32 $0xCB00  }
0x7a: {  	[tilespmem:s21], [sflag:$0x1] =	stream.indirect_vreg.gather [hbm4b:s1+s8], $0x80, v9, vm0, $0xb8;
	[tilespmem:$0x1E400] =	vst v63  }
0x7b: {  	v9 =	vld [tilespmem:$0x130];
	_ =	sdelay $0x4  }
0x7c: {  	v10 =	vshll.u32 v9, $0x1  }
0x7d: {  	v9 =	vand.u32 $0x7, v9;
	v10 =	vand.u32 $0xFFFFFFF0, v10  }
0x7e: {  	v9 =	vor.u32 v9, v10  }
0x7f: {  	v10 =	vperm.xlane v9, v1;
	_ =	sdelay $0x1  }
0x80: {  	v9 =	vperm.xlane v9, v7;
	v10 =	vadd.s32 v4, v10;
	_ =	sdelay $0x1  }
0x81: {  	v9 =	vadd.s32 v4, v9;
	_ =	sdelay $0x1  }
0x82: {  	s22 =	simm.s32 $0xD300  }
0x83: {  	[tilespmem:s22], [sflag:$0x1] =	stream.indirect_vreg.gather [hbm4b:s1+s8], $0x80, v10, vm0, $0xb8;
	[tilespmem:$0x1E400] =	vst v63  }
0x84: {  	s23 =	simm.s32 $0xDB00  }
0x85: {  	[tilespmem:s23], [sflag:$0x1] =	stream.indirect_vreg.gather [hbm4b:s1+s8], $0x80, v9, vm0, $0xb8;
	[tilespmem:$0x1E400] =	vst v63  }
0x86: {  	v9 =	vld [tilespmem:$0x140];
	_ =	sdelay $0x4  }
0x87: {  	v10 =	vshll.u32 v9, $0x1  }
0x88: {  	v9 =	vand.u32 $0x7, v9;
	v10 =	vand.u32 $0xFFFFFFF0, v10  }
0x89: {  	v9 =	vor.u32 v9, v10  }
0x8a: {  	v10 =	vperm.xlane v9, v1;
	_ =	sdelay $0x1  }
0x8b: {  	v9 =	vperm.xlane v9, v7;
	v10 =	vadd.s32 v4, v10;
	_ =	sdelay $0x1  }
0x8c: {  	v9 =	vadd.s32 v4, v9;
	_ =	sdelay $0x1  }
0x8d: {  	s24 =	simm.s32 $0xE300  }
0x8e: {  	[tilespmem:s24], [sflag:$0x1] =	stream.indirect_vreg.gather [hbm4b:s1+s8], $0x80, v10, vm0, $0xb8;
	[tilespmem:$0x1E400] =	vst v63  }
0x8f: {  	s25 =	simm.s32 $0xEB00  }
0x90: {  	[tilespmem:s25], [sflag:$0x1] =	stream.indirect_vreg.gather [hbm4b:s1+s8], $0x80, v9, vm0, $0xb8;
	[tilespmem:$0x1E400] =	vst v63  }
0x91: {  	v9 =	vld [tilespmem:$0x200];
	_ =	sdelay $0x4  }
0x92: {  	v10 =	vshll.u32 v9, $0x1  }
0x93: {  	v9 =	vand.u32 $0x7, v9;
	v10 =	vand.u32 $0xFFFFFFF0, v10  }
0x94: {  	v9 =	vor.u32 v9, v10  }
0x95: {  	v10 =	vperm.xlane v9, v1;
	_ =	sdelay $0x1  }
0x96: {  	v9 =	vperm.xlane v9, v7;
	v10 =	vadd.s32 v4, v10;
	_ =	sdelay $0x1  }
0x97: {  	v9 =	vadd.s32 v4, v9;
	_ =	sdelay $0x1  }
0x98: {  	s31 =	simm.s32 $0x14300  }
0x99: {  	[tilespmem:s31], [sflag:$0x1] =	stream.indirect_vreg.gather [hbm4b:s0+s8], $0x80, v10, vm0, $0xb8;
	[tilespmem:$0x1E400] =	vst v63  }
0x9a: {  	s5 =	simm.s32 $0x14B00  }
0x9b: {  	[tilespmem:s5], [sflag:$0x1] =	stream.indirect_vreg.gather [hbm4b:s0+s8], $0x80, v9, vm0, $0xb8;
	[tilespmem:$0x1E400] =	vst v63  }
0x9c: {  	v9 =	vld [tilespmem:$0x210];
	_ =	sdelay $0x4  }
0x9d: {  	v10 =	vshll.u32 v9, $0x1  }
0x9e: {  	v9 =	vand.u32 $0x7, v9;
	v10 =	vand.u32 $0xFFFFFFF0, v10  }
0x9f: {  	v9 =	vor.u32 v9, v10  }
0xa0: {  	v10 =	vperm.xlane v9, v1;
	_ =	sdelay $0x1  }
0xa1: {  	v9 =	vperm.xlane v9, v7;
	v10 =	vadd.s32 v4, v10;
	_ =	sdelay $0x1  }
0xa2: {  	v9 =	vadd.s32 v4, v9;
	_ =	sdelay $0x1  }
0xa3: {  	s18 =	simm.s32 $0x15300  }
0xa4: {  	[tilespmem:s18], [sflag:$0x1] =	stream.indirect_vreg.gather [hbm4b:s0+s8], $0x80, v10, vm0, $0xb8;
	[tilespmem:$0x1E400] =	vst v63  }
0xa5: {  	s19 =	simm.s32 $0x15B00  }
0xa6: {  	[tilespmem:s19], [sflag:$0x1] =	stream.indirect_vreg.gather [hbm4b:s0+s8], $0x80, v9, vm0, $0xb8;
	[tilespmem:$0x1E400] =	vst v63  }
0xa7: {  	v9 =	vld [tilespmem:$0x220];
	_ =	sdelay $0x4  }
0xa8: {  	v10 =	vshll.u32 v9, $0x1  }
0xa9: {  	v9 =	vand.u32 $0x7, v9;
	v10 =	vand.u32 $0xFFFFFFF0, v10  }
0xaa: {  	v9 =	vor.u32 v9, v10  }
0xab: {  	v10 =	vperm.xlane v9, v1;
	_ =	sdelay $0x1  }
0xac: {  	v9 =	vperm.xlane v9, v7;
	v10 =	vadd.s32 v4, v10;
	_ =	sdelay $0x1  }
0xad: {  	v9 =	vadd.s32 v4, v9;
	_ =	sdelay $0x1  }
0xae: {  	s21 =	simm.s32 $0x16300  }
0xaf: {  	[tilespmem:s21], [sflag:$0x1] =	stream.indirect_vreg.gather [hbm4b:s0+s8], $0x80, v10, vm0, $0xb8;
	[tilespmem:$0x1E400] =	vst v63  }
0xb0: {  	s22 =	simm.s32 $0x16B00  }
0xb1: {  	[tilespmem:s22], [sflag:$0x1] =	stream.indirect_vreg.gather [hbm4b:s0+s8], $0x80, v9, vm0, $0xb8;
	[tilespmem:$0x1E400] =	vst v63  }
0xb2: {  	v9 =	vld [tilespmem:$0x230];
	_ =	sdelay $0x4  }
0xb3: {  	v10 =	vshll.u32 v9, $0x1  }
0xb4: {  	v9 =	vand.u32 $0x7, v9;
	v10 =	vand.u32 $0xFFFFFFF0, v10  }
0xb5: {  	v9 =	vor.u32 v9, v10  }
0xb6: {  	v10 =	vperm.xlane v9, v1;
	_ =	sdelay $0x1  }
0xb7: {  	v9 =	vperm.xlane v9, v7;
	v10 =	vadd.s32 v4, v10;
	_ =	sdelay $0x1  }
0xb8: {  	v9 =	vadd.s32 v4, v9;
	_ =	sdelay $0x1  }
0xb9: {  	s23 =	simm.s32 $0x17300  }
0xba: {  	[tilespmem:s23], [sflag:$0x1] =	stream.indirect_vreg.gather [hbm4b:s0+s8], $0x80, v10, vm0, $0xb8;
	[tilespmem:$0x1E400] =	vst v63  }
0xbb: {  	s24 =	simm.s32 $0x17B00  }
0xbc: {  	[tilespmem:s24], [sflag:$0x1] =	stream.indirect_vreg.gather [hbm4b:s0+s8], $0x80, v9, vm0, $0xb8;
	[tilespmem:$0x1E400] =	vst v63  }
0xbd: {  	v9 =	vld [tilespmem:$0x240];
	_ =	sdelay $0x4  }
0xbe: {  	v10 =	vshll.u32 v9, $0x1  }
0xbf: {  	v9 =	vand.u32 $0x7, v9;
	v10 =	vand.u32 $0xFFFFFFF0, v10  }
0xc0: {  	v9 =	vor.u32 v9, v10  }
0xc1: {  	v10 =	vperm.xlane v9, v1;
	_ =	sdelay $0x1  }
0xc2: {  	v9 =	vperm.xlane v9, v7;
	v10 =	vadd.s32 v4, v10;
	_ =	sdelay $0x1  }
0xc3: {  	v9 =	vadd.s32 v4, v9;
	_ =	sdelay $0x1  }
0xc4: {  	s25 =	simm.s32 $0x18300  }
0xc5: {  	[tilespmem:s25], [sflag:$0x1] =	stream.indirect_vreg.gather [hbm4b:s0+s8], $0x80, v10, vm0, $0xb8;
	[tilespmem:$0x1E400] =	vst v63  }
0xc6: {  	s30 =	simm.s32 $0x0;
	s31 =	simm.s32 $0x18B00  }
0xc7: {  	[tilespmem:s31], [sflag:$0x1] =	stream.indirect_vreg.gather [hbm4b:s0+s8], $0x80, v9, vm0, $0xb8;
	[tilespmem:$0x1E400] =	vst v63  }
.LBB2_2:
0xc8: {  	_ =	swait.ge [sflag:s26], $0x5000  }
0xc9: {  	[sflag:s26] =	ssyncset.done $0x0  }
0xca: {  	s31 =	sadd.s32 $0x1, s30;
	[sflag:s26] =	ssyncadd.s32 $0xFFFFB000  }
0xcb: {  	p0 =	sge.u32 s31, s10;
	_ =	swait.ge [sflag:s26], $0x5000  }
.Ltmp0:
0xcc: {  	[sflag:s26] =	ssyncset.done $0x0;
	(pc) =	sbr.rel @p0 .LBB2_4-.Ltmp0, $4  }
0xcd: {  	[sflag:s26] =	ssyncadd.s32 $0xFFFFB000  }
0xce: {  	_ =	swait.ge [sflag:s26], $0x5000  }
0xcf: {  	[sflag:s26] =	ssyncset.done $0x0  }
0xd0: {  	[sflag:s26] =	ssyncadd.s32 $0xFFFFB000  }
0xd1: {  	_ =	swait.ge [sflag:s20], $0x50  }
0xd2: {  	[sflag:s20] =	ssyncset.done $0x0  }
0xd3: {  	[sflag:s20] =	ssyncadd.s32 $0xFFFFFFB0  }
0xd4: {  	_ =	swait.ge [sflag:s20], $0x50  }
0xd5: {  	[sflag:s20] =	ssyncset.done $0x0  }
0xd6: {  	[sflag:s20] =	ssyncadd.s32 $0xFFFFFFB0  }
0xd7: {  	_ =	swait.ge [sflag:s20], $0x50  }
0xd8: {  	s2 =	sand.u32 $0x1, s31;
	[sflag:s20] =	ssyncset.done $0x0  }
0xd9: {  	s5 =	sshll.u32 s2, $0x7;
	[sflag:s20] =	ssyncadd.s32 $0xFFFFFFB0  }
0xda: {  	v9 =	vld [tilespmem:s5+$0x0];
	_ =	sdelay $0x4  }
0xdb: {  	v10 =	vshll.u32 v9, $0x1  }
0xdc: {  	v9 =	vand.u32 $0x7, v9;
	v10 =	vand.u32 $0xFFFFFFF0, v10  }
0xdd: {  	v9 =	vor.u32 v9, v10  }
0xde: {  	v10 =	vperm.xlane v9, v1;
	_ =	sdelay $0x1  }
0xdf: {  	v9 =	vperm.xlane v9, v7;
	v10 =	vadd.s32 v4, v10;
	_ =	sdelay $0x1  }
0xe0: {  	s2 =	smul.u32 $0x5000, s2;
	v9 =	vadd.s32 v4, v9;
	_ =	sdelay $0x1  }
0xe1: {  	s18 =	sor.u32 $0x300, s2  }
0xe2: {  	[tilespmem:s18], [sflag:$0x1] =	stream.indirect_vreg.gather [hbm4b:s0+s8], $0x80, v10, vm0, $0xb8;
	[tilespmem:$0x1E400] =	vst v63  }
0xe3: {  	s22 =	sor.u32 $0xB00, s2  }
0xe4: {  	[tilespmem:s22], [sflag:$0x1] =	stream.indirect_vreg.gather [hbm4b:s0+s8], $0x80, v9, vm0, $0xb8;
	[tilespmem:$0x1E400] =	vst v63  }
0xe5: {  	v9 =	vld [tilespmem:s5+$0x10];
	_ =	sdelay $0x4  }
0xe6: {  	v10 =	vshll.u32 v9, $0x1  }
0xe7: {  	v9 =	vand.u32 $0x7, v9;
	v10 =	vand.u32 $0xFFFFFFF0, v10  }
0xe8: {  	v9 =	vor.u32 v9, v10  }
0xe9: {  	v10 =	vperm.xlane v9, v1;
	_ =	sdelay $0x1  }
0xea: {  	v9 =	vperm.xlane v9, v7;
	v10 =	vadd.s32 v4, v10;
	_ =	sdelay $0x1  }
0xeb: {  	v9 =	vadd.s32 v4, v9;
	_ =	sdelay $0x1  }
0xec: {  	s23 =	sadd.s32 $0x1300, s2  }
0xed: {  	[tilespmem:s23], [sflag:$0x1] =	stream.indirect_vreg.gather [hbm4b:s0+s8], $0x80, v10, vm0, $0xb8;
	[tilespmem:$0x1E400] =	vst v63  }
0xee: {  	s24 =	sadd.s32 $0x1B00, s2  }
0xef: {  	[tilespmem:s24], [sflag:$0x1] =	stream.indirect_vreg.gather [hbm4b:s0+s8], $0x80, v9, vm0, $0xb8;
	[tilespmem:$0x1E400] =	vst v63  }
0xf0: {  	v9 =	vld [tilespmem:s5+$0x20];
	_ =	sdelay $0x4  }
0xf1: {  	v10 =	vshll.u32 v9, $0x1  }
0xf2: {  	v9 =	vand.u32 $0x7, v9;
	v10 =	vand.u32 $0xFFFFFFF0, v10  }
0xf3: {  	v9 =	vor.u32 v9, v10  }
0xf4: {  	v10 =	vperm.xlane v9, v1;
	_ =	sdelay $0x1  }
0xf5: {  	v9 =	vperm.xlane v9, v7;
	v10 =	vadd.s32 v4, v10;
	_ =	sdelay $0x1  }
0xf6: {  	v9 =	vadd.s32 v4, v9;
	_ =	sdelay $0x1  }
0xf7: {  	s25 =	sadd.s32 $0x2300, s2  }
0xf8: {  	[tilespmem:s25], [sflag:$0x1] =	stream.indirect_vreg.gather [hbm4b:s0+s8], $0x80, v10, vm0, $0xb8;
	[tilespmem:$0x1E400] =	vst v63  }
0xf9: {  	s19 =	sadd.s32 $0x2B00, s2  }
0xfa: {  	[tilespmem:s19], [sflag:$0x1] =	stream.indirect_vreg.gather [hbm4b:s0+s8], $0x80, v9, vm0, $0xb8;
	[tilespmem:$0x1E400] =	vst v63  }
0xfb: {  	v9 =	vld [tilespmem:s5+$0x30];
	_ =	sdelay $0x4  }
0xfc: {  	v10 =	vshll.u32 v9, $0x1  }
0xfd: {  	v9 =	vand.u32 $0x7, v9;
	v10 =	vand.u32 $0xFFFFFFF0, v10  }
0xfe: {  	v9 =	vor.u32 v9, v10  }
0xff: {  	v10 =	vperm.xlane v9, v1;
	_ =	sdelay $0x1  }
0x100: {  	v9 =	vperm.xlane v9, v7;
	v10 =	vadd.s32 v4, v10;
	_ =	sdelay $0x1  }
0x101: {  	v9 =	vadd.s32 v4, v9;
	_ =	sdelay $0x1  }
0x102: {  	s21 =	sadd.s32 $0x3300, s2  }
0x103: {  	[tilespmem:s21], [sflag:$0x1] =	stream.indirect_vreg.gather [hbm4b:s0+s8], $0x80, v10, vm0, $0xb8;
	[tilespmem:$0x1E400] =	vst v63  }
0x104: {  	s22 =	sadd.s32 $0x3B00, s2  }
0x105: {  	[tilespmem:s22], [sflag:$0x1] =	stream.indirect_vreg.gather [hbm4b:s0+s8], $0x80, v9, vm0, $0xb8;
	[tilespmem:$0x1E400] =	vst v63  }
0x106: {  	v9 =	vld [tilespmem:s5+$0x40];
	_ =	sdelay $0x4  }
0x107: {  	v10 =	vshll.u32 v9, $0x1  }
0x108: {  	v9 =	vand.u32 $0x7, v9;
	v10 =	vand.u32 $0xFFFFFFF0, v10  }
0x109: {  	v9 =	vor.u32 v9, v10  }
0x10a: {  	v10 =	vperm.xlane v9, v1;
	_ =	sdelay $0x1  }
0x10b: {  	v9 =	vperm.xlane v9, v7;
	v10 =	vadd.s32 v4, v10;
	_ =	sdelay $0x1  }
0x10c: {  	v9 =	vadd.s32 v4, v9;
	_ =	sdelay $0x1  }
0x10d: {  	s23 =	sadd.s32 $0x4300, s2  }
0x10e: {  	[tilespmem:s23], [sflag:$0x1] =	stream.indirect_vreg.gather [hbm4b:s0+s8], $0x80, v10, vm0, $0xb8;
	[tilespmem:$0x1E400] =	vst v63  }
0x10f: {  	s24 =	sadd.s32 $0x4B00, s2  }
0x110: {  	[tilespmem:s24], [sflag:$0x1] =	stream.indirect_vreg.gather [hbm4b:s0+s8], $0x80, v9, vm0, $0xb8;
	[tilespmem:$0x1E400] =	vst v63  }
0x111: {  	v9 =	vld [tilespmem:s5+$0x100];
	_ =	sdelay $0x4  }
0x112: {  	v10 =	vshll.u32 v9, $0x1  }
0x113: {  	v9 =	vand.u32 $0x7, v9;
	v10 =	vand.u32 $0xFFFFFFF0, v10  }
0x114: {  	v9 =	vor.u32 v9, v10  }
0x115: {  	v10 =	vperm.xlane v9, v1;
	_ =	sdelay $0x1  }
0x116: {  	v9 =	vperm.xlane v9, v7;
	v10 =	vadd.s32 v4, v10;
	_ =	sdelay $0x1  }
0x117: {  	v9 =	vadd.s32 v4, v9;
	_ =	sdelay $0x1  }
0x118: {  	s25 =	sadd.s32 $0xA300, s2  }
0x119: {  	[tilespmem:s25], [sflag:$0x1] =	stream.indirect_vreg.gather [hbm4b:s1+s8], $0x80, v10, vm0, $0xb8;
	[tilespmem:$0x1E400] =	vst v63  }
0x11a: {  	s19 =	sadd.s32 $0xAB00, s2  }
0x11b: {  	[tilespmem:s19], [sflag:$0x1] =	stream.indirect_vreg.gather [hbm4b:s1+s8], $0x80, v9, vm0, $0xb8;
	[tilespmem:$0x1E400] =	vst v63  }
0x11c: {  	v9 =	vld [tilespmem:s5+$0x110];
	_ =	sdelay $0x4  }
0x11d: {  	v10 =	vshll.u32 v9, $0x1  }
0x11e: {  	v9 =	vand.u32 $0x7, v9;
	v10 =	vand.u32 $0xFFFFFFF0, v10  }
0x11f: {  	v9 =	vor.u32 v9, v10  }
0x120: {  	v10 =	vperm.xlane v9, v1;
	_ =	sdelay $0x1  }
0x121: {  	v9 =	vperm.xlane v9, v7;
	v10 =	vadd.s32 v4, v10;
	_ =	sdelay $0x1  }
0x122: {  	v9 =	vadd.s32 v4, v9;
	_ =	sdelay $0x1  }
0x123: {  	s21 =	sadd.s32 $0xB300, s2  }
0x124: {  	[tilespmem:s21], [sflag:$0x1] =	stream.indirect_vreg.gather [hbm4b:s1+s8], $0x80, v10, vm0, $0xb8;
	[tilespmem:$0x1E400] =	vst v63  }
0x125: {  	s22 =	sadd.s32 $0xBB00, s2  }
0x126: {  	[tilespmem:s22], [sflag:$0x1] =	stream.indirect_vreg.gather [hbm4b:s1+s8], $0x80, v9, vm0, $0xb8;
	[tilespmem:$0x1E400] =	vst v63  }
0x127: {  	v9 =	vld [tilespmem:s5+$0x120];
	_ =	sdelay $0x4  }
0x128: {  	v10 =	vshll.u32 v9, $0x1  }
0x129: {  	v9 =	vand.u32 $0x7, v9;
	v10 =	vand.u32 $0xFFFFFFF0, v10  }
0x12a: {  	v9 =	vor.u32 v9, v10  }
0x12b: {  	v10 =	vperm.xlane v9, v1;
	_ =	sdelay $0x1  }
0x12c: {  	v9 =	vperm.xlane v9, v7;
	v10 =	vadd.s32 v4, v10;
	_ =	sdelay $0x1  }
0x12d: {  	v9 =	vadd.s32 v4, v9;
	_ =	sdelay $0x1  }
0x12e: {  	s23 =	sadd.s32 $0xC300, s2  }
0x12f: {  	[tilespmem:s23], [sflag:$0x1] =	stream.indirect_vreg.gather [hbm4b:s1+s8], $0x80, v10, vm0, $0xb8;
	[tilespmem:$0x1E400] =	vst v63  }
0x130: {  	s24 =	sadd.s32 $0xCB00, s2  }
0x131: {  	[tilespmem:s24], [sflag:$0x1] =	stream.indirect_vreg.gather [hbm4b:s1+s8], $0x80, v9, vm0, $0xb8;
	[tilespmem:$0x1E400] =	vst v63  }
0x132: {  	v9 =	vld [tilespmem:s5+$0x130];
	_ =	sdelay $0x4  }
0x133: {  	v10 =	vshll.u32 v9, $0x1  }
0x134: {  	v9 =	vand.u32 $0x7, v9;
	v10 =	vand.u32 $0xFFFFFFF0, v10  }
0x135: {  	v9 =	vor.u32 v9, v10  }
0x136: {  	v10 =	vperm.xlane v9, v1;
	_ =	sdelay $0x1  }
0x137: {  	v9 =	vperm.xlane v9, v7;
	v10 =	vadd.s32 v4, v10;
	_ =	sdelay $0x1  }
0x138: {  	v9 =	vadd.s32 v4, v9;
	_ =	sdelay $0x1  }
0x139: {  	s25 =	sadd.s32 $0xD300, s2  }
0x13a: {  	[tilespmem:s25], [sflag:$0x1] =	stream.indirect_vreg.gather [hbm4b:s1+s8], $0x80, v10, vm0, $0xb8;
	[tilespmem:$0x1E400] =	vst v63  }
0x13b: {  	s19 =	sadd.s32 $0xDB00, s2  }
0x13c: {  	[tilespmem:s19], [sflag:$0x1] =	stream.indirect_vreg.gather [hbm4b:s1+s8], $0x80, v9, vm0, $0xb8;
	[tilespmem:$0x1E400] =	vst v63  }
0x13d: {  	v9 =	vld [tilespmem:s5+$0x140];
	_ =	sdelay $0x4  }
0x13e: {  	v10 =	vshll.u32 v9, $0x1  }
0x13f: {  	v9 =	vand.u32 $0x7, v9;
	v10 =	vand.u32 $0xFFFFFFF0, v10  }
0x140: {  	v9 =	vor.u32 v9, v10  }
0x141: {  	v10 =	vperm.xlane v9, v1;
	_ =	sdelay $0x1  }
0x142: {  	v9 =	vperm.xlane v9, v7;
	v10 =	vadd.s32 v4, v10;
	_ =	sdelay $0x1  }
0x143: {  	v9 =	vadd.s32 v4, v9;
	_ =	sdelay $0x1  }
0x144: {  	s21 =	sadd.s32 $0xE300, s2  }
0x145: {  	[tilespmem:s21], [sflag:$0x1] =	stream.indirect_vreg.gather [hbm4b:s1+s8], $0x80, v10, vm0, $0xb8;
	[tilespmem:$0x1E400] =	vst v63  }
0x146: {  	s22 =	sadd.s32 $0xEB00, s2  }
0x147: {  	[tilespmem:s22], [sflag:$0x1] =	stream.indirect_vreg.gather [hbm4b:s1+s8], $0x80, v9, vm0, $0xb8;
	[tilespmem:$0x1E400] =	vst v63  }
0x148: {  	v9 =	vld [tilespmem:s5+$0x200];
	_ =	sdelay $0x4  }
0x149: {  	v10 =	vshll.u32 v9, $0x1  }
0x14a: {  	v9 =	vand.u32 $0x7, v9;
	v10 =	vand.u32 $0xFFFFFFF0, v10  }
0x14b: {  	v9 =	vor.u32 v9, v10  }
0x14c: {  	v10 =	vperm.xlane v9, v1;
	_ =	sdelay $0x1  }
0x14d: {  	v9 =	vperm.xlane v9, v7;
	v10 =	vadd.s32 v4, v10;
	_ =	sdelay $0x1  }
0x14e: {  	v9 =	vadd.s32 v4, v9;
	_ =	sdelay $0x1  }
0x14f: {  	s23 =	sadd.s32 $0x14300, s2  }
0x150: {  	[tilespmem:s23], [sflag:$0x1] =	stream.indirect_vreg.gather [hbm4b:s0+s8], $0x80, v10, vm0, $0xb8;
	[tilespmem:$0x1E400] =	vst v63  }
0x151: {  	s24 =	sadd.s32 $0x14B00, s2  }
0x152: {  	[tilespmem:s24], [sflag:$0x1] =	stream.indirect_vreg.gather [hbm4b:s0+s8], $0x80, v9, vm0, $0xb8;
	[tilespmem:$0x1E400] =	vst v63  }
0x153: {  	v9 =	vld [tilespmem:s5+$0x210];
	_ =	sdelay $0x4  }
0x154: {  	v10 =	vshll.u32 v9, $0x1  }
0x155: {  	v9 =	vand.u32 $0x7, v9;
	v10 =	vand.u32 $0xFFFFFFF0, v10  }
0x156: {  	v9 =	vor.u32 v9, v10  }
0x157: {  	v10 =	vperm.xlane v9, v1;
	_ =	sdelay $0x1  }
0x158: {  	v9 =	vperm.xlane v9, v7;
	v10 =	vadd.s32 v4, v10;
	_ =	sdelay $0x1  }
0x159: {  	v9 =	vadd.s32 v4, v9;
	_ =	sdelay $0x1  }
0x15a: {  	s25 =	sadd.s32 $0x15300, s2  }
0x15b: {  	[tilespmem:s25], [sflag:$0x1] =	stream.indirect_vreg.gather [hbm4b:s0+s8], $0x80, v10, vm0, $0xb8;
	[tilespmem:$0x1E400] =	vst v63  }
0x15c: {  	s19 =	sadd.s32 $0x15B00, s2  }
0x15d: {  	[tilespmem:s19], [sflag:$0x1] =	stream.indirect_vreg.gather [hbm4b:s0+s8], $0x80, v9, vm0, $0xb8;
	[tilespmem:$0x1E400] =	vst v63  }
0x15e: {  	v9 =	vld [tilespmem:s5+$0x220];
	_ =	sdelay $0x4  }
0x15f: {  	v10 =	vshll.u32 v9, $0x1  }
0x160: {  	v9 =	vand.u32 $0x7, v9;
	v10 =	vand.u32 $0xFFFFFFF0, v10  }
0x161: {  	v9 =	vor.u32 v9, v10  }
0x162: {  	v10 =	vperm.xlane v9, v1;
	_ =	sdelay $0x1  }
0x163: {  	v9 =	vperm.xlane v9, v7;
	v10 =	vadd.s32 v4, v10;
	_ =	sdelay $0x1  }
0x164: {  	v9 =	vadd.s32 v4, v9;
	_ =	sdelay $0x1  }
0x165: {  	s21 =	sadd.s32 $0x16300, s2  }
0x166: {  	[tilespmem:s21], [sflag:$0x1] =	stream.indirect_vreg.gather [hbm4b:s0+s8], $0x80, v10, vm0, $0xb8;
	[tilespmem:$0x1E400] =	vst v63  }
0x167: {  	s22 =	sadd.s32 $0x16B00, s2  }
0x168: {  	[tilespmem:s22], [sflag:$0x1] =	stream.indirect_vreg.gather [hbm4b:s0+s8], $0x80, v9, vm0, $0xb8;
	[tilespmem:$0x1E400] =	vst v63  }
0x169: {  	v9 =	vld [tilespmem:s5+$0x230];
	_ =	sdelay $0x4  }
0x16a: {  	v10 =	vshll.u32 v9, $0x1  }
0x16b: {  	v9 =	vand.u32 $0x7, v9;
	v10 =	vand.u32 $0xFFFFFFF0, v10  }
0x16c: {  	v9 =	vor.u32 v9, v10  }
0x16d: {  	v10 =	vperm.xlane v9, v1;
	_ =	sdelay $0x1  }
0x16e: {  	v9 =	vperm.xlane v9, v7;
	v10 =	vadd.s32 v4, v10;
	_ =	sdelay $0x1  }
0x16f: {  	v9 =	vadd.s32 v4, v9;
	_ =	sdelay $0x1  }
0x170: {  	s23 =	sadd.s32 $0x17300, s2  }
0x171: {  	[tilespmem:s23], [sflag:$0x1] =	stream.indirect_vreg.gather [hbm4b:s0+s8], $0x80, v10, vm0, $0xb8;
	[tilespmem:$0x1E400] =	vst v63  }
0x172: {  	s24 =	sadd.s32 $0x17B00, s2  }
0x173: {  	[tilespmem:s24], [sflag:$0x1] =	stream.indirect_vreg.gather [hbm4b:s0+s8], $0x80, v9, vm0, $0xb8;
	[tilespmem:$0x1E400] =	vst v63  }
0x174: {  	v9 =	vld [tilespmem:s5+$0x240];
	_ =	sdelay $0x4  }
0x175: {  	v10 =	vshll.u32 v9, $0x1  }
0x176: {  	v9 =	vand.u32 $0x7, v9;
	v10 =	vand.u32 $0xFFFFFFF0, v10  }
0x177: {  	v9 =	vor.u32 v9, v10  }
0x178: {  	v10 =	vperm.xlane v9, v1;
	_ =	sdelay $0x1  }
0x179: {  	v9 =	vperm.xlane v9, v7;
	v10 =	vadd.s32 v4, v10;
	_ =	sdelay $0x1  }
0x17a: {  	v9 =	vadd.s32 v4, v9;
	_ =	sdelay $0x1  }
0x17b: {  	s25 =	sor.u32 $0x18300, s2  }
0x17c: {  	[tilespmem:s25], [sflag:$0x1] =	stream.indirect_vreg.gather [hbm4b:s0+s8], $0x80, v10, vm0, $0xb8;
	[tilespmem:$0x1E400] =	vst v63  }
0x17d: {  	s2 =	sor.u32 $0x18B00, s2  }
0x17e: {  	[tilespmem:s2], [sflag:$0x1] =	stream.indirect_vreg.gather [hbm4b:s0+s8], $0x80, v9, vm0, $0xb8;
	[tilespmem:$0x1E400] =	vst v63  }
.LBB2_4:
0x17f: {  	s2 =	sadd.s32 $0x2, s30  }
0x180: {  	p0 =	sge.u32 s2, s10  }
0x181: {  	s2 =	sshll.u32 @!p0 s2, $0x5  }
0x182: {  	s2 =	sor.u32 @!p0 s9, s2  }
0x183: {  	s2 =	smul.u32 @!p0 $0xA, s2  }
0x184: {  	s5 =	sshll.u32 @!p0 s30, $0x7  }
0x185: {  	s19 =	simm.s32 @!p0 $0x0;
	s5 =	sand.u32 @!p0 $0x80, s5;
	s18 =	sadd.s32 @!p0 s3, s2  }
0x186: {  	[tilespmem:s5], [sflag:$0x2] =	stream.linear.gather @!p0 [hbm4b:s18+s19], $0x50, $0x38;
	[tilespmem:$0x1E400] =	vst v63  }
0x187: {  	s21 =	sadd.s32 @!p0 s4, s2;
	s18 =	sor.u32 @!p0 $0x100, s5  }
0x188: {  	[tilespmem:s18], [sflag:$0x2] =	stream.linear.gather @!p0 [hbm4b:s21+s19], $0x50, $0x38;
	[tilespmem:$0x1E400] =	vst v63  }
0x189: {  	s2 =	sadd.s32 @!p0 s6, s2;
	s5 =	sor.u32 @!p0 $0x200, s5  }
0x18a: {  	[tilespmem:s5], [sflag:$0x2] =	stream.linear.gather @!p0 [hbm4b:s2+s19], $0x50, $0x38;
	[tilespmem:$0x1E400] =	vst v63  }
0x18b: {  	s18 =	sand.u32 $0x1, s30;
	p0 =	seq.s32 s30, $0x0  }
0x18c: {  	s5 =	smul.u32 $0x5000, s18;
	s2 =	simm.s32 $0x0;
	s19 =	simm.s32 @!p0 $0x3  }
0x18d: {  	s25 =	sand.u32 $0x7800, s2;
	_ =	swait.ge @!p0 [sflag:s19], $0x50  }
0x18e: {  	s22 =	sand.u32 $0x380, s2;
	s21 =	sadd.s32 s5, s25;
	[sflag:s19] =	ssyncset.done @!p0 $0x0  }
0x18f: {  	s22 =	sor.u32 s22, s21;
	[sflag:s19] =	ssyncadd.s32 @!p0 $0xFFFFFFB0  }
0x190: {  	v9 =	vld [tilespmem:s22+$0x14740]  }
0x191: {  	v10 =	vld [tilespmem:s22+$0x14750]  }
0x192: {  	v11 =	vld [tilespmem:s22+$0x14760]  }
0x193: {  	v12 =	vld [tilespmem:s22+$0x740]  }
0x194: {  	v13 =	vld [tilespmem:s22+$0xA740]  }
0x195: {  	v16 =	vld [tilespmem:s22+$0x14700]  }
0x196: {  	v23 =	vld [tilespmem:s22+$0x14710]  }
0x197: {  	v44 =	vld [tilespmem:s22+$0x14720];
	v14 =	vand.u32 $0xFFFF0000, v9  }
0x198: {  	v26 =	vld [tilespmem:s22+$0x700];
	v9 =	vshll.u32 v9, $0x10;
	v15 =	vand.u32 $0xFFFF0000, v10;
	v10 =	vshll.u32 v10, $0x10  }
0x199: {  	v27 =	vld [tilespmem:s22+$0xA700];
	v17 =	vand.u32 $0xFFFF0000, v11;
	v18 =	vand.u32 $0xFFFF0000, v12;
	v12 =	vshll.u32 v12, $0x10  }
0x19a: {  	v19 =	vand.u32 $0xFFFF0000, v13;
	v13 =	vshll.u32 v13, $0x10;
	v11 =	vshll.u32 v11, $0x10  }
0x19b: {  	v47 =	vld [tilespmem:s22+$0x14340];
	v22 =	vand.u32 $0xFFFF0000, v16;
	v16 =	vshll.u32 v16, $0x10;
	v24 =	vand.u32 $0xFFFF0000, v23  }
0x19c: {  	v23 =	vshll.u32 v23, $0x10;
	v28 =	vand.u32 $0xFFFF0000, v44;
	v14 =	vcvt.s32.f32 v14  }
0x19d: {  	v55 =	vld [tilespmem:s22+$0xA710];
	v51 =	vand.u32 $0xFFFF0000, v26;
	v9 =	vcvt.s32.f32 v9;
	v15 =	vcvt.s32.f32 v15  }
0x19e: {  	v52 =	vand.u32 $0xFFFF0000, v27;
	v10 =	vcvt.s32.f32 v10;
	v17 =	vcvt.s32.f32 v17  }
0x19f: {  	v56 =	vld [tilespmem:s22+$0x14350];
	v54 =	vshll.u32 v26, $0x10;
	v18 =	vcvt.s32.f32 v18;
	v19 =	vcvt.s32.f32 v19  }
0x1a0: {  	v62 =	vld [tilespmem:s22+$0xA720];
	v30 =	vand.u32 $0xFFFF0000, v47;
	v12 =	vcvt.s32.f32 v12;
	v13 =	vcvt.s32.f32 v13  }
0x1a1: {  	v43 =	vld [tilespmem:s22+$0xA760];
	v27 =	vshll.u32 v27, $0x10;
	v11 =	vcvt.s32.f32 v11;
	v41 =	vcvt.s32.f32 v22  }
0x1a2: {  	v20 =	vld [tilespmem:s22+$0x750];
	v59 =	vand.u32 $0xFFFF0000, v55;
	v16 =	vcvt.s32.f32 v16;
	v25 =	vcvt.s32.f32 v24  }
0x1a3: {  	v53 =	vld [tilespmem:s22+$0x710];
	v61 =	vshll.u32 v55, $0x10;
	v23 =	vcvt.s32.f32 v23;
	v48 =	vcvt.s32.f32 v28  }
0x1a4: {  	v21 =	vld [tilespmem:s22+$0xA750];
	v34 =	vand.u32 $0xFFFF0000, v56;
	v27 =	vcvt.s32.f32 v27;
	v30 =	vcvt.s32.f32 v30  }
0x1a5: {  	v26 =	vshll.u32 v62, $0x10;
	v32 =	vcvt.s32.f32 v59;
	v33 =	vcvt.s32.f32 v61  }
0x1a6: {  	v22 =	vshll.u32 v43, $0x10;
	v63 =	vcvt.s32.f32 v34;
	v26 =	vcvt.s32.f32 v26  }
0x1a7: {  	v24 =	vshll.u32 v44, $0x10;
	v22 =	vcvt.s32.f32 v22;
	v12 =	vmul.f32 v13, v12  }
0x1a8: {  	v42 =	vld [tilespmem:s22+$0x760];
	v58 =	vshll.u32 v53, $0x10;
	v49 =	vcvt.s32.f32 v24;
	v18 =	vmul.f32 v19, v18  }
0x1a9: {  	v13 =	vand.u32 $0xFFFF0000, v21;
	v12 =	vmul.f32 v9, v12;
	v9 =	vand.u32 $0xFFFF0000, v20  }
0x1aa: {  	v21 =	vshll.u32 v21, $0x10;
	v13 =	vcvt.s32.f32 v13;
	v9 =	vcvt.s32.f32 v9  }
0x1ab: {  	v19 =	vcvt.s32.f32 v58;
	v21 =	vcvt.s32.f32 v21  }
0x1ac: {  	v14 =	vmul.f32 v14, v18;
	v20 =	vshll.u32 v20, $0x10;
	v9 =	vmul.f32 v13, v9  }
0x1ad: {  	v18 =	vshll.u32 v42, $0x10;
	v36 =	vmul.f32 v33, v19;
	v20 =	vcvt.s32.f32 v20  }
0x1ae: {  	v45 =	vand.u32 $0xFFFF0000, v42;
	v18 =	vcvt.s32.f32 v18;
	v9 =	vmul.f32 v15, v9;
	v15 =	vld [tilespmem:s22+$0x14730]  }
0x1af: {  	v35 =	vld [tilespmem:s22+$0x14360];
	v46 =	vand.u32 $0xFFFF0000, v43;
	v13 =	vmul.f32 v21, v20;
	v20 =	vcvt.s32.f32 v45  }
0x1b0: {  	v34 =	vshll.u32 v56, $0x10;
	v21 =	vcvt.s32.f32 v46;
	v18 =	vmul.f32 v22, v18  }
0x1b1: {  	v33 =	vcvt.s32.f32 v34;
	v13 =	vmul.f32 v10, v13  }
0x1b2: {  	v38 =	vld [tilespmem:s22+$0x730];
	v10 =	vmul.f32 v21, v20;
	v11 =	vmul.f32 v11, v18  }
0x1b3: {  	v18 =	vcvt.s32.f32 v52;
	v50 =	vand.u32 $0xFFFF0000, v15;
	v15 =	vshll.u32 v15, $0x10  }
0x1b4: {  	v42 =	vshll.u32 v35, $0x10;
	v29 =	vcvt.s32.f32 v15;
	v15 =	vcvt.s32.f32 v51  }
0x1b5: {  	v57 =	vand.u32 $0xFFFF0000, v53;
	v34 =	vcvt.s32.f32 v42;
	v10 =	vmul.f32 v17, v10  }
0x1b6: {  	v60 =	vld [tilespmem:s22+$0x720];
	v20 =	vshll.u32 v47, $0x10;
	v17 =	vcvt.s32.f32 v54;
	v15 =	vmul.f32 v18, v15  }
0x1b7: {  	v19 =	vshll.u32 v38, $0x10;
	v31 =	vcvt.s32.f32 v20;
	v28 =	vcvt.s32.f32 v50;
	v50 =	vld [tilespmem:s22+$0x14300]  }
0x1b8: {  	v40 =	vld [tilespmem:s22+$0xA730];
	v45 =	vand.u32 $0xFFFF0000, v38;
	v20 =	vmul.f32 v41, v15;
	v15 =	vmul.f32 v27, v17  }
0x1b9: {  	v38 =	vcvt.s32.f32 v19;
	v17 =	vcvt.s32.f32 v57;
	v41 =	vand.u32 $0xFFFF0000, v35  }
0x1ba: {  	v37 =	vand.u32 $0xFFFF0000, v62;
	v27 =	vcvt.s32.f32 v41;
	v24 =	vmul.f32 v16, v15  }
0x1bb: {  	v39 =	vshll.u32 v60, $0x10;
	v43 =	vld [tilespmem:s22+$0x14370];
	v15 =	vmul.f32 v32, v17;
	v17 =	vmul.f32 v23, v36  }
0x1bc: {  	v56 =	vld [tilespmem:s22+$0xA350];
	v35 =	vshll.u32 v50, $0x10;
	v16 =	vcvt.s32.f32 v37;
	v23 =	vcvt.s32.f32 v39  }
0x1bd: {  	v46 =	vand.u32 $0xFFFF0000, v40;
	v36 =	vld [tilespmem:s22+$0x340];
	v35 =	vcvt.s32.f32 v35;
	v18 =	vmul.f32 v25, v15  }
0x1be: {  	v37 =	vld [tilespmem:s22+$0xA340];
	v15 =	vand.u32 $0xFFFF0000, v60;
	v44 =	vmul.f32 v26, v23;
	v23 =	vcvt.s32.f32 v45  }
0x1bf: {  	v26 =	vcvt.s32.f32 v46;
	v25 =	vshll.u32 v40, $0x10;
	v15 =	vcvt.s32.f32 v15  }
0x1c0: {  	v55 =	vld [tilespmem:s22+$0x350];
	v39 =	vand.u32 $0xFFFF0000, v43;
	v25 =	vcvt.s32.f32 v25;
	v19 =	vmul.f32 v49, v44  }
0x1c1: {  	v58 =	vand.u32 $0xFFFF0000, v56;
	v47 =	vmul.f32 v26, v23;
	v26 =	vcvt.s32.f32 v39  }
0x1c2: {  	v59 =	vld [tilespmem:s22+$0x360];
	v39 =	vshll.u32 v56, $0x10;
	v15 =	vmul.f32 v16, v15;
	v49 =	vmul.f32 v25, v38  }
0x1c3: {  	v42 =	vld [tilespmem:s22+$0x14310];
	v52 =	vand.u32 $0xFFFF0000, v36;
	v53 =	vshll.u32 v36, $0x10;
	v54 =	vand.u32 $0xFFFF0000, v37  }
0x1c4: {  	v37 =	vshll.u32 v37, $0x10;
	v39 =	vcvt.s32.f32 v39;
	v21 =	vmul.f32 v28, v47  }
0x1c5: {  	v60 =	vld [tilespmem:s22+$0xA360];
	v36 =	vshll.u32 v55, $0x10;
	v25 =	vcvt.s32.f32 v52;
	v28 =	vcvt.s32.f32 v53  }
0x1c6: {  	v57 =	vand.u32 $0xFFFF0000, v55;
	v37 =	vcvt.s32.f32 v37;
	v36 =	vcvt.s32.f32 v36  }
0x1c7: {  	v52 =	vand.u32 $0xFFFF0000, v59;
	v16 =	vmul.f32 v48, v15;
	v48 =	vshll.u32 v43, $0x10  }
0x1c8: {  	v45 =	vld [tilespmem:s22+$0x370];
	v22 =	vmul.f32 v29, v49;
	v29 =	vcvt.s32.f32 v54;
	v43 =	vand.u32 $0xFFFF0000, v42  }
0x1c9: {  	v61 =	vld [tilespmem:s22+$0x14320];
	v42 =	vshll.u32 v42, $0x10;
	v38 =	vcvt.s32.f32 v48;
	v28 =	vmul.f32 v37, v28  }
0x1ca: {  	v46 =	vld [tilespmem:s22+$0xA370];
	v44 =	vand.u32 $0xFFFF0000, v60;
	v42 =	vcvt.s32.f32 v42;
	v62 =	vmul.f32 v39, v36  }
0x1cb: {  	v37 =	vshll.u32 v59, $0x10;
	v39 =	vcvt.s32.f32 v52;
	v44 =	vcvt.s32.f32 v44  }
0x1cc: {  	v41 =	vand.u32 $0xFFFF0000, v50;
	v47 =	vld [tilespmem:s22+$0x300];
	v29 =	vmul.f32 v29, v25;
	v37 =	vcvt.s32.f32 v37  }
0x1cd: {  	v15 =	vld [tilespmem:s22+$0x14770];
	v56 =	vand.u32 $0xFFFF0000, v45;
	v28 =	vmul.f32 v31, v28;
	v31 =	vcvt.s32.f32 v58  }
0x1ce: {  	v48 =	vand.u32 $0xFFFF0000, v61;
	v32 =	vmul.f32 v33, v62;
	v53 =	vmul.f32 v44, v39  }
0x1cf: {  	v54 =	vld [tilespmem:s22+$0xA300];
	v44 =	vcvt.s32.f32 v48;
	v58 =	vand.u32 $0xFFFF0000, v46;
	v46 =	vshll.u32 v46, $0x10  }
0x1d0: {  	v29 =	vmul.f32 v30, v29;
	v30 =	vcvt.s32.f32 v57;
	v57 =	vshll.u32 v45, $0x10  }
0x1d1: {  	v59 =	vand.u32 $0xFFFF0000, v47;
	v45 =	vcvt.s32.f32 v58;
	v47 =	vshll.u32 v47, $0x10  }
0x1d2: {  	v50 =	vld [tilespmem:s22+$0x310];
	v46 =	vcvt.s32.f32 v46;
	v51 =	vand.u32 $0xFFFF0000, v15;
	v27 =	vmul.f32 v27, v53  }
0x1d3: {  	v40 =	vshll.u32 v15, $0x10;
	v48 =	vcvt.s32.f32 v59;
	v47 =	vcvt.s32.f32 v47  }
0x1d4: {  	v49 =	vand.u32 $0xFFFF0000, v54;
	v23 =	vcvt.s32.f32 v51;
	v25 =	vcvt.s32.f32 v40  }
0x1d5: {  	v39 =	vshll.u32 v54, $0x10;
	v40 =	vcvt.s32.f32 v41;
	v30 =	vmul.f32 v31, v30  }
0x1d6: {  	v31 =	vcvt.s32.f32 v43;
	v41 =	vshll.u32 v60, $0x10;
	v49 =	vcvt.s32.f32 v49  }
0x1d7: {  	v52 =	vld [tilespmem:s22+$0xA320];
	v62 =	vshll.u32 v50, $0x10;
	v39 =	vcvt.s32.f32 v39;
	v41 =	vcvt.s32.f32 v41  }
0x1d8: {  	v43 =	vshll.u32 v61, $0x10;
	v60 =	vld [tilespmem:s22+$0xA310];
	v30 =	vmul.f32 v63, v30;
	v48 =	vmul.f32 v49, v48  }
0x1d9: {  	v61 =	vand.u32 $0xFFFF0000, v50;
	v50 =	vld [tilespmem:s22+$0x320];
	v39 =	vmul.f32 v39, v47;
	v37 =	vmul.f32 v41, v37  }
0x1da: {  	v63 =	vld [tilespmem:s22+$0x14330];
	v41 =	vcvt.s32.f32 v43;
	v43 =	vcvt.s32.f32 v57  }
0x1db: {  	v40 =	vmul.f32 v40, v48;
	v35 =	vmul.f32 v35, v39  }
0x1dc: {  	v39 =	vcvt.s32.f32 v61;
	v61 =	vand.u32 $0xFFFF0000, v52;
	v34 =	vmul.f32 v34, v37  }
0x1dd: {  	v54 =	vld [tilespmem:s22+$0x330];
	v37 =	vcvt.s32.f32 v56;
	v43 =	vmul.f32 v46, v43;
	v48 =	vshll.u32 v60, $0x10  }
0x1de: {  	v58 =	vand.u32 $0xFFFF0000, v50;
	v40 =	vadd.f32 $0.0e+00, v40;
	v35 =	vadd.f32 $0.0e+00, v35  }
0x1df: {  	v47 =	vld [tilespmem:s22+$0xA770];
	v46 =	vcvt.s32.f32 v48;
	v59 =	vcvt.s32.f32 v58;
	v55 =	vand.u32 $0xFFFF0000, v63  }
0x1e0: {  	v37 =	vmul.f32 v45, v37;
	v36 =	vshll.u32 v63, $0x10;
	v38 =	vmul.f32 v38, v43  }
0x1e1: {  	v56 =	vld [tilespmem:s22+$0xA330];
	v63 =	vand.u32 $0xFFFF0000, v60;
	v43 =	vcvt.s32.f32 v62;
	v33 =	vcvt.s32.f32 v55  }
0x1e2: {  	v62 =	vand.u32 $0xFFFF0000, v54;
	v36 =	vcvt.s32.f32 v36;
	v45 =	vcvt.s32.f32 v63  }
0x1e3: {  	v29 =	vadd.f32 v29, v40;
	v28 =	vadd.f32 v28, v35;
	v26 =	vmul.f32 v26, v37  }
0x1e4: {  	v57 =	vshll.u32 v47, $0x10;
	v43 =	vmul.f32 v46, v43;
	v46 =	vcvt.s32.f32 v62  }
0x1e5: {  	v39 =	vmul.f32 v45, v39;
	v20 =	vadd.f32 v20, v29;
	v24 =	vadd.f32 v24, v28  }
0x1e6: {  	v37 =	vld [tilespmem:s22+$0x770];
	v45 =	vshll.u32 v50, $0x10;
	v63 =	vand.u32 $0xFFFF0000, v56;
	v53 =	vmul.f32 v42, v43  }
0x1e7: {  	v40 =	vshll.u32 v56, $0x10;
	v60 =	vcvt.s32.f32 v45;
	v45 =	vcvt.s32.f32 v61  }
0x1e8: {  	v42 =	vshll.u32 v54, $0x10;
	v48 =	vcvt.s32.f32 v63;
	v40 =	vcvt.s32.f32 v40  }
0x1e9: {  	v31 =	vmul.f32 v31, v39;
	v14 =	vadd.f32 v14, v20;
	v20 =	vand.u32 $0xFFFF0000, v47  }
0x1ea: {  	v12 =	vadd.f32 v12, v24;
	v39 =	vshll.u32 v52, $0x10;
	v42 =	vcvt.s32.f32 v42  }
0x1eb: {  	v55 =	vadd.f32 $0.0e+00, v53;
	v39 =	vcvt.s32.f32 v39;
	v49 =	vand.u32 v5, v37  }
0x1ec: {  	v51 =	vshll.u32 v37, $0x10;
	v31 =	vadd.f32 $0.0e+00, v31;
	v50 =	vmul.f32 v40, v42  }
0x1ed: {  	v29 =	vcvt.s32.f32 v49;
	v28 =	vcvt.s32.f32 v51;
	v32 =	vadd.f32 v32, v55  }
0x1ee: {  	v49 =	vmul.f32 v48, v46;
	v30 =	vadd.f32 v30, v31;
	v31 =	vmul.f32 v45, v59  }
0x1ef: {  	v45 =	vmul.f32 v39, v60;
	v53 =	vmul.f32 v36, v50;
	v17 =	vadd.f32 v17, v32  }
0x1f0: {  	v52 =	vmul.f32 v33, v49;
	v18 =	vadd.f32 v18, v30;
	v31 =	vmul.f32 v44, v31  }
0x1f1: {  	v51 =	vmul.f32 v41, v45;
	v30 =	vadd.f32 $0.0e+00, v53;
	v13 =	vadd.f32 v13, v17  }
0x1f2: {  	v24 =	vcvt.s32.f32 v57;
	v9 =	vadd.f32 v9, v18;
	v54 =	vadd.f32 $0.0e+00, v31  }
0x1f3: {  	v20 =	vcvt.s32.f32 v20;
	v55 =	vadd.f32 $0.0e+00, v51;
	v18 =	vadd.f32 $0.0e+00, v52  }
0x1f4: {  	v24 =	vmul.f32 v24, v28;
	v57 =	vadd.f32 v38, v30;
	v17 =	vadd.f32 v27, v54  }
0x1f5: {  	v20 =	vmul.f32 v20, v29;
	v56 =	vadd.f32 v34, v55;
	v18 =	vadd.f32 v26, v18  }
0x1f6: {  	v61 =	vmul.f32 v25, v24;
	v60 =	vadd.f32 v22, v57;
	v16 =	vadd.f32 v16, v17  }
0x1f7: {  	v59 =	vmul.f32 v23, v20;
	v58 =	vadd.f32 v19, v56;
	v18 =	vadd.f32 v21, v18  }
0x1f8: {  	v63 =	vadd.f32 v61, v60;
	v10 =	vadd.f32 v10, v16  }
0x1f9: {  	v11 =	vadd.f32 v11, v58;
	v62 =	vadd.f32 v59, v18  }
0x1fa: {  	v12 =	vadd.f32 v13, v12;
	v9 =	vadd.f32 v9, v14  }
0x1fb: {  	v10 =	vadd.f32 v62, v10;
	v11 =	vadd.f32 v63, v11  }
0x1fc: {  	(v2sf) =	vpush v37, $0xF  }
0x1fd: {  	v9 =	vadd.f32 v10, v9;
	v10 =	vadd.f32 v11, v12  }
0x1fe: {  	(v2sf) =	vpush v47, $0xF  }
0x1ff: {  	(v2sf) =	vpush v15, $0xF;
	v9 =	vadd.f32 v10, v9;
	_ =	sdelay $0x1  }
0x200: {  	v10 =	vperm.xlane v9, v2;
	_ =	sdelay $0x1  }
0x201: {  	v9 =	vadd.f32 v9, v10;
	_ =	sdelay $0x1  }
0x202: {  	v10 =	vperm.xlane v9, v3;
	_ =	sdelay $0x1  }
0x203: {  	v9 =	vadd.f32 v9, v10;
	_ =	sdelay $0x1  }
0x204: {  	v10 =	vperm.xlane v9, v6;
	_ =	sdelay $0x1  }
0x205: {  	s23 =	spop (v2sf);
	v9 =	vadd.f32 v9, v10  }
0x206: {  	s19 =	sshrl.u32 s23, $0x10  }
0x207: {  	s24 =	spop (v2sf);
	s19 =	scvt.s32.f32 s19;
	v10 =	vperm.xlane v9, v8  }
0x208: {  	s21 =	sshrl.u32 s24, $0x10;
	s25 =	spop (v2sf)  }
0x209: {  	s21 =	scvt.s32.f32 s21;
	s19 =	smul.f32 $2.273736750e-13, s19;
	v9 =	vadd.f32 v9, v10  }
0x20a: {  	s22 =	sshrl.u32 s25, $0x10  }
0x20b: {  	s18 =	sshll.u32 s18, $0x7;
	s24 =	scvt.s32.f32 s22;
	s23 =	smul.f32 $2.273736750e-13, s21;
	v9 =	vmul.f32 s19, v9  }
0x20c: {  	s18 =	sor.u32 $0x1E300, s18  }
0x20d: {  	s25 =	sand.u32 $0xF, s2;
	s21 =	smul.f32 $2.273736750e-13, s24;
	v11 =	vmul.f32 s23, v9;
	v9 =	vmov s18  }
0x20e: {  	p1 =	sne.s32 s25, $0xF  }
0x20f: {  	v12 =	vmov s25;
	s22 =	simm.s32 $0x0;
	v10 =	vimm.f32 $0.0e+00;
	s19 =	simm.s32 $0x1;
	v11 =	vmul.f32 s21, v11;
	s21 =	simm.s32 $0x100  }
.LBB2_5:
0x210: {  	s23 =	sand.u32 $0x7800, s21;
	vm1 =	veq.s32 v12, v0;
	s2 =	sadd.s32 @!p1 $0x71, s2;
	s22 =	sadd.s32 $0x80, s22  }
0x211: {  	s23 =	sadd.s32 s5, s23;
	s24 =	sand.u32 $0x380, s22;
	v10 =	vsel vm1, v11, v10;
	s2 =	sand.u32 @!p1 $0x70, s2  }
0x212: {  	s23 =	sor.u32 s24, s23;
	[tilespmem:v9+s2+$0x0 ss:$0x1] =	vst.idx.msk @!p1 $0xffff, v10;
	s2 =	smov.u32 s19  }
0x213: {  	v11 =	vld [tilespmem:s23+$0x14740]  }
0x214: {  	v12 =	vld [tilespmem:s23+$0x14750]  }
0x215: {  	v13 =	vld [tilespmem:s23+$0x14760]  }
0x216: {  	v14 =	vld [tilespmem:s23+$0x740]  }
0x217: {  	v15 =	vld [tilespmem:s23+$0xA740]  }
0x218: {  	v16 =	vand.u32 $0xFFFF0000, v11;
	v11 =	vshll.u32 v11, $0x10  }
0x219: {  	v16 =	vcvt.s32.f32 v16;
	v11 =	vcvt.s32.f32 v11;
	v17 =	vand.u32 $0xFFFF0000, v12  }
0x21a: {  	v12 =	vshll.u32 v12, $0x10;
	v18 =	vld [tilespmem:s23+$0x14700];
	v17 =	vcvt.s32.f32 v17;
	v19 =	vand.u32 $0xFFFF0000, v13  }
0x21b: {  	v20 =	vcvt.s32.f32 v12;
	v19 =	vcvt.s32.f32 v19  }
0x21c: {  	v12 =	vand.u32 $0xFFFF0000, v14;
	v14 =	vshll.u32 v14, $0x10;
	v21 =	vand.u32 $0xFFFF0000, v15;
	v22 =	vld [tilespmem:s23+$0x750]  }
0x21d: {  	v12 =	vcvt.s32.f32 v12;
	v15 =	vshll.u32 v15, $0x10;
	v21 =	vcvt.s32.f32 v21;
	v23 =	vld [tilespmem:s23+$0xA750]  }
0x21e: {  	v13 =	vshll.u32 v13, $0x10;
	v14 =	vcvt.s32.f32 v14;
	v15 =	vcvt.s32.f32 v15  }
0x21f: {  	v13 =	vcvt.s32.f32 v13;
	v24 =	vand.u32 $0xFFFF0000, v18;
	v25 =	vld [tilespmem:s23+$0x14710];
	v12 =	vmul.f32 v21, v12  }
0x220: {  	v18 =	vshll.u32 v18, $0x10;
	v14 =	vmul.f32 v15, v14;
	v21 =	vcvt.s32.f32 v24  }
0x221: {  	v18 =	vcvt.s32.f32 v18;
	v16 =	vmul.f32 v16, v12  }
0x222: {  	v15 =	vmul.f32 v11, v14;
	v11 =	vand.u32 $0xFFFF0000, v22;
	v12 =	vand.u32 $0xFFFF0000, v23;
	v14 =	vld [tilespmem:s23+$0x760]  }
0x223: {  	v22 =	vshll.u32 v22, $0x10;
	v11 =	vcvt.s32.f32 v11;
	v12 =	vcvt.s32.f32 v12;
	v24 =	vld [tilespmem:s23+$0xA760]  }
0x224: {  	v22 =	vcvt.s32.f32 v22;
	v23 =	vshll.u32 v23, $0x10;
	v26 =	vand.u32 $0xFFFF0000, v25  }
0x225: {  	v23 =	vcvt.s32.f32 v23;
	v25 =	vshll.u32 v25, $0x10;
	v11 =	vmul.f32 v12, v11  }
0x226: {  	v27 =	vcvt.s32.f32 v26;
	v25 =	vcvt.s32.f32 v25;
	v26 =	vld [tilespmem:s23+$0x14720]  }
0x227: {  	v12 =	vmul.f32 v17, v11;
	v11 =	vmul.f32 v23, v22  }
0x228: {  	v22 =	vand.u32 $0xFFFF0000, v14;
	v14 =	vshll.u32 v14, $0x10;
	v17 =	vld [tilespmem:s23+$0x14730];
	v23 =	vand.u32 $0xFFFF0000, v24  }
0x229: {  	v22 =	vcvt.s32.f32 v22;
	v24 =	vshll.u32 v24, $0x10;
	v28 =	vld [tilespmem:s23+$0x700];
	v23 =	vcvt.s32.f32 v23  }
0x22a: {  	v30 =	vcvt.s32.f32 v14;
	v24 =	vcvt.s32.f32 v24;
	v29 =	vld [tilespmem:s23+$0xA700]  }
0x22b: {  	v14 =	vmul.f32 v20, v11;
	v31 =	vand.u32 $0xFFFF0000, v26;
	v11 =	vmul.f32 v23, v22  }
0x22c: {  	v23 =	vshll.u32 v26, $0x10;
	v24 =	vmul.f32 v24, v30;
	v20 =	vld [tilespmem:s23+$0x14340];
	v22 =	vcvt.s32.f32 v31  }
0x22d: {  	v30 =	vcvt.s32.f32 v23;
	v23 =	vand.u32 $0xFFFF0000, v17;
	v11 =	vmul.f32 v19, v11  }
0x22e: {  	v17 =	vshll.u32 v17, $0x10;
	v13 =	vmul.f32 v13, v24;
	v31 =	vcvt.s32.f32 v23  }
0x22f: {  	v19 =	vand.u32 $0xFFFF0000, v28;
	v32 =	vcvt.s32.f32 v17;
	v23 =	vand.u32 $0xFFFF0000, v29;
	v24 =	vld [tilespmem:s23+$0x710]  }
0x230: {  	v17 =	vcvt.s32.f32 v19;
	v19 =	vshll.u32 v28, $0x10;
	v23 =	vcvt.s32.f32 v23;
	v26 =	vld [tilespmem:s23+$0xA710]  }
0x231: {  	v29 =	vshll.u32 v29, $0x10;
	v19 =	vcvt.s32.f32 v19;
	v28 =	vand.u32 $0xFFFF0000, v20  }
0x232: {  	v29 =	vcvt.s32.f32 v29;
	v20 =	vshll.u32 v20, $0x10;
	v17 =	vmul.f32 v23, v17  }
0x233: {  	v28 =	vcvt.s32.f32 v28;
	v33 =	vcvt.s32.f32 v20;
	v20 =	vld [tilespmem:s23+$0x14350]  }
0x234: {  	v23 =	vmul.f32 v21, v17;
	v17 =	vmul.f32 v29, v19  }
0x235: {  	v19 =	vand.u32 $0xFFFF0000, v24;
	v21 =	vshll.u32 v24, $0x10;
	v24 =	vand.u32 $0xFFFF0000, v26;
	v29 =	vld [tilespmem:s23+$0x720]  }
0x236: {  	v19 =	vcvt.s32.f32 v19;
	v26 =	vshll.u32 v26, $0x10;
	v24 =	vcvt.s32.f32 v24;
	v34 =	vld [tilespmem:s23+$0xA720]  }
0x237: {  	v21 =	vcvt.s32.f32 v21;
	v35 =	vcvt.s32.f32 v26  }
0x238: {  	v26 =	vmul.f32 v18, v17;
	v36 =	vand.u32 $0xFFFF0000, v20;
	v37 =	vld [tilespmem:s23+$0x14360];
	v17 =	vmul.f32 v24, v19  }
0x239: {  	v18 =	vshll.u32 v20, $0x10;
	v19 =	vmul.f32 v35, v21;
	v36 =	vcvt.s32.f32 v36  }
0x23a: {  	v35 =	vcvt.s32.f32 v18;
	v20 =	vmul.f32 v27, v17  }
0x23b: {  	v19 =	vmul.f32 v25, v19;
	v17 =	vand.u32 $0xFFFF0000, v29;
	v18 =	vand.u32 $0xFFFF0000, v34;
	v21 =	vld [tilespmem:s23+$0x730]  }
0x23c: {  	v24 =	vshll.u32 v29, $0x10;
	v17 =	vcvt.s32.f32 v17;
	v18 =	vcvt.s32.f32 v18;
	v25 =	vld [tilespmem:s23+$0xA730]  }
0x23d: {  	v24 =	vcvt.s32.f32 v24;
	v29 =	vshll.u32 v34, $0x10;
	v27 =	vand.u32 $0xFFFF0000, v37  }
0x23e: {  	v29 =	vcvt.s32.f32 v29;
	v34 =	vshll.u32 v37, $0x10;
	v17 =	vmul.f32 v18, v17  }
0x23f: {  	v37 =	vcvt.s32.f32 v27;
	v34 =	vcvt.s32.f32 v34;
	v27 =	vld [tilespmem:s23+$0x14370]  }
0x240: {  	v18 =	vmul.f32 v22, v17;
	v22 =	vmul.f32 v29, v24  }
0x241: {  	v24 =	vand.u32 $0xFFFF0000, v21;
	v21 =	vshll.u32 v21, $0x10;
	v29 =	vand.u32 $0xFFFF0000, v25;
	v17 =	vld [tilespmem:s23+$0x14770]  }
0x242: {  	v24 =	vcvt.s32.f32 v24;
	v25 =	vshll.u32 v25, $0x10;
	v38 =	vld [tilespmem:s23+$0x340];
	v29 =	vcvt.s32.f32 v29  }
0x243: {  	v40 =	vcvt.s32.f32 v21;
	v25 =	vcvt.s32.f32 v25;
	v39 =	vld [tilespmem:s23+$0xA340]  }
0x244: {  	v21 =	vmul.f32 v30, v22;
	v41 =	vand.u32 $0xFFFF0000, v27;
	v22 =	vmul.f32 v29, v24  }
0x245: {  	v24 =	vshll.u32 v27, $0x10;
	v25 =	vmul.f32 v25, v40;
	v30 =	vcvt.s32.f32 v41  }
0x246: {  	v40 =	vcvt.s32.f32 v24;
	v29 =	vld [tilespmem:s23+$0x14300];
	v22 =	vmul.f32 v31, v22;
	v27 =	vand.u32 $0xFFFF0000, v17  }
0x247: {  	v24 =	vmul.f32 v32, v25;
	v25 =	vcvt.s32.f32 v27  }
0x248: {  	v27 =	vand.u32 $0xFFFF0000, v38;
	v31 =	vshll.u32 v38, $0x10;
	v32 =	vand.u32 $0xFFFF0000, v39;
	v38 =	vld [tilespmem:s23+$0x350]  }
0x249: {  	v27 =	vcvt.s32.f32 v27;
	v39 =	vshll.u32 v39, $0x10;
	v32 =	vcvt.s32.f32 v32;
	v41 =	vld [tilespmem:s23+$0xA350]  }
0x24a: {  	v42 =	vshll.u32 v17, $0x10;
	v31 =	vcvt.s32.f32 v31;
	v39 =	vcvt.s32.f32 v39  }
0x24b: {  	v43 =	vand.u32 $0xFFFF0000, v29;
	v44 =	vld [tilespmem:s23+$0x14310];
	v32 =	vmul.f32 v32, v27;
	v27 =	vcvt.s32.f32 v42  }
0x24c: {  	v29 =	vshll.u32 v29, $0x10;
	v31 =	vmul.f32 v39, v31;
	v42 =	vcvt.s32.f32 v43  }
0x24d: {  	v39 =	vcvt.s32.f32 v29;
	v32 =	vmul.f32 v28, v32  }
0x24e: {  	v31 =	vmul.f32 v33, v31;
	v28 =	vand.u32 $0xFFFF0000, v38;
	v29 =	vand.u32 $0xFFFF0000, v41;
	v33 =	vld [tilespmem:s23+$0x360]  }
0x24f: {  	v38 =	vshll.u32 v38, $0x10;
	v28 =	vcvt.s32.f32 v28;
	v29 =	vcvt.s32.f32 v29;
	v43 =	vld [tilespmem:s23+$0xA360]  }
0x250: {  	v38 =	vcvt.s32.f32 v38;
	v41 =	vshll.u32 v41, $0x10;
	v45 =	vand.u32 $0xFFFF0000, v44  }
0x251: {  	v41 =	vcvt.s32.f32 v41;
	v44 =	vshll.u32 v44, $0x10;
	v28 =	vmul.f32 v29, v28  }
0x252: {  	v45 =	vcvt.s32.f32 v45;
	v44 =	vcvt.s32.f32 v44;
	v29 =	vld [tilespmem:s23+$0x14320]  }
0x253: {  	v36 =	vmul.f32 v36, v28;
	v28 =	vmul.f32 v41, v38  }
0x254: {  	v41 =	vand.u32 $0xFFFF0000, v33;
	v33 =	vshll.u32 v33, $0x10;
	v38 =	vld [tilespmem:s23+$0x14330];
	v46 =	vand.u32 $0xFFFF0000, v43  }
0x255: {  	v41 =	vcvt.s32.f32 v41;
	v43 =	vshll.u32 v43, $0x10;
	v46 =	vcvt.s32.f32 v46;
	v47 =	vld [tilespmem:s23+$0x370]  }
0x256: {  	v33 =	vcvt.s32.f32 v33;
	v43 =	vcvt.s32.f32 v43;
	v48 =	vld [tilespmem:s23+$0xA370]  }
0x257: {  	v35 =	vmul.f32 v35, v28;
	v49 =	vld [tilespmem:s23+$0x300];
	v50 =	vand.u32 $0xFFFF0000, v29;
	v28 =	vmul.f32 v46, v41  }
0x258: {  	v29 =	vshll.u32 v29, $0x10;
	v33 =	vmul.f32 v43, v33;
	v41 =	vld [tilespmem:s23+$0xA300];
	v46 =	vcvt.s32.f32 v50  }
0x259: {  	v43 =	vcvt.s32.f32 v29;
	v28 =	vmul.f32 v37, v28  }
0x25a: {  	v37 =	vand.u32 $0xFFFF0000, v38;
	v29 =	vmul.f32 v34, v33;
	v33 =	vand.u32 $0xFFFF0000, v47  }
0x25b: {  	v34 =	vcvt.s32.f32 v37;
	v37 =	vshll.u32 v47, $0x10;
	v33 =	vcvt.s32.f32 v33  }
0x25c: {  	v37 =	vcvt.s32.f32 v37;
	v47 =	vand.u32 $0xFFFF0000, v48;
	v48 =	vshll.u32 v48, $0x10  }
0x25d: {  	v50 =	vand.u32 $0xFFFF0000, v49;
	v47 =	vcvt.s32.f32 v47;
	v51 =	vand.u32 $0xFFFF0000, v41  }
0x25e: {  	v49 =	vshll.u32 v49, $0x10;
	v50 =	vcvt.s32.f32 v50;
	v51 =	vcvt.s32.f32 v51  }
0x25f: {  	v48 =	vcvt.s32.f32 v48;
	v49 =	vcvt.s32.f32 v49;
	v41 =	vshll.u32 v41, $0x10;
	v52 =	vld [tilespmem:s23+$0x310]  }
0x260: {  	v41 =	vcvt.s32.f32 v41;
	v50 =	vmul.f32 v51, v50;
	v51 =	vld [tilespmem:s23+$0xA310]  }
0x261: {  	v33 =	vmul.f32 v47, v33;
	v37 =	vmul.f32 v48, v37  }
0x262: {  	v38 =	vshll.u32 v38, $0x10;
	v41 =	vmul.f32 v41, v49;
	v42 =	vmul.f32 v42, v50  }
0x263: {  	v38 =	vcvt.s32.f32 v38;
	v30 =	vmul.f32 v30, v33;
	v33 =	vld [tilespmem:s23+$0x770]  }
0x264: {  	v37 =	vmul.f32 v40, v37;
	v39 =	vmul.f32 v39, v41;
	v42 =	vadd.f32 $0.0e+00, v42  }
0x265: {  	v40 =	vand.u32 $0xFFFF0000, v52;
	v41 =	vshll.u32 v52, $0x10;
	v47 =	vand.u32 $0xFFFF0000, v51  }
0x266: {  	v40 =	vcvt.s32.f32 v40;
	v48 =	vshll.u32 v51, $0x10;
	v47 =	vcvt.s32.f32 v47  }
0x267: {  	v39 =	vadd.f32 $0.0e+00, v39;
	v41 =	vcvt.s32.f32 v41;
	v48 =	vcvt.s32.f32 v48;
	v49 =	vld [tilespmem:s23+$0xA770]  }
0x268: {  	v32 =	vadd.f32 v32, v42;
	v40 =	vmul.f32 v47, v40;
	v42 =	vand.u32 v5, v33  }
0x269: {  	v31 =	vadd.f32 v31, v39;
	v41 =	vmul.f32 v48, v41;
	v39 =	vshll.u32 v33, $0x10;
	v47 =	vld [tilespmem:s23+$0x320]  }
0x26a: {  	s19 =	sadd.s32 $0x1, s19;
	v23 =	vadd.f32 v23, v32;
	v32 =	vcvt.s32.f32 v42;
	v40 =	vmul.f32 v45, v40;
	v45 =	vld [tilespmem:s23+$0xA320]  }
0x26b: {  	p0 =	sne.s32 s19, $0x50;
	v26 =	vadd.f32 v26, v31;
	v31 =	vcvt.s32.f32 v39;
	v41 =	vmul.f32 v44, v41;
	v42 =	vld [tilespmem:s23+$0x330]  }
0x26c: {  	v16 =	vadd.f32 v16, v23;
	v39 =	vadd.f32 $0.0e+00, v40;
	v23 =	vand.u32 $0xFFFF0000, v49  }
0x26d: {  	v15 =	vadd.f32 v15, v26;
	v40 =	vadd.f32 $0.0e+00, v41;
	v26 =	vshll.u32 v49, $0x10;
	v41 =	vld [tilespmem:s23+$0xA330]  }
0x26e: {  	v44 =	vand.u32 $0xFFFF0000, v47;
	v47 =	vshll.u32 v47, $0x10;
	v36 =	vadd.f32 v36, v39  }
0x26f: {  	v39 =	vcvt.s32.f32 v44;
	v44 =	vcvt.s32.f32 v47;
	v47 =	vand.u32 $0xFFFF0000, v45  }
0x270: {  	v45 =	vshll.u32 v45, $0x10;
	v47 =	vcvt.s32.f32 v47;
	v48 =	vand.u32 $0xFFFF0000, v42  }
0x271: {  	v45 =	vcvt.s32.f32 v45;
	v42 =	vshll.u32 v42, $0x10;
	v48 =	vcvt.s32.f32 v48  }
0x272: {  	v42 =	vcvt.s32.f32 v42;
	v50 =	vand.u32 $0xFFFF0000, v41;
	v41 =	vshll.u32 v41, $0x10  }
0x273: {  	v35 =	vadd.f32 v35, v40;
	v50 =	vcvt.s32.f32 v50;
	v41 =	vcvt.s32.f32 v41  }
0x274: {  	v20 =	vadd.f32 v20, v36;
	v39 =	vmul.f32 v47, v39;
	v40 =	vmul.f32 v45, v44  }
0x275: {  	v19 =	vadd.f32 v19, v35;
	v36 =	vmul.f32 v50, v48;
	v41 =	vmul.f32 v41, v42  }
0x276: {  	v12 =	vadd.f32 v12, v20;
	v35 =	vmul.f32 v46, v39;
	v39 =	vmul.f32 v43, v40  }
0x277: {  	v14 =	vadd.f32 v14, v19;
	v20 =	vmul.f32 v34, v36;
	v34 =	vmul.f32 v38, v41  }
0x278: {  	v23 =	vcvt.s32.f32 v23;
	v19 =	vadd.f32 $0.0e+00, v35;
	v35 =	vadd.f32 $0.0e+00, v39  }
0x279: {  	v26 =	vcvt.s32.f32 v26;
	v20 =	vadd.f32 $0.0e+00, v20;
	v34 =	vadd.f32 $0.0e+00, v34  }
0x27a: {  	v23 =	vmul.f32 v23, v32;
	v19 =	vadd.f32 v28, v19;
	v28 =	vadd.f32 v29, v35  }
0x27b: {  	v26 =	vmul.f32 v26, v31;
	v20 =	vadd.f32 v30, v20;
	v29 =	vadd.f32 v37, v34  }
0x27c: {  	v18 =	vadd.f32 v18, v19;
	v19 =	vadd.f32 v21, v28;
	v21 =	vmul.f32 v25, v23  }
0x27d: {  	v23 =	vmul.f32 v27, v26;
	v20 =	vadd.f32 v22, v20;
	v22 =	vadd.f32 v24, v29  }
0x27e: {  	v11 =	vadd.f32 v11, v18;
	v13 =	vadd.f32 v13, v19  }
0x27f: {  	v18 =	vadd.f32 v21, v20;
	v19 =	vadd.f32 v23, v22  }
0x280: {  	v12 =	vadd.f32 v12, v16;
	v14 =	vadd.f32 v14, v15  }
0x281: {  	v11 =	vadd.f32 v18, v11;
	v13 =	vadd.f32 v19, v13  }
0x282: {  	(v2sf) =	vpush v33, $0xF  }
0x283: {  	v11 =	vadd.f32 v11, v12;
	v12 =	vadd.f32 v13, v14  }
0x284: {  	(v2sf) =	vpush v49, $0xF  }
0x285: {  	v11 =	vadd.f32 v12, v11;
	(v2sf) =	vpush v17, $0xF;
	_ =	sdelay $0x1  }
0x286: {  	v12 =	vperm.xlane v11, v2;
	_ =	sdelay $0x1  }
0x287: {  	v11 =	vadd.f32 v11, v12;
	_ =	sdelay $0x1  }
0x288: {  	v12 =	vperm.xlane v11, v3;
	_ =	sdelay $0x1  }
0x289: {  	v11 =	vadd.f32 v11, v12;
	_ =	sdelay $0x1  }
0x28a: {  	v12 =	vperm.xlane v11, v6;
	_ =	sdelay $0x1  }
0x28b: {  	v11 =	vadd.f32 v11, v12;
	s23 =	spop (v2sf)  }
0x28c: {  	s23 =	sshrl.u32 s23, $0x10  }
0x28d: {  	v12 =	vperm.xlane v11, v8;
	s23 =	scvt.s32.f32 s23;
	s24 =	spop (v2sf)  }
0x28e: {  	s24 =	sshrl.u32 s24, $0x10;
	s25 =	spop (v2sf)  }
0x28f: {  	v11 =	vadd.f32 v11, v12;
	s23 =	smul.f32 $2.273736750e-13, s23;
	s24 =	scvt.s32.f32 s24  }
0x290: {  	_ = 	snop  }
0x291: {  	s25 =	sshrl.u32 s25, $0x10;
	v11 =	vmul.f32 s23, v11;
	s23 =	smul.f32 $2.273736750e-13, s24  }
.Ltmp1:
0x292: {  	s24 =	scvt.s32.f32 s25;
	(pc) =	sbr.rel @p0 .LBB2_5-.Ltmp1, $4  }
0x293: {  	_ = 	snop  }
0x294: {  	v11 =	vmul.f32 s23, v11;
	s23 =	smul.f32 $2.273736750e-13, s24  }
0x295: {  	s24 =	sand.u32 $0xF, s2  }
0x296: {  	s21 =	sadd.s32 $0x100, s21;
	v12 =	vmov s24;
	p1 =	sne.s32 s24, $0xF;
	v11 =	vmul.f32 s23, v11  }
0x297: {  	s5 =	sshll.u32 s30, $0x5  }
0x298: {  	s5 =	sor.u32 s9, s5  }
0x299: {  	p0 =	sne.s32 s31, s10;
	s5 =	smul.u32 $0x50, s5  }
.Ltmp2:
0x29a: {  	_ = 	snop;
	(pc) =	sbr.rel @p0 .LBB2_2-.Ltmp2, $4  }
0x29b: {  	vm1 =	veq.s32 v12, v0;
	s2 =	sadd.s32 @!p1 $0x71, s2  }
0x29c: {  	v10 =	vsel vm1, v11, v10;
	s2 =	sand.u32 @!p1 $0x70, s2;
	s5 =	sshrl.u32 s5, $0x3  }
0x29d: {  	s30 =	smov.u32 s31;
	[tilespmem:v9+s2+$0x0 ss:$0x1] =	vst.idx.msk @!p1 $0xffff, v10;
	s25 =	sadd.s32 s7, s5  }
0x29e: {  	[hbm4b:s25+s8] =	stream.linear.scatter [tilespmem:s18], [sflag:$0x3], $0x50, $0x38;
	[tilespmem:$0x1E400] =	vst v63  }
0x29f: {  	s29 =	sadd.s32 $0x1, s29  }
0x2a0: {  	p0 =	sne.s32 s29, s17  }
.Ltmp3:
0x2a1: {  	_ = 	snop;
	(pc) =	sbr.rel @p0 .LBB2_1-.Ltmp3, $4  }
0x2a2: {  	_ = 	snop  }
0x2a3: {  	_ =	swait.ge [sflag:s28], $0x50  }
0x2a4: {  	[sflag:s28] =	ssyncset.done $0x0  }
0x2a5: {  	[sflag:s28] =	ssyncadd.s32 $0xFFFFFFB0  }
0x2a6: {  	_ =	sfence.sel $0x180000  }
0x2a7: {  	[bflag:$0x0] =	sbarrier.arrive $0xFFFF  }
0x2a8: {  	_ =	strace $0x90000047  }
0x2a9: {  	s0 =	stileid.u32;
	[bflag:$0x2] =	sbarrier.arrive $0xFFFF  }
0x2aa: {  	p0 =	sne.s32 s0, $0x0;
	s0 =	rddreg [dreg:$0x6]  }
0x2ab: {  	s0 =	sadd.s32 @!p0 $0x100000, s0  }
0x2ac: {  	[sflag:s0] =	ssyncadd.tile.s32 @!p0 $0x1;
	_ =	shalt  }
.Lfunc_end2:
_tile_overlayer_lowered:
.L_overlay_start_2:
0x2ad: {  	(tag) =	ssettag $0x2  }
0x2ae: {  	s0 =	rddreg [dreg:$0x0];
	s2 =	stileid.u32  }
0x2af: {  	s1 =	rddreg [dreg:$0x1];
	p0 =	sne.s32 s2, $0x0  }
0x2b0: {  	s3 =	rddreg [dreg:$0x2];
	[bflag:$0x3] =	sbarrier.arrive $0xFFFF;
	s2 =	simm.s32 @!p0 $0x1C04  }
0x2b1: {  	[timem:s3], [sflag:s2] =	dma.local @!p0 [hbm:s0], s1  }
0x2b2: {  	s0 =	simm.s32 @!p0 $0x4  }
0x2b3: {  	_ =	swait.ge @!p0 [sflag:s0], s1  }
0x2b4: {  	s1 =	ssub.s32 @!p0 $0x0, s1;
	[sflag:s0] =	ssyncset.done @!p0 $0x0  }
0x2b5: {  	[sflag:s0] =	ssyncadd.s32 @!p0 s1  }
0x2b6: {  	[bflag:$0x3] =	sbarrier.arrive $0xFFFF  }
0x2b7: {  	_ =	shalt  }

</sc_bundles>
